<compile_context>
chip_gen: v7x
topology: tpu7x:2x2x1
jax: 0.10.2.dev20260603
libtpu: 0.0.44.dev20260713+nightly
codegen_flags: <defaults>
</compile_context>

<pallas_src>
import functools

import jax
import jax.numpy as jnp
from jax import lax
from jax.experimental import pallas as pl
from jax.experimental.pallas import tpu as pltpu
from jax.experimental.pallas import tpu_sc as plsc

N = 10000
IN_DIM = 256
HID = 512
EPS = 1e-5
NC, NS = 2, 16
NW = NC * NS
E_PAD = 163840
EPW = E_PAD // NW
NB = EPW // 128
ACC = 10112
RPW = ACC // NS
RB = 400
NRB = N // RB


def _sc_mesh():
    return plsc.VectorSubcoreMesh(core_axis_name="c", subcore_axis_name="s",
                                  num_cores=NC, num_subcores=NS)


def _sc_degree(col, zeros_c, ones_b):

    @functools.partial(
        pl.kernel,
        out_type=jax.ShapeDtypeStruct((NC, ACC, 128), jnp.float32),
        mesh=_sc_mesh(),
        scratch_types=[
            pltpu.VMEM((128,), jnp.int32),
            pltpu.VMEM((128, 128), jnp.float32),
            pltpu.VMEM_SHARED((ACC, 128), jnp.float32),
        ],
    )
    def k(col_h, zeros_h, ones_h, out_h, idx_v, ones_v, acc_sh):
        c = lax.axis_index("c")
        s = lax.axis_index("s")
        wb = (c * NS + s) * NB
        pltpu.sync_copy(ones_h, ones_v)
        pltpu.sync_copy(zeros_h, acc_sh.at[pl.ds(s * RPW, RPW)])
        plsc.subcore_barrier()

        @pl.loop(0, NB)
        def _(b):
            pltpu.sync_copy(col_h.at[wb + b], idx_v)
            pltpu.sync_copy(ones_v, acc_sh.at[idx_v], add=True)

        plsc.subcore_barrier()
        pltpu.sync_copy(acc_sh.at[pl.ds(s * RPW, RPW)],
                        out_h.at[c, pl.ds(s * RPW, RPW)])

    return k(col, zeros_c, ones_b)


def _sc_aggregate(hs, row, col, zeros_c):
    P, _, C = hs.shape

    @functools.partial(
        pl.kernel,
        out_type=jax.ShapeDtypeStruct((NC, P, ACC, C), jnp.float32),
        mesh=_sc_mesh(),
        scratch_types=[
            pltpu.VMEM((NB, 128), jnp.int32),
            pltpu.VMEM((NB, 128), jnp.int32),
            pltpu.VMEM((2, 128, C), jnp.float32),
            pltpu.VMEM_SHARED((ACC, C), jnp.float32),
            pltpu.SemaphoreType.DMA,
            pltpu.SemaphoreType.DMA,
        ],
    )
    def k(hs_h, row_h, col_h, zeros_h, out_h, row_i, col_i, buf_v, acc_sh,
          g0, g1):
        c = lax.axis_index("c")
        s = lax.axis_index("s")
        wb = (c * NS + s) * NB
        gsem = (g0, g1)

        pltpu.sync_copy(row_h.at[pl.ds(wb, NB)], row_i)
        pltpu.sync_copy(col_h.at[pl.ds(wb, NB)], col_i)

        def fire_g(p, b, j):
            pltpu.async_copy(hs_h.at[p].at[row_i.at[b]], buf_v.at[j], gsem[j])

        def wait_g(p, b, j):
            pltpu.make_async_copy(hs_h.at[p].at[row_i.at[b]], buf_v.at[j],
                                  gsem[j]).wait()

        def scat(b, j):
            pltpu.sync_copy(buf_v.at[j], acc_sh.at[col_i.at[b]], add=True)

        for p in range(P):
            pltpu.sync_copy(zeros_h, acc_sh.at[pl.ds(s * RPW, RPW)])
            plsc.subcore_barrier()

            fire_g(p, 0, 0)
            fire_g(p, 1, 1)

            @pl.loop(0, NB // 2 - 1)
            def _(k2):
                b0 = k2 * 2
                wait_g(p, b0, 0)
                scat(b0, 0)
                fire_g(p, b0 + 2, 0)
                wait_g(p, b0 + 1, 1)
                scat(b0 + 1, 1)
                fire_g(p, b0 + 3, 1)

            wait_g(p, NB - 2, 0)
            scat(NB - 2, 0)
            wait_g(p, NB - 1, 1)
            scat(NB - 1, 1)

            plsc.subcore_barrier()
            pltpu.sync_copy(acc_sh.at[pl.ds(s * RPW, RPW)],
                            out_h.at[c, p, pl.ds(s * RPW, RPW)])
            if p + 1 < P:
                plsc.subcore_barrier()

    return k(hs, row, col, zeros_c)


def _tc_dinv(degp):

    def body(deg_ref, dinv_ref):
        d = deg_ref[0] + deg_ref[1] + 1.0
        dinv_ref[...] = (1.0 / jnp.sqrt(d))[:, 0:16]

    return pl.pallas_call(
        body,
        grid=(NRB,),
        in_specs=[pl.BlockSpec((NC, RB, 128), lambda i: (0, i, 0))],
        out_specs=pl.BlockSpec((RB, 16), lambda i: (i, 0)),
        out_shape=jax.ShapeDtypeStruct((N, 16), jnp.float32),
    )(degp)


def _tc_matmul_scale(h_in, W, dinv16):
    K = h_in.shape[1]
    H = W.shape[1]
    P = H // 128

    def body(a_ref, w_ref, dinv_ref, out_ref):
        z = jnp.dot(a_ref[...], w_ref[...], preferred_element_type=jnp.float32)
        dv = dinv_ref[...][:, 0:1]
        for p in range(P):
            out_ref[p] = dv * z[:, p * 128:(p + 1) * 128]

    return pl.pallas_call(
        body,
        grid=(NRB,),
        in_specs=[
            pl.BlockSpec((RB, K), lambda i: (i, 0)),
            pl.BlockSpec((K, H), lambda i: (0, 0)),
            pl.BlockSpec((RB, 16), lambda i: (i, 0)),
        ],
        out_specs=pl.BlockSpec((P, RB, 128), lambda i: (0, i, 0)),
        out_shape=jax.ShapeDtypeStruct((P, N, 128), jnp.float32),
    )(h_in, W, dinv16)


def _tc_combine(partials, hs, dinv16, bias):
    P = hs.shape[0]
    H = P * 128

    def body(part_ref, hs_ref, dinv_ref, b_ref, h_ref, st_ref):
        i = pl.program_id(0)
        dv = dinv_ref[...][:, 0:1]
        agg = jnp.concatenate(
            [dv * (part_ref[0, p] + part_ref[1, p] + hs_ref[p])
             for p in range(P)], axis=1)
        h = jnp.maximum(agg + b_ref[...], 0.0)
        h_ref[...] = h
        s = jnp.sum(h)
        s2 = jnp.sum(h * h)
        vec = jnp.concatenate([jnp.full((1, 128), s, jnp.float32),
                               jnp.full((1, 128), s2, jnp.float32)], axis=1)

        @pl.when(i == 0)
        def _():
            st_ref[...] = jnp.zeros((1, 256), jnp.float32)

        st_ref[...] += vec

    return pl.pallas_call(
        body,
        grid=(NRB,),
        in_specs=[
            pl.BlockSpec((NC, P, RB, 128), lambda i: (0, 0, i, 0)),
            pl.BlockSpec((P, RB, 128), lambda i: (0, i, 0)),
            pl.BlockSpec((RB, 16), lambda i: (i, 0)),
            pl.BlockSpec((1, H), lambda i: (0, 0)),
        ],
        out_specs=[
            pl.BlockSpec((RB, H), lambda i: (i, 0)),
            pl.BlockSpec((1, 256), lambda i: (0, 0)),
        ],
        out_shape=[
            jax.ShapeDtypeStruct((N, H), jnp.float32),
            jax.ShapeDtypeStruct((1, 256), jnp.float32),
        ],
    )(partials, hs, dinv16, bias)


def _tc_ln(h, stats, lnw, lnb):
    nelem = float(N * HID)

    def body(h_ref, st_ref, w_ref, b_ref, out_ref):
        mu = st_ref[0, 0] / nelem
        ms = st_ref[0, 128] / nelem
        inv = 1.0 / (jnp.sqrt(jnp.maximum(ms - mu * mu, 0.0)) + EPS)
        out_ref[...] = (h_ref[...] - mu) * inv * w_ref[...] + b_ref[...]

    return pl.pallas_call(
        body,
        grid=(NRB,),
        in_specs=[
            pl.BlockSpec((RB, HID), lambda i: (i, 0)),
            pl.BlockSpec((1, 256), lambda i: (0, 0)),
            pl.BlockSpec((1, HID), lambda i: (0, 0)),
            pl.BlockSpec((1, HID), lambda i: (0, 0)),
        ],
        out_specs=pl.BlockSpec((RB, HID), lambda i: (i, 0)),
        out_shape=jax.ShapeDtypeStruct((N, HID), jnp.float32),
    )(h, stats, lnw, lnb)


def _tc_matmul3_scale(h_in, w3t, dinv16):

    def body(a_ref, w3_ref, dinv_ref, out_ref):
        t = jnp.dot(a_ref[...], w3_ref[...], preferred_element_type=jnp.float32)
        out_ref[...] = dinv_ref[...][:, 0:1] * t

    return pl.pallas_call(
        body,
        grid=(NRB,),
        in_specs=[
            pl.BlockSpec((RB, HID), lambda i: (i, 0)),
            pl.BlockSpec((HID, 128), lambda i: (0, 0)),
            pl.BlockSpec((RB, 16), lambda i: (i, 0)),
        ],
        out_specs=pl.BlockSpec((RB, 128), lambda i: (i, 0)),
        out_shape=jax.ShapeDtypeStruct((N, 128), jnp.float32),
    )(h_in, w3t, dinv16)


def _tc_final(p3, ts, dinv16, b3t, lnw3t, lnb3t):

    def body(p_ref, ts_ref, dinv_ref, b3_ref, w_ref, b_ref, out_ref):
        psum = (p_ref[0, 0] + p_ref[1, 0])[0:N, :]
        y = dinv_ref[...][:, 0:1] * (psum + ts_ref[...])
        h = jnp.maximum(y + b3_ref[...], 0.0)
        col = h[:, 0:1]
        mu = jnp.sum(col) / N
        ms = jnp.sum(col * col) / N
        inv = 1.0 / (jnp.sqrt(jnp.maximum(ms - mu * mu, 0.0)) + EPS)
        out_ref[...] = (h - mu) * inv * w_ref[...] + b_ref[...]

    return pl.pallas_call(
        body,
        in_specs=[
            pl.BlockSpec((NC, 1, ACC, 128), lambda: (0, 0, 0, 0)),
            pl.BlockSpec((N, 128), lambda: (0, 0)),
            pl.BlockSpec((N, 16), lambda: (0, 0)),
            pl.BlockSpec((1, 128), lambda: (0, 0)),
            pl.BlockSpec((1, 128), lambda: (0, 0)),
            pl.BlockSpec((1, 128), lambda: (0, 0)),
        ],
        out_specs=pl.BlockSpec((N, 128), lambda: (0, 0)),
        out_shape=jax.ShapeDtypeStruct((N, 128), jnp.float32),
    )(p3, ts, dinv16, b3t, lnw3t, lnb3t)


def kernel(x, edge_index, W1, b1, W2, b2, W3, b3,
           ln1_w, ln1_b, ln2_w, ln2_b, ln3_w, ln3_b):
    ei = edge_index.astype(jnp.int32)
    e = ei.shape[1]
    row = jnp.concatenate([ei[0], jnp.zeros((E_PAD - e,), jnp.int32)])
    col = jnp.concatenate([ei[1], jnp.full((E_PAD - e,), N, jnp.int32)])
    row = row.reshape(E_PAD // 128, 128)
    col = col.reshape(E_PAD // 128, 128)
    zeros128 = jnp.zeros((RPW, 128), jnp.float32)
    ones_b = jnp.ones((128, 128), jnp.float32)

    degp = _sc_degree(col, zeros128, ones_b)
    dinv16 = _tc_dinv(degp)

    hs0 = _tc_matmul_scale(x, W1, dinv16)
    p1 = _sc_aggregate(hs0, row, col, zeros128)
    h1, st1 = _tc_combine(p1, hs0, dinv16, b1.reshape(1, -1))
    h1n = _tc_ln(h1, st1, ln1_w.reshape(1, -1), ln1_b.reshape(1, -1))

    hs1 = _tc_matmul_scale(h1n, W2, dinv16)
    p2 = _sc_aggregate(hs1, row, col, zeros128)
    h2, st2 = _tc_combine(p2, hs1, dinv16, b2.reshape(1, -1))
    h2n = _tc_ln(h2, st2, ln2_w.reshape(1, -1), ln2_b.reshape(1, -1))

    ts = _tc_matmul3_scale(h2n, jnp.tile(W3, (1, 128)), dinv16)
    p3 = _sc_aggregate(ts.reshape(1, N, 128), row, col, zeros128)
    out128 = _tc_final(p3, ts, dinv16,
                       jnp.broadcast_to(b3.reshape(1, 1), (1, 128)),
                       jnp.broadcast_to(ln3_w.reshape(1, 1), (1, 128)),
                       jnp.broadcast_to(ln3_b.reshape(1, 1), (1, 128)))
    return out128[:, 0]

# --- scband reference (transcript-rebuilt; emitter-appended) ---
"""Pipeline reference for scband-gnnmodel-89180700934147 (READ-ONLY COPY).

The authoritative reference and input builder live on the scoring server;
editing this copy changes nothing except your own understanding.
"""

import jax, jax.numpy as jnp
import numpy as np

N_NODES = 10000
IN_DIM = 256
HID = 512
OUT_DIM = 1
N_EDGES = 160000
EPS = 1e-5


def gcn_conv(x, edge_index, W, b, num_nodes):
    # PyG GCNConv: add self-loops, symmetric normalization, linear transform, scatter-add
    row = edge_index[0]
    col = edge_index[1]
    loop = jnp.arange(num_nodes, dtype=edge_index.dtype)
    row = jnp.concatenate([row, loop])
    col = jnp.concatenate([col, loop])
    deg = jnp.zeros((num_nodes,), dtype=x.dtype).at[col].add(1.0)
    dinv = jnp.where(deg > 0, deg ** -0.5, 0.0)
    norm = dinv[row] * dinv[col]
    h = x @ W
    out = jnp.zeros((num_nodes, W.shape[1]), dtype=x.dtype).at[col].add(norm[:, None] * h[row])
    return out + b


def layer_norm_graph(x, w, b):
    # PyG LayerNorm mode='graph': normalize over all nodes and channels of the graph
    xc = x - jnp.mean(x)
    std = jnp.sqrt(jnp.mean(xc * xc))
    out = xc / (std + EPS)
    return out * w + b


def setup_inputs(seed: int = 0) -> dict:
    key = jax.random.key(seed)
    ks = jax.random.split(key, 10)
    x = jax.random.normal(ks[0], (N_NODES, IN_DIM), dtype=jnp.float32)
    edge_index = jax.random.randint(ks[1], (2, N_EDGES), 0, N_NODES, dtype=jnp.int64)
    s1 = 1.0 / np.sqrt(IN_DIM)
    s2 = 1.0 / np.sqrt(HID)
    W1 = jax.random.uniform(ks[2], (IN_DIM, HID), jnp.float32, -s1, s1)
    b1 = jnp.zeros((HID,), jnp.float32)
    W2 = jax.random.uniform(ks[3], (HID, HID), jnp.float32, -s2, s2)
    b2 = jnp.zeros((HID,), jnp.float32)
    W3 = jax.random.uniform(ks[4], (HID, OUT_DIM), jnp.float32, -s2, s2)
    b3 = jnp.zeros((OUT_DIM,), jnp.float32)
    ln1_w = jnp.ones((HID,), jnp.float32)
    ln1_b = jnp.zeros((HID,), jnp.float32)
    ln2_w = jnp.ones((HID,), jnp.float32)
    ln2_b = jnp.zeros((HID,), jnp.float32)
    ln3_w = jnp.ones((OUT_DIM,), jnp.float32)
    ln3_b = jnp.zeros((OUT_DIM,), jnp.float32)
    return {"x": x, "edge_index": edge_index, "W1": W1, "b1": b1, "W2": W2, "b2": b2, "W3": W3, "b3": b3, "ln1_w": ln1_w, "ln1_b": ln1_b, "ln2_w": ln2_w, "ln2_b": ln2_b, "ln3_w": ln3_w, "ln3_b": ln3_b}


def reference(x, edge_index, W1, b1, W2, b2, W3, b3, ln1_w, ln1_b, ln2_w, ln2_b, ln3_w, ln3_b):
    h = jax.nn.relu(gcn_conv(x, edge_index, W1, b1, N_NODES))
    h = layer_norm_graph(h, ln1_w, ln1_b)
    h = jax.nn.relu(gcn_conv(h, edge_index, W2, b2, N_NODES))
    h = layer_norm_graph(h, ln2_w, ln2_b)
    h = jax.nn.relu(gcn_conv(h, edge_index, W3, b3, N_NODES))
    h = layer_norm_graph(h, ln3_w, ln3_b)
    return h.reshape(-1)

if __name__ == "__main__":
    import jax
    _d = setup_inputs()
    print(jax.jit(kernel)(*tuple(_d.values())))

</pallas_src>

<mosaic_0001>
#map = affine_map<(d0, d1) -> (0, 0, 0)>
#map1 = affine_map<(d0, d1) -> (0, 0)>
#map2 = affine_map<(d0, d1) -> (0, 0, 0, 0)>
module attributes {stable_mosaic.version = 14 : i64} {
  func.func @k(%arg0: i32, %arg1: i32, %arg2: memref<4x10000x128xf32, #tpu.memory_space<hbm>>, %arg3: memref<1280x128xi32, #tpu.memory_space<hbm>>, %arg4: memref<1280x128xi32, #tpu.memory_space<hbm>>, %arg5: memref<632x128xf32, #tpu.memory_space<hbm>>, %arg6: memref<2x4x10112x128xf32, #tpu.memory_space<hbm>>, %arg7: memref<40x128xi32, #tpu.memory_space<vmem>>, %arg8: memref<40x128xi32, #tpu.memory_space<vmem>>, %arg9: memref<2x128x128xf32, #tpu.memory_space<vmem>>, %arg10: memref<10112x128xf32, #tpu.memory_space<vmem_shared>>, %arg11: memref<!tpu.dma_semaphore, #tpu.memory_space<semaphore_mem>>, %arg12: memref<!tpu.dma_semaphore, #tpu.memory_space<semaphore_mem>>) attributes {dimension_semantics = [#tpu.dimension_semantics<core_parallel>, #tpu.dimension_semantics<subcore_parallel>], iteration_bounds = array<i64: 2, 16>, scalar_prefetch = 0 : i64, scratch_operands = 6 : i64, tpu.core_type = #tpu.core_type<sc_vector_subcore>, window_params = [{transform_indices = #map}, {transform_indices = #map1}, {transform_indices = #map1}, {transform_indices = #map1}, {transform_indices = #map2}]} {
    %mul3A = arith.constant 16 : i32
    %mul3A_0 = arith.muli %arg0, %mul3A : i32
    %add3A = arith.addi %mul3A_0, %arg1 : i32
    %mul3A_1 = arith.constant 40 : i32
    %mul3A_2 = arith.muli %add3A, %mul3A_1 : i32
    "tpu.region"() ({
      %run_scoped3A_345 = tpu.sem_alloc : memref<!tpu.dma_semaphore, #tpu.memory_space<semaphore_mem>>
      %dma_start3A_346 = arith.constant 0 : i32
      %dma_start3A_347 = tpu.memref_slice %arg3[%mul3A_2, %dma_start3A_346] : memref<1280x128xi32, #tpu.memory_space<hbm>> -> memref<40x128xi32, #tpu.memory_space<hbm>>
      %dma_start3A_348 = arith.constant 0 : i32
      %dma_start3A_349 = tpu.memref_slice %arg3[%mul3A_2, %dma_start3A_348] : memref<1280x128xi32, #tpu.memory_space<hbm>> -> memref<40x128xi32, #tpu.memory_space<hbm>>
      tpu.enqueue_dma source(%dma_start3A_349 : memref<40x128xi32, #tpu.memory_space<hbm>>) target(%arg7 : memref<40x128xi32, #tpu.memory_space<vmem>>) target_semaphore(%run_scoped3A_345 : memref<!tpu.dma_semaphore, #tpu.memory_space<semaphore_mem>>)
      %dma_wait3A_350 = arith.constant 0 : i32
      %dma_wait3A_351 = tpu.memref_slice %arg3[%mul3A_2, %dma_wait3A_350] : memref<1280x128xi32, #tpu.memory_space<hbm>> -> memref<40x128xi32, #tpu.memory_space<hbm>>
      %dma_wait3A_352 = arith.constant 0 : i32
      %dma_wait3A_353 = tpu.memref_slice %arg3[%mul3A_2, %dma_wait3A_352] : memref<1280x128xi32, #tpu.memory_space<hbm>> -> memref<40x128xi32, #tpu.memory_space<hbm>>
      tpu.wait_dma2 semaphore(%run_scoped3A_345 : memref<!tpu.dma_semaphore, #tpu.memory_space<semaphore_mem>>) src(%dma_wait3A_353 : memref<40x128xi32, #tpu.memory_space<hbm>>) dst(%arg7 : memref<40x128xi32, #tpu.memory_space<vmem>>)
      tpu.yield
    }) : () -> ()
    "tpu.region"() ({
      %run_scoped3A_345 = tpu.sem_alloc : memref<!tpu.dma_semaphore, #tpu.memory_space<semaphore_mem>>
      %dma_start3A_346 = arith.constant 0 : i32
      %dma_start3A_347 = tpu.memref_slice %arg4[%mul3A_2, %dma_start3A_346] : memref<1280x128xi32, #tpu.memory_space<hbm>> -> memref<40x128xi32, #tpu.memory_space<hbm>>
      %dma_start3A_348 = arith.constant 0 : i32
      %dma_start3A_349 = tpu.memref_slice %arg4[%mul3A_2, %dma_start3A_348] : memref<1280x128xi32, #tpu.memory_space<hbm>> -> memref<40x128xi32, #tpu.memory_space<hbm>>
      tpu.enqueue_dma source(%dma_start3A_349 : memref<40x128xi32, #tpu.memory_space<hbm>>) target(%arg8 : memref<40x128xi32, #tpu.memory_space<vmem>>) target_semaphore(%run_scoped3A_345 : memref<!tpu.dma_semaphore, #tpu.memory_space<semaphore_mem>>)
      %dma_wait3A_350 = arith.constant 0 : i32
      %dma_wait3A_351 = tpu.memref_slice %arg4[%mul3A_2, %dma_wait3A_350] : memref<1280x128xi32, #tpu.memory_space<hbm>> -> memref<40x128xi32, #tpu.memory_space<hbm>>
      %dma_wait3A_352 = arith.constant 0 : i32
      %dma_wait3A_353 = tpu.memref_slice %arg4[%mul3A_2, %dma_wait3A_352] : memref<1280x128xi32, #tpu.memory_space<hbm>> -> memref<40x128xi32, #tpu.memory_space<hbm>>
      tpu.wait_dma2 semaphore(%run_scoped3A_345 : memref<!tpu.dma_semaphore, #tpu.memory_space<semaphore_mem>>) src(%dma_wait3A_353 : memref<40x128xi32, #tpu.memory_space<hbm>>) dst(%arg8 : memref<40x128xi32, #tpu.memory_space<vmem>>)
      tpu.yield
    }) : () -> ()
    %mul3A_3 = arith.constant 632 : i32
    %mul3A_4 = arith.muli %arg1, %mul3A_3 : i32
    "tpu.region"() ({
      %run_scoped3A_345 = tpu.sem_alloc : memref<!tpu.dma_semaphore, #tpu.memory_space<semaphore_mem>>
      %dma_start3A_346 = arith.constant 0 : i32
      %dma_start3A_347 = tpu.memref_slice %arg10[%mul3A_4, %dma_start3A_346] : memref<10112x128xf32, #tpu.memory_space<vmem_shared>> -> memref<632x128xf32, #tpu.memory_space<vmem_shared>>
      tpu.enqueue_dma source(%arg5 : memref<632x128xf32, #tpu.memory_space<hbm>>) target(%dma_start3A_347 : memref<632x128xf32, #tpu.memory_space<vmem_shared>>) target_semaphore(%run_scoped3A_345 : memref<!tpu.dma_semaphore, #tpu.memory_space<semaphore_mem>>)
      %dma_wait3A_348 = arith.constant 0 : i32
      %dma_wait3A_349 = tpu.memref_slice %arg10[%mul3A_4, %dma_wait3A_348] : memref<10112x128xf32, #tpu.memory_space<vmem_shared>> -> memref<632x128xf32, #tpu.memory_space<vmem_shared>>
      tpu.wait_dma2 semaphore(%run_scoped3A_345 : memref<!tpu.dma_semaphore, #tpu.memory_space<semaphore_mem>>) src(%arg5 : memref<632x128xf32, #tpu.memory_space<hbm>>) dst(%dma_wait3A_349 : memref<632x128xf32, #tpu.memory_space<vmem_shared>>)
      tpu.yield
    }) : () -> ()
    %barrier3A = arith.constant 0 : index
    tpu.barrier barrier_id(%barrier3A)
    %dma_start3A = arith.constant 0 : i32
    %dma_start3A_5 = arith.constant 0 : i32
    %dma_start3A_6 = arith.constant 0 : i32
    %dma_start3A_7 = arith.constant 0 : i32
    %dma_start3A_8 = arith.constant 0 : i32
    %dma_start3A_9 = tpu.memref_slice %arg9[%dma_start3A_6, %dma_start3A_7, %dma_start3A_8] : memref<2x128x128xf32, #tpu.memory_space<vmem>> -> memref<1x128x128xf32, #tpu.memory_space<vmem>>
    %dma_start3A_10 = tpu.memref_squeeze %dma_start3A_9 : memref<1x128x128xf32, #tpu.memory_space<vmem>> -> memref<128x128xf32, #tpu.memory_space<vmem>>
    %dma_start3A_11 = arith.constant 0 : i32
    %dma_start3A_12 = tpu.memref_slice %arg7[%dma_start3A_5, %dma_start3A_11] : memref<40x128xi32, #tpu.memory_space<vmem>> -> memref<1x128xi32, #tpu.memory_space<vmem>>
    %dma_start3A_13 = tpu.memref_squeeze %dma_start3A_12 : memref<1x128xi32, #tpu.memory_space<vmem>> -> memref<128xi32, #tpu.memory_space<vmem>>
    %dma_start3A_14 = arith.constant 0 : i32
    %dma_start3A_15 = arith.constant 0 : i32
    %dma_start3A_16 = tpu.memref_slice %arg2[%dma_start3A, %dma_start3A_14, %dma_start3A_15] : memref<4x10000x128xf32, #tpu.memory_space<hbm>> -> memref<1x10000x128xf32, #tpu.memory_space<hbm>>
    %dma_start3A_17 = tpu.memref_squeeze %dma_start3A_16 : memref<1x10000x128xf32, #tpu.memory_space<hbm>> -> memref<10000x128xf32, #tpu.memory_space<hbm>>
    %dma_start3A_18 = arith.constant 0 : i32
    %dma_start3A_19 = arith.constant 0 : i32
    %dma_start3A_20 = tpu.memref_slice %dma_start3A_17[%dma_start3A_18, %dma_start3A_19] : memref<10000x128xf32, #tpu.memory_space<hbm>> -> memref<10000x128xf32, #tpu.memory_space<hbm>>
    tpu.enqueue_indirect_dma source(%dma_start3A_20 : memref<10000x128xf32, #tpu.memory_space<hbm>>) target(%dma_start3A_10 : memref<128x128xf32, #tpu.memory_space<vmem>>) offsets(%dma_start3A_13 : memref<128xi32, #tpu.memory_space<vmem>>) semaphore(%arg11 : memref<!tpu.dma_semaphore, #tpu.memory_space<semaphore_mem>>)
    %dma_start3A_21 = arith.constant 0 : i32
    %dma_start3A_22 = arith.constant 1 : i32
    %dma_start3A_23 = arith.constant 1 : i32
    %dma_start3A_24 = arith.constant 0 : i32
    %dma_start3A_25 = arith.constant 0 : i32
    %dma_start3A_26 = tpu.memref_slice %arg9[%dma_start3A_23, %dma_start3A_24, %dma_start3A_25] : memref<2x128x128xf32, #tpu.memory_space<vmem>> -> memref<1x128x128xf32, #tpu.memory_space<vmem>>
    %dma_start3A_27 = tpu.memref_squeeze %dma_start3A_26 : memref<1x128x128xf32, #tpu.memory_space<vmem>> -> memref<128x128xf32, #tpu.memory_space<vmem>>
    %dma_start3A_28 = arith.constant 0 : i32
    %dma_start3A_29 = tpu.memref_slice %arg7[%dma_start3A_22, %dma_start3A_28] : memref<40x128xi32, #tpu.memory_space<vmem>> -> memref<1x128xi32, #tpu.memory_space<vmem>>
    %dma_start3A_30 = tpu.memref_squeeze %dma_start3A_29 : memref<1x128xi32, #tpu.memory_space<vmem>> -> memref<128xi32, #tpu.memory_space<vmem>>
    %dma_start3A_31 = arith.constant 0 : i32
    %dma_start3A_32 = arith.constant 0 : i32
    %dma_start3A_33 = tpu.memref_slice %arg2[%dma_start3A_21, %dma_start3A_31, %dma_start3A_32] : memref<4x10000x128xf32, #tpu.memory_space<hbm>> -> memref<1x10000x128xf32, #tpu.memory_space<hbm>>
    %dma_start3A_34 = tpu.memref_squeeze %dma_start3A_33 : memref<1x10000x128xf32, #tpu.memory_space<hbm>> -> memref<10000x128xf32, #tpu.memory_space<hbm>>
    %dma_start3A_35 = arith.constant 0 : i32
    %dma_start3A_36 = arith.constant 0 : i32
    %dma_start3A_37 = tpu.memref_slice %dma_start3A_34[%dma_start3A_35, %dma_start3A_36] : memref<10000x128xf32, #tpu.memory_space<hbm>> -> memref<10000x128xf32, #tpu.memory_space<hbm>>
    tpu.enqueue_indirect_dma source(%dma_start3A_37 : memref<10000x128xf32, #tpu.memory_space<hbm>>) target(%dma_start3A_27 : memref<128x128xf32, #tpu.memory_space<vmem>>) offsets(%dma_start3A_30 : memref<128xi32, #tpu.memory_space<vmem>>) semaphore(%arg12 : memref<!tpu.dma_semaphore, #tpu.memory_space<semaphore_mem>>)
    %scan3A = arith.constant 0 : i32
    %scan3A_38 = arith.constant 19 : i32
    %scan3A_39 = arith.addi %scan3A, %scan3A_38 : i32
    %scan3A_40 = arith.constant 1 : i32
    scf.for %scan3A_345 = %scan3A to %scan3A_39 step %scan3A_40  : i32 {
      %mul3A_346 = arith.constant 1 : i32
      %mul3A_347 = arith.muli %scan3A_345, %mul3A_346 : i32
      %add3A_348 = arith.constant 0 : i32
      %add3A_349 = arith.addi %add3A_348, %mul3A_347 : i32
      %mul3A_350 = arith.constant 2 : i32
      %mul3A_351 = arith.muli %add3A_349, %mul3A_350 : i32
      %dma_wait3A_352 = arith.constant 0 : i32
      %dma_wait3A_353 = arith.constant 0 : i32
      %dma_wait3A_354 = arith.constant 0 : i32
      %dma_wait3A_355 = arith.constant 0 : i32
      %dma_wait3A_356 = tpu.memref_slice %arg9[%dma_wait3A_353, %dma_wait3A_354, %dma_wait3A_355] : memref<2x128x128xf32, #tpu.memory_space<vmem>> -> memref<1x128x128xf32, #tpu.memory_space<vmem>>
      %dma_wait3A_357 = tpu.memref_squeeze %dma_wait3A_356 : memref<1x128x128xf32, #tpu.memory_space<vmem>> -> memref<128x128xf32, #tpu.memory_space<vmem>>
      %dma_wait3A_358 = arith.constant 0 : i32
      %dma_wait3A_359 = tpu.memref_slice %arg7[%mul3A_351, %dma_wait3A_358] : memref<40x128xi32, #tpu.memory_space<vmem>> -> memref<1x128xi32, #tpu.memory_space<vmem>>
      %dma_wait3A_360 = tpu.memref_squeeze %dma_wait3A_359 : memref<1x128xi32, #tpu.memory_space<vmem>> -> memref<128xi32, #tpu.memory_space<vmem>>
      %dma_wait3A_361 = arith.constant 0 : i32
      %dma_wait3A_362 = arith.constant 0 : i32
      %dma_wait3A_363 = tpu.memref_slice %arg2[%dma_wait3A_352, %dma_wait3A_361, %dma_wait3A_362] : memref<4x10000x128xf32, #tpu.memory_space<hbm>> -> memref<1x10000x128xf32, #tpu.memory_space<hbm>>
      %dma_wait3A_364 = tpu.memref_squeeze %dma_wait3A_363 : memref<1x10000x128xf32, #tpu.memory_space<hbm>> -> memref<10000x128xf32, #tpu.memory_space<hbm>>
      %dma_wait3A_365 = arith.constant 0 : i32
      %dma_wait3A_366 = arith.constant 0 : i32
      %dma_wait3A_367 = tpu.memref_slice %dma_wait3A_364[%dma_wait3A_365, %dma_wait3A_366] : memref<10000x128xf32, #tpu.memory_space<hbm>> -> memref<10000x128xf32, #tpu.memory_space<hbm>>
      tpu.wait_indirect_dma semaphore(%arg11 : memref<!tpu.dma_semaphore, #tpu.memory_space<semaphore_mem>>) src(%dma_wait3A_367 : memref<10000x128xf32, #tpu.memory_space<hbm>>) dst(%dma_wait3A_357 : memref<128x128xf32, #tpu.memory_space<vmem>>)
      %run_scoped3A_368 = arith.constant 0 : i32
      "tpu.region"() ({
        %run_scoped3A_426 = tpu.sem_alloc : memref<!tpu.dma_semaphore, #tpu.memory_space<semaphore_mem>>
        %dma_start3A_427 = arith.constant 0 : i32
        %dma_start3A_428 = arith.constant 0 : i32
        %dma_start3A_429 = tpu.memref_slice %arg9[%run_scoped3A_368, %dma_start3A_427, %dma_start3A_428] : memref<2x128x128xf32, #tpu.memory_space<vmem>> -> memref<1x128x128xf32, #tpu.memory_space<vmem>>
        %dma_start3A_430 = tpu.memref_squeeze %dma_start3A_429 : memref<1x128x128xf32, #tpu.memory_space<vmem>> -> memref<128x128xf32, #tpu.memory_space<vmem>>
        %dma_start3A_431 = arith.constant 0 : i32
        %dma_start3A_432 = tpu.memref_slice %arg8[%mul3A_351, %dma_start3A_431] : memref<40x128xi32, #tpu.memory_space<vmem>> -> memref<1x128xi32, #tpu.memory_space<vmem>>
        %dma_start3A_433 = tpu.memref_squeeze %dma_start3A_432 : memref<1x128xi32, #tpu.memory_space<vmem>> -> memref<128xi32, #tpu.memory_space<vmem>>
        %dma_start3A_434 = arith.constant 0 : i32
        %dma_start3A_435 = arith.constant 0 : i32
        %dma_start3A_436 = tpu.memref_slice %arg10[%dma_start3A_434, %dma_start3A_435] : memref<10112x128xf32, #tpu.memory_space<vmem_shared>> -> memref<10112x128xf32, #tpu.memory_space<vmem_shared>>
        tpu.enqueue_indirect_dma source(%dma_start3A_430 : memref<128x128xf32, #tpu.memory_space<vmem>>) target(%dma_start3A_436 : memref<10112x128xf32, #tpu.memory_space<vmem_shared>>) offsets(%dma_start3A_433 : memref<128xi32, #tpu.memory_space<vmem>>) semaphore(%run_scoped3A_426 : memref<!tpu.dma_semaphore, #tpu.memory_space<semaphore_mem>>) {add = true}
        %dma_wait3A_437 = arith.constant 0 : i32
        %dma_wait3A_438 = arith.constant 0 : i32
        %dma_wait3A_439 = tpu.memref_slice %arg9[%run_scoped3A_368, %dma_wait3A_437, %dma_wait3A_438] : memref<2x128x128xf32, #tpu.memory_space<vmem>> -> memref<1x128x128xf32, #tpu.memory_space<vmem>>
        %dma_wait3A_440 = tpu.memref_squeeze %dma_wait3A_439 : memref<1x128x128xf32, #tpu.memory_space<vmem>> -> memref<128x128xf32, #tpu.memory_space<vmem>>
        %dma_wait3A_441 = arith.constant 0 : i32
        %dma_wait3A_442 = tpu.memref_slice %arg8[%mul3A_351, %dma_wait3A_441] : memref<40x128xi32, #tpu.memory_space<vmem>> -> memref<1x128xi32, #tpu.memory_space<vmem>>
        %dma_wait3A_443 = tpu.memref_squeeze %dma_wait3A_442 : memref<1x128xi32, #tpu.memory_space<vmem>> -> memref<128xi32, #tpu.memory_space<vmem>>
        %dma_wait3A_444 = arith.constant 0 : i32
        %dma_wait3A_445 = arith.constant 0 : i32
        %dma_wait3A_446 = tpu.memref_slice %arg10[%dma_wait3A_444, %dma_wait3A_445] : memref<10112x128xf32, #tpu.memory_space<vmem_shared>> -> memref<10112x128xf32, #tpu.memory_space<vmem_shared>>
        tpu.wait_indirect_dma semaphore(%run_scoped3A_426 : memref<!tpu.dma_semaphore, #tpu.memory_space<semaphore_mem>>) src(%dma_wait3A_440 : memref<128x128xf32, #tpu.memory_space<vmem>>) dst(%dma_wait3A_446 : memref<10112x128xf32, #tpu.memory_space<vmem_shared>>)
        tpu.yield
      }) : () -> ()
      %add3A_369 = arith.constant 2 : i32
      %add3A_370 = arith.addi %mul3A_351, %add3A_369 : i32
      %dma_start3A_371 = arith.constant 0 : i32
      %dma_start3A_372 = arith.constant 0 : i32
      %dma_start3A_373 = arith.constant 0 : i32
      %dma_start3A_374 = arith.constant 0 : i32
      %dma_start3A_375 = tpu.memref_slice %arg9[%dma_start3A_372, %dma_start3A_373, %dma_start3A_374] : memref<2x128x128xf32, #tpu.memory_space<vmem>> -> memref<1x128x128xf32, #tpu.memory_space<vmem>>
      %dma_start3A_376 = tpu.memref_squeeze %dma_start3A_375 : memref<1x128x128xf32, #tpu.memory_space<vmem>> -> memref<128x128xf32, #tpu.memory_space<vmem>>
      %dma_start3A_377 = arith.constant 0 : i32
      %dma_start3A_378 = tpu.memref_slice %arg7[%add3A_370, %dma_start3A_377] : memref<40x128xi32, #tpu.memory_space<vmem>> -> memref<1x128xi32, #tpu.memory_space<vmem>>
      %dma_start3A_379 = tpu.memref_squeeze %dma_start3A_378 : memref<1x128xi32, #tpu.memory_space<vmem>> -> memref<128xi32, #tpu.memory_space<vmem>>
      %dma_start3A_380 = arith.constant 0 : i32
      %dma_start3A_381 = arith.constant 0 : i32
      %dma_start3A_382 = tpu.memref_slice %arg2[%dma_start3A_371, %dma_start3A_380, %dma_start3A_381] : memref<4x10000x128xf32, #tpu.memory_space<hbm>> -> memref<1x10000x128xf32, #tpu.memory_space<hbm>>
      %dma_start3A_383 = tpu.memref_squeeze %dma_start3A_382 : memref<1x10000x128xf32, #tpu.memory_space<hbm>> -> memref<10000x128xf32, #tpu.memory_space<hbm>>
      %dma_start3A_384 = arith.constant 0 : i32
      %dma_start3A_385 = arith.constant 0 : i32
      %dma_start3A_386 = tpu.memref_slice %dma_start3A_383[%dma_start3A_384, %dma_start3A_385] : memref<10000x128xf32, #tpu.memory_space<hbm>> -> memref<10000x128xf32, #tpu.memory_space<hbm>>
      tpu.enqueue_indirect_dma source(%dma_start3A_386 : memref<10000x128xf32, #tpu.memory_space<hbm>>) target(%dma_start3A_376 : memref<128x128xf32, #tpu.memory_space<vmem>>) offsets(%dma_start3A_379 : memref<128xi32, #tpu.memory_space<vmem>>) semaphore(%arg11 : memref<!tpu.dma_semaphore, #tpu.memory_space<semaphore_mem>>)
      %add3A_387 = arith.constant 1 : i32
      %add3A_388 = arith.addi %mul3A_351, %add3A_387 : i32
      %dma_wait3A_389 = arith.constant 0 : i32
      %dma_wait3A_390 = arith.constant 1 : i32
      %dma_wait3A_391 = arith.constant 0 : i32
      %dma_wait3A_392 = arith.constant 0 : i32
      %dma_wait3A_393 = tpu.memref_slice %arg9[%dma_wait3A_390, %dma_wait3A_391, %dma_wait3A_392] : memref<2x128x128xf32, #tpu.memory_space<vmem>> -> memref<1x128x128xf32, #tpu.memory_space<vmem>>
      %dma_wait3A_394 = tpu.memref_squeeze %dma_wait3A_393 : memref<1x128x128xf32, #tpu.memory_space<vmem>> -> memref<128x128xf32, #tpu.memory_space<vmem>>
      %dma_wait3A_395 = arith.constant 0 : i32
      %dma_wait3A_396 = tpu.memref_slice %arg7[%add3A_388, %dma_wait3A_395] : memref<40x128xi32, #tpu.memory_space<vmem>> -> memref<1x128xi32, #tpu.memory_space<vmem>>
      %dma_wait3A_397 = tpu.memref_squeeze %dma_wait3A_396 : memref<1x128xi32, #tpu.memory_space<vmem>> -> memref<128xi32, #tpu.memory_space<vmem>>
      %dma_wait3A_398 = arith.constant 0 : i32
      %dma_wait3A_399 = arith.constant 0 : i32
      %dma_wait3A_400 = tpu.memref_slice %arg2[%dma_wait3A_389, %dma_wait3A_398, %dma_wait3A_399] : memref<4x10000x128xf32, #tpu.memory_space<hbm>> -> memref<1x10000x128xf32, #tpu.memory_space<hbm>>
      %dma_wait3A_401 = tpu.memref_squeeze %dma_wait3A_400 : memref<1x10000x128xf32, #tpu.memory_space<hbm>> -> memref<10000x128xf32, #tpu.memory_space<hbm>>
      %dma_wait3A_402 = arith.constant 0 : i32
      %dma_wait3A_403 = arith.constant 0 : i32
      %dma_wait3A_404 = tpu.memref_slice %dma_wait3A_401[%dma_wait3A_402, %dma_wait3A_403] : memref<10000x128xf32, #tpu.memory_space<hbm>> -> memref<10000x128xf32, #tpu.memory_space<hbm>>
      tpu.wait_indirect_dma semaphore(%arg12 : memref<!tpu.dma_semaphore, #tpu.memory_space<semaphore_mem>>) src(%dma_wait3A_404 : memref<10000x128xf32, #tpu.memory_space<hbm>>) dst(%dma_wait3A_394 : memref<128x128xf32, #tpu.memory_space<vmem>>)
      %add3A_405 = arith.constant 1 : i32
      %add3A_406 = arith.addi %mul3A_351, %add3A_405 : i32
      %run_scoped3A_407 = arith.constant 1 : i32
      "tpu.region"() ({
        %run_scoped3A_426 = tpu.sem_alloc : memref<!tpu.dma_semaphore, #tpu.memory_space<semaphore_mem>>
        %dma_start3A_427 = arith.constant 0 : i32
        %dma_start3A_428 = arith.constant 0 : i32
        %dma_start3A_429 = tpu.memref_slice %arg9[%run_scoped3A_407, %dma_start3A_427, %dma_start3A_428] : memref<2x128x128xf32, #tpu.memory_space<vmem>> -> memref<1x128x128xf32, #tpu.memory_space<vmem>>
        %dma_start3A_430 = tpu.memref_squeeze %dma_start3A_429 : memref<1x128x128xf32, #tpu.memory_space<vmem>> -> memref<128x128xf32, #tpu.memory_space<vmem>>
        %dma_start3A_431 = arith.constant 0 : i32
        %dma_start3A_432 = tpu.memref_slice %arg8[%add3A_406, %dma_start3A_431] : memref<40x128xi32, #tpu.memory_space<vmem>> -> memref<1x128xi32, #tpu.memory_space<vmem>>
        %dma_start3A_433 = tpu.memref_squeeze %dma_start3A_432 : memref<1x128xi32, #tpu.memory_space<vmem>> -> memref<128xi32, #tpu.memory_space<vmem>>
        %dma_start3A_434 = arith.constant 0 : i32
        %dma_start3A_435 = arith.constant 0 : i32
        %dma_start3A_436 = tpu.memref_slice %arg10[%dma_start3A_434, %dma_start3A_435] : memref<10112x128xf32, #tpu.memory_space<vmem_shared>> -> memref<10112x128xf32, #tpu.memory_space<vmem_shared>>
        tpu.enqueue_indirect_dma source(%dma_start3A_430 : memref<128x128xf32, #tpu.memory_space<vmem>>) target(%dma_start3A_436 : memref<10112x128xf32, #tpu.memory_space<vmem_shared>>) offsets(%dma_start3A_433 : memref<128xi32, #tpu.memory_space<vmem>>) semaphore(%run_scoped3A_426 : memref<!tpu.dma_semaphore, #tpu.memory_space<semaphore_mem>>) {add = true}
        %dma_wait3A_437 = arith.constant 0 : i32
        %dma_wait3A_438 = arith.constant 0 : i32
        %dma_wait3A_439 = tpu.memref_slice %arg9[%run_scoped3A_407, %dma_wait3A_437, %dma_wait3A_438] : memref<2x128x128xf32, #tpu.memory_space<vmem>> -> memref<1x128x128xf32, #tpu.memory_space<vmem>>
        %dma_wait3A_440 = tpu.memref_squeeze %dma_wait3A_439 : memref<1x128x128xf32, #tpu.memory_space<vmem>> -> memref<128x128xf32, #tpu.memory_space<vmem>>
        %dma_wait3A_441 = arith.constant 0 : i32
        %dma_wait3A_442 = tpu.memref_slice %arg8[%add3A_406, %dma_wait3A_441] : memref<40x128xi32, #tpu.memory_space<vmem>> -> memref<1x128xi32, #tpu.memory_space<vmem>>
        %dma_wait3A_443 = tpu.memref_squeeze %dma_wait3A_442 : memref<1x128xi32, #tpu.memory_space<vmem>> -> memref<128xi32, #tpu.memory_space<vmem>>
        %dma_wait3A_444 = arith.constant 0 : i32
        %dma_wait3A_445 = arith.constant 0 : i32
        %dma_wait3A_446 = tpu.memref_slice %arg10[%dma_wait3A_444, %dma_wait3A_445] : memref<10112x128xf32, #tpu.memory_space<vmem_shared>> -> memref<10112x128xf32, #tpu.memory_space<vmem_shared>>
        tpu.wait_indirect_dma semaphore(%run_scoped3A_426 : memref<!tpu.dma_semaphore, #tpu.memory_space<semaphore_mem>>) src(%dma_wait3A_440 : memref<128x128xf32, #tpu.memory_space<vmem>>) dst(%dma_wait3A_446 : memref<10112x128xf32, #tpu.memory_space<vmem_shared>>)
        tpu.yield
      }) : () -> ()
      %add3A_408 = arith.constant 3 : i32
      %add3A_409 = arith.addi %mul3A_351, %add3A_408 : i32
      %dma_start3A_410 = arith.constant 0 : i32
      %dma_start3A_411 = arith.constant 1 : i32
      %dma_start3A_412 = arith.constant 0 : i32
      %dma_start3A_413 = arith.constant 0 : i32
      %dma_start3A_414 = tpu.memref_slice %arg9[%dma_start3A_411, %dma_start3A_412, %dma_start3A_413] : memref<2x128x128xf32, #tpu.memory_space<vmem>> -> memref<1x128x128xf32, #tpu.memory_space<vmem>>
      %dma_start3A_415 = tpu.memref_squeeze %dma_start3A_414 : memref<1x128x128xf32, #tpu.memory_space<vmem>> -> memref<128x128xf32, #tpu.memory_space<vmem>>
      %dma_start3A_416 = arith.constant 0 : i32
      %dma_start3A_417 = tpu.memref_slice %arg7[%add3A_409, %dma_start3A_416] : memref<40x128xi32, #tpu.memory_space<vmem>> -> memref<1x128xi32, #tpu.memory_space<vmem>>
      %dma_start3A_418 = tpu.memref_squeeze %dma_start3A_417 : memref<1x128xi32, #tpu.memory_space<vmem>> -> memref<128xi32, #tpu.memory_space<vmem>>
      %dma_start3A_419 = arith.constant 0 : i32
      %dma_start3A_420 = arith.constant 0 : i32
      %dma_start3A_421 = tpu.memref_slice %arg2[%dma_start3A_410, %dma_start3A_419, %dma_start3A_420] : memref<4x10000x128xf32, #tpu.memory_space<hbm>> -> memref<1x10000x128xf32, #tpu.memory_space<hbm>>
      %dma_start3A_422 = tpu.memref_squeeze %dma_start3A_421 : memref<1x10000x128xf32, #tpu.memory_space<hbm>> -> memref<10000x128xf32, #tpu.memory_space<hbm>>
      %dma_start3A_423 = arith.constant 0 : i32
      %dma_start3A_424 = arith.constant 0 : i32
      %dma_start3A_425 = tpu.memref_slice %dma_start3A_422[%dma_start3A_423, %dma_start3A_424] : memref<10000x128xf32, #tpu.memory_space<hbm>> -> memref<10000x128xf32, #tpu.memory_space<hbm>>
      tpu.enqueue_indirect_dma source(%dma_start3A_425 : memref<10000x128xf32, #tpu.memory_space<hbm>>) target(%dma_start3A_415 : memref<128x128xf32, #tpu.memory_space<vmem>>) offsets(%dma_start3A_418 : memref<128xi32, #tpu.memory_space<vmem>>) semaphore(%arg12 : memref<!tpu.dma_semaphore, #tpu.memory_space<semaphore_mem>>)
    }
    %scan3A_41 = arith.constant 19 : i32
    %dma_wait3A = arith.constant 0 : i32
    %dma_wait3A_42 = arith.constant 38 : i32
    %dma_wait3A_43 = arith.constant 0 : i32
    %dma_wait3A_44 = arith.constant 0 : i32
    %dma_wait3A_45 = arith.constant 0 : i32
    %dma_wait3A_46 = tpu.memref_slice %arg9[%dma_wait3A_43, %dma_wait3A_44, %dma_wait3A_45] : memref<2x128x128xf32, #tpu.memory_space<vmem>> -> memref<1x128x128xf32, #tpu.memory_space<vmem>>
    %dma_wait3A_47 = tpu.memref_squeeze %dma_wait3A_46 : memref<1x128x128xf32, #tpu.memory_space<vmem>> -> memref<128x128xf32, #tpu.memory_space<vmem>>
    %dma_wait3A_48 = arith.constant 0 : i32
    %dma_wait3A_49 = tpu.memref_slice %arg7[%dma_wait3A_42, %dma_wait3A_48] : memref<40x128xi32, #tpu.memory_space<vmem>> -> memref<1x128xi32, #tpu.memory_space<vmem>>
    %dma_wait3A_50 = tpu.memref_squeeze %dma_wait3A_49 : memref<1x128xi32, #tpu.memory_space<vmem>> -> memref<128xi32, #tpu.memory_space<vmem>>
    %dma_wait3A_51 = arith.constant 0 : i32
    %dma_wait3A_52 = arith.constant 0 : i32
    %dma_wait3A_53 = tpu.memref_slice %arg2[%dma_wait3A, %dma_wait3A_51, %dma_wait3A_52] : memref<4x10000x128xf32, #tpu.memory_space<hbm>> -> memref<1x10000x128xf32, #tpu.memory_space<hbm>>
    %dma_wait3A_54 = tpu.memref_squeeze %dma_wait3A_53 : memref<1x10000x128xf32, #tpu.memory_space<hbm>> -> memref<10000x128xf32, #tpu.memory_space<hbm>>
    %dma_wait3A_55 = arith.constant 0 : i32
    %dma_wait3A_56 = arith.constant 0 : i32
    %dma_wait3A_57 = tpu.memref_slice %dma_wait3A_54[%dma_wait3A_55, %dma_wait3A_56] : memref<10000x128xf32, #tpu.memory_space<hbm>> -> memref<10000x128xf32, #tpu.memory_space<hbm>>
    tpu.wait_indirect_dma semaphore(%arg11 : memref<!tpu.dma_semaphore, #tpu.memory_space<semaphore_mem>>) src(%dma_wait3A_57 : memref<10000x128xf32, #tpu.memory_space<hbm>>) dst(%dma_wait3A_47 : memref<128x128xf32, #tpu.memory_space<vmem>>)
    %run_scoped3A = arith.constant 0 : i32
    %run_scoped3A_58 = arith.constant 38 : i32
    "tpu.region"() ({
      %run_scoped3A_345 = tpu.sem_alloc : memref<!tpu.dma_semaphore, #tpu.memory_space<semaphore_mem>>
      %dma_start3A_346 = arith.constant 0 : i32
      %dma_start3A_347 = arith.constant 0 : i32
      %dma_start3A_348 = tpu.memref_slice %arg9[%run_scoped3A, %dma_start3A_346, %dma_start3A_347] : memref<2x128x128xf32, #tpu.memory_space<vmem>> -> memref<1x128x128xf32, #tpu.memory_space<vmem>>
      %dma_start3A_349 = tpu.memref_squeeze %dma_start3A_348 : memref<1x128x128xf32, #tpu.memory_space<vmem>> -> memref<128x128xf32, #tpu.memory_space<vmem>>
      %dma_start3A_350 = arith.constant 0 : i32
      %dma_start3A_351 = tpu.memref_slice %arg8[%run_scoped3A_58, %dma_start3A_350] : memref<40x128xi32, #tpu.memory_space<vmem>> -> memref<1x128xi32, #tpu.memory_space<vmem>>
      %dma_start3A_352 = tpu.memref_squeeze %dma_start3A_351 : memref<1x128xi32, #tpu.memory_space<vmem>> -> memref<128xi32, #tpu.memory_space<vmem>>
      %dma_start3A_353 = arith.constant 0 : i32
      %dma_start3A_354 = arith.constant 0 : i32
      %dma_start3A_355 = tpu.memref_slice %arg10[%dma_start3A_353, %dma_start3A_354] : memref<10112x128xf32, #tpu.memory_space<vmem_shared>> -> memref<10112x128xf32, #tpu.memory_space<vmem_shared>>
      tpu.enqueue_indirect_dma source(%dma_start3A_349 : memref<128x128xf32, #tpu.memory_space<vmem>>) target(%dma_start3A_355 : memref<10112x128xf32, #tpu.memory_space<vmem_shared>>) offsets(%dma_start3A_352 : memref<128xi32, #tpu.memory_space<vmem>>) semaphore(%run_scoped3A_345 : memref<!tpu.dma_semaphore, #tpu.memory_space<semaphore_mem>>) {add = true}
      %dma_wait3A_356 = arith.constant 0 : i32
      %dma_wait3A_357 = arith.constant 0 : i32
      %dma_wait3A_358 = tpu.memref_slice %arg9[%run_scoped3A, %dma_wait3A_356, %dma_wait3A_357] : memref<2x128x128xf32, #tpu.memory_space<vmem>> -> memref<1x128x128xf32, #tpu.memory_space<vmem>>
      %dma_wait3A_359 = tpu.memref_squeeze %dma_wait3A_358 : memref<1x128x128xf32, #tpu.memory_space<vmem>> -> memref<128x128xf32, #tpu.memory_space<vmem>>
      %dma_wait3A_360 = arith.constant 0 : i32
      %dma_wait3A_361 = tpu.memref_slice %arg8[%run_scoped3A_58, %dma_wait3A_360] : memref<40x128xi32, #tpu.memory_space<vmem>> -> memref<1x128xi32, #tpu.memory_space<vmem>>
      %dma_wait3A_362 = tpu.memref_squeeze %dma_wait3A_361 : memref<1x128xi32, #tpu.memory_space<vmem>> -> memref<128xi32, #tpu.memory_space<vmem>>
      %dma_wait3A_363 = arith.constant 0 : i32
      %dma_wait3A_364 = arith.constant 0 : i32
      %dma_wait3A_365 = tpu.memref_slice %arg10[%dma_wait3A_363, %dma_wait3A_364] : memref<10112x128xf32, #tpu.memory_space<vmem_shared>> -> memref<10112x128xf32, #tpu.memory_space<vmem_shared>>
      tpu.wait_indirect_dma semaphore(%run_scoped3A_345 : memref<!tpu.dma_semaphore, #tpu.memory_space<semaphore_mem>>) src(%dma_wait3A_359 : memref<128x128xf32, #tpu.memory_space<vmem>>) dst(%dma_wait3A_365 : memref<10112x128xf32, #tpu.memory_space<vmem_shared>>)
      tpu.yield
    }) : () -> ()
    %dma_wait3A_59 = arith.constant 0 : i32
    %dma_wait3A_60 = arith.constant 39 : i32
    %dma_wait3A_61 = arith.constant 1 : i32
    %dma_wait3A_62 = arith.constant 0 : i32
    %dma_wait3A_63 = arith.constant 0 : i32
    %dma_wait3A_64 = tpu.memref_slice %arg9[%dma_wait3A_61, %dma_wait3A_62, %dma_wait3A_63] : memref<2x128x128xf32, #tpu.memory_space<vmem>> -> memref<1x128x128xf32, #tpu.memory_space<vmem>>
    %dma_wait3A_65 = tpu.memref_squeeze %dma_wait3A_64 : memref<1x128x128xf32, #tpu.memory_space<vmem>> -> memref<128x128xf32, #tpu.memory_space<vmem>>
    %dma_wait3A_66 = arith.constant 0 : i32
    %dma_wait3A_67 = tpu.memref_slice %arg7[%dma_wait3A_60, %dma_wait3A_66] : memref<40x128xi32, #tpu.memory_space<vmem>> -> memref<1x128xi32, #tpu.memory_space<vmem>>
    %dma_wait3A_68 = tpu.memref_squeeze %dma_wait3A_67 : memref<1x128xi32, #tpu.memory_space<vmem>> -> memref<128xi32, #tpu.memory_space<vmem>>
    %dma_wait3A_69 = arith.constant 0 : i32
    %dma_wait3A_70 = arith.constant 0 : i32
    %dma_wait3A_71 = tpu.memref_slice %arg2[%dma_wait3A_59, %dma_wait3A_69, %dma_wait3A_70] : memref<4x10000x128xf32, #tpu.memory_space<hbm>> -> memref<1x10000x128xf32, #tpu.memory_space<hbm>>
    %dma_wait3A_72 = tpu.memref_squeeze %dma_wait3A_71 : memref<1x10000x128xf32, #tpu.memory_space<hbm>> -> memref<10000x128xf32, #tpu.memory_space<hbm>>
    %dma_wait3A_73 = arith.constant 0 : i32
    %dma_wait3A_74 = arith.constant 0 : i32
    %dma_wait3A_75 = tpu.memref_slice %dma_wait3A_72[%dma_wait3A_73, %dma_wait3A_74] : memref<10000x128xf32, #tpu.memory_space<hbm>> -> memref<10000x128xf32, #tpu.memory_space<hbm>>
    tpu.wait_indirect_dma semaphore(%arg12 : memref<!tpu.dma_semaphore, #tpu.memory_space<semaphore_mem>>) src(%dma_wait3A_75 : memref<10000x128xf32, #tpu.memory_space<hbm>>) dst(%dma_wait3A_65 : memref<128x128xf32, #tpu.memory_space<vmem>>)
    %run_scoped3A_76 = arith.constant 1 : i32
    %run_scoped3A_77 = arith.constant 39 : i32
    "tpu.region"() ({
      %run_scoped3A_345 = tpu.sem_alloc : memref<!tpu.dma_semaphore, #tpu.memory_space<semaphore_mem>>
      %dma_start3A_346 = arith.constant 0 : i32
      %dma_start3A_347 = arith.constant 0 : i32
      %dma_start3A_348 = tpu.memref_slice %arg9[%run_scoped3A_76, %dma_start3A_346, %dma_start3A_347] : memref<2x128x128xf32, #tpu.memory_space<vmem>> -> memref<1x128x128xf32, #tpu.memory_space<vmem>>
      %dma_start3A_349 = tpu.memref_squeeze %dma_start3A_348 : memref<1x128x128xf32, #tpu.memory_space<vmem>> -> memref<128x128xf32, #tpu.memory_space<vmem>>
      %dma_start3A_350 = arith.constant 0 : i32
      %dma_start3A_351 = tpu.memref_slice %arg8[%run_scoped3A_77, %dma_start3A_350] : memref<40x128xi32, #tpu.memory_space<vmem>> -> memref<1x128xi32, #tpu.memory_space<vmem>>
      %dma_start3A_352 = tpu.memref_squeeze %dma_start3A_351 : memref<1x128xi32, #tpu.memory_space<vmem>> -> memref<128xi32, #tpu.memory_space<vmem>>
      %dma_start3A_353 = arith.constant 0 : i32
      %dma_start3A_354 = arith.constant 0 : i32
      %dma_start3A_355 = tpu.memref_slice %arg10[%dma_start3A_353, %dma_start3A_354] : memref<10112x128xf32, #tpu.memory_space<vmem_shared>> -> memref<10112x128xf32, #tpu.memory_space<vmem_shared>>
      tpu.enqueue_indirect_dma source(%dma_start3A_349 : memref<128x128xf32, #tpu.memory_space<vmem>>) target(%dma_start3A_355 : memref<10112x128xf32, #tpu.memory_space<vmem_shared>>) offsets(%dma_start3A_352 : memref<128xi32, #tpu.memory_space<vmem>>) semaphore(%run_scoped3A_345 : memref<!tpu.dma_semaphore, #tpu.memory_space<semaphore_mem>>) {add = true}
      %dma_wait3A_356 = arith.constant 0 : i32
      %dma_wait3A_357 = arith.constant 0 : i32
      %dma_wait3A_358 = tpu.memref_slice %arg9[%run_scoped3A_76, %dma_wait3A_356, %dma_wait3A_357] : memref<2x128x128xf32, #tpu.memory_space<vmem>> -> memref<1x128x128xf32, #tpu.memory_space<vmem>>
      %dma_wait3A_359 = tpu.memref_squeeze %dma_wait3A_358 : memref<1x128x128xf32, #tpu.memory_space<vmem>> -> memref<128x128xf32, #tpu.memory_space<vmem>>
      %dma_wait3A_360 = arith.constant 0 : i32
      %dma_wait3A_361 = tpu.memref_slice %arg8[%run_scoped3A_77, %dma_wait3A_360] : memref<40x128xi32, #tpu.memory_space<vmem>> -> memref<1x128xi32, #tpu.memory_space<vmem>>
      %dma_wait3A_362 = tpu.memref_squeeze %dma_wait3A_361 : memref<1x128xi32, #tpu.memory_space<vmem>> -> memref<128xi32, #tpu.memory_space<vmem>>
      %dma_wait3A_363 = arith.constant 0 : i32
      %dma_wait3A_364 = arith.constant 0 : i32
      %dma_wait3A_365 = tpu.memref_slice %arg10[%dma_wait3A_363, %dma_wait3A_364] : memref<10112x128xf32, #tpu.memory_space<vmem_shared>> -> memref<10112x128xf32, #tpu.memory_space<vmem_shared>>
      tpu.wait_indirect_dma semaphore(%run_scoped3A_345 : memref<!tpu.dma_semaphore, #tpu.memory_space<semaphore_mem>>) src(%dma_wait3A_359 : memref<128x128xf32, #tpu.memory_space<vmem>>) dst(%dma_wait3A_365 : memref<10112x128xf32, #tpu.memory_space<vmem_shared>>)
      tpu.yield
    }) : () -> ()
    %barrier3A_78 = arith.constant 0 : index
    tpu.barrier barrier_id(%barrier3A_78)
    %mul3A_79 = arith.constant 632 : i32
    %mul3A_80 = arith.muli %arg1, %mul3A_79 : i32
    %mul3A_81 = arith.constant 632 : i32
    %mul3A_82 = arith.muli %arg1, %mul3A_81 : i32
    %run_scoped3A_83 = arith.constant 0 : i32
    "tpu.region"() ({
      %run_scoped3A_345 = tpu.sem_alloc : memref<!tpu.dma_semaphore, #tpu.memory_space<semaphore_mem>>
      %dma_start3A_346 = arith.constant 0 : i32
      %dma_start3A_347 = tpu.memref_slice %arg6[%arg0, %run_scoped3A_83, %mul3A_82, %dma_start3A_346] : memref<2x4x10112x128xf32, #tpu.memory_space<hbm>> -> memref<1x1x632x128xf32, #tpu.memory_space<hbm>>
      %dma_start3A_348 = tpu.memref_squeeze %dma_start3A_347 : memref<1x1x632x128xf32, #tpu.memory_space<hbm>> -> memref<632x128xf32, #tpu.memory_space<hbm>>
      %dma_start3A_349 = arith.constant 0 : i32
      %dma_start3A_350 = tpu.memref_slice %arg10[%mul3A_80, %dma_start3A_349] : memref<10112x128xf32, #tpu.memory_space<vmem_shared>> -> memref<632x128xf32, #tpu.memory_space<vmem_shared>>
      tpu.enqueue_dma source(%dma_start3A_350 : memref<632x128xf32, #tpu.memory_space<vmem_shared>>) target(%dma_start3A_348 : memref<632x128xf32, #tpu.memory_space<hbm>>) target_semaphore(%run_scoped3A_345 : memref<!tpu.dma_semaphore, #tpu.memory_space<semaphore_mem>>)
      %dma_wait3A_351 = arith.constant 0 : i32
      %dma_wait3A_352 = tpu.memref_slice %arg6[%arg0, %run_scoped3A_83, %mul3A_82, %dma_wait3A_351] : memref<2x4x10112x128xf32, #tpu.memory_space<hbm>> -> memref<1x1x632x128xf32, #tpu.memory_space<hbm>>
      %dma_wait3A_353 = tpu.memref_squeeze %dma_wait3A_352 : memref<1x1x632x128xf32, #tpu.memory_space<hbm>> -> memref<632x128xf32, #tpu.memory_space<hbm>>
      %dma_wait3A_354 = arith.constant 0 : i32
      %dma_wait3A_355 = tpu.memref_slice %arg10[%mul3A_80, %dma_wait3A_354] : memref<10112x128xf32, #tpu.memory_space<vmem_shared>> -> memref<632x128xf32, #tpu.memory_space<vmem_shared>>
      tpu.wait_dma2 semaphore(%run_scoped3A_345 : memref<!tpu.dma_semaphore, #tpu.memory_space<semaphore_mem>>) src(%dma_wait3A_355 : memref<632x128xf32, #tpu.memory_space<vmem_shared>>) dst(%dma_wait3A_353 : memref<632x128xf32, #tpu.memory_space<hbm>>)
      tpu.yield
    }) : () -> ()
    %barrier3A_84 = arith.constant 0 : index
    tpu.barrier barrier_id(%barrier3A_84)
    %mul3A_85 = arith.constant 632 : i32
    %mul3A_86 = arith.muli %arg1, %mul3A_85 : i32
    "tpu.region"() ({
      %run_scoped3A_345 = tpu.sem_alloc : memref<!tpu.dma_semaphore, #tpu.memory_space<semaphore_mem>>
      %dma_start3A_346 = arith.constant 0 : i32
      %dma_start3A_347 = tpu.memref_slice %arg10[%mul3A_86, %dma_start3A_346] : memref<10112x128xf32, #tpu.memory_space<vmem_shared>> -> memref<632x128xf32, #tpu.memory_space<vmem_shared>>
      tpu.enqueue_dma source(%arg5 : memref<632x128xf32, #tpu.memory_space<hbm>>) target(%dma_start3A_347 : memref<632x128xf32, #tpu.memory_space<vmem_shared>>) target_semaphore(%run_scoped3A_345 : memref<!tpu.dma_semaphore, #tpu.memory_space<semaphore_mem>>)
      %dma_wait3A_348 = arith.constant 0 : i32
      %dma_wait3A_349 = tpu.memref_slice %arg10[%mul3A_86, %dma_wait3A_348] : memref<10112x128xf32, #tpu.memory_space<vmem_shared>> -> memref<632x128xf32, #tpu.memory_space<vmem_shared>>
      tpu.wait_dma2 semaphore(%run_scoped3A_345 : memref<!tpu.dma_semaphore, #tpu.memory_space<semaphore_mem>>) src(%arg5 : memref<632x128xf32, #tpu.memory_space<hbm>>) dst(%dma_wait3A_349 : memref<632x128xf32, #tpu.memory_space<vmem_shared>>)
      tpu.yield
    }) : () -> ()
    %barrier3A_87 = arith.constant 0 : index
    tpu.barrier barrier_id(%barrier3A_87)
    %dma_start3A_88 = arith.constant 1 : i32
    %dma_start3A_89 = arith.constant 0 : i32
    %dma_start3A_90 = arith.constant 0 : i32
    %dma_start3A_91 = arith.constant 0 : i32
    %dma_start3A_92 = arith.constant 0 : i32
    %dma_start3A_93 = tpu.memref_slice %arg9[%dma_start3A_90, %dma_start3A_91, %dma_start3A_92] : memref<2x128x128xf32, #tpu.memory_space<vmem>> -> memref<1x128x128xf32, #tpu.memory_space<vmem>>
    %dma_start3A_94 = tpu.memref_squeeze %dma_start3A_93 : memref<1x128x128xf32, #tpu.memory_space<vmem>> -> memref<128x128xf32, #tpu.memory_space<vmem>>
    %dma_start3A_95 = arith.constant 0 : i32
    %dma_start3A_96 = tpu.memref_slice %arg7[%dma_start3A_89, %dma_start3A_95] : memref<40x128xi32, #tpu.memory_space<vmem>> -> memref<1x128xi32, #tpu.memory_space<vmem>>
    %dma_start3A_97 = tpu.memref_squeeze %dma_start3A_96 : memref<1x128xi32, #tpu.memory_space<vmem>> -> memref<128xi32, #tpu.memory_space<vmem>>
    %dma_start3A_98 = arith.constant 0 : i32
    %dma_start3A_99 = arith.constant 0 : i32
    %dma_start3A_100 = tpu.memref_slice %arg2[%dma_start3A_88, %dma_start3A_98, %dma_start3A_99] : memref<4x10000x128xf32, #tpu.memory_space<hbm>> -> memref<1x10000x128xf32, #tpu.memory_space<hbm>>
    %dma_start3A_101 = tpu.memref_squeeze %dma_start3A_100 : memref<1x10000x128xf32, #tpu.memory_space<hbm>> -> memref<10000x128xf32, #tpu.memory_space<hbm>>
    %dma_start3A_102 = arith.constant 0 : i32
    %dma_start3A_103 = arith.constant 0 : i32
    %dma_start3A_104 = tpu.memref_slice %dma_start3A_101[%dma_start3A_102, %dma_start3A_103] : memref<10000x128xf32, #tpu.memory_space<hbm>> -> memref<10000x128xf32, #tpu.memory_space<hbm>>
    tpu.enqueue_indirect_dma source(%dma_start3A_104 : memref<10000x128xf32, #tpu.memory_space<hbm>>) target(%dma_start3A_94 : memref<128x128xf32, #tpu.memory_space<vmem>>) offsets(%dma_start3A_97 : memref<128xi32, #tpu.memory_space<vmem>>) semaphore(%arg11 : memref<!tpu.dma_semaphore, #tpu.memory_space<semaphore_mem>>)
    %dma_start3A_105 = arith.constant 1 : i32
    %dma_start3A_106 = arith.constant 1 : i32
    %dma_start3A_107 = arith.constant 1 : i32
    %dma_start3A_108 = arith.constant 0 : i32
    %dma_start3A_109 = arith.constant 0 : i32
    %dma_start3A_110 = tpu.memref_slice %arg9[%dma_start3A_107, %dma_start3A_108, %dma_start3A_109] : memref<2x128x128xf32, #tpu.memory_space<vmem>> -> memref<1x128x128xf32, #tpu.memory_space<vmem>>
    %dma_start3A_111 = tpu.memref_squeeze %dma_start3A_110 : memref<1x128x128xf32, #tpu.memory_space<vmem>> -> memref<128x128xf32, #tpu.memory_space<vmem>>
    %dma_start3A_112 = arith.constant 0 : i32
    %dma_start3A_113 = tpu.memref_slice %arg7[%dma_start3A_106, %dma_start3A_112] : memref<40x128xi32, #tpu.memory_space<vmem>> -> memref<1x128xi32, #tpu.memory_space<vmem>>
    %dma_start3A_114 = tpu.memref_squeeze %dma_start3A_113 : memref<1x128xi32, #tpu.memory_space<vmem>> -> memref<128xi32, #tpu.memory_space<vmem>>
    %dma_start3A_115 = arith.constant 0 : i32
    %dma_start3A_116 = arith.constant 0 : i32
    %dma_start3A_117 = tpu.memref_slice %arg2[%dma_start3A_105, %dma_start3A_115, %dma_start3A_116] : memref<4x10000x128xf32, #tpu.memory_space<hbm>> -> memref<1x10000x128xf32, #tpu.memory_space<hbm>>
    %dma_start3A_118 = tpu.memref_squeeze %dma_start3A_117 : memref<1x10000x128xf32, #tpu.memory_space<hbm>> -> memref<10000x128xf32, #tpu.memory_space<hbm>>
    %dma_start3A_119 = arith.constant 0 : i32
    %dma_start3A_120 = arith.constant 0 : i32
    %dma_start3A_121 = tpu.memref_slice %dma_start3A_118[%dma_start3A_119, %dma_start3A_120] : memref<10000x128xf32, #tpu.memory_space<hbm>> -> memref<10000x128xf32, #tpu.memory_space<hbm>>
    tpu.enqueue_indirect_dma source(%dma_start3A_121 : memref<10000x128xf32, #tpu.memory_space<hbm>>) target(%dma_start3A_111 : memref<128x128xf32, #tpu.memory_space<vmem>>) offsets(%dma_start3A_114 : memref<128xi32, #tpu.memory_space<vmem>>) semaphore(%arg12 : memref<!tpu.dma_semaphore, #tpu.memory_space<semaphore_mem>>)
    %scan3A_122 = arith.constant 0 : i32
    %scan3A_123 = arith.constant 19 : i32
    %scan3A_124 = arith.addi %scan3A_122, %scan3A_123 : i32
    %scan3A_125 = arith.constant 1 : i32
    scf.for %scan3A_345 = %scan3A_122 to %scan3A_124 step %scan3A_125  : i32 {
      %mul3A_346 = arith.constant 1 : i32
      %mul3A_347 = arith.muli %scan3A_345, %mul3A_346 : i32
      %add3A_348 = arith.constant 0 : i32
      %add3A_349 = arith.addi %add3A_348, %mul3A_347 : i32
      %mul3A_350 = arith.constant 2 : i32
      %mul3A_351 = arith.muli %add3A_349, %mul3A_350 : i32
      %dma_wait3A_352 = arith.constant 1 : i32
      %dma_wait3A_353 = arith.constant 0 : i32
      %dma_wait3A_354 = arith.constant 0 : i32
      %dma_wait3A_355 = arith.constant 0 : i32
      %dma_wait3A_356 = tpu.memref_slice %arg9[%dma_wait3A_353, %dma_wait3A_354, %dma_wait3A_355] : memref<2x128x128xf32, #tpu.memory_space<vmem>> -> memref<1x128x128xf32, #tpu.memory_space<vmem>>
      %dma_wait3A_357 = tpu.memref_squeeze %dma_wait3A_356 : memref<1x128x128xf32, #tpu.memory_space<vmem>> -> memref<128x128xf32, #tpu.memory_space<vmem>>
      %dma_wait3A_358 = arith.constant 0 : i32
      %dma_wait3A_359 = tpu.memref_slice %arg7[%mul3A_351, %dma_wait3A_358] : memref<40x128xi32, #tpu.memory_space<vmem>> -> memref<1x128xi32, #tpu.memory_space<vmem>>
      %dma_wait3A_360 = tpu.memref_squeeze %dma_wait3A_359 : memref<1x128xi32, #tpu.memory_space<vmem>> -> memref<128xi32, #tpu.memory_space<vmem>>
      %dma_wait3A_361 = arith.constant 0 : i32
      %dma_wait3A_362 = arith.constant 0 : i32
      %dma_wait3A_363 = tpu.memref_slice %arg2[%dma_wait3A_352, %dma_wait3A_361, %dma_wait3A_362] : memref<4x10000x128xf32, #tpu.memory_space<hbm>> -> memref<1x10000x128xf32, #tpu.memory_space<hbm>>
      %dma_wait3A_364 = tpu.memref_squeeze %dma_wait3A_363 : memref<1x10000x128xf32, #tpu.memory_space<hbm>> -> memref<10000x128xf32, #tpu.memory_space<hbm>>
      %dma_wait3A_365 = arith.constant 0 : i32
      %dma_wait3A_366 = arith.constant 0 : i32
      %dma_wait3A_367 = tpu.memref_slice %dma_wait3A_364[%dma_wait3A_365, %dma_wait3A_366] : memref<10000x128xf32, #tpu.memory_space<hbm>> -> memref<10000x128xf32, #tpu.memory_space<hbm>>
      tpu.wait_indirect_dma semaphore(%arg11 : memref<!tpu.dma_semaphore, #tpu.memory_space<semaphore_mem>>) src(%dma_wait3A_367 : memref<10000x128xf32, #tpu.memory_space<hbm>>) dst(%dma_wait3A_357 : memref<128x128xf32, #tpu.memory_space<vmem>>)
      %run_scoped3A_368 = arith.constant 0 : i32
      "tpu.region"() ({
        %run_scoped3A_426 = tpu.sem_alloc : memref<!tpu.dma_semaphore, #tpu.memory_space<semaphore_mem>>
        %dma_start3A_427 = arith.constant 0 : i32
        %dma_start3A_428 = arith.constant 0 : i32
        %dma_start3A_429 = tpu.memref_slice %arg9[%run_scoped3A_368, %dma_start3A_427, %dma_start3A_428] : memref<2x128x128xf32, #tpu.memory_space<vmem>> -> memref<1x128x128xf32, #tpu.memory_space<vmem>>
        %dma_start3A_430 = tpu.memref_squeeze %dma_start3A_429 : memref<1x128x128xf32, #tpu.memory_space<vmem>> -> memref<128x128xf32, #tpu.memory_space<vmem>>
        %dma_start3A_431 = arith.constant 0 : i32
        %dma_start3A_432 = tpu.memref_slice %arg8[%mul3A_351, %dma_start3A_431] : memref<40x128xi32, #tpu.memory_space<vmem>> -> memref<1x128xi32, #tpu.memory_space<vmem>>
        %dma_start3A_433 = tpu.memref_squeeze %dma_start3A_432 : memref<1x128xi32, #tpu.memory_space<vmem>> -> memref<128xi32, #tpu.memory_space<vmem>>
        %dma_start3A_434 = arith.constant 0 : i32
        %dma_start3A_435 = arith.constant 0 : i32
        %dma_start3A_436 = tpu.memref_slice %arg10[%dma_start3A_434, %dma_start3A_435] : memref<10112x128xf32, #tpu.memory_space<vmem_shared>> -> memref<10112x128xf32, #tpu.memory_space<vmem_shared>>
        tpu.enqueue_indirect_dma source(%dma_start3A_430 : memref<128x128xf32, #tpu.memory_space<vmem>>) target(%dma_start3A_436 : memref<10112x128xf32, #tpu.memory_space<vmem_shared>>) offsets(%dma_start3A_433 : memref<128xi32, #tpu.memory_space<vmem>>) semaphore(%run_scoped3A_426 : memref<!tpu.dma_semaphore, #tpu.memory_space<semaphore_mem>>) {add = true}
        %dma_wait3A_437 = arith.constant 0 : i32
        %dma_wait3A_438 = arith.constant 0 : i32
        %dma_wait3A_439 = tpu.memref_slice %arg9[%run_scoped3A_368, %dma_wait3A_437, %dma_wait3A_438] : memref<2x128x128xf32, #tpu.memory_space<vmem>> -> memref<1x128x128xf32, #tpu.memory_space<vmem>>
        %dma_wait3A_440 = tpu.memref_squeeze %dma_wait3A_439 : memref<1x128x128xf32, #tpu.memory_space<vmem>> -> memref<128x128xf32, #tpu.memory_space<vmem>>
        %dma_wait3A_441 = arith.constant 0 : i32
        %dma_wait3A_442 = tpu.memref_slice %arg8[%mul3A_351, %dma_wait3A_441] : memref<40x128xi32, #tpu.memory_space<vmem>> -> memref<1x128xi32, #tpu.memory_space<vmem>>
        %dma_wait3A_443 = tpu.memref_squeeze %dma_wait3A_442 : memref<1x128xi32, #tpu.memory_space<vmem>> -> memref<128xi32, #tpu.memory_space<vmem>>
        %dma_wait3A_444 = arith.constant 0 : i32
        %dma_wait3A_445 = arith.constant 0 : i32
        %dma_wait3A_446 = tpu.memref_slice %arg10[%dma_wait3A_444, %dma_wait3A_445] : memref<10112x128xf32, #tpu.memory_space<vmem_shared>> -> memref<10112x128xf32, #tpu.memory_space<vmem_shared>>
        tpu.wait_indirect_dma semaphore(%run_scoped3A_426 : memref<!tpu.dma_semaphore, #tpu.memory_space<semaphore_mem>>) src(%dma_wait3A_440 : memref<128x128xf32, #tpu.memory_space<vmem>>) dst(%dma_wait3A_446 : memref<10112x128xf32, #tpu.memory_space<vmem_shared>>)
        tpu.yield
      }) : () -> ()
      %add3A_369 = arith.constant 2 : i32
      %add3A_370 = arith.addi %mul3A_351, %add3A_369 : i32
      %dma_start3A_371 = arith.constant 1 : i32
      %dma_start3A_372 = arith.constant 0 : i32
      %dma_start3A_373 = arith.constant 0 : i32
      %dma_start3A_374 = arith.constant 0 : i32
      %dma_start3A_375 = tpu.memref_slice %arg9[%dma_start3A_372, %dma_start3A_373, %dma_start3A_374] : memref<2x128x128xf32, #tpu.memory_space<vmem>> -> memref<1x128x128xf32, #tpu.memory_space<vmem>>
      %dma_start3A_376 = tpu.memref_squeeze %dma_start3A_375 : memref<1x128x128xf32, #tpu.memory_space<vmem>> -> memref<128x128xf32, #tpu.memory_space<vmem>>
      %dma_start3A_377 = arith.constant 0 : i32
      %dma_start3A_378 = tpu.memref_slice %arg7[%add3A_370, %dma_start3A_377] : memref<40x128xi32, #tpu.memory_space<vmem>> -> memref<1x128xi32, #tpu.memory_space<vmem>>
      %dma_start3A_379 = tpu.memref_squeeze %dma_start3A_378 : memref<1x128xi32, #tpu.memory_space<vmem>> -> memref<128xi32, #tpu.memory_space<vmem>>
      %dma_start3A_380 = arith.constant 0 : i32
      %dma_start3A_381 = arith.constant 0 : i32
      %dma_start3A_382 = tpu.memref_slice %arg2[%dma_start3A_371, %dma_start3A_380, %dma_start3A_381] : memref<4x10000x128xf32, #tpu.memory_space<hbm>> -> memref<1x10000x128xf32, #tpu.memory_space<hbm>>
      %dma_start3A_383 = tpu.memref_squeeze %dma_start3A_382 : memref<1x10000x128xf32, #tpu.memory_space<hbm>> -> memref<10000x128xf32, #tpu.memory_space<hbm>>
      %dma_start3A_384 = arith.constant 0 : i32
      %dma_start3A_385 = arith.constant 0 : i32
      %dma_start3A_386 = tpu.memref_slice %dma_start3A_383[%dma_start3A_384, %dma_start3A_385] : memref<10000x128xf32, #tpu.memory_space<hbm>> -> memref<10000x128xf32, #tpu.memory_space<hbm>>
      tpu.enqueue_indirect_dma source(%dma_start3A_386 : memref<10000x128xf32, #tpu.memory_space<hbm>>) target(%dma_start3A_376 : memref<128x128xf32, #tpu.memory_space<vmem>>) offsets(%dma_start3A_379 : memref<128xi32, #tpu.memory_space<vmem>>) semaphore(%arg11 : memref<!tpu.dma_semaphore, #tpu.memory_space<semaphore_mem>>)
      %add3A_387 = arith.constant 1 : i32
      %add3A_388 = arith.addi %mul3A_351, %add3A_387 : i32
      %dma_wait3A_389 = arith.constant 1 : i32
      %dma_wait3A_390 = arith.constant 1 : i32
      %dma_wait3A_391 = arith.constant 0 : i32
      %dma_wait3A_392 = arith.constant 0 : i32
      %dma_wait3A_393 = tpu.memref_slice %arg9[%dma_wait3A_390, %dma_wait3A_391, %dma_wait3A_392] : memref<2x128x128xf32, #tpu.memory_space<vmem>> -> memref<1x128x128xf32, #tpu.memory_space<vmem>>
      %dma_wait3A_394 = tpu.memref_squeeze %dma_wait3A_393 : memref<1x128x128xf32, #tpu.memory_space<vmem>> -> memref<128x128xf32, #tpu.memory_space<vmem>>
      %dma_wait3A_395 = arith.constant 0 : i32
      %dma_wait3A_396 = tpu.memref_slice %arg7[%add3A_388, %dma_wait3A_395] : memref<40x128xi32, #tpu.memory_space<vmem>> -> memref<1x128xi32, #tpu.memory_space<vmem>>
      %dma_wait3A_397 = tpu.memref_squeeze %dma_wait3A_396 : memref<1x128xi32, #tpu.memory_space<vmem>> -> memref<128xi32, #tpu.memory_space<vmem>>
      %dma_wait3A_398 = arith.constant 0 : i32
      %dma_wait3A_399 = arith.constant 0 : i32
      %dma_wait3A_400 = tpu.memref_slice %arg2[%dma_wait3A_389, %dma_wait3A_398, %dma_wait3A_399] : memref<4x10000x128xf32, #tpu.memory_space<hbm>> -> memref<1x10000x128xf32, #tpu.memory_space<hbm>>
      %dma_wait3A_401 = tpu.memref_squeeze %dma_wait3A_400 : memref<1x10000x128xf32, #tpu.memory_space<hbm>> -> memref<10000x128xf32, #tpu.memory_space<hbm>>
      %dma_wait3A_402 = arith.constant 0 : i32
      %dma_wait3A_403 = arith.constant 0 : i32
      %dma_wait3A_404 = tpu.memref_slice %dma_wait3A_401[%dma_wait3A_402, %dma_wait3A_403] : memref<10000x128xf32, #tpu.memory_space<hbm>> -> memref<10000x128xf32, #tpu.memory_space<hbm>>
      tpu.wait_indirect_dma semaphore(%arg12 : memref<!tpu.dma_semaphore, #tpu.memory_space<semaphore_mem>>) src(%dma_wait3A_404 : memref<10000x128xf32, #tpu.memory_space<hbm>>) dst(%dma_wait3A_394 : memref<128x128xf32, #tpu.memory_space<vmem>>)
      %add3A_405 = arith.constant 1 : i32
      %add3A_406 = arith.addi %mul3A_351, %add3A_405 : i32
      %run_scoped3A_407 = arith.constant 1 : i32
      "tpu.region"() ({
        %run_scoped3A_426 = tpu.sem_alloc : memref<!tpu.dma_semaphore, #tpu.memory_space<semaphore_mem>>
        %dma_start3A_427 = arith.constant 0 : i32
        %dma_start3A_428 = arith.constant 0 : i32
        %dma_start3A_429 = tpu.memref_slice %arg9[%run_scoped3A_407, %dma_start3A_427, %dma_start3A_428] : memref<2x128x128xf32, #tpu.memory_space<vmem>> -> memref<1x128x128xf32, #tpu.memory_space<vmem>>
        %dma_start3A_430 = tpu.memref_squeeze %dma_start3A_429 : memref<1x128x128xf32, #tpu.memory_space<vmem>> -> memref<128x128xf32, #tpu.memory_space<vmem>>
        %dma_start3A_431 = arith.constant 0 : i32
        %dma_start3A_432 = tpu.memref_slice %arg8[%add3A_406, %dma_start3A_431] : memref<40x128xi32, #tpu.memory_space<vmem>> -> memref<1x128xi32, #tpu.memory_space<vmem>>
        %dma_start3A_433 = tpu.memref_squeeze %dma_start3A_432 : memref<1x128xi32, #tpu.memory_space<vmem>> -> memref<128xi32, #tpu.memory_space<vmem>>
        %dma_start3A_434 = arith.constant 0 : i32
        %dma_start3A_435 = arith.constant 0 : i32
        %dma_start3A_436 = tpu.memref_slice %arg10[%dma_start3A_434, %dma_start3A_435] : memref<10112x128xf32, #tpu.memory_space<vmem_shared>> -> memref<10112x128xf32, #tpu.memory_space<vmem_shared>>
        tpu.enqueue_indirect_dma source(%dma_start3A_430 : memref<128x128xf32, #tpu.memory_space<vmem>>) target(%dma_start3A_436 : memref<10112x128xf32, #tpu.memory_space<vmem_shared>>) offsets(%dma_start3A_433 : memref<128xi32, #tpu.memory_space<vmem>>) semaphore(%run_scoped3A_426 : memref<!tpu.dma_semaphore, #tpu.memory_space<semaphore_mem>>) {add = true}
        %dma_wait3A_437 = arith.constant 0 : i32
        %dma_wait3A_438 = arith.constant 0 : i32
        %dma_wait3A_439 = tpu.memref_slice %arg9[%run_scoped3A_407, %dma_wait3A_437, %dma_wait3A_438] : memref<2x128x128xf32, #tpu.memory_space<vmem>> -> memref<1x128x128xf32, #tpu.memory_space<vmem>>
        %dma_wait3A_440 = tpu.memref_squeeze %dma_wait3A_439 : memref<1x128x128xf32, #tpu.memory_space<vmem>> -> memref<128x128xf32, #tpu.memory_space<vmem>>
        %dma_wait3A_441 = arith.constant 0 : i32
        %dma_wait3A_442 = tpu.memref_slice %arg8[%add3A_406, %dma_wait3A_441] : memref<40x128xi32, #tpu.memory_space<vmem>> -> memref<1x128xi32, #tpu.memory_space<vmem>>
        %dma_wait3A_443 = tpu.memref_squeeze %dma_wait3A_442 : memref<1x128xi32, #tpu.memory_space<vmem>> -> memref<128xi32, #tpu.memory_space<vmem>>
        %dma_wait3A_444 = arith.constant 0 : i32
        %dma_wait3A_445 = arith.constant 0 : i32
        %dma_wait3A_446 = tpu.memref_slice %arg10[%dma_wait3A_444, %dma_wait3A_445] : memref<10112x128xf32, #tpu.memory_space<vmem_shared>> -> memref<10112x128xf32, #tpu.memory_space<vmem_shared>>
        tpu.wait_indirect_dma semaphore(%run_scoped3A_426 : memref<!tpu.dma_semaphore, #tpu.memory_space<semaphore_mem>>) src(%dma_wait3A_440 : memref<128x128xf32, #tpu.memory_space<vmem>>) dst(%dma_wait3A_446 : memref<10112x128xf32, #tpu.memory_space<vmem_shared>>)
        tpu.yield
      }) : () -> ()
      %add3A_408 = arith.constant 3 : i32
      %add3A_409 = arith.addi %mul3A_351, %add3A_408 : i32
      %dma_start3A_410 = arith.constant 1 : i32
      %dma_start3A_411 = arith.constant 1 : i32
      %dma_start3A_412 = arith.constant 0 : i32
      %dma_start3A_413 = arith.constant 0 : i32
      %dma_start3A_414 = tpu.memref_slice %arg9[%dma_start3A_411, %dma_start3A_412, %dma_start3A_413] : memref<2x128x128xf32, #tpu.memory_space<vmem>> -> memref<1x128x128xf32, #tpu.memory_space<vmem>>
      %dma_start3A_415 = tpu.memref_squeeze %dma_start3A_414 : memref<1x128x128xf32, #tpu.memory_space<vmem>> -> memref<128x128xf32, #tpu.memory_space<vmem>>
      %dma_start3A_416 = arith.constant 0 : i32
      %dma_start3A_417 = tpu.memref_slice %arg7[%add3A_409, %dma_start3A_416] : memref<40x128xi32, #tpu.memory_space<vmem>> -> memref<1x128xi32, #tpu.memory_space<vmem>>
      %dma_start3A_418 = tpu.memref_squeeze %dma_start3A_417 : memref<1x128xi32, #tpu.memory_space<vmem>> -> memref<128xi32, #tpu.memory_space<vmem>>
      %dma_start3A_419 = arith.constant 0 : i32
      %dma_start3A_420 = arith.constant 0 : i32
      %dma_start3A_421 = tpu.memref_slice %arg2[%dma_start3A_410, %dma_start3A_419, %dma_start3A_420] : memref<4x10000x128xf32, #tpu.memory_space<hbm>> -> memref<1x10000x128xf32, #tpu.memory_space<hbm>>
      %dma_start3A_422 = tpu.memref_squeeze %dma_start3A_421 : memref<1x10000x128xf32, #tpu.memory_space<hbm>> -> memref<10000x128xf32, #tpu.memory_space<hbm>>
      %dma_start3A_423 = arith.constant 0 : i32
      %dma_start3A_424 = arith.constant 0 : i32
      %dma_start3A_425 = tpu.memref_slice %dma_start3A_422[%dma_start3A_423, %dma_start3A_424] : memref<10000x128xf32, #tpu.memory_space<hbm>> -> memref<10000x128xf32, #tpu.memory_space<hbm>>
      tpu.enqueue_indirect_dma source(%dma_start3A_425 : memref<10000x128xf32, #tpu.memory_space<hbm>>) target(%dma_start3A_415 : memref<128x128xf32, #tpu.memory_space<vmem>>) offsets(%dma_start3A_418 : memref<128xi32, #tpu.memory_space<vmem>>) semaphore(%arg12 : memref<!tpu.dma_semaphore, #tpu.memory_space<semaphore_mem>>)
    }
    %scan3A_126 = arith.constant 19 : i32
    %dma_wait3A_127 = arith.constant 1 : i32
    %dma_wait3A_128 = arith.constant 38 : i32
    %dma_wait3A_129 = arith.constant 0 : i32
    %dma_wait3A_130 = arith.constant 0 : i32
    %dma_wait3A_131 = arith.constant 0 : i32
    %dma_wait3A_132 = tpu.memref_slice %arg9[%dma_wait3A_129, %dma_wait3A_130, %dma_wait3A_131] : memref<2x128x128xf32, #tpu.memory_space<vmem>> -> memref<1x128x128xf32, #tpu.memory_space<vmem>>
    %dma_wait3A_133 = tpu.memref_squeeze %dma_wait3A_132 : memref<1x128x128xf32, #tpu.memory_space<vmem>> -> memref<128x128xf32, #tpu.memory_space<vmem>>
    %dma_wait3A_134 = arith.constant 0 : i32
    %dma_wait3A_135 = tpu.memref_slice %arg7[%dma_wait3A_128, %dma_wait3A_134] : memref<40x128xi32, #tpu.memory_space<vmem>> -> memref<1x128xi32, #tpu.memory_space<vmem>>
    %dma_wait3A_136 = tpu.memref_squeeze %dma_wait3A_135 : memref<1x128xi32, #tpu.memory_space<vmem>> -> memref<128xi32, #tpu.memory_space<vmem>>
    %dma_wait3A_137 = arith.constant 0 : i32
    %dma_wait3A_138 = arith.constant 0 : i32
    %dma_wait3A_139 = tpu.memref_slice %arg2[%dma_wait3A_127, %dma_wait3A_137, %dma_wait3A_138] : memref<4x10000x128xf32, #tpu.memory_space<hbm>> -> memref<1x10000x128xf32, #tpu.memory_space<hbm>>
    %dma_wait3A_140 = tpu.memref_squeeze %dma_wait3A_139 : memref<1x10000x128xf32, #tpu.memory_space<hbm>> -> memref<10000x128xf32, #tpu.memory_space<hbm>>
    %dma_wait3A_141 = arith.constant 0 : i32
    %dma_wait3A_142 = arith.constant 0 : i32
    %dma_wait3A_143 = tpu.memref_slice %dma_wait3A_140[%dma_wait3A_141, %dma_wait3A_142] : memref<10000x128xf32, #tpu.memory_space<hbm>> -> memref<10000x128xf32, #tpu.memory_space<hbm>>
    tpu.wait_indirect_dma semaphore(%arg11 : memref<!tpu.dma_semaphore, #tpu.memory_space<semaphore_mem>>) src(%dma_wait3A_143 : memref<10000x128xf32, #tpu.memory_space<hbm>>) dst(%dma_wait3A_133 : memref<128x128xf32, #tpu.memory_space<vmem>>)
    %run_scoped3A_144 = arith.constant 0 : i32
    %run_scoped3A_145 = arith.constant 38 : i32
    "tpu.region"() ({
      %run_scoped3A_345 = tpu.sem_alloc : memref<!tpu.dma_semaphore, #tpu.memory_space<semaphore_mem>>
      %dma_start3A_346 = arith.constant 0 : i32
      %dma_start3A_347 = arith.constant 0 : i32
      %dma_start3A_348 = tpu.memref_slice %arg9[%run_scoped3A_144, %dma_start3A_346, %dma_start3A_347] : memref<2x128x128xf32, #tpu.memory_space<vmem>> -> memref<1x128x128xf32, #tpu.memory_space<vmem>>
      %dma_start3A_349 = tpu.memref_squeeze %dma_start3A_348 : memref<1x128x128xf32, #tpu.memory_space<vmem>> -> memref<128x128xf32, #tpu.memory_space<vmem>>
      %dma_start3A_350 = arith.constant 0 : i32
      %dma_start3A_351 = tpu.memref_slice %arg8[%run_scoped3A_145, %dma_start3A_350] : memref<40x128xi32, #tpu.memory_space<vmem>> -> memref<1x128xi32, #tpu.memory_space<vmem>>
      %dma_start3A_352 = tpu.memref_squeeze %dma_start3A_351 : memref<1x128xi32, #tpu.memory_space<vmem>> -> memref<128xi32, #tpu.memory_space<vmem>>
      %dma_start3A_353 = arith.constant 0 : i32
      %dma_start3A_354 = arith.constant 0 : i32
      %dma_start3A_355 = tpu.memref_slice %arg10[%dma_start3A_353, %dma_start3A_354] : memref<10112x128xf32, #tpu.memory_space<vmem_shared>> -> memref<10112x128xf32, #tpu.memory_space<vmem_shared>>
      tpu.enqueue_indirect_dma source(%dma_start3A_349 : memref<128x128xf32, #tpu.memory_space<vmem>>) target(%dma_start3A_355 : memref<10112x128xf32, #tpu.memory_space<vmem_shared>>) offsets(%dma_start3A_352 : memref<128xi32, #tpu.memory_space<vmem>>) semaphore(%run_scoped3A_345 : memref<!tpu.dma_semaphore, #tpu.memory_space<semaphore_mem>>) {add = true}
      %dma_wait3A_356 = arith.constant 0 : i32
      %dma_wait3A_357 = arith.constant 0 : i32
      %dma_wait3A_358 = tpu.memref_slice %arg9[%run_scoped3A_144, %dma_wait3A_356, %dma_wait3A_357] : memref<2x128x128xf32, #tpu.memory_space<vmem>> -> memref<1x128x128xf32, #tpu.memory_space<vmem>>
      %dma_wait3A_359 = tpu.memref_squeeze %dma_wait3A_358 : memref<1x128x128xf32, #tpu.memory_space<vmem>> -> memref<128x128xf32, #tpu.memory_space<vmem>>
      %dma_wait3A_360 = arith.constant 0 : i32
      %dma_wait3A_361 = tpu.memref_slice %arg8[%run_scoped3A_145, %dma_wait3A_360] : memref<40x128xi32, #tpu.memory_space<vmem>> -> memref<1x128xi32, #tpu.memory_space<vmem>>
      %dma_wait3A_362 = tpu.memref_squeeze %dma_wait3A_361 : memref<1x128xi32, #tpu.memory_space<vmem>> -> memref<128xi32, #tpu.memory_space<vmem>>
      %dma_wait3A_363 = arith.constant 0 : i32
      %dma_wait3A_364 = arith.constant 0 : i32
      %dma_wait3A_365 = tpu.memref_slice %arg10[%dma_wait3A_363, %dma_wait3A_364] : memref<10112x128xf32, #tpu.memory_space<vmem_shared>> -> memref<10112x128xf32, #tpu.memory_space<vmem_shared>>
      tpu.wait_indirect_dma semaphore(%run_scoped3A_345 : memref<!tpu.dma_semaphore, #tpu.memory_space<semaphore_mem>>) src(%dma_wait3A_359 : memref<128x128xf32, #tpu.memory_space<vmem>>) dst(%dma_wait3A_365 : memref<10112x128xf32, #tpu.memory_space<vmem_shared>>)
      tpu.yield
    }) : () -> ()
    %dma_wait3A_146 = arith.constant 1 : i32
    %dma_wait3A_147 = arith.constant 39 : i32
    %dma_wait3A_148 = arith.constant 1 : i32
    %dma_wait3A_149 = arith.constant 0 : i32
    %dma_wait3A_150 = arith.constant 0 : i32
    %dma_wait3A_151 = tpu.memref_slice %arg9[%dma_wait3A_148, %dma_wait3A_149, %dma_wait3A_150] : memref<2x128x128xf32, #tpu.memory_space<vmem>> -> memref<1x128x128xf32, #tpu.memory_space<vmem>>
    %dma_wait3A_152 = tpu.memref_squeeze %dma_wait3A_151 : memref<1x128x128xf32, #tpu.memory_space<vmem>> -> memref<128x128xf32, #tpu.memory_space<vmem>>
    %dma_wait3A_153 = arith.constant 0 : i32
    %dma_wait3A_154 = tpu.memref_slice %arg7[%dma_wait3A_147, %dma_wait3A_153] : memref<40x128xi32, #tpu.memory_space<vmem>> -> memref<1x128xi32, #tpu.memory_space<vmem>>
    %dma_wait3A_155 = tpu.memref_squeeze %dma_wait3A_154 : memref<1x128xi32, #tpu.memory_space<vmem>> -> memref<128xi32, #tpu.memory_space<vmem>>
    %dma_wait3A_156 = arith.constant 0 : i32
    %dma_wait3A_157 = arith.constant 0 : i32
    %dma_wait3A_158 = tpu.memref_slice %arg2[%dma_wait3A_146, %dma_wait3A_156, %dma_wait3A_157] : memref<4x10000x128xf32, #tpu.memory_space<hbm>> -> memref<1x10000x128xf32, #tpu.memory_space<hbm>>
    %dma_wait3A_159 = tpu.memref_squeeze %dma_wait3A_158 : memref<1x10000x128xf32, #tpu.memory_space<hbm>> -> memref<10000x128xf32, #tpu.memory_space<hbm>>
    %dma_wait3A_160 = arith.constant 0 : i32
    %dma_wait3A_161 = arith.constant 0 : i32
    %dma_wait3A_162 = tpu.memref_slice %dma_wait3A_159[%dma_wait3A_160, %dma_wait3A_161] : memref<10000x128xf32, #tpu.memory_space<hbm>> -> memref<10000x128xf32, #tpu.memory_space<hbm>>
    tpu.wait_indirect_dma semaphore(%arg12 : memref<!tpu.dma_semaphore, #tpu.memory_space<semaphore_mem>>) src(%dma_wait3A_162 : memref<10000x128xf32, #tpu.memory_space<hbm>>) dst(%dma_wait3A_152 : memref<128x128xf32, #tpu.memory_space<vmem>>)
    %run_scoped3A_163 = arith.constant 1 : i32
    %run_scoped3A_164 = arith.constant 39 : i32
    "tpu.region"() ({
      %run_scoped3A_345 = tpu.sem_alloc : memref<!tpu.dma_semaphore, #tpu.memory_space<semaphore_mem>>
      %dma_start3A_346 = arith.constant 0 : i32
      %dma_start3A_347 = arith.constant 0 : i32
      %dma_start3A_348 = tpu.memref_slice %arg9[%run_scoped3A_163, %dma_start3A_346, %dma_start3A_347] : memref<2x128x128xf32, #tpu.memory_space<vmem>> -> memref<1x128x128xf32, #tpu.memory_space<vmem>>
      %dma_start3A_349 = tpu.memref_squeeze %dma_start3A_348 : memref<1x128x128xf32, #tpu.memory_space<vmem>> -> memref<128x128xf32, #tpu.memory_space<vmem>>
      %dma_start3A_350 = arith.constant 0 : i32
      %dma_start3A_351 = tpu.memref_slice %arg8[%run_scoped3A_164, %dma_start3A_350] : memref<40x128xi32, #tpu.memory_space<vmem>> -> memref<1x128xi32, #tpu.memory_space<vmem>>
      %dma_start3A_352 = tpu.memref_squeeze %dma_start3A_351 : memref<1x128xi32, #tpu.memory_space<vmem>> -> memref<128xi32, #tpu.memory_space<vmem>>
      %dma_start3A_353 = arith.constant 0 : i32
      %dma_start3A_354 = arith.constant 0 : i32
      %dma_start3A_355 = tpu.memref_slice %arg10[%dma_start3A_353, %dma_start3A_354] : memref<10112x128xf32, #tpu.memory_space<vmem_shared>> -> memref<10112x128xf32, #tpu.memory_space<vmem_shared>>
      tpu.enqueue_indirect_dma source(%dma_start3A_349 : memref<128x128xf32, #tpu.memory_space<vmem>>) target(%dma_start3A_355 : memref<10112x128xf32, #tpu.memory_space<vmem_shared>>) offsets(%dma_start3A_352 : memref<128xi32, #tpu.memory_space<vmem>>) semaphore(%run_scoped3A_345 : memref<!tpu.dma_semaphore, #tpu.memory_space<semaphore_mem>>) {add = true}
      %dma_wait3A_356 = arith.constant 0 : i32
      %dma_wait3A_357 = arith.constant 0 : i32
      %dma_wait3A_358 = tpu.memref_slice %arg9[%run_scoped3A_163, %dma_wait3A_356, %dma_wait3A_357] : memref<2x128x128xf32, #tpu.memory_space<vmem>> -> memref<1x128x128xf32, #tpu.memory_space<vmem>>
      %dma_wait3A_359 = tpu.memref_squeeze %dma_wait3A_358 : memref<1x128x128xf32, #tpu.memory_space<vmem>> -> memref<128x128xf32, #tpu.memory_space<vmem>>
      %dma_wait3A_360 = arith.constant 0 : i32
      %dma_wait3A_361 = tpu.memref_slice %arg8[%run_scoped3A_164, %dma_wait3A_360] : memref<40x128xi32, #tpu.memory_space<vmem>> -> memref<1x128xi32, #tpu.memory_space<vmem>>
      %dma_wait3A_362 = tpu.memref_squeeze %dma_wait3A_361 : memref<1x128xi32, #tpu.memory_space<vmem>> -> memref<128xi32, #tpu.memory_space<vmem>>
      %dma_wait3A_363 = arith.constant 0 : i32
      %dma_wait3A_364 = arith.constant 0 : i32
      %dma_wait3A_365 = tpu.memref_slice %arg10[%dma_wait3A_363, %dma_wait3A_364] : memref<10112x128xf32, #tpu.memory_space<vmem_shared>> -> memref<10112x128xf32, #tpu.memory_space<vmem_shared>>
      tpu.wait_indirect_dma semaphore(%run_scoped3A_345 : memref<!tpu.dma_semaphore, #tpu.memory_space<semaphore_mem>>) src(%dma_wait3A_359 : memref<128x128xf32, #tpu.memory_space<vmem>>) dst(%dma_wait3A_365 : memref<10112x128xf32, #tpu.memory_space<vmem_shared>>)
      tpu.yield
    }) : () -> ()
    %barrier3A_165 = arith.constant 0 : index
    tpu.barrier barrier_id(%barrier3A_165)
    %mul3A_166 = arith.constant 632 : i32
    %mul3A_167 = arith.muli %arg1, %mul3A_166 : i32
    %mul3A_168 = arith.constant 632 : i32
    %mul3A_169 = arith.muli %arg1, %mul3A_168 : i32
    %run_scoped3A_170 = arith.constant 1 : i32
    "tpu.region"() ({
      %run_scoped3A_345 = tpu.sem_alloc : memref<!tpu.dma_semaphore, #tpu.memory_space<semaphore_mem>>
      %dma_start3A_346 = arith.constant 0 : i32
      %dma_start3A_347 = tpu.memref_slice %arg6[%arg0, %run_scoped3A_170, %mul3A_169, %dma_start3A_346] : memref<2x4x10112x128xf32, #tpu.memory_space<hbm>> -> memref<1x1x632x128xf32, #tpu.memory_space<hbm>>
      %dma_start3A_348 = tpu.memref_squeeze %dma_start3A_347 : memref<1x1x632x128xf32, #tpu.memory_space<hbm>> -> memref<632x128xf32, #tpu.memory_space<hbm>>
      %dma_start3A_349 = arith.constant 0 : i32
      %dma_start3A_350 = tpu.memref_slice %arg10[%mul3A_167, %dma_start3A_349] : memref<10112x128xf32, #tpu.memory_space<vmem_shared>> -> memref<632x128xf32, #tpu.memory_space<vmem_shared>>
      tpu.enqueue_dma source(%dma_start3A_350 : memref<632x128xf32, #tpu.memory_space<vmem_shared>>) target(%dma_start3A_348 : memref<632x128xf32, #tpu.memory_space<hbm>>) target_semaphore(%run_scoped3A_345 : memref<!tpu.dma_semaphore, #tpu.memory_space<semaphore_mem>>)
      %dma_wait3A_351 = arith.constant 0 : i32
      %dma_wait3A_352 = tpu.memref_slice %arg6[%arg0, %run_scoped3A_170, %mul3A_169, %dma_wait3A_351] : memref<2x4x10112x128xf32, #tpu.memory_space<hbm>> -> memref<1x1x632x128xf32, #tpu.memory_space<hbm>>
      %dma_wait3A_353 = tpu.memref_squeeze %dma_wait3A_352 : memref<1x1x632x128xf32, #tpu.memory_space<hbm>> -> memref<632x128xf32, #tpu.memory_space<hbm>>
      %dma_wait3A_354 = arith.constant 0 : i32
      %dma_wait3A_355 = tpu.memref_slice %arg10[%mul3A_167, %dma_wait3A_354] : memref<10112x128xf32, #tpu.memory_space<vmem_shared>> -> memref<632x128xf32, #tpu.memory_space<vmem_shared>>
      tpu.wait_dma2 semaphore(%run_scoped3A_345 : memref<!tpu.dma_semaphore, #tpu.memory_space<semaphore_mem>>) src(%dma_wait3A_355 : memref<632x128xf32, #tpu.memory_space<vmem_shared>>) dst(%dma_wait3A_353 : memref<632x128xf32, #tpu.memory_space<hbm>>)
      tpu.yield
    }) : () -> ()
    %barrier3A_171 = arith.constant 0 : index
    tpu.barrier barrier_id(%barrier3A_171)
    %mul3A_172 = arith.constant 632 : i32
    %mul3A_173 = arith.muli %arg1, %mul3A_172 : i32
    "tpu.region"() ({
      %run_scoped3A_345 = tpu.sem_alloc : memref<!tpu.dma_semaphore, #tpu.memory_space<semaphore_mem>>
      %dma_start3A_346 = arith.constant 0 : i32
      %dma_start3A_347 = tpu.memref_slice %arg10[%mul3A_173, %dma_start3A_346] : memref<10112x128xf32, #tpu.memory_space<vmem_shared>> -> memref<632x128xf32, #tpu.memory_space<vmem_shared>>
      tpu.enqueue_dma source(%arg5 : memref<632x128xf32, #tpu.memory_space<hbm>>) target(%dma_start3A_347 : memref<632x128xf32, #tpu.memory_space<vmem_shared>>) target_semaphore(%run_scoped3A_345 : memref<!tpu.dma_semaphore, #tpu.memory_space<semaphore_mem>>)
      %dma_wait3A_348 = arith.constant 0 : i32
      %dma_wait3A_349 = tpu.memref_slice %arg10[%mul3A_173, %dma_wait3A_348] : memref<10112x128xf32, #tpu.memory_space<vmem_shared>> -> memref<632x128xf32, #tpu.memory_space<vmem_shared>>
      tpu.wait_dma2 semaphore(%run_scoped3A_345 : memref<!tpu.dma_semaphore, #tpu.memory_space<semaphore_mem>>) src(%arg5 : memref<632x128xf32, #tpu.memory_space<hbm>>) dst(%dma_wait3A_349 : memref<632x128xf32, #tpu.memory_space<vmem_shared>>)
      tpu.yield
    }) : () -> ()
    %barrier3A_174 = arith.constant 0 : index
    tpu.barrier barrier_id(%barrier3A_174)
    %dma_start3A_175 = arith.constant 2 : i32
    %dma_start3A_176 = arith.constant 0 : i32
    %dma_start3A_177 = arith.constant 0 : i32
    %dma_start3A_178 = arith.constant 0 : i32
    %dma_start3A_179 = arith.constant 0 : i32
    %dma_start3A_180 = tpu.memref_slice %arg9[%dma_start3A_177, %dma_start3A_178, %dma_start3A_179] : memref<2x128x128xf32, #tpu.memory_space<vmem>> -> memref<1x128x128xf32, #tpu.memory_space<vmem>>
    %dma_start3A_181 = tpu.memref_squeeze %dma_start3A_180 : memref<1x128x128xf32, #tpu.memory_space<vmem>> -> memref<128x128xf32, #tpu.memory_space<vmem>>
    %dma_start3A_182 = arith.constant 0 : i32
    %dma_start3A_183 = tpu.memref_slice %arg7[%dma_start3A_176, %dma_start3A_182] : memref<40x128xi32, #tpu.memory_space<vmem>> -> memref<1x128xi32, #tpu.memory_space<vmem>>
    %dma_start3A_184 = tpu.memref_squeeze %dma_start3A_183 : memref<1x128xi32, #tpu.memory_space<vmem>> -> memref<128xi32, #tpu.memory_space<vmem>>
    %dma_start3A_185 = arith.constant 0 : i32
    %dma_start3A_186 = arith.constant 0 : i32
    %dma_start3A_187 = tpu.memref_slice %arg2[%dma_start3A_175, %dma_start3A_185, %dma_start3A_186] : memref<4x10000x128xf32, #tpu.memory_space<hbm>> -> memref<1x10000x128xf32, #tpu.memory_space<hbm>>
    %dma_start3A_188 = tpu.memref_squeeze %dma_start3A_187 : memref<1x10000x128xf32, #tpu.memory_space<hbm>> -> memref<10000x128xf32, #tpu.memory_space<hbm>>
    %dma_start3A_189 = arith.constant 0 : i32
    %dma_start3A_190 = arith.constant 0 : i32
    %dma_start3A_191 = tpu.memref_slice %dma_start3A_188[%dma_start3A_189, %dma_start3A_190] : memref<10000x128xf32, #tpu.memory_space<hbm>> -> memref<10000x128xf32, #tpu.memory_space<hbm>>
    tpu.enqueue_indirect_dma source(%dma_start3A_191 : memref<10000x128xf32, #tpu.memory_space<hbm>>) target(%dma_start3A_181 : memref<128x128xf32, #tpu.memory_space<vmem>>) offsets(%dma_start3A_184 : memref<128xi32, #tpu.memory_space<vmem>>) semaphore(%arg11 : memref<!tpu.dma_semaphore, #tpu.memory_space<semaphore_mem>>)
    %dma_start3A_192 = arith.constant 2 : i32
    %dma_start3A_193 = arith.constant 1 : i32
    %dma_start3A_194 = arith.constant 1 : i32
    %dma_start3A_195 = arith.constant 0 : i32
    %dma_start3A_196 = arith.constant 0 : i32
    %dma_start3A_197 = tpu.memref_slice %arg9[%dma_start3A_194, %dma_start3A_195, %dma_start3A_196] : memref<2x128x128xf32, #tpu.memory_space<vmem>> -> memref<1x128x128xf32, #tpu.memory_space<vmem>>
    %dma_start3A_198 = tpu.memref_squeeze %dma_start3A_197 : memref<1x128x128xf32, #tpu.memory_space<vmem>> -> memref<128x128xf32, #tpu.memory_space<vmem>>
    %dma_start3A_199 = arith.constant 0 : i32
    %dma_start3A_200 = tpu.memref_slice %arg7[%dma_start3A_193, %dma_start3A_199] : memref<40x128xi32, #tpu.memory_space<vmem>> -> memref<1x128xi32, #tpu.memory_space<vmem>>
    %dma_start3A_201 = tpu.memref_squeeze %dma_start3A_200 : memref<1x128xi32, #tpu.memory_space<vmem>> -> memref<128xi32, #tpu.memory_space<vmem>>
    %dma_start3A_202 = arith.constant 0 : i32
    %dma_start3A_203 = arith.constant 0 : i32
    %dma_start3A_204 = tpu.memref_slice %arg2[%dma_start3A_192, %dma_start3A_202, %dma_start3A_203] : memref<4x10000x128xf32, #tpu.memory_space<hbm>> -> memref<1x10000x128xf32, #tpu.memory_space<hbm>>
    %dma_start3A_205 = tpu.memref_squeeze %dma_start3A_204 : memref<1x10000x128xf32, #tpu.memory_space<hbm>> -> memref<10000x128xf32, #tpu.memory_space<hbm>>
    %dma_start3A_206 = arith.constant 0 : i32
    %dma_start3A_207 = arith.constant 0 : i32
    %dma_start3A_208 = tpu.memref_slice %dma_start3A_205[%dma_start3A_206, %dma_start3A_207] : memref<10000x128xf32, #tpu.memory_space<hbm>> -> memref<10000x128xf32, #tpu.memory_space<hbm>>
    tpu.enqueue_indirect_dma source(%dma_start3A_208 : memref<10000x128xf32, #tpu.memory_space<hbm>>) target(%dma_start3A_198 : memref<128x128xf32, #tpu.memory_space<vmem>>) offsets(%dma_start3A_201 : memref<128xi32, #tpu.memory_space<vmem>>) semaphore(%arg12 : memref<!tpu.dma_semaphore, #tpu.memory_space<semaphore_mem>>)
    %scan3A_209 = arith.constant 0 : i32
    %scan3A_210 = arith.constant 19 : i32
    %scan3A_211 = arith.addi %scan3A_209, %scan3A_210 : i32
    %scan3A_212 = arith.constant 1 : i32
    scf.for %scan3A_345 = %scan3A_209 to %scan3A_211 step %scan3A_212  : i32 {
      %mul3A_346 = arith.constant 1 : i32
      %mul3A_347 = arith.muli %scan3A_345, %mul3A_346 : i32
      %add3A_348 = arith.constant 0 : i32
      %add3A_349 = arith.addi %add3A_348, %mul3A_347 : i32
      %mul3A_350 = arith.constant 2 : i32
      %mul3A_351 = arith.muli %add3A_349, %mul3A_350 : i32
      %dma_wait3A_352 = arith.constant 2 : i32
      %dma_wait3A_353 = arith.constant 0 : i32
      %dma_wait3A_354 = arith.constant 0 : i32
      %dma_wait3A_355 = arith.constant 0 : i32
      %dma_wait3A_356 = tpu.memref_slice %arg9[%dma_wait3A_353, %dma_wait3A_354, %dma_wait3A_355] : memref<2x128x128xf32, #tpu.memory_space<vmem>> -> memref<1x128x128xf32, #tpu.memory_space<vmem>>
      %dma_wait3A_357 = tpu.memref_squeeze %dma_wait3A_356 : memref<1x128x128xf32, #tpu.memory_space<vmem>> -> memref<128x128xf32, #tpu.memory_space<vmem>>
      %dma_wait3A_358 = arith.constant 0 : i32
      %dma_wait3A_359 = tpu.memref_slice %arg7[%mul3A_351, %dma_wait3A_358] : memref<40x128xi32, #tpu.memory_space<vmem>> -> memref<1x128xi32, #tpu.memory_space<vmem>>
      %dma_wait3A_360 = tpu.memref_squeeze %dma_wait3A_359 : memref<1x128xi32, #tpu.memory_space<vmem>> -> memref<128xi32, #tpu.memory_space<vmem>>
      %dma_wait3A_361 = arith.constant 0 : i32
      %dma_wait3A_362 = arith.constant 0 : i32
      %dma_wait3A_363 = tpu.memref_slice %arg2[%dma_wait3A_352, %dma_wait3A_361, %dma_wait3A_362] : memref<4x10000x128xf32, #tpu.memory_space<hbm>> -> memref<1x10000x128xf32, #tpu.memory_space<hbm>>
      %dma_wait3A_364 = tpu.memref_squeeze %dma_wait3A_363 : memref<1x10000x128xf32, #tpu.memory_space<hbm>> -> memref<10000x128xf32, #tpu.memory_space<hbm>>
      %dma_wait3A_365 = arith.constant 0 : i32
      %dma_wait3A_366 = arith.constant 0 : i32
      %dma_wait3A_367 = tpu.memref_slice %dma_wait3A_364[%dma_wait3A_365, %dma_wait3A_366] : memref<10000x128xf32, #tpu.memory_space<hbm>> -> memref<10000x128xf32, #tpu.memory_space<hbm>>
      tpu.wait_indirect_dma semaphore(%arg11 : memref<!tpu.dma_semaphore, #tpu.memory_space<semaphore_mem>>) src(%dma_wait3A_367 : memref<10000x128xf32, #tpu.memory_space<hbm>>) dst(%dma_wait3A_357 : memref<128x128xf32, #tpu.memory_space<vmem>>)
      %run_scoped3A_368 = arith.constant 0 : i32
      "tpu.region"() ({
        %run_scoped3A_426 = tpu.sem_alloc : memref<!tpu.dma_semaphore, #tpu.memory_space<semaphore_mem>>
        %dma_start3A_427 = arith.constant 0 : i32
        %dma_start3A_428 = arith.constant 0 : i32
        %dma_start3A_429 = tpu.memref_slice %arg9[%run_scoped3A_368, %dma_start3A_427, %dma_start3A_428] : memref<2x128x128xf32, #tpu.memory_space<vmem>> -> memref<1x128x128xf32, #tpu.memory_space<vmem>>
        %dma_start3A_430 = tpu.memref_squeeze %dma_start3A_429 : memref<1x128x128xf32, #tpu.memory_space<vmem>> -> memref<128x128xf32, #tpu.memory_space<vmem>>
        %dma_start3A_431 = arith.constant 0 : i32
        %dma_start3A_432 = tpu.memref_slice %arg8[%mul3A_351, %dma_start3A_431] : memref<40x128xi32, #tpu.memory_space<vmem>> -> memref<1x128xi32, #tpu.memory_space<vmem>>
        %dma_start3A_433 = tpu.memref_squeeze %dma_start3A_432 : memref<1x128xi32, #tpu.memory_space<vmem>> -> memref<128xi32, #tpu.memory_space<vmem>>
        %dma_start3A_434 = arith.constant 0 : i32
        %dma_start3A_435 = arith.constant 0 : i32
        %dma_start3A_436 = tpu.memref_slice %arg10[%dma_start3A_434, %dma_start3A_435] : memref<10112x128xf32, #tpu.memory_space<vmem_shared>> -> memref<10112x128xf32, #tpu.memory_space<vmem_shared>>
        tpu.enqueue_indirect_dma source(%dma_start3A_430 : memref<128x128xf32, #tpu.memory_space<vmem>>) target(%dma_start3A_436 : memref<10112x128xf32, #tpu.memory_space<vmem_shared>>) offsets(%dma_start3A_433 : memref<128xi32, #tpu.memory_space<vmem>>) semaphore(%run_scoped3A_426 : memref<!tpu.dma_semaphore, #tpu.memory_space<semaphore_mem>>) {add = true}
        %dma_wait3A_437 = arith.constant 0 : i32
        %dma_wait3A_438 = arith.constant 0 : i32
        %dma_wait3A_439 = tpu.memref_slice %arg9[%run_scoped3A_368, %dma_wait3A_437, %dma_wait3A_438] : memref<2x128x128xf32, #tpu.memory_space<vmem>> -> memref<1x128x128xf32, #tpu.memory_space<vmem>>
        %dma_wait3A_440 = tpu.memref_squeeze %dma_wait3A_439 : memref<1x128x128xf32, #tpu.memory_space<vmem>> -> memref<128x128xf32, #tpu.memory_space<vmem>>
        %dma_wait3A_441 = arith.constant 0 : i32
        %dma_wait3A_442 = tpu.memref_slice %arg8[%mul3A_351, %dma_wait3A_441] : memref<40x128xi32, #tpu.memory_space<vmem>> -> memref<1x128xi32, #tpu.memory_space<vmem>>
        %dma_wait3A_443 = tpu.memref_squeeze %dma_wait3A_442 : memref<1x128xi32, #tpu.memory_space<vmem>> -> memref<128xi32, #tpu.memory_space<vmem>>
        %dma_wait3A_444 = arith.constant 0 : i32
        %dma_wait3A_445 = arith.constant 0 : i32
        %dma_wait3A_446 = tpu.memref_slice %arg10[%dma_wait3A_444, %dma_wait3A_445] : memref<10112x128xf32, #tpu.memory_space<vmem_shared>> -> memref<10112x128xf32, #tpu.memory_space<vmem_shared>>
        tpu.wait_indirect_dma semaphore(%run_scoped3A_426 : memref<!tpu.dma_semaphore, #tpu.memory_space<semaphore_mem>>) src(%dma_wait3A_440 : memref<128x128xf32, #tpu.memory_space<vmem>>) dst(%dma_wait3A_446 : memref<10112x128xf32, #tpu.memory_space<vmem_shared>>)
        tpu.yield
      }) : () -> ()
      %add3A_369 = arith.constant 2 : i32
      %add3A_370 = arith.addi %mul3A_351, %add3A_369 : i32
      %dma_start3A_371 = arith.constant 2 : i32
      %dma_start3A_372 = arith.constant 0 : i32
      %dma_start3A_373 = arith.constant 0 : i32
      %dma_start3A_374 = arith.constant 0 : i32
      %dma_start3A_375 = tpu.memref_slice %arg9[%dma_start3A_372, %dma_start3A_373, %dma_start3A_374] : memref<2x128x128xf32, #tpu.memory_space<vmem>> -> memref<1x128x128xf32, #tpu.memory_space<vmem>>
      %dma_start3A_376 = tpu.memref_squeeze %dma_start3A_375 : memref<1x128x128xf32, #tpu.memory_space<vmem>> -> memref<128x128xf32, #tpu.memory_space<vmem>>
      %dma_start3A_377 = arith.constant 0 : i32
      %dma_start3A_378 = tpu.memref_slice %arg7[%add3A_370, %dma_start3A_377] : memref<40x128xi32, #tpu.memory_space<vmem>> -> memref<1x128xi32, #tpu.memory_space<vmem>>
      %dma_start3A_379 = tpu.memref_squeeze %dma_start3A_378 : memref<1x128xi32, #tpu.memory_space<vmem>> -> memref<128xi32, #tpu.memory_space<vmem>>
      %dma_start3A_380 = arith.constant 0 : i32
      %dma_start3A_381 = arith.constant 0 : i32
      %dma_start3A_382 = tpu.memref_slice %arg2[%dma_start3A_371, %dma_start3A_380, %dma_start3A_381] : memref<4x10000x128xf32, #tpu.memory_space<hbm>> -> memref<1x10000x128xf32, #tpu.memory_space<hbm>>
      %dma_start3A_383 = tpu.memref_squeeze %dma_start3A_382 : memref<1x10000x128xf32, #tpu.memory_space<hbm>> -> memref<10000x128xf32, #tpu.memory_space<hbm>>
      %dma_start3A_384 = arith.constant 0 : i32
      %dma_start3A_385 = arith.constant 0 : i32
      %dma_start3A_386 = tpu.memref_slice %dma_start3A_383[%dma_start3A_384, %dma_start3A_385] : memref<10000x128xf32, #tpu.memory_space<hbm>> -> memref<10000x128xf32, #tpu.memory_space<hbm>>
      tpu.enqueue_indirect_dma source(%dma_start3A_386 : memref<10000x128xf32, #tpu.memory_space<hbm>>) target(%dma_start3A_376 : memref<128x128xf32, #tpu.memory_space<vmem>>) offsets(%dma_start3A_379 : memref<128xi32, #tpu.memory_space<vmem>>) semaphore(%arg11 : memref<!tpu.dma_semaphore, #tpu.memory_space<semaphore_mem>>)
      %add3A_387 = arith.constant 1 : i32
      %add3A_388 = arith.addi %mul3A_351, %add3A_387 : i32
      %dma_wait3A_389 = arith.constant 2 : i32
      %dma_wait3A_390 = arith.constant 1 : i32
      %dma_wait3A_391 = arith.constant 0 : i32
      %dma_wait3A_392 = arith.constant 0 : i32
      %dma_wait3A_393 = tpu.memref_slice %arg9[%dma_wait3A_390, %dma_wait3A_391, %dma_wait3A_392] : memref<2x128x128xf32, #tpu.memory_space<vmem>> -> memref<1x128x128xf32, #tpu.memory_space<vmem>>
      %dma_wait3A_394 = tpu.memref_squeeze %dma_wait3A_393 : memref<1x128x128xf32, #tpu.memory_space<vmem>> -> memref<128x128xf32, #tpu.memory_space<vmem>>
      %dma_wait3A_395 = arith.constant 0 : i32
      %dma_wait3A_396 = tpu.memref_slice %arg7[%add3A_388, %dma_wait3A_395] : memref<40x128xi32, #tpu.memory_space<vmem>> -> memref<1x128xi32, #tpu.memory_space<vmem>>
      %dma_wait3A_397 = tpu.memref_squeeze %dma_wait3A_396 : memref<1x128xi32, #tpu.memory_space<vmem>> -> memref<128xi32, #tpu.memory_space<vmem>>
      %dma_wait3A_398 = arith.constant 0 : i32
      %dma_wait3A_399 = arith.constant 0 : i32
      %dma_wait3A_400 = tpu.memref_slice %arg2[%dma_wait3A_389, %dma_wait3A_398, %dma_wait3A_399] : memref<4x10000x128xf32, #tpu.memory_space<hbm>> -> memref<1x10000x128xf32, #tpu.memory_space<hbm>>
      %dma_wait3A_401 = tpu.memref_squeeze %dma_wait3A_400 : memref<1x10000x128xf32, #tpu.memory_space<hbm>> -> memref<10000x128xf32, #tpu.memory_space<hbm>>
      %dma_wait3A_402 = arith.constant 0 : i32
      %dma_wait3A_403 = arith.constant 0 : i32
      %dma_wait3A_404 = tpu.memref_slice %dma_wait3A_401[%dma_wait3A_402, %dma_wait3A_403] : memref<10000x128xf32, #tpu.memory_space<hbm>> -> memref<10000x128xf32, #tpu.memory_space<hbm>>
      tpu.wait_indirect_dma semaphore(%arg12 : memref<!tpu.dma_semaphore, #tpu.memory_space<semaphore_mem>>) src(%dma_wait3A_404 : memref<10000x128xf32, #tpu.memory_space<hbm>>) dst(%dma_wait3A_394 : memref<128x128xf32, #tpu.memory_space<vmem>>)
      %add3A_405 = arith.constant 1 : i32
      %add3A_406 = arith.addi %mul3A_351, %add3A_405 : i32
      %run_scoped3A_407 = arith.constant 1 : i32
      "tpu.region"() ({
        %run_scoped3A_426 = tpu.sem_alloc : memref<!tpu.dma_semaphore, #tpu.memory_space<semaphore_mem>>
        %dma_start3A_427 = arith.constant 0 : i32
        %dma_start3A_428 = arith.constant 0 : i32
        %dma_start3A_429 = tpu.memref_slice %arg9[%run_scoped3A_407, %dma_start3A_427, %dma_start3A_428] : memref<2x128x128xf32, #tpu.memory_space<vmem>> -> memref<1x128x128xf32, #tpu.memory_space<vmem>>
        %dma_start3A_430 = tpu.memref_squeeze %dma_start3A_429 : memref<1x128x128xf32, #tpu.memory_space<vmem>> -> memref<128x128xf32, #tpu.memory_space<vmem>>
        %dma_start3A_431 = arith.constant 0 : i32
        %dma_start3A_432 = tpu.memref_slice %arg8[%add3A_406, %dma_start3A_431] : memref<40x128xi32, #tpu.memory_space<vmem>> -> memref<1x128xi32, #tpu.memory_space<vmem>>
        %dma_start3A_433 = tpu.memref_squeeze %dma_start3A_432 : memref<1x128xi32, #tpu.memory_space<vmem>> -> memref<128xi32, #tpu.memory_space<vmem>>
        %dma_start3A_434 = arith.constant 0 : i32
        %dma_start3A_435 = arith.constant 0 : i32
        %dma_start3A_436 = tpu.memref_slice %arg10[%dma_start3A_434, %dma_start3A_435] : memref<10112x128xf32, #tpu.memory_space<vmem_shared>> -> memref<10112x128xf32, #tpu.memory_space<vmem_shared>>
        tpu.enqueue_indirect_dma source(%dma_start3A_430 : memref<128x128xf32, #tpu.memory_space<vmem>>) target(%dma_start3A_436 : memref<10112x128xf32, #tpu.memory_space<vmem_shared>>) offsets(%dma_start3A_433 : memref<128xi32, #tpu.memory_space<vmem>>) semaphore(%run_scoped3A_426 : memref<!tpu.dma_semaphore, #tpu.memory_space<semaphore_mem>>) {add = true}
        %dma_wait3A_437 = arith.constant 0 : i32
        %dma_wait3A_438 = arith.constant 0 : i32
        %dma_wait3A_439 = tpu.memref_slice %arg9[%run_scoped3A_407, %dma_wait3A_437, %dma_wait3A_438] : memref<2x128x128xf32, #tpu.memory_space<vmem>> -> memref<1x128x128xf32, #tpu.memory_space<vmem>>
        %dma_wait3A_440 = tpu.memref_squeeze %dma_wait3A_439 : memref<1x128x128xf32, #tpu.memory_space<vmem>> -> memref<128x128xf32, #tpu.memory_space<vmem>>
        %dma_wait3A_441 = arith.constant 0 : i32
        %dma_wait3A_442 = tpu.memref_slice %arg8[%add3A_406, %dma_wait3A_441] : memref<40x128xi32, #tpu.memory_space<vmem>> -> memref<1x128xi32, #tpu.memory_space<vmem>>
        %dma_wait3A_443 = tpu.memref_squeeze %dma_wait3A_442 : memref<1x128xi32, #tpu.memory_space<vmem>> -> memref<128xi32, #tpu.memory_space<vmem>>
        %dma_wait3A_444 = arith.constant 0 : i32
        %dma_wait3A_445 = arith.constant 0 : i32
        %dma_wait3A_446 = tpu.memref_slice %arg10[%dma_wait3A_444, %dma_wait3A_445] : memref<10112x128xf32, #tpu.memory_space<vmem_shared>> -> memref<10112x128xf32, #tpu.memory_space<vmem_shared>>
        tpu.wait_indirect_dma semaphore(%run_scoped3A_426 : memref<!tpu.dma_semaphore, #tpu.memory_space<semaphore_mem>>) src(%dma_wait3A_440 : memref<128x128xf32, #tpu.memory_space<vmem>>) dst(%dma_wait3A_446 : memref<10112x128xf32, #tpu.memory_space<vmem_shared>>)
        tpu.yield
      }) : () -> ()
      %add3A_408 = arith.constant 3 : i32
      %add3A_409 = arith.addi %mul3A_351, %add3A_408 : i32
      %dma_start3A_410 = arith.constant 2 : i32
      %dma_start3A_411 = arith.constant 1 : i32
      %dma_start3A_412 = arith.constant 0 : i32
      %dma_start3A_413 = arith.constant 0 : i32
      %dma_start3A_414 = tpu.memref_slice %arg9[%dma_start3A_411, %dma_start3A_412, %dma_start3A_413] : memref<2x128x128xf32, #tpu.memory_space<vmem>> -> memref<1x128x128xf32, #tpu.memory_space<vmem>>
      %dma_start3A_415 = tpu.memref_squeeze %dma_start3A_414 : memref<1x128x128xf32, #tpu.memory_space<vmem>> -> memref<128x128xf32, #tpu.memory_space<vmem>>
      %dma_start3A_416 = arith.constant 0 : i32
      %dma_start3A_417 = tpu.memref_slice %arg7[%add3A_409, %dma_start3A_416] : memref<40x128xi32, #tpu.memory_space<vmem>> -> memref<1x128xi32, #tpu.memory_space<vmem>>
      %dma_start3A_418 = tpu.memref_squeeze %dma_start3A_417 : memref<1x128xi32, #tpu.memory_space<vmem>> -> memref<128xi32, #tpu.memory_space<vmem>>
      %dma_start3A_419 = arith.constant 0 : i32
      %dma_start3A_420 = arith.constant 0 : i32
      %dma_start3A_421 = tpu.memref_slice %arg2[%dma_start3A_410, %dma_start3A_419, %dma_start3A_420] : memref<4x10000x128xf32, #tpu.memory_space<hbm>> -> memref<1x10000x128xf32, #tpu.memory_space<hbm>>
      %dma_start3A_422 = tpu.memref_squeeze %dma_start3A_421 : memref<1x10000x128xf32, #tpu.memory_space<hbm>> -> memref<10000x128xf32, #tpu.memory_space<hbm>>
      %dma_start3A_423 = arith.constant 0 : i32
      %dma_start3A_424 = arith.constant 0 : i32
      %dma_start3A_425 = tpu.memref_slice %dma_start3A_422[%dma_start3A_423, %dma_start3A_424] : memref<10000x128xf32, #tpu.memory_space<hbm>> -> memref<10000x128xf32, #tpu.memory_space<hbm>>
      tpu.enqueue_indirect_dma source(%dma_start3A_425 : memref<10000x128xf32, #tpu.memory_space<hbm>>) target(%dma_start3A_415 : memref<128x128xf32, #tpu.memory_space<vmem>>) offsets(%dma_start3A_418 : memref<128xi32, #tpu.memory_space<vmem>>) semaphore(%arg12 : memref<!tpu.dma_semaphore, #tpu.memory_space<semaphore_mem>>)
    }
    %scan3A_213 = arith.constant 19 : i32
    %dma_wait3A_214 = arith.constant 2 : i32
    %dma_wait3A_215 = arith.constant 38 : i32
    %dma_wait3A_216 = arith.constant 0 : i32
    %dma_wait3A_217 = arith.constant 0 : i32
    %dma_wait3A_218 = arith.constant 0 : i32
    %dma_wait3A_219 = tpu.memref_slice %arg9[%dma_wait3A_216, %dma_wait3A_217, %dma_wait3A_218] : memref<2x128x128xf32, #tpu.memory_space<vmem>> -> memref<1x128x128xf32, #tpu.memory_space<vmem>>
    %dma_wait3A_220 = tpu.memref_squeeze %dma_wait3A_219 : memref<1x128x128xf32, #tpu.memory_space<vmem>> -> memref<128x128xf32, #tpu.memory_space<vmem>>
    %dma_wait3A_221 = arith.constant 0 : i32
    %dma_wait3A_222 = tpu.memref_slice %arg7[%dma_wait3A_215, %dma_wait3A_221] : memref<40x128xi32, #tpu.memory_space<vmem>> -> memref<1x128xi32, #tpu.memory_space<vmem>>
    %dma_wait3A_223 = tpu.memref_squeeze %dma_wait3A_222 : memref<1x128xi32, #tpu.memory_space<vmem>> -> memref<128xi32, #tpu.memory_space<vmem>>
    %dma_wait3A_224 = arith.constant 0 : i32
    %dma_wait3A_225 = arith.constant 0 : i32
    %dma_wait3A_226 = tpu.memref_slice %arg2[%dma_wait3A_214, %dma_wait3A_224, %dma_wait3A_225] : memref<4x10000x128xf32, #tpu.memory_space<hbm>> -> memref<1x10000x128xf32, #tpu.memory_space<hbm>>
    %dma_wait3A_227 = tpu.memref_squeeze %dma_wait3A_226 : memref<1x10000x128xf32, #tpu.memory_space<hbm>> -> memref<10000x128xf32, #tpu.memory_space<hbm>>
    %dma_wait3A_228 = arith.constant 0 : i32
    %dma_wait3A_229 = arith.constant 0 : i32
    %dma_wait3A_230 = tpu.memref_slice %dma_wait3A_227[%dma_wait3A_228, %dma_wait3A_229] : memref<10000x128xf32, #tpu.memory_space<hbm>> -> memref<10000x128xf32, #tpu.memory_space<hbm>>
    tpu.wait_indirect_dma semaphore(%arg11 : memref<!tpu.dma_semaphore, #tpu.memory_space<semaphore_mem>>) src(%dma_wait3A_230 : memref<10000x128xf32, #tpu.memory_space<hbm>>) dst(%dma_wait3A_220 : memref<128x128xf32, #tpu.memory_space<vmem>>)
    %run_scoped3A_231 = arith.constant 0 : i32
    %run_scoped3A_232 = arith.constant 38 : i32
    "tpu.region"() ({
      %run_scoped3A_345 = tpu.sem_alloc : memref<!tpu.dma_semaphore, #tpu.memory_space<semaphore_mem>>
      %dma_start3A_346 = arith.constant 0 : i32
      %dma_start3A_347 = arith.constant 0 : i32
      %dma_start3A_348 = tpu.memref_slice %arg9[%run_scoped3A_231, %dma_start3A_346, %dma_start3A_347] : memref<2x128x128xf32, #tpu.memory_space<vmem>> -> memref<1x128x128xf32, #tpu.memory_space<vmem>>
      %dma_start3A_349 = tpu.memref_squeeze %dma_start3A_348 : memref<1x128x128xf32, #tpu.memory_space<vmem>> -> memref<128x128xf32, #tpu.memory_space<vmem>>
      %dma_start3A_350 = arith.constant 0 : i32
      %dma_start3A_351 = tpu.memref_slice %arg8[%run_scoped3A_232, %dma_start3A_350] : memref<40x128xi32, #tpu.memory_space<vmem>> -> memref<1x128xi32, #tpu.memory_space<vmem>>
      %dma_start3A_352 = tpu.memref_squeeze %dma_start3A_351 : memref<1x128xi32, #tpu.memory_space<vmem>> -> memref<128xi32, #tpu.memory_space<vmem>>
      %dma_start3A_353 = arith.constant 0 : i32
      %dma_start3A_354 = arith.constant 0 : i32
      %dma_start3A_355 = tpu.memref_slice %arg10[%dma_start3A_353, %dma_start3A_354] : memref<10112x128xf32, #tpu.memory_space<vmem_shared>> -> memref<10112x128xf32, #tpu.memory_space<vmem_shared>>
      tpu.enqueue_indirect_dma source(%dma_start3A_349 : memref<128x128xf32, #tpu.memory_space<vmem>>) target(%dma_start3A_355 : memref<10112x128xf32, #tpu.memory_space<vmem_shared>>) offsets(%dma_start3A_352 : memref<128xi32, #tpu.memory_space<vmem>>) semaphore(%run_scoped3A_345 : memref<!tpu.dma_semaphore, #tpu.memory_space<semaphore_mem>>) {add = true}
      %dma_wait3A_356 = arith.constant 0 : i32
      %dma_wait3A_357 = arith.constant 0 : i32
      %dma_wait3A_358 = tpu.memref_slice %arg9[%run_scoped3A_231, %dma_wait3A_356, %dma_wait3A_357] : memref<2x128x128xf32, #tpu.memory_space<vmem>> -> memref<1x128x128xf32, #tpu.memory_space<vmem>>
      %dma_wait3A_359 = tpu.memref_squeeze %dma_wait3A_358 : memref<1x128x128xf32, #tpu.memory_space<vmem>> -> memref<128x128xf32, #tpu.memory_space<vmem>>
      %dma_wait3A_360 = arith.constant 0 : i32
      %dma_wait3A_361 = tpu.memref_slice %arg8[%run_scoped3A_232, %dma_wait3A_360] : memref<40x128xi32, #tpu.memory_space<vmem>> -> memref<1x128xi32, #tpu.memory_space<vmem>>
      %dma_wait3A_362 = tpu.memref_squeeze %dma_wait3A_361 : memref<1x128xi32, #tpu.memory_space<vmem>> -> memref<128xi32, #tpu.memory_space<vmem>>
      %dma_wait3A_363 = arith.constant 0 : i32
      %dma_wait3A_364 = arith.constant 0 : i32
      %dma_wait3A_365 = tpu.memref_slice %arg10[%dma_wait3A_363, %dma_wait3A_364] : memref<10112x128xf32, #tpu.memory_space<vmem_shared>> -> memref<10112x128xf32, #tpu.memory_space<vmem_shared>>
      tpu.wait_indirect_dma semaphore(%run_scoped3A_345 : memref<!tpu.dma_semaphore, #tpu.memory_space<semaphore_mem>>) src(%dma_wait3A_359 : memref<128x128xf32, #tpu.memory_space<vmem>>) dst(%dma_wait3A_365 : memref<10112x128xf32, #tpu.memory_space<vmem_shared>>)
      tpu.yield
    }) : () -> ()
    %dma_wait3A_233 = arith.constant 2 : i32
    %dma_wait3A_234 = arith.constant 39 : i32
    %dma_wait3A_235 = arith.constant 1 : i32
    %dma_wait3A_236 = arith.constant 0 : i32
    %dma_wait3A_237 = arith.constant 0 : i32
    %dma_wait3A_238 = tpu.memref_slice %arg9[%dma_wait3A_235, %dma_wait3A_236, %dma_wait3A_237] : memref<2x128x128xf32, #tpu.memory_space<vmem>> -> memref<1x128x128xf32, #tpu.memory_space<vmem>>
    %dma_wait3A_239 = tpu.memref_squeeze %dma_wait3A_238 : memref<1x128x128xf32, #tpu.memory_space<vmem>> -> memref<128x128xf32, #tpu.memory_space<vmem>>
    %dma_wait3A_240 = arith.constant 0 : i32
    %dma_wait3A_241 = tpu.memref_slice %arg7[%dma_wait3A_234, %dma_wait3A_240] : memref<40x128xi32, #tpu.memory_space<vmem>> -> memref<1x128xi32, #tpu.memory_space<vmem>>
    %dma_wait3A_242 = tpu.memref_squeeze %dma_wait3A_241 : memref<1x128xi32, #tpu.memory_space<vmem>> -> memref<128xi32, #tpu.memory_space<vmem>>
    %dma_wait3A_243 = arith.constant 0 : i32
    %dma_wait3A_244 = arith.constant 0 : i32
    %dma_wait3A_245 = tpu.memref_slice %arg2[%dma_wait3A_233, %dma_wait3A_243, %dma_wait3A_244] : memref<4x10000x128xf32, #tpu.memory_space<hbm>> -> memref<1x10000x128xf32, #tpu.memory_space<hbm>>
    %dma_wait3A_246 = tpu.memref_squeeze %dma_wait3A_245 : memref<1x10000x128xf32, #tpu.memory_space<hbm>> -> memref<10000x128xf32, #tpu.memory_space<hbm>>
    %dma_wait3A_247 = arith.constant 0 : i32
    %dma_wait3A_248 = arith.constant 0 : i32
    %dma_wait3A_249 = tpu.memref_slice %dma_wait3A_246[%dma_wait3A_247, %dma_wait3A_248] : memref<10000x128xf32, #tpu.memory_space<hbm>> -> memref<10000x128xf32, #tpu.memory_space<hbm>>
    tpu.wait_indirect_dma semaphore(%arg12 : memref<!tpu.dma_semaphore, #tpu.memory_space<semaphore_mem>>) src(%dma_wait3A_249 : memref<10000x128xf32, #tpu.memory_space<hbm>>) dst(%dma_wait3A_239 : memref<128x128xf32, #tpu.memory_space<vmem>>)
    %run_scoped3A_250 = arith.constant 1 : i32
    %run_scoped3A_251 = arith.constant 39 : i32
    "tpu.region"() ({
      %run_scoped3A_345 = tpu.sem_alloc : memref<!tpu.dma_semaphore, #tpu.memory_space<semaphore_mem>>
      %dma_start3A_346 = arith.constant 0 : i32
      %dma_start3A_347 = arith.constant 0 : i32
      %dma_start3A_348 = tpu.memref_slice %arg9[%run_scoped3A_250, %dma_start3A_346, %dma_start3A_347] : memref<2x128x128xf32, #tpu.memory_space<vmem>> -> memref<1x128x128xf32, #tpu.memory_space<vmem>>
      %dma_start3A_349 = tpu.memref_squeeze %dma_start3A_348 : memref<1x128x128xf32, #tpu.memory_space<vmem>> -> memref<128x128xf32, #tpu.memory_space<vmem>>
      %dma_start3A_350 = arith.constant 0 : i32
      %dma_start3A_351 = tpu.memref_slice %arg8[%run_scoped3A_251, %dma_start3A_350] : memref<40x128xi32, #tpu.memory_space<vmem>> -> memref<1x128xi32, #tpu.memory_space<vmem>>
      %dma_start3A_352 = tpu.memref_squeeze %dma_start3A_351 : memref<1x128xi32, #tpu.memory_space<vmem>> -> memref<128xi32, #tpu.memory_space<vmem>>
      %dma_start3A_353 = arith.constant 0 : i32
      %dma_start3A_354 = arith.constant 0 : i32
      %dma_start3A_355 = tpu.memref_slice %arg10[%dma_start3A_353, %dma_start3A_354] : memref<10112x128xf32, #tpu.memory_space<vmem_shared>> -> memref<10112x128xf32, #tpu.memory_space<vmem_shared>>
      tpu.enqueue_indirect_dma source(%dma_start3A_349 : memref<128x128xf32, #tpu.memory_space<vmem>>) target(%dma_start3A_355 : memref<10112x128xf32, #tpu.memory_space<vmem_shared>>) offsets(%dma_start3A_352 : memref<128xi32, #tpu.memory_space<vmem>>) semaphore(%run_scoped3A_345 : memref<!tpu.dma_semaphore, #tpu.memory_space<semaphore_mem>>) {add = true}
      %dma_wait3A_356 = arith.constant 0 : i32
      %dma_wait3A_357 = arith.constant 0 : i32
      %dma_wait3A_358 = tpu.memref_slice %arg9[%run_scoped3A_250, %dma_wait3A_356, %dma_wait3A_357] : memref<2x128x128xf32, #tpu.memory_space<vmem>> -> memref<1x128x128xf32, #tpu.memory_space<vmem>>
      %dma_wait3A_359 = tpu.memref_squeeze %dma_wait3A_358 : memref<1x128x128xf32, #tpu.memory_space<vmem>> -> memref<128x128xf32, #tpu.memory_space<vmem>>
      %dma_wait3A_360 = arith.constant 0 : i32
      %dma_wait3A_361 = tpu.memref_slice %arg8[%run_scoped3A_251, %dma_wait3A_360] : memref<40x128xi32, #tpu.memory_space<vmem>> -> memref<1x128xi32, #tpu.memory_space<vmem>>
      %dma_wait3A_362 = tpu.memref_squeeze %dma_wait3A_361 : memref<1x128xi32, #tpu.memory_space<vmem>> -> memref<128xi32, #tpu.memory_space<vmem>>
      %dma_wait3A_363 = arith.constant 0 : i32
      %dma_wait3A_364 = arith.constant 0 : i32
      %dma_wait3A_365 = tpu.memref_slice %arg10[%dma_wait3A_363, %dma_wait3A_364] : memref<10112x128xf32, #tpu.memory_space<vmem_shared>> -> memref<10112x128xf32, #tpu.memory_space<vmem_shared>>
      tpu.wait_indirect_dma semaphore(%run_scoped3A_345 : memref<!tpu.dma_semaphore, #tpu.memory_space<semaphore_mem>>) src(%dma_wait3A_359 : memref<128x128xf32, #tpu.memory_space<vmem>>) dst(%dma_wait3A_365 : memref<10112x128xf32, #tpu.memory_space<vmem_shared>>)
      tpu.yield
    }) : () -> ()
    %barrier3A_252 = arith.constant 0 : index
    tpu.barrier barrier_id(%barrier3A_252)
    %mul3A_253 = arith.constant 632 : i32
    %mul3A_254 = arith.muli %arg1, %mul3A_253 : i32
    %mul3A_255 = arith.constant 632 : i32
    %mul3A_256 = arith.muli %arg1, %mul3A_255 : i32
    %run_scoped3A_257 = arith.constant 2 : i32
    "tpu.region"() ({
      %run_scoped3A_345 = tpu.sem_alloc : memref<!tpu.dma_semaphore, #tpu.memory_space<semaphore_mem>>
      %dma_start3A_346 = arith.constant 0 : i32
      %dma_start3A_347 = tpu.memref_slice %arg6[%arg0, %run_scoped3A_257, %mul3A_256, %dma_start3A_346] : memref<2x4x10112x128xf32, #tpu.memory_space<hbm>> -> memref<1x1x632x128xf32, #tpu.memory_space<hbm>>
      %dma_start3A_348 = tpu.memref_squeeze %dma_start3A_347 : memref<1x1x632x128xf32, #tpu.memory_space<hbm>> -> memref<632x128xf32, #tpu.memory_space<hbm>>
      %dma_start3A_349 = arith.constant 0 : i32
      %dma_start3A_350 = tpu.memref_slice %arg10[%mul3A_254, %dma_start3A_349] : memref<10112x128xf32, #tpu.memory_space<vmem_shared>> -> memref<632x128xf32, #tpu.memory_space<vmem_shared>>
      tpu.enqueue_dma source(%dma_start3A_350 : memref<632x128xf32, #tpu.memory_space<vmem_shared>>) target(%dma_start3A_348 : memref<632x128xf32, #tpu.memory_space<hbm>>) target_semaphore(%run_scoped3A_345 : memref<!tpu.dma_semaphore, #tpu.memory_space<semaphore_mem>>)
      %dma_wait3A_351 = arith.constant 0 : i32
      %dma_wait3A_352 = tpu.memref_slice %arg6[%arg0, %run_scoped3A_257, %mul3A_256, %dma_wait3A_351] : memref<2x4x10112x128xf32, #tpu.memory_space<hbm>> -> memref<1x1x632x128xf32, #tpu.memory_space<hbm>>
      %dma_wait3A_353 = tpu.memref_squeeze %dma_wait3A_352 : memref<1x1x632x128xf32, #tpu.memory_space<hbm>> -> memref<632x128xf32, #tpu.memory_space<hbm>>
      %dma_wait3A_354 = arith.constant 0 : i32
      %dma_wait3A_355 = tpu.memref_slice %arg10[%mul3A_254, %dma_wait3A_354] : memref<10112x128xf32, #tpu.memory_space<vmem_shared>> -> memref<632x128xf32, #tpu.memory_space<vmem_shared>>
      tpu.wait_dma2 semaphore(%run_scoped3A_345 : memref<!tpu.dma_semaphore, #tpu.memory_space<semaphore_mem>>) src(%dma_wait3A_355 : memref<632x128xf32, #tpu.memory_space<vmem_shared>>) dst(%dma_wait3A_353 : memref<632x128xf32, #tpu.memory_space<hbm>>)
      tpu.yield
    }) : () -> ()
    %barrier3A_258 = arith.constant 0 : index
    tpu.barrier barrier_id(%barrier3A_258)
    %mul3A_259 = arith.constant 632 : i32
    %mul3A_260 = arith.muli %arg1, %mul3A_259 : i32
    "tpu.region"() ({
      %run_scoped3A_345 = tpu.sem_alloc : memref<!tpu.dma_semaphore, #tpu.memory_space<semaphore_mem>>
      %dma_start3A_346 = arith.constant 0 : i32
      %dma_start3A_347 = tpu.memref_slice %arg10[%mul3A_260, %dma_start3A_346] : memref<10112x128xf32, #tpu.memory_space<vmem_shared>> -> memref<632x128xf32, #tpu.memory_space<vmem_shared>>
      tpu.enqueue_dma source(%arg5 : memref<632x128xf32, #tpu.memory_space<hbm>>) target(%dma_start3A_347 : memref<632x128xf32, #tpu.memory_space<vmem_shared>>) target_semaphore(%run_scoped3A_345 : memref<!tpu.dma_semaphore, #tpu.memory_space<semaphore_mem>>)
      %dma_wait3A_348 = arith.constant 0 : i32
      %dma_wait3A_349 = tpu.memref_slice %arg10[%mul3A_260, %dma_wait3A_348] : memref<10112x128xf32, #tpu.memory_space<vmem_shared>> -> memref<632x128xf32, #tpu.memory_space<vmem_shared>>
      tpu.wait_dma2 semaphore(%run_scoped3A_345 : memref<!tpu.dma_semaphore, #tpu.memory_space<semaphore_mem>>) src(%arg5 : memref<632x128xf32, #tpu.memory_space<hbm>>) dst(%dma_wait3A_349 : memref<632x128xf32, #tpu.memory_space<vmem_shared>>)
      tpu.yield
    }) : () -> ()
    %barrier3A_261 = arith.constant 0 : index
    tpu.barrier barrier_id(%barrier3A_261)
    %dma_start3A_262 = arith.constant 3 : i32
    %dma_start3A_263 = arith.constant 0 : i32
    %dma_start3A_264 = arith.constant 0 : i32
    %dma_start3A_265 = arith.constant 0 : i32
    %dma_start3A_266 = arith.constant 0 : i32
    %dma_start3A_267 = tpu.memref_slice %arg9[%dma_start3A_264, %dma_start3A_265, %dma_start3A_266] : memref<2x128x128xf32, #tpu.memory_space<vmem>> -> memref<1x128x128xf32, #tpu.memory_space<vmem>>
    %dma_start3A_268 = tpu.memref_squeeze %dma_start3A_267 : memref<1x128x128xf32, #tpu.memory_space<vmem>> -> memref<128x128xf32, #tpu.memory_space<vmem>>
    %dma_start3A_269 = arith.constant 0 : i32
    %dma_start3A_270 = tpu.memref_slice %arg7[%dma_start3A_263, %dma_start3A_269] : memref<40x128xi32, #tpu.memory_space<vmem>> -> memref<1x128xi32, #tpu.memory_space<vmem>>
    %dma_start3A_271 = tpu.memref_squeeze %dma_start3A_270 : memref<1x128xi32, #tpu.memory_space<vmem>> -> memref<128xi32, #tpu.memory_space<vmem>>
    %dma_start3A_272 = arith.constant 0 : i32
    %dma_start3A_273 = arith.constant 0 : i32
    %dma_start3A_274 = tpu.memref_slice %arg2[%dma_start3A_262, %dma_start3A_272, %dma_start3A_273] : memref<4x10000x128xf32, #tpu.memory_space<hbm>> -> memref<1x10000x128xf32, #tpu.memory_space<hbm>>
    %dma_start3A_275 = tpu.memref_squeeze %dma_start3A_274 : memref<1x10000x128xf32, #tpu.memory_space<hbm>> -> memref<10000x128xf32, #tpu.memory_space<hbm>>
    %dma_start3A_276 = arith.constant 0 : i32
    %dma_start3A_277 = arith.constant 0 : i32
    %dma_start3A_278 = tpu.memref_slice %dma_start3A_275[%dma_start3A_276, %dma_start3A_277] : memref<10000x128xf32, #tpu.memory_space<hbm>> -> memref<10000x128xf32, #tpu.memory_space<hbm>>
    tpu.enqueue_indirect_dma source(%dma_start3A_278 : memref<10000x128xf32, #tpu.memory_space<hbm>>) target(%dma_start3A_268 : memref<128x128xf32, #tpu.memory_space<vmem>>) offsets(%dma_start3A_271 : memref<128xi32, #tpu.memory_space<vmem>>) semaphore(%arg11 : memref<!tpu.dma_semaphore, #tpu.memory_space<semaphore_mem>>)
    %dma_start3A_279 = arith.constant 3 : i32
    %dma_start3A_280 = arith.constant 1 : i32
    %dma_start3A_281 = arith.constant 1 : i32
    %dma_start3A_282 = arith.constant 0 : i32
    %dma_start3A_283 = arith.constant 0 : i32
    %dma_start3A_284 = tpu.memref_slice %arg9[%dma_start3A_281, %dma_start3A_282, %dma_start3A_283] : memref<2x128x128xf32, #tpu.memory_space<vmem>> -> memref<1x128x128xf32, #tpu.memory_space<vmem>>
    %dma_start3A_285 = tpu.memref_squeeze %dma_start3A_284 : memref<1x128x128xf32, #tpu.memory_space<vmem>> -> memref<128x128xf32, #tpu.memory_space<vmem>>
    %dma_start3A_286 = arith.constant 0 : i32
    %dma_start3A_287 = tpu.memref_slice %arg7[%dma_start3A_280, %dma_start3A_286] : memref<40x128xi32, #tpu.memory_space<vmem>> -> memref<1x128xi32, #tpu.memory_space<vmem>>
    %dma_start3A_288 = tpu.memref_squeeze %dma_start3A_287 : memref<1x128xi32, #tpu.memory_space<vmem>> -> memref<128xi32, #tpu.memory_space<vmem>>
    %dma_start3A_289 = arith.constant 0 : i32
    %dma_start3A_290 = arith.constant 0 : i32
    %dma_start3A_291 = tpu.memref_slice %arg2[%dma_start3A_279, %dma_start3A_289, %dma_start3A_290] : memref<4x10000x128xf32, #tpu.memory_space<hbm>> -> memref<1x10000x128xf32, #tpu.memory_space<hbm>>
    %dma_start3A_292 = tpu.memref_squeeze %dma_start3A_291 : memref<1x10000x128xf32, #tpu.memory_space<hbm>> -> memref<10000x128xf32, #tpu.memory_space<hbm>>
    %dma_start3A_293 = arith.constant 0 : i32
    %dma_start3A_294 = arith.constant 0 : i32
    %dma_start3A_295 = tpu.memref_slice %dma_start3A_292[%dma_start3A_293, %dma_start3A_294] : memref<10000x128xf32, #tpu.memory_space<hbm>> -> memref<10000x128xf32, #tpu.memory_space<hbm>>
    tpu.enqueue_indirect_dma source(%dma_start3A_295 : memref<10000x128xf32, #tpu.memory_space<hbm>>) target(%dma_start3A_285 : memref<128x128xf32, #tpu.memory_space<vmem>>) offsets(%dma_start3A_288 : memref<128xi32, #tpu.memory_space<vmem>>) semaphore(%arg12 : memref<!tpu.dma_semaphore, #tpu.memory_space<semaphore_mem>>)
    %scan3A_296 = arith.constant 0 : i32
    %scan3A_297 = arith.constant 19 : i32
    %scan3A_298 = arith.addi %scan3A_296, %scan3A_297 : i32
    %scan3A_299 = arith.constant 1 : i32
    scf.for %scan3A_345 = %scan3A_296 to %scan3A_298 step %scan3A_299  : i32 {
      %mul3A_346 = arith.constant 1 : i32
      %mul3A_347 = arith.muli %scan3A_345, %mul3A_346 : i32
      %add3A_348 = arith.constant 0 : i32
      %add3A_349 = arith.addi %add3A_348, %mul3A_347 : i32
      %mul3A_350 = arith.constant 2 : i32
      %mul3A_351 = arith.muli %add3A_349, %mul3A_350 : i32
      %dma_wait3A_352 = arith.constant 3 : i32
      %dma_wait3A_353 = arith.constant 0 : i32
      %dma_wait3A_354 = arith.constant 0 : i32
      %dma_wait3A_355 = arith.constant 0 : i32
      %dma_wait3A_356 = tpu.memref_slice %arg9[%dma_wait3A_353, %dma_wait3A_354, %dma_wait3A_355] : memref<2x128x128xf32, #tpu.memory_space<vmem>> -> memref<1x128x128xf32, #tpu.memory_space<vmem>>
      %dma_wait3A_357 = tpu.memref_squeeze %dma_wait3A_356 : memref<1x128x128xf32, #tpu.memory_space<vmem>> -> memref<128x128xf32, #tpu.memory_space<vmem>>
      %dma_wait3A_358 = arith.constant 0 : i32
      %dma_wait3A_359 = tpu.memref_slice %arg7[%mul3A_351, %dma_wait3A_358] : memref<40x128xi32, #tpu.memory_space<vmem>> -> memref<1x128xi32, #tpu.memory_space<vmem>>
      %dma_wait3A_360 = tpu.memref_squeeze %dma_wait3A_359 : memref<1x128xi32, #tpu.memory_space<vmem>> -> memref<128xi32, #tpu.memory_space<vmem>>
      %dma_wait3A_361 = arith.constant 0 : i32
      %dma_wait3A_362 = arith.constant 0 : i32
      %dma_wait3A_363 = tpu.memref_slice %arg2[%dma_wait3A_352, %dma_wait3A_361, %dma_wait3A_362] : memref<4x10000x128xf32, #tpu.memory_space<hbm>> -> memref<1x10000x128xf32, #tpu.memory_space<hbm>>
      %dma_wait3A_364 = tpu.memref_squeeze %dma_wait3A_363 : memref<1x10000x128xf32, #tpu.memory_space<hbm>> -> memref<10000x128xf32, #tpu.memory_space<hbm>>
      %dma_wait3A_365 = arith.constant 0 : i32
      %dma_wait3A_366 = arith.constant 0 : i32
      %dma_wait3A_367 = tpu.memref_slice %dma_wait3A_364[%dma_wait3A_365, %dma_wait3A_366] : memref<10000x128xf32, #tpu.memory_space<hbm>> -> memref<10000x128xf32, #tpu.memory_space<hbm>>
      tpu.wait_indirect_dma semaphore(%arg11 : memref<!tpu.dma_semaphore, #tpu.memory_space<semaphore_mem>>) src(%dma_wait3A_367 : memref<10000x128xf32, #tpu.memory_space<hbm>>) dst(%dma_wait3A_357 : memref<128x128xf32, #tpu.memory_space<vmem>>)
      %run_scoped3A_368 = arith.constant 0 : i32
      "tpu.region"() ({
        %run_scoped3A_426 = tpu.sem_alloc : memref<!tpu.dma_semaphore, #tpu.memory_space<semaphore_mem>>
        %dma_start3A_427 = arith.constant 0 : i32
        %dma_start3A_428 = arith.constant 0 : i32
        %dma_start3A_429 = tpu.memref_slice %arg9[%run_scoped3A_368, %dma_start3A_427, %dma_start3A_428] : memref<2x128x128xf32, #tpu.memory_space<vmem>> -> memref<1x128x128xf32, #tpu.memory_space<vmem>>
        %dma_start3A_430 = tpu.memref_squeeze %dma_start3A_429 : memref<1x128x128xf32, #tpu.memory_space<vmem>> -> memref<128x128xf32, #tpu.memory_space<vmem>>
        %dma_start3A_431 = arith.constant 0 : i32
        %dma_start3A_432 = tpu.memref_slice %arg8[%mul3A_351, %dma_start3A_431] : memref<40x128xi32, #tpu.memory_space<vmem>> -> memref<1x128xi32, #tpu.memory_space<vmem>>
        %dma_start3A_433 = tpu.memref_squeeze %dma_start3A_432 : memref<1x128xi32, #tpu.memory_space<vmem>> -> memref<128xi32, #tpu.memory_space<vmem>>
        %dma_start3A_434 = arith.constant 0 : i32
        %dma_start3A_435 = arith.constant 0 : i32
        %dma_start3A_436 = tpu.memref_slice %arg10[%dma_start3A_434, %dma_start3A_435] : memref<10112x128xf32, #tpu.memory_space<vmem_shared>> -> memref<10112x128xf32, #tpu.memory_space<vmem_shared>>
        tpu.enqueue_indirect_dma source(%dma_start3A_430 : memref<128x128xf32, #tpu.memory_space<vmem>>) target(%dma_start3A_436 : memref<10112x128xf32, #tpu.memory_space<vmem_shared>>) offsets(%dma_start3A_433 : memref<128xi32, #tpu.memory_space<vmem>>) semaphore(%run_scoped3A_426 : memref<!tpu.dma_semaphore, #tpu.memory_space<semaphore_mem>>) {add = true}
        %dma_wait3A_437 = arith.constant 0 : i32
        %dma_wait3A_438 = arith.constant 0 : i32
        %dma_wait3A_439 = tpu.memref_slice %arg9[%run_scoped3A_368, %dma_wait3A_437, %dma_wait3A_438] : memref<2x128x128xf32, #tpu.memory_space<vmem>> -> memref<1x128x128xf32, #tpu.memory_space<vmem>>
        %dma_wait3A_440 = tpu.memref_squeeze %dma_wait3A_439 : memref<1x128x128xf32, #tpu.memory_space<vmem>> -> memref<128x128xf32, #tpu.memory_space<vmem>>
        %dma_wait3A_441 = arith.constant 0 : i32
        %dma_wait3A_442 = tpu.memref_slice %arg8[%mul3A_351, %dma_wait3A_441] : memref<40x128xi32, #tpu.memory_space<vmem>> -> memref<1x128xi32, #tpu.memory_space<vmem>>
        %dma_wait3A_443 = tpu.memref_squeeze %dma_wait3A_442 : memref<1x128xi32, #tpu.memory_space<vmem>> -> memref<128xi32, #tpu.memory_space<vmem>>
        %dma_wait3A_444 = arith.constant 0 : i32
        %dma_wait3A_445 = arith.constant 0 : i32
        %dma_wait3A_446 = tpu.memref_slice %arg10[%dma_wait3A_444, %dma_wait3A_445] : memref<10112x128xf32, #tpu.memory_space<vmem_shared>> -> memref<10112x128xf32, #tpu.memory_space<vmem_shared>>
        tpu.wait_indirect_dma semaphore(%run_scoped3A_426 : memref<!tpu.dma_semaphore, #tpu.memory_space<semaphore_mem>>) src(%dma_wait3A_440 : memref<128x128xf32, #tpu.memory_space<vmem>>) dst(%dma_wait3A_446 : memref<10112x128xf32, #tpu.memory_space<vmem_shared>>)
        tpu.yield
      }) : () -> ()
      %add3A_369 = arith.constant 2 : i32
      %add3A_370 = arith.addi %mul3A_351, %add3A_369 : i32
      %dma_start3A_371 = arith.constant 3 : i32
      %dma_start3A_372 = arith.constant 0 : i32
      %dma_start3A_373 = arith.constant 0 : i32
      %dma_start3A_374 = arith.constant 0 : i32
      %dma_start3A_375 = tpu.memref_slice %arg9[%dma_start3A_372, %dma_start3A_373, %dma_start3A_374] : memref<2x128x128xf32, #tpu.memory_space<vmem>> -> memref<1x128x128xf32, #tpu.memory_space<vmem>>
      %dma_start3A_376 = tpu.memref_squeeze %dma_start3A_375 : memref<1x128x128xf32, #tpu.memory_space<vmem>> -> memref<128x128xf32, #tpu.memory_space<vmem>>
      %dma_start3A_377 = arith.constant 0 : i32
      %dma_start3A_378 = tpu.memref_slice %arg7[%add3A_370, %dma_start3A_377] : memref<40x128xi32, #tpu.memory_space<vmem>> -> memref<1x128xi32, #tpu.memory_space<vmem>>
      %dma_start3A_379 = tpu.memref_squeeze %dma_start3A_378 : memref<1x128xi32, #tpu.memory_space<vmem>> -> memref<128xi32, #tpu.memory_space<vmem>>
      %dma_start3A_380 = arith.constant 0 : i32
      %dma_start3A_381 = arith.constant 0 : i32
      %dma_start3A_382 = tpu.memref_slice %arg2[%dma_start3A_371, %dma_start3A_380, %dma_start3A_381] : memref<4x10000x128xf32, #tpu.memory_space<hbm>> -> memref<1x10000x128xf32, #tpu.memory_space<hbm>>
      %dma_start3A_383 = tpu.memref_squeeze %dma_start3A_382 : memref<1x10000x128xf32, #tpu.memory_space<hbm>> -> memref<10000x128xf32, #tpu.memory_space<hbm>>
      %dma_start3A_384 = arith.constant 0 : i32
      %dma_start3A_385 = arith.constant 0 : i32
      %dma_start3A_386 = tpu.memref_slice %dma_start3A_383[%dma_start3A_384, %dma_start3A_385] : memref<10000x128xf32, #tpu.memory_space<hbm>> -> memref<10000x128xf32, #tpu.memory_space<hbm>>
      tpu.enqueue_indirect_dma source(%dma_start3A_386 : memref<10000x128xf32, #tpu.memory_space<hbm>>) target(%dma_start3A_376 : memref<128x128xf32, #tpu.memory_space<vmem>>) offsets(%dma_start3A_379 : memref<128xi32, #tpu.memory_space<vmem>>) semaphore(%arg11 : memref<!tpu.dma_semaphore, #tpu.memory_space<semaphore_mem>>)
      %add3A_387 = arith.constant 1 : i32
      %add3A_388 = arith.addi %mul3A_351, %add3A_387 : i32
      %dma_wait3A_389 = arith.constant 3 : i32
      %dma_wait3A_390 = arith.constant 1 : i32
      %dma_wait3A_391 = arith.constant 0 : i32
      %dma_wait3A_392 = arith.constant 0 : i32
      %dma_wait3A_393 = tpu.memref_slice %arg9[%dma_wait3A_390, %dma_wait3A_391, %dma_wait3A_392] : memref<2x128x128xf32, #tpu.memory_space<vmem>> -> memref<1x128x128xf32, #tpu.memory_space<vmem>>
      %dma_wait3A_394 = tpu.memref_squeeze %dma_wait3A_393 : memref<1x128x128xf32, #tpu.memory_space<vmem>> -> memref<128x128xf32, #tpu.memory_space<vmem>>
      %dma_wait3A_395 = arith.constant 0 : i32
      %dma_wait3A_396 = tpu.memref_slice %arg7[%add3A_388, %dma_wait3A_395] : memref<40x128xi32, #tpu.memory_space<vmem>> -> memref<1x128xi32, #tpu.memory_space<vmem>>
      %dma_wait3A_397 = tpu.memref_squeeze %dma_wait3A_396 : memref<1x128xi32, #tpu.memory_space<vmem>> -> memref<128xi32, #tpu.memory_space<vmem>>
      %dma_wait3A_398 = arith.constant 0 : i32
      %dma_wait3A_399 = arith.constant 0 : i32
      %dma_wait3A_400 = tpu.memref_slice %arg2[%dma_wait3A_389, %dma_wait3A_398, %dma_wait3A_399] : memref<4x10000x128xf32, #tpu.memory_space<hbm>> -> memref<1x10000x128xf32, #tpu.memory_space<hbm>>
      %dma_wait3A_401 = tpu.memref_squeeze %dma_wait3A_400 : memref<1x10000x128xf32, #tpu.memory_space<hbm>> -> memref<10000x128xf32, #tpu.memory_space<hbm>>
      %dma_wait3A_402 = arith.constant 0 : i32
      %dma_wait3A_403 = arith.constant 0 : i32
      %dma_wait3A_404 = tpu.memref_slice %dma_wait3A_401[%dma_wait3A_402, %dma_wait3A_403] : memref<10000x128xf32, #tpu.memory_space<hbm>> -> memref<10000x128xf32, #tpu.memory_space<hbm>>
      tpu.wait_indirect_dma semaphore(%arg12 : memref<!tpu.dma_semaphore, #tpu.memory_space<semaphore_mem>>) src(%dma_wait3A_404 : memref<10000x128xf32, #tpu.memory_space<hbm>>) dst(%dma_wait3A_394 : memref<128x128xf32, #tpu.memory_space<vmem>>)
      %add3A_405 = arith.constant 1 : i32
      %add3A_406 = arith.addi %mul3A_351, %add3A_405 : i32
      %run_scoped3A_407 = arith.constant 1 : i32
      "tpu.region"() ({
        %run_scoped3A_426 = tpu.sem_alloc : memref<!tpu.dma_semaphore, #tpu.memory_space<semaphore_mem>>
        %dma_start3A_427 = arith.constant 0 : i32
        %dma_start3A_428 = arith.constant 0 : i32
        %dma_start3A_429 = tpu.memref_slice %arg9[%run_scoped3A_407, %dma_start3A_427, %dma_start3A_428] : memref<2x128x128xf32, #tpu.memory_space<vmem>> -> memref<1x128x128xf32, #tpu.memory_space<vmem>>
        %dma_start3A_430 = tpu.memref_squeeze %dma_start3A_429 : memref<1x128x128xf32, #tpu.memory_space<vmem>> -> memref<128x128xf32, #tpu.memory_space<vmem>>
        %dma_start3A_431 = arith.constant 0 : i32
        %dma_start3A_432 = tpu.memref_slice %arg8[%add3A_406, %dma_start3A_431] : memref<40x128xi32, #tpu.memory_space<vmem>> -> memref<1x128xi32, #tpu.memory_space<vmem>>
        %dma_start3A_433 = tpu.memref_squeeze %dma_start3A_432 : memref<1x128xi32, #tpu.memory_space<vmem>> -> memref<128xi32, #tpu.memory_space<vmem>>
        %dma_start3A_434 = arith.constant 0 : i32
        %dma_start3A_435 = arith.constant 0 : i32
        %dma_start3A_436 = tpu.memref_slice %arg10[%dma_start3A_434, %dma_start3A_435] : memref<10112x128xf32, #tpu.memory_space<vmem_shared>> -> memref<10112x128xf32, #tpu.memory_space<vmem_shared>>
        tpu.enqueue_indirect_dma source(%dma_start3A_430 : memref<128x128xf32, #tpu.memory_space<vmem>>) target(%dma_start3A_436 : memref<10112x128xf32, #tpu.memory_space<vmem_shared>>) offsets(%dma_start3A_433 : memref<128xi32, #tpu.memory_space<vmem>>) semaphore(%run_scoped3A_426 : memref<!tpu.dma_semaphore, #tpu.memory_space<semaphore_mem>>) {add = true}
        %dma_wait3A_437 = arith.constant 0 : i32
        %dma_wait3A_438 = arith.constant 0 : i32
        %dma_wait3A_439 = tpu.memref_slice %arg9[%run_scoped3A_407, %dma_wait3A_437, %dma_wait3A_438] : memref<2x128x128xf32, #tpu.memory_space<vmem>> -> memref<1x128x128xf32, #tpu.memory_space<vmem>>
        %dma_wait3A_440 = tpu.memref_squeeze %dma_wait3A_439 : memref<1x128x128xf32, #tpu.memory_space<vmem>> -> memref<128x128xf32, #tpu.memory_space<vmem>>
        %dma_wait3A_441 = arith.constant 0 : i32
        %dma_wait3A_442 = tpu.memref_slice %arg8[%add3A_406, %dma_wait3A_441] : memref<40x128xi32, #tpu.memory_space<vmem>> -> memref<1x128xi32, #tpu.memory_space<vmem>>
        %dma_wait3A_443 = tpu.memref_squeeze %dma_wait3A_442 : memref<1x128xi32, #tpu.memory_space<vmem>> -> memref<128xi32, #tpu.memory_space<vmem>>
        %dma_wait3A_444 = arith.constant 0 : i32
        %dma_wait3A_445 = arith.constant 0 : i32
        %dma_wait3A_446 = tpu.memref_slice %arg10[%dma_wait3A_444, %dma_wait3A_445] : memref<10112x128xf32, #tpu.memory_space<vmem_shared>> -> memref<10112x128xf32, #tpu.memory_space<vmem_shared>>
        tpu.wait_indirect_dma semaphore(%run_scoped3A_426 : memref<!tpu.dma_semaphore, #tpu.memory_space<semaphore_mem>>) src(%dma_wait3A_440 : memref<128x128xf32, #tpu.memory_space<vmem>>) dst(%dma_wait3A_446 : memref<10112x128xf32, #tpu.memory_space<vmem_shared>>)
        tpu.yield
      }) : () -> ()
      %add3A_408 = arith.constant 3 : i32
      %add3A_409 = arith.addi %mul3A_351, %add3A_408 : i32
      %dma_start3A_410 = arith.constant 3 : i32
      %dma_start3A_411 = arith.constant 1 : i32
      %dma_start3A_412 = arith.constant 0 : i32
      %dma_start3A_413 = arith.constant 0 : i32
      %dma_start3A_414 = tpu.memref_slice %arg9[%dma_start3A_411, %dma_start3A_412, %dma_start3A_413] : memref<2x128x128xf32, #tpu.memory_space<vmem>> -> memref<1x128x128xf32, #tpu.memory_space<vmem>>
      %dma_start3A_415 = tpu.memref_squeeze %dma_start3A_414 : memref<1x128x128xf32, #tpu.memory_space<vmem>> -> memref<128x128xf32, #tpu.memory_space<vmem>>
      %dma_start3A_416 = arith.constant 0 : i32
      %dma_start3A_417 = tpu.memref_slice %arg7[%add3A_409, %dma_start3A_416] : memref<40x128xi32, #tpu.memory_space<vmem>> -> memref<1x128xi32, #tpu.memory_space<vmem>>
      %dma_start3A_418 = tpu.memref_squeeze %dma_start3A_417 : memref<1x128xi32, #tpu.memory_space<vmem>> -> memref<128xi32, #tpu.memory_space<vmem>>
      %dma_start3A_419 = arith.constant 0 : i32
      %dma_start3A_420 = arith.constant 0 : i32
      %dma_start3A_421 = tpu.memref_slice %arg2[%dma_start3A_410, %dma_start3A_419, %dma_start3A_420] : memref<4x10000x128xf32, #tpu.memory_space<hbm>> -> memref<1x10000x128xf32, #tpu.memory_space<hbm>>
      %dma_start3A_422 = tpu.memref_squeeze %dma_start3A_421 : memref<1x10000x128xf32, #tpu.memory_space<hbm>> -> memref<10000x128xf32, #tpu.memory_space<hbm>>
      %dma_start3A_423 = arith.constant 0 : i32
      %dma_start3A_424 = arith.constant 0 : i32
      %dma_start3A_425 = tpu.memref_slice %dma_start3A_422[%dma_start3A_423, %dma_start3A_424] : memref<10000x128xf32, #tpu.memory_space<hbm>> -> memref<10000x128xf32, #tpu.memory_space<hbm>>
      tpu.enqueue_indirect_dma source(%dma_start3A_425 : memref<10000x128xf32, #tpu.memory_space<hbm>>) target(%dma_start3A_415 : memref<128x128xf32, #tpu.memory_space<vmem>>) offsets(%dma_start3A_418 : memref<128xi32, #tpu.memory_space<vmem>>) semaphore(%arg12 : memref<!tpu.dma_semaphore, #tpu.memory_space<semaphore_mem>>)
    }
    %scan3A_300 = arith.constant 19 : i32
    %dma_wait3A_301 = arith.constant 3 : i32
    %dma_wait3A_302 = arith.constant 38 : i32
    %dma_wait3A_303 = arith.constant 0 : i32
    %dma_wait3A_304 = arith.constant 0 : i32
    %dma_wait3A_305 = arith.constant 0 : i32
    %dma_wait3A_306 = tpu.memref_slice %arg9[%dma_wait3A_303, %dma_wait3A_304, %dma_wait3A_305] : memref<2x128x128xf32, #tpu.memory_space<vmem>> -> memref<1x128x128xf32, #tpu.memory_space<vmem>>
    %dma_wait3A_307 = tpu.memref_squeeze %dma_wait3A_306 : memref<1x128x128xf32, #tpu.memory_space<vmem>> -> memref<128x128xf32, #tpu.memory_space<vmem>>
    %dma_wait3A_308 = arith.constant 0 : i32
    %dma_wait3A_309 = tpu.memref_slice %arg7[%dma_wait3A_302, %dma_wait3A_308] : memref<40x128xi32, #tpu.memory_space<vmem>> -> memref<1x128xi32, #tpu.memory_space<vmem>>
    %dma_wait3A_310 = tpu.memref_squeeze %dma_wait3A_309 : memref<1x128xi32, #tpu.memory_space<vmem>> -> memref<128xi32, #tpu.memory_space<vmem>>
    %dma_wait3A_311 = arith.constant 0 : i32
    %dma_wait3A_312 = arith.constant 0 : i32
    %dma_wait3A_313 = tpu.memref_slice %arg2[%dma_wait3A_301, %dma_wait3A_311, %dma_wait3A_312] : memref<4x10000x128xf32, #tpu.memory_space<hbm>> -> memref<1x10000x128xf32, #tpu.memory_space<hbm>>
    %dma_wait3A_314 = tpu.memref_squeeze %dma_wait3A_313 : memref<1x10000x128xf32, #tpu.memory_space<hbm>> -> memref<10000x128xf32, #tpu.memory_space<hbm>>
    %dma_wait3A_315 = arith.constant 0 : i32
    %dma_wait3A_316 = arith.constant 0 : i32
    %dma_wait3A_317 = tpu.memref_slice %dma_wait3A_314[%dma_wait3A_315, %dma_wait3A_316] : memref<10000x128xf32, #tpu.memory_space<hbm>> -> memref<10000x128xf32, #tpu.memory_space<hbm>>
    tpu.wait_indirect_dma semaphore(%arg11 : memref<!tpu.dma_semaphore, #tpu.memory_space<semaphore_mem>>) src(%dma_wait3A_317 : memref<10000x128xf32, #tpu.memory_space<hbm>>) dst(%dma_wait3A_307 : memref<128x128xf32, #tpu.memory_space<vmem>>)
    %run_scoped3A_318 = arith.constant 0 : i32
    %run_scoped3A_319 = arith.constant 38 : i32
    "tpu.region"() ({
      %run_scoped3A_345 = tpu.sem_alloc : memref<!tpu.dma_semaphore, #tpu.memory_space<semaphore_mem>>
      %dma_start3A_346 = arith.constant 0 : i32
      %dma_start3A_347 = arith.constant 0 : i32
      %dma_start3A_348 = tpu.memref_slice %arg9[%run_scoped3A_318, %dma_start3A_346, %dma_start3A_347] : memref<2x128x128xf32, #tpu.memory_space<vmem>> -> memref<1x128x128xf32, #tpu.memory_space<vmem>>
      %dma_start3A_349 = tpu.memref_squeeze %dma_start3A_348 : memref<1x128x128xf32, #tpu.memory_space<vmem>> -> memref<128x128xf32, #tpu.memory_space<vmem>>
      %dma_start3A_350 = arith.constant 0 : i32
      %dma_start3A_351 = tpu.memref_slice %arg8[%run_scoped3A_319, %dma_start3A_350] : memref<40x128xi32, #tpu.memory_space<vmem>> -> memref<1x128xi32, #tpu.memory_space<vmem>>
      %dma_start3A_352 = tpu.memref_squeeze %dma_start3A_351 : memref<1x128xi32, #tpu.memory_space<vmem>> -> memref<128xi32, #tpu.memory_space<vmem>>
      %dma_start3A_353 = arith.constant 0 : i32
      %dma_start3A_354 = arith.constant 0 : i32
      %dma_start3A_355 = tpu.memref_slice %arg10[%dma_start3A_353, %dma_start3A_354] : memref<10112x128xf32, #tpu.memory_space<vmem_shared>> -> memref<10112x128xf32, #tpu.memory_space<vmem_shared>>
      tpu.enqueue_indirect_dma source(%dma_start3A_349 : memref<128x128xf32, #tpu.memory_space<vmem>>) target(%dma_start3A_355 : memref<10112x128xf32, #tpu.memory_space<vmem_shared>>) offsets(%dma_start3A_352 : memref<128xi32, #tpu.memory_space<vmem>>) semaphore(%run_scoped3A_345 : memref<!tpu.dma_semaphore, #tpu.memory_space<semaphore_mem>>) {add = true}
      %dma_wait3A_356 = arith.constant 0 : i32
      %dma_wait3A_357 = arith.constant 0 : i32
      %dma_wait3A_358 = tpu.memref_slice %arg9[%run_scoped3A_318, %dma_wait3A_356, %dma_wait3A_357] : memref<2x128x128xf32, #tpu.memory_space<vmem>> -> memref<1x128x128xf32, #tpu.memory_space<vmem>>
      %dma_wait3A_359 = tpu.memref_squeeze %dma_wait3A_358 : memref<1x128x128xf32, #tpu.memory_space<vmem>> -> memref<128x128xf32, #tpu.memory_space<vmem>>
      %dma_wait3A_360 = arith.constant 0 : i32
      %dma_wait3A_361 = tpu.memref_slice %arg8[%run_scoped3A_319, %dma_wait3A_360] : memref<40x128xi32, #tpu.memory_space<vmem>> -> memref<1x128xi32, #tpu.memory_space<vmem>>
      %dma_wait3A_362 = tpu.memref_squeeze %dma_wait3A_361 : memref<1x128xi32, #tpu.memory_space<vmem>> -> memref<128xi32, #tpu.memory_space<vmem>>
      %dma_wait3A_363 = arith.constant 0 : i32
      %dma_wait3A_364 = arith.constant 0 : i32
      %dma_wait3A_365 = tpu.memref_slice %arg10[%dma_wait3A_363, %dma_wait3A_364] : memref<10112x128xf32, #tpu.memory_space<vmem_shared>> -> memref<10112x128xf32, #tpu.memory_space<vmem_shared>>
      tpu.wait_indirect_dma semaphore(%run_scoped3A_345 : memref<!tpu.dma_semaphore, #tpu.memory_space<semaphore_mem>>) src(%dma_wait3A_359 : memref<128x128xf32, #tpu.memory_space<vmem>>) dst(%dma_wait3A_365 : memref<10112x128xf32, #tpu.memory_space<vmem_shared>>)
      tpu.yield
    }) : () -> ()
    %dma_wait3A_320 = arith.constant 3 : i32
    %dma_wait3A_321 = arith.constant 39 : i32
    %dma_wait3A_322 = arith.constant 1 : i32
    %dma_wait3A_323 = arith.constant 0 : i32
    %dma_wait3A_324 = arith.constant 0 : i32
    %dma_wait3A_325 = tpu.memref_slice %arg9[%dma_wait3A_322, %dma_wait3A_323, %dma_wait3A_324] : memref<2x128x128xf32, #tpu.memory_space<vmem>> -> memref<1x128x128xf32, #tpu.memory_space<vmem>>
    %dma_wait3A_326 = tpu.memref_squeeze %dma_wait3A_325 : memref<1x128x128xf32, #tpu.memory_space<vmem>> -> memref<128x128xf32, #tpu.memory_space<vmem>>
    %dma_wait3A_327 = arith.constant 0 : i32
    %dma_wait3A_328 = tpu.memref_slice %arg7[%dma_wait3A_321, %dma_wait3A_327] : memref<40x128xi32, #tpu.memory_space<vmem>> -> memref<1x128xi32, #tpu.memory_space<vmem>>
    %dma_wait3A_329 = tpu.memref_squeeze %dma_wait3A_328 : memref<1x128xi32, #tpu.memory_space<vmem>> -> memref<128xi32, #tpu.memory_space<vmem>>
    %dma_wait3A_330 = arith.constant 0 : i32
    %dma_wait3A_331 = arith.constant 0 : i32
    %dma_wait3A_332 = tpu.memref_slice %arg2[%dma_wait3A_320, %dma_wait3A_330, %dma_wait3A_331] : memref<4x10000x128xf32, #tpu.memory_space<hbm>> -> memref<1x10000x128xf32, #tpu.memory_space<hbm>>
    %dma_wait3A_333 = tpu.memref_squeeze %dma_wait3A_332 : memref<1x10000x128xf32, #tpu.memory_space<hbm>> -> memref<10000x128xf32, #tpu.memory_space<hbm>>
    %dma_wait3A_334 = arith.constant 0 : i32
    %dma_wait3A_335 = arith.constant 0 : i32
    %dma_wait3A_336 = tpu.memref_slice %dma_wait3A_333[%dma_wait3A_334, %dma_wait3A_335] : memref<10000x128xf32, #tpu.memory_space<hbm>> -> memref<10000x128xf32, #tpu.memory_space<hbm>>
    tpu.wait_indirect_dma semaphore(%arg12 : memref<!tpu.dma_semaphore, #tpu.memory_space<semaphore_mem>>) src(%dma_wait3A_336 : memref<10000x128xf32, #tpu.memory_space<hbm>>) dst(%dma_wait3A_326 : memref<128x128xf32, #tpu.memory_space<vmem>>)
    %run_scoped3A_337 = arith.constant 1 : i32
    %run_scoped3A_338 = arith.constant 39 : i32
    "tpu.region"() ({
      %run_scoped3A_345 = tpu.sem_alloc : memref<!tpu.dma_semaphore, #tpu.memory_space<semaphore_mem>>
      %dma_start3A_346 = arith.constant 0 : i32
      %dma_start3A_347 = arith.constant 0 : i32
      %dma_start3A_348 = tpu.memref_slice %arg9[%run_scoped3A_337, %dma_start3A_346, %dma_start3A_347] : memref<2x128x128xf32, #tpu.memory_space<vmem>> -> memref<1x128x128xf32, #tpu.memory_space<vmem>>
      %dma_start3A_349 = tpu.memref_squeeze %dma_start3A_348 : memref<1x128x128xf32, #tpu.memory_space<vmem>> -> memref<128x128xf32, #tpu.memory_space<vmem>>
      %dma_start3A_350 = arith.constant 0 : i32
      %dma_start3A_351 = tpu.memref_slice %arg8[%run_scoped3A_338, %dma_start3A_350] : memref<40x128xi32, #tpu.memory_space<vmem>> -> memref<1x128xi32, #tpu.memory_space<vmem>>
      %dma_start3A_352 = tpu.memref_squeeze %dma_start3A_351 : memref<1x128xi32, #tpu.memory_space<vmem>> -> memref<128xi32, #tpu.memory_space<vmem>>
      %dma_start3A_353 = arith.constant 0 : i32
      %dma_start3A_354 = arith.constant 0 : i32
      %dma_start3A_355 = tpu.memref_slice %arg10[%dma_start3A_353, %dma_start3A_354] : memref<10112x128xf32, #tpu.memory_space<vmem_shared>> -> memref<10112x128xf32, #tpu.memory_space<vmem_shared>>
      tpu.enqueue_indirect_dma source(%dma_start3A_349 : memref<128x128xf32, #tpu.memory_space<vmem>>) target(%dma_start3A_355 : memref<10112x128xf32, #tpu.memory_space<vmem_shared>>) offsets(%dma_start3A_352 : memref<128xi32, #tpu.memory_space<vmem>>) semaphore(%run_scoped3A_345 : memref<!tpu.dma_semaphore, #tpu.memory_space<semaphore_mem>>) {add = true}
      %dma_wait3A_356 = arith.constant 0 : i32
      %dma_wait3A_357 = arith.constant 0 : i32
      %dma_wait3A_358 = tpu.memref_slice %arg9[%run_scoped3A_337, %dma_wait3A_356, %dma_wait3A_357] : memref<2x128x128xf32, #tpu.memory_space<vmem>> -> memref<1x128x128xf32, #tpu.memory_space<vmem>>
      %dma_wait3A_359 = tpu.memref_squeeze %dma_wait3A_358 : memref<1x128x128xf32, #tpu.memory_space<vmem>> -> memref<128x128xf32, #tpu.memory_space<vmem>>
      %dma_wait3A_360 = arith.constant 0 : i32
      %dma_wait3A_361 = tpu.memref_slice %arg8[%run_scoped3A_338, %dma_wait3A_360] : memref<40x128xi32, #tpu.memory_space<vmem>> -> memref<1x128xi32, #tpu.memory_space<vmem>>
      %dma_wait3A_362 = tpu.memref_squeeze %dma_wait3A_361 : memref<1x128xi32, #tpu.memory_space<vmem>> -> memref<128xi32, #tpu.memory_space<vmem>>
      %dma_wait3A_363 = arith.constant 0 : i32
      %dma_wait3A_364 = arith.constant 0 : i32
      %dma_wait3A_365 = tpu.memref_slice %arg10[%dma_wait3A_363, %dma_wait3A_364] : memref<10112x128xf32, #tpu.memory_space<vmem_shared>> -> memref<10112x128xf32, #tpu.memory_space<vmem_shared>>
      tpu.wait_indirect_dma semaphore(%run_scoped3A_345 : memref<!tpu.dma_semaphore, #tpu.memory_space<semaphore_mem>>) src(%dma_wait3A_359 : memref<128x128xf32, #tpu.memory_space<vmem>>) dst(%dma_wait3A_365 : memref<10112x128xf32, #tpu.memory_space<vmem_shared>>)
      tpu.yield
    }) : () -> ()
    %barrier3A_339 = arith.constant 0 : index
    tpu.barrier barrier_id(%barrier3A_339)
    %mul3A_340 = arith.constant 632 : i32
    %mul3A_341 = arith.muli %arg1, %mul3A_340 : i32
    %mul3A_342 = arith.constant 632 : i32
    %mul3A_343 = arith.muli %arg1, %mul3A_342 : i32
    %run_scoped3A_344 = arith.constant 3 : i32
    "tpu.region"() ({
      %run_scoped3A_345 = tpu.sem_alloc : memref<!tpu.dma_semaphore, #tpu.memory_space<semaphore_mem>>
      %dma_start3A_346 = arith.constant 0 : i32
      %dma_start3A_347 = tpu.memref_slice %arg6[%arg0, %run_scoped3A_344, %mul3A_343, %dma_start3A_346] : memref<2x4x10112x128xf32, #tpu.memory_space<hbm>> -> memref<1x1x632x128xf32, #tpu.memory_space<hbm>>
      %dma_start3A_348 = tpu.memref_squeeze %dma_start3A_347 : memref<1x1x632x128xf32, #tpu.memory_space<hbm>> -> memref<632x128xf32, #tpu.memory_space<hbm>>
      %dma_start3A_349 = arith.constant 0 : i32
      %dma_start3A_350 = tpu.memref_slice %arg10[%mul3A_341, %dma_start3A_349] : memref<10112x128xf32, #tpu.memory_space<vmem_shared>> -> memref<632x128xf32, #tpu.memory_space<vmem_shared>>
      tpu.enqueue_dma source(%dma_start3A_350 : memref<632x128xf32, #tpu.memory_space<vmem_shared>>) target(%dma_start3A_348 : memref<632x128xf32, #tpu.memory_space<hbm>>) target_semaphore(%run_scoped3A_345 : memref<!tpu.dma_semaphore, #tpu.memory_space<semaphore_mem>>)
      %dma_wait3A_351 = arith.constant 0 : i32
      %dma_wait3A_352 = tpu.memref_slice %arg6[%arg0, %run_scoped3A_344, %mul3A_343, %dma_wait3A_351] : memref<2x4x10112x128xf32, #tpu.memory_space<hbm>> -> memref<1x1x632x128xf32, #tpu.memory_space<hbm>>
      %dma_wait3A_353 = tpu.memref_squeeze %dma_wait3A_352 : memref<1x1x632x128xf32, #tpu.memory_space<hbm>> -> memref<632x128xf32, #tpu.memory_space<hbm>>
      %dma_wait3A_354 = arith.constant 0 : i32
      %dma_wait3A_355 = tpu.memref_slice %arg10[%mul3A_341, %dma_wait3A_354] : memref<10112x128xf32, #tpu.memory_space<vmem_shared>> -> memref<632x128xf32, #tpu.memory_space<vmem_shared>>
      tpu.wait_dma2 semaphore(%run_scoped3A_345 : memref<!tpu.dma_semaphore, #tpu.memory_space<semaphore_mem>>) src(%dma_wait3A_355 : memref<632x128xf32, #tpu.memory_space<vmem_shared>>) dst(%dma_wait3A_353 : memref<632x128xf32, #tpu.memory_space<hbm>>)
      tpu.yield
    }) : () -> ()
    return
  }
}

#map = affine_map<(d0, d1) -> (0, 0)>
#map1 = affine_map<(d0, d1) -> (0, 0, 0)>
module attributes {stable_mosaic.version = 14 : i64} {
  func.func @k(%arg0: i32, %arg1: i32, %arg2: memref<1280x128xi32, #tpu.memory_space<hbm>>, %arg3: memref<632x128xf32, #tpu.memory_space<hbm>>, %arg4: memref<128x128xf32, #tpu.memory_space<hbm>>, %arg5: memref<2x10112x128xf32, #tpu.memory_space<hbm>>, %arg6: memref<128xi32, #tpu.memory_space<vmem>>, %arg7: memref<128x128xf32, #tpu.memory_space<vmem>>, %arg8: memref<10112x128xf32, #tpu.memory_space<vmem_shared>>) attributes {dimension_semantics = [#tpu.dimension_semantics<core_parallel>, #tpu.dimension_semantics<subcore_parallel>], iteration_bounds = array<i64: 2, 16>, scalar_prefetch = 0 : i64, scratch_operands = 3 : i64, tpu.core_type = #tpu.core_type<sc_vector_subcore>, window_params = [{transform_indices = #map}, {transform_indices = #map}, {transform_indices = #map}, {transform_indices = #map1}]} {
    %mul3A = arith.constant 16 : i32
    %mul3A_0 = arith.muli %arg0, %mul3A : i32
    %add3A = arith.addi %mul3A_0, %arg1 : i32
    %mul3A_1 = arith.constant 40 : i32
    %mul3A_2 = arith.muli %add3A, %mul3A_1 : i32
    "tpu.region"() ({
      %run_scoped3A = tpu.sem_alloc : memref<!tpu.dma_semaphore, #tpu.memory_space<semaphore_mem>>
      tpu.enqueue_dma source(%arg4 : memref<128x128xf32, #tpu.memory_space<hbm>>) target(%arg7 : memref<128x128xf32, #tpu.memory_space<vmem>>) target_semaphore(%run_scoped3A : memref<!tpu.dma_semaphore, #tpu.memory_space<semaphore_mem>>)
      tpu.wait_dma2 semaphore(%run_scoped3A : memref<!tpu.dma_semaphore, #tpu.memory_space<semaphore_mem>>) src(%arg4 : memref<128x128xf32, #tpu.memory_space<hbm>>) dst(%arg7 : memref<128x128xf32, #tpu.memory_space<vmem>>)
      tpu.yield
    }) : () -> ()
    %mul3A_3 = arith.constant 632 : i32
    %mul3A_4 = arith.muli %arg1, %mul3A_3 : i32
    "tpu.region"() ({
      %run_scoped3A = tpu.sem_alloc : memref<!tpu.dma_semaphore, #tpu.memory_space<semaphore_mem>>
      %dma_start3A = arith.constant 0 : i32
      %dma_start3A_14 = tpu.memref_slice %arg8[%mul3A_4, %dma_start3A] : memref<10112x128xf32, #tpu.memory_space<vmem_shared>> -> memref<632x128xf32, #tpu.memory_space<vmem_shared>>
      tpu.enqueue_dma source(%arg3 : memref<632x128xf32, #tpu.memory_space<hbm>>) target(%dma_start3A_14 : memref<632x128xf32, #tpu.memory_space<vmem_shared>>) target_semaphore(%run_scoped3A : memref<!tpu.dma_semaphore, #tpu.memory_space<semaphore_mem>>)
      %dma_wait3A = arith.constant 0 : i32
      %dma_wait3A_15 = tpu.memref_slice %arg8[%mul3A_4, %dma_wait3A] : memref<10112x128xf32, #tpu.memory_space<vmem_shared>> -> memref<632x128xf32, #tpu.memory_space<vmem_shared>>
      tpu.wait_dma2 semaphore(%run_scoped3A : memref<!tpu.dma_semaphore, #tpu.memory_space<semaphore_mem>>) src(%arg3 : memref<632x128xf32, #tpu.memory_space<hbm>>) dst(%dma_wait3A_15 : memref<632x128xf32, #tpu.memory_space<vmem_shared>>)
      tpu.yield
    }) : () -> ()
    %barrier3A = arith.constant 0 : index
    tpu.barrier barrier_id(%barrier3A)
    %scan3A = arith.constant 0 : i32
    %scan3A_5 = arith.constant 40 : i32
    %scan3A_6 = arith.addi %scan3A, %scan3A_5 : i32
    %scan3A_7 = arith.constant 1 : i32
    scf.for %scan3A_14 = %scan3A to %scan3A_6 step %scan3A_7  : i32 {
      %mul3A_15 = arith.constant 1 : i32
      %mul3A_16 = arith.muli %scan3A_14, %mul3A_15 : i32
      %add3A_17 = arith.constant 0 : i32
      %add3A_18 = arith.addi %add3A_17, %mul3A_16 : i32
      %add3A_19 = arith.addi %mul3A_2, %add3A_18 : i32
      "tpu.region"() ({
        %run_scoped3A = tpu.sem_alloc : memref<!tpu.dma_semaphore, #tpu.memory_space<semaphore_mem>>
        %dma_start3A = arith.constant 0 : i32
        %dma_start3A_20 = tpu.memref_slice %arg2[%add3A_19, %dma_start3A] : memref<1280x128xi32, #tpu.memory_space<hbm>> -> memref<1x128xi32, #tpu.memory_space<hbm>>
        %dma_start3A_21 = tpu.memref_squeeze %dma_start3A_20 : memref<1x128xi32, #tpu.memory_space<hbm>> -> memref<128xi32, #tpu.memory_space<hbm>>
        %dma_start3A_22 = arith.constant 0 : i32
        %dma_start3A_23 = tpu.memref_slice %arg2[%add3A_19, %dma_start3A_22] : memref<1280x128xi32, #tpu.memory_space<hbm>> -> memref<1x128xi32, #tpu.memory_space<hbm>>
        %dma_start3A_24 = tpu.memref_squeeze %dma_start3A_23 : memref<1x128xi32, #tpu.memory_space<hbm>> -> memref<128xi32, #tpu.memory_space<hbm>>
        tpu.enqueue_dma source(%dma_start3A_24 : memref<128xi32, #tpu.memory_space<hbm>>) target(%arg6 : memref<128xi32, #tpu.memory_space<vmem>>) target_semaphore(%run_scoped3A : memref<!tpu.dma_semaphore, #tpu.memory_space<semaphore_mem>>)
        %dma_wait3A = arith.constant 0 : i32
        %dma_wait3A_25 = tpu.memref_slice %arg2[%add3A_19, %dma_wait3A] : memref<1280x128xi32, #tpu.memory_space<hbm>> -> memref<1x128xi32, #tpu.memory_space<hbm>>
        %dma_wait3A_26 = tpu.memref_squeeze %dma_wait3A_25 : memref<1x128xi32, #tpu.memory_space<hbm>> -> memref<128xi32, #tpu.memory_space<hbm>>
        %dma_wait3A_27 = arith.constant 0 : i32
        %dma_wait3A_28 = tpu.memref_slice %arg2[%add3A_19, %dma_wait3A_27] : memref<1280x128xi32, #tpu.memory_space<hbm>> -> memref<1x128xi32, #tpu.memory_space<hbm>>
        %dma_wait3A_29 = tpu.memref_squeeze %dma_wait3A_28 : memref<1x128xi32, #tpu.memory_space<hbm>> -> memref<128xi32, #tpu.memory_space<hbm>>
        tpu.wait_dma2 semaphore(%run_scoped3A : memref<!tpu.dma_semaphore, #tpu.memory_space<semaphore_mem>>) src(%dma_wait3A_29 : memref<128xi32, #tpu.memory_space<hbm>>) dst(%arg6 : memref<128xi32, #tpu.memory_space<vmem>>)
        tpu.yield
      }) : () -> ()
      "tpu.region"() ({
        %run_scoped3A = tpu.sem_alloc : memref<!tpu.dma_semaphore, #tpu.memory_space<semaphore_mem>>
        %dma_start3A = arith.constant 0 : i32
        %dma_start3A_20 = arith.constant 0 : i32
        %dma_start3A_21 = tpu.memref_slice %arg8[%dma_start3A, %dma_start3A_20] : memref<10112x128xf32, #tpu.memory_space<vmem_shared>> -> memref<10112x128xf32, #tpu.memory_space<vmem_shared>>
        tpu.enqueue_indirect_dma source(%arg7 : memref<128x128xf32, #tpu.memory_space<vmem>>) target(%dma_start3A_21 : memref<10112x128xf32, #tpu.memory_space<vmem_shared>>) offsets(%arg6 : memref<128xi32, #tpu.memory_space<vmem>>) semaphore(%run_scoped3A : memref<!tpu.dma_semaphore, #tpu.memory_space<semaphore_mem>>) {add = true}
        %dma_wait3A = arith.constant 0 : i32
        %dma_wait3A_22 = arith.constant 0 : i32
        %dma_wait3A_23 = tpu.memref_slice %arg8[%dma_wait3A, %dma_wait3A_22] : memref<10112x128xf32, #tpu.memory_space<vmem_shared>> -> memref<10112x128xf32, #tpu.memory_space<vmem_shared>>
        tpu.wait_indirect_dma semaphore(%run_scoped3A : memref<!tpu.dma_semaphore, #tpu.memory_space<semaphore_mem>>) src(%arg7 : memref<128x128xf32, #tpu.memory_space<vmem>>) dst(%dma_wait3A_23 : memref<10112x128xf32, #tpu.memory_space<vmem_shared>>)
        tpu.yield
      }) : () -> ()
    }
    %scan3A_8 = arith.constant 40 : i32
    %barrier3A_9 = arith.constant 0 : index
    tpu.barrier barrier_id(%barrier3A_9)
    %mul3A_10 = arith.constant 632 : i32
    %mul3A_11 = arith.muli %arg1, %mul3A_10 : i32
    %mul3A_12 = arith.constant 632 : i32
    %mul3A_13 = arith.muli %arg1, %mul3A_12 : i32
    "tpu.region"() ({
      %run_scoped3A = tpu.sem_alloc : memref<!tpu.dma_semaphore, #tpu.memory_space<semaphore_mem>>
      %dma_start3A = arith.constant 0 : i32
      %dma_start3A_14 = tpu.memref_slice %arg5[%arg0, %mul3A_13, %dma_start3A] : memref<2x10112x128xf32, #tpu.memory_space<hbm>> -> memref<1x632x128xf32, #tpu.memory_space<hbm>>
      %dma_start3A_15 = tpu.memref_squeeze %dma_start3A_14 : memref<1x632x128xf32, #tpu.memory_space<hbm>> -> memref<632x128xf32, #tpu.memory_space<hbm>>
      %dma_start3A_16 = arith.constant 0 : i32
      %dma_start3A_17 = tpu.memref_slice %arg8[%mul3A_11, %dma_start3A_16] : memref<10112x128xf32, #tpu.memory_space<vmem_shared>> -> memref<632x128xf32, #tpu.memory_space<vmem_shared>>
      tpu.enqueue_dma source(%dma_start3A_17 : memref<632x128xf32, #tpu.memory_space<vmem_shared>>) target(%dma_start3A_15 : memref<632x128xf32, #tpu.memory_space<hbm>>) target_semaphore(%run_scoped3A : memref<!tpu.dma_semaphore, #tpu.memory_space<semaphore_mem>>)
      %dma_wait3A = arith.constant 0 : i32
      %dma_wait3A_18 = tpu.memref_slice %arg5[%arg0, %mul3A_13, %dma_wait3A] : memref<2x10112x128xf32, #tpu.memory_space<hbm>> -> memref<1x632x128xf32, #tpu.memory_space<hbm>>
      %dma_wait3A_19 = tpu.memref_squeeze %dma_wait3A_18 : memref<1x632x128xf32, #tpu.memory_space<hbm>> -> memref<632x128xf32, #tpu.memory_space<hbm>>
      %dma_wait3A_20 = arith.constant 0 : i32
      %dma_wait3A_21 = tpu.memref_slice %arg8[%mul3A_11, %dma_wait3A_20] : memref<10112x128xf32, #tpu.memory_space<vmem_shared>> -> memref<632x128xf32, #tpu.memory_space<vmem_shared>>
      tpu.wait_dma2 semaphore(%run_scoped3A : memref<!tpu.dma_semaphore, #tpu.memory_space<semaphore_mem>>) src(%dma_wait3A_21 : memref<632x128xf32, #tpu.memory_space<vmem_shared>>) dst(%dma_wait3A_19 : memref<632x128xf32, #tpu.memory_space<hbm>>)
      tpu.yield
    }) : () -> ()
    return
  }
}

#map = affine_map<(d0, d1) -> (0, 0, 0)>
#map1 = affine_map<(d0, d1) -> (0, 0)>
#map2 = affine_map<(d0, d1) -> (0, 0, 0, 0)>
module attributes {stable_mosaic.version = 14 : i64} {
  func.func @k(%arg0: i32, %arg1: i32, %arg2: memref<4x10000x128xf32, #tpu.memory_space<hbm>>, %arg3: memref<1280x128xi32, #tpu.memory_space<hbm>>, %arg4: memref<1280x128xi32, #tpu.memory_space<hbm>>, %arg5: memref<632x128xf32, #tpu.memory_space<hbm>>, %arg6: memref<2x4x10112x128xf32, #tpu.memory_space<hbm>>, %arg7: memref<40x128xi32, #tpu.memory_space<vmem>>, %arg8: memref<40x128xi32, #tpu.memory_space<vmem>>, %arg9: memref<2x128x128xf32, #tpu.memory_space<vmem>>, %arg10: memref<10112x128xf32, #tpu.memory_space<vmem_shared>>, %arg11: memref<!tpu.dma_semaphore, #tpu.memory_space<semaphore_mem>>, %arg12: memref<!tpu.dma_semaphore, #tpu.memory_space<semaphore_mem>>) attributes {dimension_semantics = [#tpu.dimension_semantics<core_parallel>, #tpu.dimension_semantics<subcore_parallel>], iteration_bounds = array<i64: 2, 16>, scalar_prefetch = 0 : i64, scratch_operands = 6 : i64, tpu.core_type = #tpu.core_type<sc_vector_subcore>, window_params = [{transform_indices = #map}, {transform_indices = #map1}, {transform_indices = #map1}, {transform_indices = #map1}, {transform_indices = #map2}]} {
    %mul3A = arith.constant 16 : i32
    %mul3A_0 = arith.muli %arg0, %mul3A : i32
    %add3A = arith.addi %mul3A_0, %arg1 : i32
    %mul3A_1 = arith.constant 40 : i32
    %mul3A_2 = arith.muli %add3A, %mul3A_1 : i32
    "tpu.region"() ({
      %run_scoped3A_345 = tpu.sem_alloc : memref<!tpu.dma_semaphore, #tpu.memory_space<semaphore_mem>>
      %dma_start3A_346 = arith.constant 0 : i32
      %dma_start3A_347 = tpu.memref_slice %arg3[%mul3A_2, %dma_start3A_346] : memref<1280x128xi32, #tpu.memory_space<hbm>> -> memref<40x128xi32, #tpu.memory_space<hbm>>
      %dma_start3A_348 = arith.constant 0 : i32
      %dma_start3A_349 = tpu.memref_slice %arg3[%mul3A_2, %dma_start3A_348] : memref<1280x128xi32, #tpu.memory_space<hbm>> -> memref<40x128xi32, #tpu.memory_space<hbm>>
      tpu.enqueue_dma source(%dma_start3A_349 : memref<40x128xi32, #tpu.memory_space<hbm>>) target(%arg7 : memref<40x128xi32, #tpu.memory_space<vmem>>) target_semaphore(%run_scoped3A_345 : memref<!tpu.dma_semaphore, #tpu.memory_space<semaphore_mem>>)
      %dma_wait3A_350 = arith.constant 0 : i32
      %dma_wait3A_351 = tpu.memref_slice %arg3[%mul3A_2, %dma_wait3A_350] : memref<1280x128xi32, #tpu.memory_space<hbm>> -> memref<40x128xi32, #tpu.memory_space<hbm>>
      %dma_wait3A_352 = arith.constant 0 : i32
      %dma_wait3A_353 = tpu.memref_slice %arg3[%mul3A_2, %dma_wait3A_352] : memref<1280x128xi32, #tpu.memory_space<hbm>> -> memref<40x128xi32, #tpu.memory_space<hbm>>
      tpu.wait_dma2 semaphore(%run_scoped3A_345 : memref<!tpu.dma_semaphore, #tpu.memory_space<semaphore_mem>>) src(%dma_wait3A_353 : memref<40x128xi32, #tpu.memory_space<hbm>>) dst(%arg7 : memref<40x128xi32, #tpu.memory_space<vmem>>)
      tpu.yield
    }) : () -> ()
    "tpu.region"() ({
      %run_scoped3A_345 = tpu.sem_alloc : memref<!tpu.dma_semaphore, #tpu.memory_space<semaphore_mem>>
      %dma_start3A_346 = arith.constant 0 : i32
      %dma_start3A_347 = tpu.memref_slice %arg4[%mul3A_2, %dma_start3A_346] : memref<1280x128xi32, #tpu.memory_space<hbm>> -> memref<40x128xi32, #tpu.memory_space<hbm>>
      %dma_start3A_348 = arith.constant 0 : i32
      %dma_start3A_349 = tpu.memref_slice %arg4[%mul3A_2, %dma_start3A_348] : memref<1280x128xi32, #tpu.memory_space<hbm>> -> memref<40x128xi32, #tpu.memory_space<hbm>>
      tpu.enqueue_dma source(%dma_start3A_349 : memref<40x128xi32, #tpu.memory_space<hbm>>) target(%arg8 : memref<40x128xi32, #tpu.memory_space<vmem>>) target_semaphore(%run_scoped3A_345 : memref<!tpu.dma_semaphore, #tpu.memory_space<semaphore_mem>>)
      %dma_wait3A_350 = arith.constant 0 : i32
      %dma_wait3A_351 = tpu.memref_slice %arg4[%mul3A_2, %dma_wait3A_350] : memref<1280x128xi32, #tpu.memory_space<hbm>> -> memref<40x128xi32, #tpu.memory_space<hbm>>
      %dma_wait3A_352 = arith.constant 0 : i32
      %dma_wait3A_353 = tpu.memref_slice %arg4[%mul3A_2, %dma_wait3A_352] : memref<1280x128xi32, #tpu.memory_space<hbm>> -> memref<40x128xi32, #tpu.memory_space<hbm>>
      tpu.wait_dma2 semaphore(%run_scoped3A_345 : memref<!tpu.dma_semaphore, #tpu.memory_space<semaphore_mem>>) src(%dma_wait3A_353 : memref<40x128xi32, #tpu.memory_space<hbm>>) dst(%arg8 : memref<40x128xi32, #tpu.memory_space<vmem>>)
      tpu.yield
    }) : () -> ()
    %mul3A_3 = arith.constant 632 : i32
    %mul3A_4 = arith.muli %arg1, %mul3A_3 : i32
    "tpu.region"() ({
      %run_scoped3A_345 = tpu.sem_alloc : memref<!tpu.dma_semaphore, #tpu.memory_space<semaphore_mem>>
      %dma_start3A_346 = arith.constant 0 : i32
      %dma_start3A_347 = tpu.memref_slice %arg10[%mul3A_4, %dma_start3A_346] : memref<10112x128xf32, #tpu.memory_space<vmem_shared>> -> memref<632x128xf32, #tpu.memory_space<vmem_shared>>
      tpu.enqueue_dma source(%arg5 : memref<632x128xf32, #tpu.memory_space<hbm>>) target(%dma_start3A_347 : memref<632x128xf32, #tpu.memory_space<vmem_shared>>) target_semaphore(%run_scoped3A_345 : memref<!tpu.dma_semaphore, #tpu.memory_space<semaphore_mem>>)
      %dma_wait3A_348 = arith.constant 0 : i32
      %dma_wait3A_349 = tpu.memref_slice %arg10[%mul3A_4, %dma_wait3A_348] : memref<10112x128xf32, #tpu.memory_space<vmem_shared>> -> memref<632x128xf32, #tpu.memory_space<vmem_shared>>
      tpu.wait_dma2 semaphore(%run_scoped3A_345 : memref<!tpu.dma_semaphore, #tpu.memory_space<semaphore_mem>>) src(%arg5 : memref<632x128xf32, #tpu.memory_space<hbm>>) dst(%dma_wait3A_349 : memref<632x128xf32, #tpu.memory_space<vmem_shared>>)
      tpu.yield
    }) : () -> ()
    %barrier3A = arith.constant 0 : index
    tpu.barrier barrier_id(%barrier3A)
    %dma_start3A = arith.constant 0 : i32
    %dma_start3A_5 = arith.constant 0 : i32
    %dma_start3A_6 = arith.constant 0 : i32
    %dma_start3A_7 = arith.constant 0 : i32
    %dma_start3A_8 = arith.constant 0 : i32
    %dma_start3A_9 = tpu.memref_slice %arg9[%dma_start3A_6, %dma_start3A_7, %dma_start3A_8] : memref<2x128x128xf32, #tpu.memory_space<vmem>> -> memref<1x128x128xf32, #tpu.memory_space<vmem>>
    %dma_start3A_10 = tpu.memref_squeeze %dma_start3A_9 : memref<1x128x128xf32, #tpu.memory_space<vmem>> -> memref<128x128xf32, #tpu.memory_space<vmem>>
    %dma_start3A_11 = arith.constant 0 : i32
    %dma_start3A_12 = tpu.memref_slice %arg7[%dma_start3A_5, %dma_start3A_11] : memref<40x128xi32, #tpu.memory_space<vmem>> -> memref<1x128xi32, #tpu.memory_space<vmem>>
    %dma_start3A_13 = tpu.memref_squeeze %dma_start3A_12 : memref<1x128xi32, #tpu.memory_space<vmem>> -> memref<128xi32, #tpu.memory_space<vmem>>
    %dma_start3A_14 = arith.constant 0 : i32
    %dma_start3A_15 = arith.constant 0 : i32
    %dma_start3A_16 = tpu.memref_slice %arg2[%dma_start3A, %dma_start3A_14, %dma_start3A_15] : memref<4x10000x128xf32, #tpu.memory_space<hbm>> -> memref<1x10000x128xf32, #tpu.memory_space<hbm>>
    %dma_start3A_17 = tpu.memref_squeeze %dma_start3A_16 : memref<1x10000x128xf32, #tpu.memory_space<hbm>> -> memref<10000x128xf32, #tpu.memory_space<hbm>>
    %dma_start3A_18 = arith.constant 0 : i32
    %dma_start3A_19 = arith.constant 0 : i32
    %dma_start3A_20 = tpu.memref_slice %dma_start3A_17[%dma_start3A_18, %dma_start3A_19] : memref<10000x128xf32, #tpu.memory_space<hbm>> -> memref<10000x128xf32, #tpu.memory_space<hbm>>
    tpu.enqueue_indirect_dma source(%dma_start3A_20 : memref<10000x128xf32, #tpu.memory_space<hbm>>) target(%dma_start3A_10 : memref<128x128xf32, #tpu.memory_space<vmem>>) offsets(%dma_start3A_13 : memref<128xi32, #tpu.memory_space<vmem>>) semaphore(%arg11 : memref<!tpu.dma_semaphore, #tpu.memory_space<semaphore_mem>>)
    %dma_start3A_21 = arith.constant 0 : i32
    %dma_start3A_22 = arith.constant 1 : i32
    %dma_start3A_23 = arith.constant 1 : i32
    %dma_start3A_24 = arith.constant 0 : i32
    %dma_start3A_25 = arith.constant 0 : i32
    %dma_start3A_26 = tpu.memref_slice %arg9[%dma_start3A_23, %dma_start3A_24, %dma_start3A_25] : memref<2x128x128xf32, #tpu.memory_space<vmem>> -> memref<1x128x128xf32, #tpu.memory_space<vmem>>
    %dma_start3A_27 = tpu.memref_squeeze %dma_start3A_26 : memref<1x128x128xf32, #tpu.memory_space<vmem>> -> memref<128x128xf32, #tpu.memory_space<vmem>>
    %dma_start3A_28 = arith.constant 0 : i32
    %dma_start3A_29 = tpu.memref_slice %arg7[%dma_start3A_22, %dma_start3A_28] : memref<40x128xi32, #tpu.memory_space<vmem>> -> memref<1x128xi32, #tpu.memory_space<vmem>>
    %dma_start3A_30 = tpu.memref_squeeze %dma_start3A_29 : memref<1x128xi32, #tpu.memory_space<vmem>> -> memref<128xi32, #tpu.memory_space<vmem>>
    %dma_start3A_31 = arith.constant 0 : i32
    %dma_start3A_32 = arith.constant 0 : i32
    %dma_start3A_33 = tpu.memref_slice %arg2[%dma_start3A_21, %dma_start3A_31, %dma_start3A_32] : memref<4x10000x128xf32, #tpu.memory_space<hbm>> -> memref<1x10000x128xf32, #tpu.memory_space<hbm>>
    %dma_start3A_34 = tpu.memref_squeeze %dma_start3A_33 : memref<1x10000x128xf32, #tpu.memory_space<hbm>> -> memref<10000x128xf32, #tpu.memory_space<hbm>>
    %dma_start3A_35 = arith.constant 0 : i32
    %dma_start3A_36 = arith.constant 0 : i32
    %dma_start3A_37 = tpu.memref_slice %dma_start3A_34[%dma_start3A_35, %dma_start3A_36] : memref<10000x128xf32, #tpu.memory_space<hbm>> -> memref<10000x128xf32, #tpu.memory_space<hbm>>
    tpu.enqueue_indirect_dma source(%dma_start3A_37 : memref<10000x128xf32, #tpu.memory_space<hbm>>) target(%dma_start3A_27 : memref<128x128xf32, #tpu.memory_space<vmem>>) offsets(%dma_start3A_30 : memref<128xi32, #tpu.memory_space<vmem>>) semaphore(%arg12 : memref<!tpu.dma_semaphore, #tpu.memory_space<semaphore_mem>>)
    %scan3A = arith.constant 0 : i32
    %scan3A_38 = arith.constant 19 : i32
    %scan3A_39 = arith.addi %scan3A, %scan3A_38 : i32
    %scan3A_40 = arith.constant 1 : i32
    scf.for %scan3A_345 = %scan3A to %scan3A_39 step %scan3A_40  : i32 {
      %mul3A_346 = arith.constant 1 : i32
      %mul3A_347 = arith.muli %scan3A_345, %mul3A_346 : i32
      %add3A_348 = arith.constant 0 : i32
      %add3A_349 = arith.addi %add3A_348, %mul3A_347 : i32
      %mul3A_350 = arith.constant 2 : i32
      %mul3A_351 = arith.muli %add3A_349, %mul3A_350 : i32
      %dma_wait3A_352 = arith.constant 0 : i32
      %dma_wait3A_353 = arith.constant 0 : i32
      %dma_wait3A_354 = arith.constant 0 : i32
      %dma_wait3A_355 = arith.constant 0 : i32
      %dma_wait3A_356 = tpu.memref_slice %arg9[%dma_wait3A_353, %dma_wait3A_354, %dma_wait3A_355] : memref<2x128x128xf32, #tpu.memory_space<vmem>> -> memref<1x128x128xf32, #tpu.memory_space<vmem>>
      %dma_wait3A_357 = tpu.memref_squeeze %dma_wait3A_356 : memref<1x128x128xf32, #tpu.memory_space<vmem>> -> memref<128x128xf32, #tpu.memory_space<vmem>>
      %dma_wait3A_358 = arith.constant 0 : i32
      %dma_wait3A_359 = tpu.memref_slice %arg7[%mul3A_351, %dma_wait3A_358] : memref<40x128xi32, #tpu.memory_space<vmem>> -> memref<1x128xi32, #tpu.memory_space<vmem>>
      %dma_wait3A_360 = tpu.memref_squeeze %dma_wait3A_359 : memref<1x128xi32, #tpu.memory_space<vmem>> -> memref<128xi32, #tpu.memory_space<vmem>>
      %dma_wait3A_361 = arith.constant 0 : i32
      %dma_wait3A_362 = arith.constant 0 : i32
      %dma_wait3A_363 = tpu.memref_slice %arg2[%dma_wait3A_352, %dma_wait3A_361, %dma_wait3A_362] : memref<4x10000x128xf32, #tpu.memory_space<hbm>> -> memref<1x10000x128xf32, #tpu.memory_space<hbm>>
      %dma_wait3A_364 = tpu.memref_squeeze %dma_wait3A_363 : memref<1x10000x128xf32, #tpu.memory_space<hbm>> -> memref<10000x128xf32, #tpu.memory_space<hbm>>
      %dma_wait3A_365 = arith.constant 0 : i32
      %dma_wait3A_366 = arith.constant 0 : i32
      %dma_wait3A_367 = tpu.memref_slice %dma_wait3A_364[%dma_wait3A_365, %dma_wait3A_366] : memref<10000x128xf32, #tpu.memory_space<hbm>> -> memref<10000x128xf32, #tpu.memory_space<hbm>>
      tpu.wait_indirect_dma semaphore(%arg11 : memref<!tpu.dma_semaphore, #tpu.memory_space<semaphore_mem>>) src(%dma_wait3A_367 : memref<10000x128xf32, #tpu.memory_space<hbm>>) dst(%dma_wait3A_357 : memref<128x128xf32, #tpu.memory_space<vmem>>)
      %run_scoped3A_368 = arith.constant 0 : i32
      "tpu.region"() ({
        %run_scoped3A_426 = tpu.sem_alloc : memref<!tpu.dma_semaphore, #tpu.memory_space<semaphore_mem>>
        %dma_start3A_427 = arith.constant 0 : i32
        %dma_start3A_428 = arith.constant 0 : i32
        %dma_start3A_429 = tpu.memref_slice %arg9[%run_scoped3A_368, %dma_start3A_427, %dma_start3A_428] : memref<2x128x128xf32, #tpu.memory_space<vmem>> -> memref<1x128x128xf32, #tpu.memory_space<vmem>>
        %dma_start3A_430 = tpu.memref_squeeze %dma_start3A_429 : memref<1x128x128xf32, #tpu.memory_space<vmem>> -> memref<128x128xf32, #tpu.memory_space<vmem>>
        %dma_start3A_431 = arith.constant 0 : i32
        %dma_start3A_432 = tpu.memref_slice %arg8[%mul3A_351, %dma_start3A_431] : memref<40x128xi32, #tpu.memory_space<vmem>> -> memref<1x128xi32, #tpu.memory_space<vmem>>
        %dma_start3A_433 = tpu.memref_squeeze %dma_start3A_432 : memref<1x128xi32, #tpu.memory_space<vmem>> -> memref<128xi32, #tpu.memory_space<vmem>>
        %dma_start3A_434 = arith.constant 0 : i32
        %dma_start3A_435 = arith.constant 0 : i32
        %dma_start3A_436 = tpu.memref_slice %arg10[%dma_start3A_434, %dma_start3A_435] : memref<10112x128xf32, #tpu.memory_space<vmem_shared>> -> memref<10112x128xf32, #tpu.memory_space<vmem_shared>>
        tpu.enqueue_indirect_dma source(%dma_start3A_430 : memref<128x128xf32, #tpu.memory_space<vmem>>) target(%dma_start3A_436 : memref<10112x128xf32, #tpu.memory_space<vmem_shared>>) offsets(%dma_start3A_433 : memref<128xi32, #tpu.memory_space<vmem>>) semaphore(%run_scoped3A_426 : memref<!tpu.dma_semaphore, #tpu.memory_space<semaphore_mem>>) {add = true}
        %dma_wait3A_437 = arith.constant 0 : i32
        %dma_wait3A_438 = arith.constant 0 : i32
        %dma_wait3A_439 = tpu.memref_slice %arg9[%run_scoped3A_368, %dma_wait3A_437, %dma_wait3A_438] : memref<2x128x128xf32, #tpu.memory_space<vmem>> -> memref<1x128x128xf32, #tpu.memory_space<vmem>>
        %dma_wait3A_440 = tpu.memref_squeeze %dma_wait3A_439 : memref<1x128x128xf32, #tpu.memory_space<vmem>> -> memref<128x128xf32, #tpu.memory_space<vmem>>
        %dma_wait3A_441 = arith.constant 0 : i32
        %dma_wait3A_442 = tpu.memref_slice %arg8[%mul3A_351, %dma_wait3A_441] : memref<40x128xi32, #tpu.memory_space<vmem>> -> memref<1x128xi32, #tpu.memory_space<vmem>>
        %dma_wait3A_443 = tpu.memref_squeeze %dma_wait3A_442 : memref<1x128xi32, #tpu.memory_space<vmem>> -> memref<128xi32, #tpu.memory_space<vmem>>
        %dma_wait3A_444 = arith.constant 0 : i32
        %dma_wait3A_445 = arith.constant 0 : i32
        %dma_wait3A_446 = tpu.memref_slice %arg10[%dma_wait3A_444, %dma_wait3A_445] : memref<10112x128xf32, #tpu.memory_space<vmem_shared>> -> memref<10112x128xf32, #tpu.memory_space<vmem_shared>>
        tpu.wait_indirect_dma semaphore(%run_scoped3A_426 : memref<!tpu.dma_semaphore, #tpu.memory_space<semaphore_mem>>) src(%dma_wait3A_440 : memref<128x128xf32, #tpu.memory_space<vmem>>) dst(%dma_wait3A_446 : memref<10112x128xf32, #tpu.memory_space<vmem_shared>>)
        tpu.yield
      }) : () -> ()
      %add3A_369 = arith.constant 2 : i32
      %add3A_370 = arith.addi %mul3A_351, %add3A_369 : i32
      %dma_start3A_371 = arith.constant 0 : i32
      %dma_start3A_372 = arith.constant 0 : i32
      %dma_start3A_373 = arith.constant 0 : i32
      %dma_start3A_374 = arith.constant 0 : i32
      %dma_start3A_375 = tpu.memref_slice %arg9[%dma_start3A_372, %dma_start3A_373, %dma_start3A_374] : memref<2x128x128xf32, #tpu.memory_space<vmem>> -> memref<1x128x128xf32, #tpu.memory_space<vmem>>
      %dma_start3A_376 = tpu.memref_squeeze %dma_start3A_375 : memref<1x128x128xf32, #tpu.memory_space<vmem>> -> memref<128x128xf32, #tpu.memory_space<vmem>>
      %dma_start3A_377 = arith.constant 0 : i32
      %dma_start3A_378 = tpu.memref_slice %arg7[%add3A_370, %dma_start3A_377] : memref<40x128xi32, #tpu.memory_space<vmem>> -> memref<1x128xi32, #tpu.memory_space<vmem>>
      %dma_start3A_379 = tpu.memref_squeeze %dma_start3A_378 : memref<1x128xi32, #tpu.memory_space<vmem>> -> memref<128xi32, #tpu.memory_space<vmem>>
      %dma_start3A_380 = arith.constant 0 : i32
      %dma_start3A_381 = arith.constant 0 : i32
      %dma_start3A_382 = tpu.memref_slice %arg2[%dma_start3A_371, %dma_start3A_380, %dma_start3A_381] : memref<4x10000x128xf32, #tpu.memory_space<hbm>> -> memref<1x10000x128xf32, #tpu.memory_space<hbm>>
      %dma_start3A_383 = tpu.memref_squeeze %dma_start3A_382 : memref<1x10000x128xf32, #tpu.memory_space<hbm>> -> memref<10000x128xf32, #tpu.memory_space<hbm>>
      %dma_start3A_384 = arith.constant 0 : i32
      %dma_start3A_385 = arith.constant 0 : i32
      %dma_start3A_386 = tpu.memref_slice %dma_start3A_383[%dma_start3A_384, %dma_start3A_385] : memref<10000x128xf32, #tpu.memory_space<hbm>> -> memref<10000x128xf32, #tpu.memory_space<hbm>>
      tpu.enqueue_indirect_dma source(%dma_start3A_386 : memref<10000x128xf32, #tpu.memory_space<hbm>>) target(%dma_start3A_376 : memref<128x128xf32, #tpu.memory_space<vmem>>) offsets(%dma_start3A_379 : memref<128xi32, #tpu.memory_space<vmem>>) semaphore(%arg11 : memref<!tpu.dma_semaphore, #tpu.memory_space<semaphore_mem>>)
      %add3A_387 = arith.constant 1 : i32
      %add3A_388 = arith.addi %mul3A_351, %add3A_387 : i32
      %dma_wait3A_389 = arith.constant 0 : i32
      %dma_wait3A_390 = arith.constant 1 : i32
      %dma_wait3A_391 = arith.constant 0 : i32
      %dma_wait3A_392 = arith.constant 0 : i32
      %dma_wait3A_393 = tpu.memref_slice %arg9[%dma_wait3A_390, %dma_wait3A_391, %dma_wait3A_392] : memref<2x128x128xf32, #tpu.memory_space<vmem>> -> memref<1x128x128xf32, #tpu.memory_space<vmem>>
      %dma_wait3A_394 = tpu.memref_squeeze %dma_wait3A_393 : memref<1x128x128xf32, #tpu.memory_space<vmem>> -> memref<128x128xf32, #tpu.memory_space<vmem>>
      %dma_wait3A_395 = arith.constant 0 : i32
      %dma_wait3A_396 = tpu.memref_slice %arg7[%add3A_388, %dma_wait3A_395] : memref<40x128xi32, #tpu.memory_space<vmem>> -> memref<1x128xi32, #tpu.memory_space<vmem>>
      %dma_wait3A_397 = tpu.memref_squeeze %dma_wait3A_396 : memref<1x128xi32, #tpu.memory_space<vmem>> -> memref<128xi32, #tpu.memory_space<vmem>>
      %dma_wait3A_398 = arith.constant 0 : i32
      %dma_wait3A_399 = arith.constant 0 : i32
      %dma_wait3A_400 = tpu.memref_slice %arg2[%dma_wait3A_389, %dma_wait3A_398, %dma_wait3A_399] : memref<4x10000x128xf32, #tpu.memory_space<hbm>> -> memref<1x10000x128xf32, #tpu.memory_space<hbm>>
      %dma_wait3A_401 = tpu.memref_squeeze %dma_wait3A_400 : memref<1x10000x128xf32, #tpu.memory_space<hbm>> -> memref<10000x128xf32, #tpu.memory_space<hbm>>
      %dma_wait3A_402 = arith.constant 0 : i32
      %dma_wait3A_403 = arith.constant 0 : i32
      %dma_wait3A_404 = tpu.memref_slice %dma_wait3A_401[%dma_wait3A_402, %dma_wait3A_403] : memref<10000x128xf32, #tpu.memory_space<hbm>> -> memref<10000x128xf32, #tpu.memory_space<hbm>>
      tpu.wait_indirect_dma semaphore(%arg12 : memref<!tpu.dma_semaphore, #tpu.memory_space<semaphore_mem>>) src(%dma_wait3A_404 : memref<10000x128xf32, #tpu.memory_space<hbm>>) dst(%dma_wait3A_394 : memref<128x128xf32, #tpu.memory_space<vmem>>)
      %add3A_405 = arith.constant 1 : i32
      %add3A_406 = arith.addi %mul3A_351, %add3A_405 : i32
      %run_scoped3A_407 = arith.constant 1 : i32
      "tpu.region"() ({
        %run_scoped3A_426 = tpu.sem_alloc : memref<!tpu.dma_semaphore, #tpu.memory_space<semaphore_mem>>
        %dma_start3A_427 = arith.constant 0 : i32
        %dma_start3A_428 = arith.constant 0 : i32
        %dma_start3A_429 = tpu.memref_slice %arg9[%run_scoped3A_407, %dma_start3A_427, %dma_start3A_428] : memref<2x128x128xf32, #tpu.memory_space<vmem>> -> memref<1x128x128xf32, #tpu.memory_space<vmem>>
        %dma_start3A_430 = tpu.memref_squeeze %dma_start3A_429 : memref<1x128x128xf32, #tpu.memory_space<vmem>> -> memref<128x128xf32, #tpu.memory_space<vmem>>
        %dma_start3A_431 = arith.constant 0 : i32
        %dma_start3A_432 = tpu.memref_slice %arg8[%add3A_406, %dma_start3A_431] : memref<40x128xi32, #tpu.memory_space<vmem>> -> memref<1x128xi32, #tpu.memory_space<vmem>>
        %dma_start3A_433 = tpu.memref_squeeze %dma_start3A_432 : memref<1x128xi32, #tpu.memory_space<vmem>> -> memref<128xi32, #tpu.memory_space<vmem>>
        %dma_start3A_434 = arith.constant 0 : i32
        %dma_start3A_435 = arith.constant 0 : i32
        %dma_start3A_436 = tpu.memref_slice %arg10[%dma_start3A_434, %dma_start3A_435] : memref<10112x128xf32, #tpu.memory_space<vmem_shared>> -> memref<10112x128xf32, #tpu.memory_space<vmem_shared>>
        tpu.enqueue_indirect_dma source(%dma_start3A_430 : memref<128x128xf32, #tpu.memory_space<vmem>>) target(%dma_start3A_436 : memref<10112x128xf32, #tpu.memory_space<vmem_shared>>) offsets(%dma_start3A_433 : memref<128xi32, #tpu.memory_space<vmem>>) semaphore(%run_scoped3A_426 : memref<!tpu.dma_semaphore, #tpu.memory_space<semaphore_mem>>) {add = true}
        %dma_wait3A_437 = arith.constant 0 : i32
        %dma_wait3A_438 = arith.constant 0 : i32
        %dma_wait3A_439 = tpu.memref_slice %arg9[%run_scoped3A_407, %dma_wait3A_437, %dma_wait3A_438] : memref<2x128x128xf32, #tpu.memory_space<vmem>> -> memref<1x128x128xf32, #tpu.memory_space<vmem>>
        %dma_wait3A_440 = tpu.memref_squeeze %dma_wait3A_439 : memref<1x128x128xf32, #tpu.memory_space<vmem>> -> memref<128x128xf32, #tpu.memory_space<vmem>>
        %dma_wait3A_441 = arith.constant 0 : i32
        %dma_wait3A_442 = tpu.memref_slice %arg8[%add3A_406, %dma_wait3A_441] : memref<40x128xi32, #tpu.memory_space<vmem>> -> memref<1x128xi32, #tpu.memory_space<vmem>>
        %dma_wait3A_443 = tpu.memref_squeeze %dma_wait3A_442 : memref<1x128xi32, #tpu.memory_space<vmem>> -> memref<128xi32, #tpu.memory_space<vmem>>
        %dma_wait3A_444 = arith.constant 0 : i32
        %dma_wait3A_445 = arith.constant 0 : i32
        %dma_wait3A_446 = tpu.memref_slice %arg10[%dma_wait3A_444, %dma_wait3A_445] : memref<10112x128xf32, #tpu.memory_space<vmem_shared>> -> memref<10112x128xf32, #tpu.memory_space<vmem_shared>>
        tpu.wait_indirect_dma semaphore(%run_scoped3A_426 : memref<!tpu.dma_semaphore, #tpu.memory_space<semaphore_mem>>) src(%dma_wait3A_440 : memref<128x128xf32, #tpu.memory_space<vmem>>) dst(%dma_wait3A_446 : memref<10112x128xf32, #tpu.memory_space<vmem_shared>>)
        tpu.yield
      }) : () -> ()
      %add3A_408 = arith.constant 3 : i32
      %add3A_409 = arith.addi %mul3A_351, %add3A_408 : i32
      %dma_start3A_410 = arith.constant 0 : i32
      %dma_start3A_411 = arith.constant 1 : i32
      %dma_start3A_412 = arith.constant 0 : i32
      %dma_start3A_413 = arith.constant 0 : i32
      %dma_start3A_414 = tpu.memref_slice %arg9[%dma_start3A_411, %dma_start3A_412, %dma_start3A_413] : memref<2x128x128xf32, #tpu.memory_space<vmem>> -> memref<1x128x128xf32, #tpu.memory_space<vmem>>
      %dma_start3A_415 = tpu.memref_squeeze %dma_start3A_414 : memref<1x128x128xf32, #tpu.memory_space<vmem>> -> memref<128x128xf32, #tpu.memory_space<vmem>>
      %dma_start3A_416 = arith.constant 0 : i32
      %dma_start3A_417 = tpu.memref_slice %arg7[%add3A_409, %dma_start3A_416] : memref<40x128xi32, #tpu.memory_space<vmem>> -> memref<1x128xi32, #tpu.memory_space<vmem>>
      %dma_start3A_418 = tpu.memref_squeeze %dma_start3A_417 : memref<1x128xi32, #tpu.memory_space<vmem>> -> memref<128xi32, #tpu.memory_space<vmem>>
      %dma_start3A_419 = arith.constant 0 : i32
      %dma_start3A_420 = arith.constant 0 : i32
      %dma_start3A_421 = tpu.memref_slice %arg2[%dma_start3A_410, %dma_start3A_419, %dma_start3A_420] : memref<4x10000x128xf32, #tpu.memory_space<hbm>> -> memref<1x10000x128xf32, #tpu.memory_space<hbm>>
      %dma_start3A_422 = tpu.memref_squeeze %dma_start3A_421 : memref<1x10000x128xf32, #tpu.memory_space<hbm>> -> memref<10000x128xf32, #tpu.memory_space<hbm>>
      %dma_start3A_423 = arith.constant 0 : i32
      %dma_start3A_424 = arith.constant 0 : i32
      %dma_start3A_425 = tpu.memref_slice %dma_start3A_422[%dma_start3A_423, %dma_start3A_424] : memref<10000x128xf32, #tpu.memory_space<hbm>> -> memref<10000x128xf32, #tpu.memory_space<hbm>>
      tpu.enqueue_indirect_dma source(%dma_start3A_425 : memref<10000x128xf32, #tpu.memory_space<hbm>>) target(%dma_start3A_415 : memref<128x128xf32, #tpu.memory_space<vmem>>) offsets(%dma_start3A_418 : memref<128xi32, #tpu.memory_space<vmem>>) semaphore(%arg12 : memref<!tpu.dma_semaphore, #tpu.memory_space<semaphore_mem>>)
    }
    %scan3A_41 = arith.constant 19 : i32
    %dma_wait3A = arith.constant 0 : i32
    %dma_wait3A_42 = arith.constant 38 : i32
    %dma_wait3A_43 = arith.constant 0 : i32
    %dma_wait3A_44 = arith.constant 0 : i32
    %dma_wait3A_45 = arith.constant 0 : i32
    %dma_wait3A_46 = tpu.memref_slice %arg9[%dma_wait3A_43, %dma_wait3A_44, %dma_wait3A_45] : memref<2x128x128xf32, #tpu.memory_space<vmem>> -> memref<1x128x128xf32, #tpu.memory_space<vmem>>
    %dma_wait3A_47 = tpu.memref_squeeze %dma_wait3A_46 : memref<1x128x128xf32, #tpu.memory_space<vmem>> -> memref<128x128xf32, #tpu.memory_space<vmem>>
    %dma_wait3A_48 = arith.constant 0 : i32
    %dma_wait3A_49 = tpu.memref_slice %arg7[%dma_wait3A_42, %dma_wait3A_48] : memref<40x128xi32, #tpu.memory_space<vmem>> -> memref<1x128xi32, #tpu.memory_space<vmem>>
    %dma_wait3A_50 = tpu.memref_squeeze %dma_wait3A_49 : memref<1x128xi32, #tpu.memory_space<vmem>> -> memref<128xi32, #tpu.memory_space<vmem>>
    %dma_wait3A_51 = arith.constant 0 : i32
    %dma_wait3A_52 = arith.constant 0 : i32
    %dma_wait3A_53 = tpu.memref_slice %arg2[%dma_wait3A, %dma_wait3A_51, %dma_wait3A_52] : memref<4x10000x128xf32, #tpu.memory_space<hbm>> -> memref<1x10000x128xf32, #tpu.memory_space<hbm>>
    %dma_wait3A_54 = tpu.memref_squeeze %dma_wait3A_53 : memref<1x10000x128xf32, #tpu.memory_space<hbm>> -> memref<10000x128xf32, #tpu.memory_space<hbm>>
    %dma_wait3A_55 = arith.constant 0 : i32
    %dma_wait3A_56 = arith.constant 0 : i32
    %dma_wait3A_57 = tpu.memref_slice %dma_wait3A_54[%dma_wait3A_55, %dma_wait3A_56] : memref<10000x128xf32, #tpu.memory_space<hbm>> -> memref<10000x128xf32, #tpu.memory_space<hbm>>
    tpu.wait_indirect_dma semaphore(%arg11 : memref<!tpu.dma_semaphore, #tpu.memory_space<semaphore_mem>>) src(%dma_wait3A_57 : memref<10000x128xf32, #tpu.memory_space<hbm>>) dst(%dma_wait3A_47 : memref<128x128xf32, #tpu.memory_space<vmem>>)
    %run_scoped3A = arith.constant 0 : i32
    %run_scoped3A_58 = arith.constant 38 : i32
    "tpu.region"() ({
      %run_scoped3A_345 = tpu.sem_alloc : memref<!tpu.dma_semaphore, #tpu.memory_space<semaphore_mem>>
      %dma_start3A_346 = arith.constant 0 : i32
      %dma_start3A_347 = arith.constant 0 : i32
      %dma_start3A_348 = tpu.memref_slice %arg9[%run_scoped3A, %dma_start3A_346, %dma_start3A_347] : memref<2x128x128xf32, #tpu.memory_space<vmem>> -> memref<1x128x128xf32, #tpu.memory_space<vmem>>
      %dma_start3A_349 = tpu.memref_squeeze %dma_start3A_348 : memref<1x128x128xf32, #tpu.memory_space<vmem>> -> memref<128x128xf32, #tpu.memory_space<vmem>>
      %dma_start3A_350 = arith.constant 0 : i32
      %dma_start3A_351 = tpu.memref_slice %arg8[%run_scoped3A_58, %dma_start3A_350] : memref<40x128xi32, #tpu.memory_space<vmem>> -> memref<1x128xi32, #tpu.memory_space<vmem>>
      %dma_start3A_352 = tpu.memref_squeeze %dma_start3A_351 : memref<1x128xi32, #tpu.memory_space<vmem>> -> memref<128xi32, #tpu.memory_space<vmem>>
      %dma_start3A_353 = arith.constant 0 : i32
      %dma_start3A_354 = arith.constant 0 : i32
      %dma_start3A_355 = tpu.memref_slice %arg10[%dma_start3A_353, %dma_start3A_354] : memref<10112x128xf32, #tpu.memory_space<vmem_shared>> -> memref<10112x128xf32, #tpu.memory_space<vmem_shared>>
      tpu.enqueue_indirect_dma source(%dma_start3A_349 : memref<128x128xf32, #tpu.memory_space<vmem>>) target(%dma_start3A_355 : memref<10112x128xf32, #tpu.memory_space<vmem_shared>>) offsets(%dma_start3A_352 : memref<128xi32, #tpu.memory_space<vmem>>) semaphore(%run_scoped3A_345 : memref<!tpu.dma_semaphore, #tpu.memory_space<semaphore_mem>>) {add = true}
      %dma_wait3A_356 = arith.constant 0 : i32
      %dma_wait3A_357 = arith.constant 0 : i32
      %dma_wait3A_358 = tpu.memref_slice %arg9[%run_scoped3A, %dma_wait3A_356, %dma_wait3A_357] : memref<2x128x128xf32, #tpu.memory_space<vmem>> -> memref<1x128x128xf32, #tpu.memory_space<vmem>>
      %dma_wait3A_359 = tpu.memref_squeeze %dma_wait3A_358 : memref<1x128x128xf32, #tpu.memory_space<vmem>> -> memref<128x128xf32, #tpu.memory_space<vmem>>
      %dma_wait3A_360 = arith.constant 0 : i32
      %dma_wait3A_361 = tpu.memref_slice %arg8[%run_scoped3A_58, %dma_wait3A_360] : memref<40x128xi32, #tpu.memory_space<vmem>> -> memref<1x128xi32, #tpu.memory_space<vmem>>
      %dma_wait3A_362 = tpu.memref_squeeze %dma_wait3A_361 : memref<1x128xi32, #tpu.memory_space<vmem>> -> memref<128xi32, #tpu.memory_space<vmem>>
      %dma_wait3A_363 = arith.constant 0 : i32
      %dma_wait3A_364 = arith.constant 0 : i32
      %dma_wait3A_365 = tpu.memref_slice %arg10[%dma_wait3A_363, %dma_wait3A_364] : memref<10112x128xf32, #tpu.memory_space<vmem_shared>> -> memref<10112x128xf32, #tpu.memory_space<vmem_shared>>
      tpu.wait_indirect_dma semaphore(%run_scoped3A_345 : memref<!tpu.dma_semaphore, #tpu.memory_space<semaphore_mem>>) src(%dma_wait3A_359 : memref<128x128xf32, #tpu.memory_space<vmem>>) dst(%dma_wait3A_365 : memref<10112x128xf32, #tpu.memory_space<vmem_shared>>)
      tpu.yield
    }) : () -> ()
    %dma_wait3A_59 = arith.constant 0 : i32
    %dma_wait3A_60 = arith.constant 39 : i32
    %dma_wait3A_61 = arith.constant 1 : i32
    %dma_wait3A_62 = arith.constant 0 : i32
    %dma_wait3A_63 = arith.constant 0 : i32
    %dma_wait3A_64 = tpu.memref_slice %arg9[%dma_wait3A_61, %dma_wait3A_62, %dma_wait3A_63] : memref<2x128x128xf32, #tpu.memory_space<vmem>> -> memref<1x128x128xf32, #tpu.memory_space<vmem>>
    %dma_wait3A_65 = tpu.memref_squeeze %dma_wait3A_64 : memref<1x128x128xf32, #tpu.memory_space<vmem>> -> memref<128x128xf32, #tpu.memory_space<vmem>>
    %dma_wait3A_66 = arith.constant 0 : i32
    %dma_wait3A_67 = tpu.memref_slice %arg7[%dma_wait3A_60, %dma_wait3A_66] : memref<40x128xi32, #tpu.memory_space<vmem>> -> memref<1x128xi32, #tpu.memory_space<vmem>>
    %dma_wait3A_68 = tpu.memref_squeeze %dma_wait3A_67 : memref<1x128xi32, #tpu.memory_space<vmem>> -> memref<128xi32, #tpu.memory_space<vmem>>
    %dma_wait3A_69 = arith.constant 0 : i32
    %dma_wait3A_70 = arith.constant 0 : i32
    %dma_wait3A_71 = tpu.memref_slice %arg2[%dma_wait3A_59, %dma_wait3A_69, %dma_wait3A_70] : memref<4x10000x128xf32, #tpu.memory_space<hbm>> -> memref<1x10000x128xf32, #tpu.memory_space<hbm>>
    %dma_wait3A_72 = tpu.memref_squeeze %dma_wait3A_71 : memref<1x10000x128xf32, #tpu.memory_space<hbm>> -> memref<10000x128xf32, #tpu.memory_space<hbm>>
    %dma_wait3A_73 = arith.constant 0 : i32
    %dma_wait3A_74 = arith.constant 0 : i32
    %dma_wait3A_75 = tpu.memref_slice %dma_wait3A_72[%dma_wait3A_73, %dma_wait3A_74] : memref<10000x128xf32, #tpu.memory_space<hbm>> -> memref<10000x128xf32, #tpu.memory_space<hbm>>
    tpu.wait_indirect_dma semaphore(%arg12 : memref<!tpu.dma_semaphore, #tpu.memory_space<semaphore_mem>>) src(%dma_wait3A_75 : memref<10000x128xf32, #tpu.memory_space<hbm>>) dst(%dma_wait3A_65 : memref<128x128xf32, #tpu.memory_space<vmem>>)
    %run_scoped3A_76 = arith.constant 1 : i32
    %run_scoped3A_77 = arith.constant 39 : i32
    "tpu.region"() ({
      %run_scoped3A_345 = tpu.sem_alloc : memref<!tpu.dma_semaphore, #tpu.memory_space<semaphore_mem>>
      %dma_start3A_346 = arith.constant 0 : i32
      %dma_start3A_347 = arith.constant 0 : i32
      %dma_start3A_348 = tpu.memref_slice %arg9[%run_scoped3A_76, %dma_start3A_346, %dma_start3A_347] : memref<2x128x128xf32, #tpu.memory_space<vmem>> -> memref<1x128x128xf32, #tpu.memory_space<vmem>>
      %dma_start3A_349 = tpu.memref_squeeze %dma_start3A_348 : memref<1x128x128xf32, #tpu.memory_space<vmem>> -> memref<128x128xf32, #tpu.memory_space<vmem>>
      %dma_start3A_350 = arith.constant 0 : i32
      %dma_start3A_351 = tpu.memref_slice %arg8[%run_scoped3A_77, %dma_start3A_350] : memref<40x128xi32, #tpu.memory_space<vmem>> -> memref<1x128xi32, #tpu.memory_space<vmem>>
      %dma_start3A_352 = tpu.memref_squeeze %dma_start3A_351 : memref<1x128xi32, #tpu.memory_space<vmem>> -> memref<128xi32, #tpu.memory_space<vmem>>
      %dma_start3A_353 = arith.constant 0 : i32
      %dma_start3A_354 = arith.constant 0 : i32
      %dma_start3A_355 = tpu.memref_slice %arg10[%dma_start3A_353, %dma_start3A_354] : memref<10112x128xf32, #tpu.memory_space<vmem_shared>> -> memref<10112x128xf32, #tpu.memory_space<vmem_shared>>
      tpu.enqueue_indirect_dma source(%dma_start3A_349 : memref<128x128xf32, #tpu.memory_space<vmem>>) target(%dma_start3A_355 : memref<10112x128xf32, #tpu.memory_space<vmem_shared>>) offsets(%dma_start3A_352 : memref<128xi32, #tpu.memory_space<vmem>>) semaphore(%run_scoped3A_345 : memref<!tpu.dma_semaphore, #tpu.memory_space<semaphore_mem>>) {add = true}
      %dma_wait3A_356 = arith.constant 0 : i32
      %dma_wait3A_357 = arith.constant 0 : i32
      %dma_wait3A_358 = tpu.memref_slice %arg9[%run_scoped3A_76, %dma_wait3A_356, %dma_wait3A_357] : memref<2x128x128xf32, #tpu.memory_space<vmem>> -> memref<1x128x128xf32, #tpu.memory_space<vmem>>
      %dma_wait3A_359 = tpu.memref_squeeze %dma_wait3A_358 : memref<1x128x128xf32, #tpu.memory_space<vmem>> -> memref<128x128xf32, #tpu.memory_space<vmem>>
      %dma_wait3A_360 = arith.constant 0 : i32
      %dma_wait3A_361 = tpu.memref_slice %arg8[%run_scoped3A_77, %dma_wait3A_360] : memref<40x128xi32, #tpu.memory_space<vmem>> -> memref<1x128xi32, #tpu.memory_space<vmem>>
      %dma_wait3A_362 = tpu.memref_squeeze %dma_wait3A_361 : memref<1x128xi32, #tpu.memory_space<vmem>> -> memref<128xi32, #tpu.memory_space<vmem>>
      %dma_wait3A_363 = arith.constant 0 : i32
      %dma_wait3A_364 = arith.constant 0 : i32
      %dma_wait3A_365 = tpu.memref_slice %arg10[%dma_wait3A_363, %dma_wait3A_364] : memref<10112x128xf32, #tpu.memory_space<vmem_shared>> -> memref<10112x128xf32, #tpu.memory_space<vmem_shared>>
      tpu.wait_indirect_dma semaphore(%run_scoped3A_345 : memref<!tpu.dma_semaphore, #tpu.memory_space<semaphore_mem>>) src(%dma_wait3A_359 : memref<128x128xf32, #tpu.memory_space<vmem>>) dst(%dma_wait3A_365 : memref<10112x128xf32, #tpu.memory_space<vmem_shared>>)
      tpu.yield
    }) : () -> ()
    %barrier3A_78 = arith.constant 0 : index
    tpu.barrier barrier_id(%barrier3A_78)
    %mul3A_79 = arith.constant 632 : i32
    %mul3A_80 = arith.muli %arg1, %mul3A_79 : i32
    %mul3A_81 = arith.constant 632 : i32
    %mul3A_82 = arith.muli %arg1, %mul3A_81 : i32
    %run_scoped3A_83 = arith.constant 0 : i32
    "tpu.region"() ({
      %run_scoped3A_345 = tpu.sem_alloc : memref<!tpu.dma_semaphore, #tpu.memory_space<semaphore_mem>>
      %dma_start3A_346 = arith.constant 0 : i32
      %dma_start3A_347 = tpu.memref_slice %arg6[%arg0, %run_scoped3A_83, %mul3A_82, %dma_start3A_346] : memref<2x4x10112x128xf32, #tpu.memory_space<hbm>> -> memref<1x1x632x128xf32, #tpu.memory_space<hbm>>
      %dma_start3A_348 = tpu.memref_squeeze %dma_start3A_347 : memref<1x1x632x128xf32, #tpu.memory_space<hbm>> -> memref<632x128xf32, #tpu.memory_space<hbm>>
      %dma_start3A_349 = arith.constant 0 : i32
      %dma_start3A_350 = tpu.memref_slice %arg10[%mul3A_80, %dma_start3A_349] : memref<10112x128xf32, #tpu.memory_space<vmem_shared>> -> memref<632x128xf32, #tpu.memory_space<vmem_shared>>
      tpu.enqueue_dma source(%dma_start3A_350 : memref<632x128xf32, #tpu.memory_space<vmem_shared>>) target(%dma_start3A_348 : memref<632x128xf32, #tpu.memory_space<hbm>>) target_semaphore(%run_scoped3A_345 : memref<!tpu.dma_semaphore, #tpu.memory_space<semaphore_mem>>)
      %dma_wait3A_351 = arith.constant 0 : i32
      %dma_wait3A_352 = tpu.memref_slice %arg6[%arg0, %run_scoped3A_83, %mul3A_82, %dma_wait3A_351] : memref<2x4x10112x128xf32, #tpu.memory_space<hbm>> -> memref<1x1x632x128xf32, #tpu.memory_space<hbm>>
      %dma_wait3A_353 = tpu.memref_squeeze %dma_wait3A_352 : memref<1x1x632x128xf32, #tpu.memory_space<hbm>> -> memref<632x128xf32, #tpu.memory_space<hbm>>
      %dma_wait3A_354 = arith.constant 0 : i32
      %dma_wait3A_355 = tpu.memref_slice %arg10[%mul3A_80, %dma_wait3A_354] : memref<10112x128xf32, #tpu.memory_space<vmem_shared>> -> memref<632x128xf32, #tpu.memory_space<vmem_shared>>
      tpu.wait_dma2 semaphore(%run_scoped3A_345 : memref<!tpu.dma_semaphore, #tpu.memory_space<semaphore_mem>>) src(%dma_wait3A_355 : memref<632x128xf32, #tpu.memory_space<vmem_shared>>) dst(%dma_wait3A_353 : memref<632x128xf32, #tpu.memory_space<hbm>>)
      tpu.yield
    }) : () -> ()
    %barrier3A_84 = arith.constant 0 : index
    tpu.barrier barrier_id(%barrier3A_84)
    %mul3A_85 = arith.constant 632 : i32
    %mul3A_86 = arith.muli %arg1, %mul3A_85 : i32
    "tpu.region"() ({
      %run_scoped3A_345 = tpu.sem_alloc : memref<!tpu.dma_semaphore, #tpu.memory_space<semaphore_mem>>
      %dma_start3A_346 = arith.constant 0 : i32
      %dma_start3A_347 = tpu.memref_slice %arg10[%mul3A_86, %dma_start3A_346] : memref<10112x128xf32, #tpu.memory_space<vmem_shared>> -> memref<632x128xf32, #tpu.memory_space<vmem_shared>>
      tpu.enqueue_dma source(%arg5 : memref<632x128xf32, #tpu.memory_space<hbm>>) target(%dma_start3A_347 : memref<632x128xf32, #tpu.memory_space<vmem_shared>>) target_semaphore(%run_scoped3A_345 : memref<!tpu.dma_semaphore, #tpu.memory_space<semaphore_mem>>)
      %dma_wait3A_348 = arith.constant 0 : i32
      %dma_wait3A_349 = tpu.memref_slice %arg10[%mul3A_86, %dma_wait3A_348] : memref<10112x128xf32, #tpu.memory_space<vmem_shared>> -> memref<632x128xf32, #tpu.memory_space<vmem_shared>>
      tpu.wait_dma2 semaphore(%run_scoped3A_345 : memref<!tpu.dma_semaphore, #tpu.memory_space<semaphore_mem>>) src(%arg5 : memref<632x128xf32, #tpu.memory_space<hbm>>) dst(%dma_wait3A_349 : memref<632x128xf32, #tpu.memory_space<vmem_shared>>)
      tpu.yield
    }) : () -> ()
    %barrier3A_87 = arith.constant 0 : index
    tpu.barrier barrier_id(%barrier3A_87)
    %dma_start3A_88 = arith.constant 1 : i32
    %dma_start3A_89 = arith.constant 0 : i32
    %dma_start3A_90 = arith.constant 0 : i32
    %dma_start3A_91 = arith.constant 0 : i32
    %dma_start3A_92 = arith.constant 0 : i32
    %dma_start3A_93 = tpu.memref_slice %arg9[%dma_start3A_90, %dma_start3A_91, %dma_start3A_92] : memref<2x128x128xf32, #tpu.memory_space<vmem>> -> memref<1x128x128xf32, #tpu.memory_space<vmem>>
    %dma_start3A_94 = tpu.memref_squeeze %dma_start3A_93 : memref<1x128x128xf32, #tpu.memory_space<vmem>> -> memref<128x128xf32, #tpu.memory_space<vmem>>
    %dma_start3A_95 = arith.constant 0 : i32
    %dma_start3A_96 = tpu.memref_slice %arg7[%dma_start3A_89, %dma_start3A_95] : memref<40x128xi32, #tpu.memory_space<vmem>> -> memref<1x128xi32, #tpu.memory_space<vmem>>
    %dma_start3A_97 = tpu.memref_squeeze %dma_start3A_96 : memref<1x128xi32, #tpu.memory_space<vmem>> -> memref<128xi32, #tpu.memory_space<vmem>>
    %dma_start3A_98 = arith.constant 0 : i32
    %dma_start3A_99 = arith.constant 0 : i32
    %dma_start3A_100 = tpu.memref_slice %arg2[%dma_start3A_88, %dma_start3A_98, %dma_start3A_99] : memref<4x10000x128xf32, #tpu.memory_space<hbm>> -> memref<1x10000x128xf32, #tpu.memory_space<hbm>>
    %dma_start3A_101 = tpu.memref_squeeze %dma_start3A_100 : memref<1x10000x128xf32, #tpu.memory_space<hbm>> -> memref<10000x128xf32, #tpu.memory_space<hbm>>
    %dma_start3A_102 = arith.constant 0 : i32
    %dma_start3A_103 = arith.constant 0 : i32
    %dma_start3A_104 = tpu.memref_slice %dma_start3A_101[%dma_start3A_102, %dma_start3A_103] : memref<10000x128xf32, #tpu.memory_space<hbm>> -> memref<10000x128xf32, #tpu.memory_space<hbm>>
    tpu.enqueue_indirect_dma source(%dma_start3A_104 : memref<10000x128xf32, #tpu.memory_space<hbm>>) target(%dma_start3A_94 : memref<128x128xf32, #tpu.memory_space<vmem>>) offsets(%dma_start3A_97 : memref<128xi32, #tpu.memory_space<vmem>>) semaphore(%arg11 : memref<!tpu.dma_semaphore, #tpu.memory_space<semaphore_mem>>)
    %dma_start3A_105 = arith.constant 1 : i32
    %dma_start3A_106 = arith.constant 1 : i32
    %dma_start3A_107 = arith.constant 1 : i32
    %dma_start3A_108 = arith.constant 0 : i32
    %dma_start3A_109 = arith.constant 0 : i32
    %dma_start3A_110 = tpu.memref_slice %arg9[%dma_start3A_107, %dma_start3A_108, %dma_start3A_109] : memref<2x128x128xf32, #tpu.memory_space<vmem>> -> memref<1x128x128xf32, #tpu.memory_space<vmem>>
    %dma_start3A_111 = tpu.memref_squeeze %dma_start3A_110 : memref<1x128x128xf32, #tpu.memory_space<vmem>> -> memref<128x128xf32, #tpu.memory_space<vmem>>
    %dma_start3A_112 = arith.constant 0 : i32
    %dma_start3A_113 = tpu.memref_slice %arg7[%dma_start3A_106, %dma_start3A_112] : memref<40x128xi32, #tpu.memory_space<vmem>> -> memref<1x128xi32, #tpu.memory_space<vmem>>
    %dma_start3A_114 = tpu.memref_squeeze %dma_start3A_113 : memref<1x128xi32, #tpu.memory_space<vmem>> -> memref<128xi32, #tpu.memory_space<vmem>>
    %dma_start3A_115 = arith.constant 0 : i32
    %dma_start3A_116 = arith.constant 0 : i32
    %dma_start3A_117 = tpu.memref_slice %arg2[%dma_start3A_105, %dma_start3A_115, %dma_start3A_116] : memref<4x10000x128xf32, #tpu.memory_space<hbm>> -> memref<1x10000x128xf32, #tpu.memory_space<hbm>>
    %dma_start3A_118 = tpu.memref_squeeze %dma_start3A_117 : memref<1x10000x128xf32, #tpu.memory_space<hbm>> -> memref<10000x128xf32, #tpu.memory_space<hbm>>
    %dma_start3A_119 = arith.constant 0 : i32
    %dma_start3A_120 = arith.constant 0 : i32
    %dma_start3A_121 = tpu.memref_slice %dma_start3A_118[%dma_start3A_119, %dma_start3A_120] : memref<10000x128xf32, #tpu.memory_space<hbm>> -> memref<10000x128xf32, #tpu.memory_space<hbm>>
    tpu.enqueue_indirect_dma source(%dma_start3A_121 : memref<10000x128xf32, #tpu.memory_space<hbm>>) target(%dma_start3A_111 : memref<128x128xf32, #tpu.memory_space<vmem>>) offsets(%dma_start3A_114 : memref<128xi32, #tpu.memory_space<vmem>>) semaphore(%arg12 : memref<!tpu.dma_semaphore, #tpu.memory_space<semaphore_mem>>)
    %scan3A_122 = arith.constant 0 : i32
    %scan3A_123 = arith.constant 19 : i32
    %scan3A_124 = arith.addi %scan3A_122, %scan3A_123 : i32
    %scan3A_125 = arith.constant 1 : i32
    scf.for %scan3A_345 = %scan3A_122 to %scan3A_124 step %scan3A_125  : i32 {
      %mul3A_346 = arith.constant 1 : i32
      %mul3A_347 = arith.muli %scan3A_345, %mul3A_346 : i32
      %add3A_348 = arith.constant 0 : i32
      %add3A_349 = arith.addi %add3A_348, %mul3A_347 : i32
      %mul3A_350 = arith.constant 2 : i32
      %mul3A_351 = arith.muli %add3A_349, %mul3A_350 : i32
      %dma_wait3A_352 = arith.constant 1 : i32
      %dma_wait3A_353 = arith.constant 0 : i32
      %dma_wait3A_354 = arith.constant 0 : i32
      %dma_wait3A_355 = arith.constant 0 : i32
      %dma_wait3A_356 = tpu.memref_slice %arg9[%dma_wait3A_353, %dma_wait3A_354, %dma_wait3A_355] : memref<2x128x128xf32, #tpu.memory_space<vmem>> -> memref<1x128x128xf32, #tpu.memory_space<vmem>>
      %dma_wait3A_357 = tpu.memref_squeeze %dma_wait3A_356 : memref<1x128x128xf32, #tpu.memory_space<vmem>> -> memref<128x128xf32, #tpu.memory_space<vmem>>
      %dma_wait3A_358 = arith.constant 0 : i32
      %dma_wait3A_359 = tpu.memref_slice %arg7[%mul3A_351, %dma_wait3A_358] : memref<40x128xi32, #tpu.memory_space<vmem>> -> memref<1x128xi32, #tpu.memory_space<vmem>>
      %dma_wait3A_360 = tpu.memref_squeeze %dma_wait3A_359 : memref<1x128xi32, #tpu.memory_space<vmem>> -> memref<128xi32, #tpu.memory_space<vmem>>
      %dma_wait3A_361 = arith.constant 0 : i32
      %dma_wait3A_362 = arith.constant 0 : i32
      %dma_wait3A_363 = tpu.memref_slice %arg2[%dma_wait3A_352, %dma_wait3A_361, %dma_wait3A_362] : memref<4x10000x128xf32, #tpu.memory_space<hbm>> -> memref<1x10000x128xf32, #tpu.memory_space<hbm>>
      %dma_wait3A_364 = tpu.memref_squeeze %dma_wait3A_363 : memref<1x10000x128xf32, #tpu.memory_space<hbm>> -> memref<10000x128xf32, #tpu.memory_space<hbm>>
      %dma_wait3A_365 = arith.constant 0 : i32
      %dma_wait3A_366 = arith.constant 0 : i32
      %dma_wait3A_367 = tpu.memref_slice %dma_wait3A_364[%dma_wait3A_365, %dma_wait3A_366] : memref<10000x128xf32, #tpu.memory_space<hbm>> -> memref<10000x128xf32, #tpu.memory_space<hbm>>
      tpu.wait_indirect_dma semaphore(%arg11 : memref<!tpu.dma_semaphore, #tpu.memory_space<semaphore_mem>>) src(%dma_wait3A_367 : memref<10000x128xf32, #tpu.memory_space<hbm>>) dst(%dma_wait3A_357 : memref<128x128xf32, #tpu.memory_space<vmem>>)
      %run_scoped3A_368 = arith.constant 0 : i32
      "tpu.region"() ({
        %run_scoped3A_426 = tpu.sem_alloc : memref<!tpu.dma_semaphore, #tpu.memory_space<semaphore_mem>>
        %dma_start3A_427 = arith.constant 0 : i32
        %dma_start3A_428 = arith.constant 0 : i32
        %dma_start3A_429 = tpu.memref_slice %arg9[%run_scoped3A_368, %dma_start3A_427, %dma_start3A_428] : memref<2x128x128xf32, #tpu.memory_space<vmem>> -> memref<1x128x128xf32, #tpu.memory_space<vmem>>
        %dma_start3A_430 = tpu.memref_squeeze %dma_start3A_429 : memref<1x128x128xf32, #tpu.memory_space<vmem>> -> memref<128x128xf32, #tpu.memory_space<vmem>>
        %dma_start3A_431 = arith.constant 0 : i32
        %dma_start3A_432 = tpu.memref_slice %arg8[%mul3A_351, %dma_start3A_431] : memref<40x128xi32, #tpu.memory_space<vmem>> -> memref<1x128xi32, #tpu.memory_space<vmem>>
        %dma_start3A_433 = tpu.memref_squeeze %dma_start3A_432 : memref<1x128xi32, #tpu.memory_space<vmem>> -> memref<128xi32, #tpu.memory_space<vmem>>
        %dma_start3A_434 = arith.constant 0 : i32
        %dma_start3A_435 = arith.constant 0 : i32
        %dma_start3A_436 = tpu.memref_slice %arg10[%dma_start3A_434, %dma_start3A_435] : memref<10112x128xf32, #tpu.memory_space<vmem_shared>> -> memref<10112x128xf32, #tpu.memory_space<vmem_shared>>
        tpu.enqueue_indirect_dma source(%dma_start3A_430 : memref<128x128xf32, #tpu.memory_space<vmem>>) target(%dma_start3A_436 : memref<10112x128xf32, #tpu.memory_space<vmem_shared>>) offsets(%dma_start3A_433 : memref<128xi32, #tpu.memory_space<vmem>>) semaphore(%run_scoped3A_426 : memref<!tpu.dma_semaphore, #tpu.memory_space<semaphore_mem>>) {add = true}
        %dma_wait3A_437 = arith.constant 0 : i32
        %dma_wait3A_438 = arith.constant 0 : i32
        %dma_wait3A_439 = tpu.memref_slice %arg9[%run_scoped3A_368, %dma_wait3A_437, %dma_wait3A_438] : memref<2x128x128xf32, #tpu.memory_space<vmem>> -> memref<1x128x128xf32, #tpu.memory_space<vmem>>
        %dma_wait3A_440 = tpu.memref_squeeze %dma_wait3A_439 : memref<1x128x128xf32, #tpu.memory_space<vmem>> -> memref<128x128xf32, #tpu.memory_space<vmem>>
        %dma_wait3A_441 = arith.constant 0 : i32
        %dma_wait3A_442 = tpu.memref_slice %arg8[%mul3A_351, %dma_wait3A_441] : memref<40x128xi32, #tpu.memory_space<vmem>> -> memref<1x128xi32, #tpu.memory_space<vmem>>
        %dma_wait3A_443 = tpu.memref_squeeze %dma_wait3A_442 : memref<1x128xi32, #tpu.memory_space<vmem>> -> memref<128xi32, #tpu.memory_space<vmem>>
        %dma_wait3A_444 = arith.constant 0 : i32
        %dma_wait3A_445 = arith.constant 0 : i32
        %dma_wait3A_446 = tpu.memref_slice %arg10[%dma_wait3A_444, %dma_wait3A_445] : memref<10112x128xf32, #tpu.memory_space<vmem_shared>> -> memref<10112x128xf32, #tpu.memory_space<vmem_shared>>
        tpu.wait_indirect_dma semaphore(%run_scoped3A_426 : memref<!tpu.dma_semaphore, #tpu.memory_space<semaphore_mem>>) src(%dma_wait3A_440 : memref<128x128xf32, #tpu.memory_space<vmem>>) dst(%dma_wait3A_446 : memref<10112x128xf32, #tpu.memory_space<vmem_shared>>)
        tpu.yield
      }) : () -> ()
      %add3A_369 = arith.constant 2 : i32
      %add3A_370 = arith.addi %mul3A_351, %add3A_369 : i32
      %dma_start3A_371 = arith.constant 1 : i32
      %dma_start3A_372 = arith.constant 0 : i32
      %dma_start3A_373 = arith.constant 0 : i32
      %dma_start3A_374 = arith.constant 0 : i32
      %dma_start3A_375 = tpu.memref_slice %arg9[%dma_start3A_372, %dma_start3A_373, %dma_start3A_374] : memref<2x128x128xf32, #tpu.memory_space<vmem>> -> memref<1x128x128xf32, #tpu.memory_space<vmem>>
      %dma_start3A_376 = tpu.memref_squeeze %dma_start3A_375 : memref<1x128x128xf32, #tpu.memory_space<vmem>> -> memref<128x128xf32, #tpu.memory_space<vmem>>
      %dma_start3A_377 = arith.constant 0 : i32
      %dma_start3A_378 = tpu.memref_slice %arg7[%add3A_370, %dma_start3A_377] : memref<40x128xi32, #tpu.memory_space<vmem>> -> memref<1x128xi32, #tpu.memory_space<vmem>>
      %dma_start3A_379 = tpu.memref_squeeze %dma_start3A_378 : memref<1x128xi32, #tpu.memory_space<vmem>> -> memref<128xi32, #tpu.memory_space<vmem>>
      %dma_start3A_380 = arith.constant 0 : i32
      %dma_start3A_381 = arith.constant 0 : i32
      %dma_start3A_382 = tpu.memref_slice %arg2[%dma_start3A_371, %dma_start3A_380, %dma_start3A_381] : memref<4x10000x128xf32, #tpu.memory_space<hbm>> -> memref<1x10000x128xf32, #tpu.memory_space<hbm>>
      %dma_start3A_383 = tpu.memref_squeeze %dma_start3A_382 : memref<1x10000x128xf32, #tpu.memory_space<hbm>> -> memref<10000x128xf32, #tpu.memory_space<hbm>>
      %dma_start3A_384 = arith.constant 0 : i32
      %dma_start3A_385 = arith.constant 0 : i32
      %dma_start3A_386 = tpu.memref_slice %dma_start3A_383[%dma_start3A_384, %dma_start3A_385] : memref<10000x128xf32, #tpu.memory_space<hbm>> -> memref<10000x128xf32, #tpu.memory_space<hbm>>
      tpu.enqueue_indirect_dma source(%dma_start3A_386 : memref<10000x128xf32, #tpu.memory_space<hbm>>) target(%dma_start3A_376 : memref<128x128xf32, #tpu.memory_space<vmem>>) offsets(%dma_start3A_379 : memref<128xi32, #tpu.memory_space<vmem>>) semaphore(%arg11 : memref<!tpu.dma_semaphore, #tpu.memory_space<semaphore_mem>>)
      %add3A_387 = arith.constant 1 : i32
      %add3A_388 = arith.addi %mul3A_351, %add3A_387 : i32
      %dma_wait3A_389 = arith.constant 1 : i32
      %dma_wait3A_390 = arith.constant 1 : i32
      %dma_wait3A_391 = arith.constant 0 : i32
      %dma_wait3A_392 = arith.constant 0 : i32
      %dma_wait3A_393 = tpu.memref_slice %arg9[%dma_wait3A_390, %dma_wait3A_391, %dma_wait3A_392] : memref<2x128x128xf32, #tpu.memory_space<vmem>> -> memref<1x128x128xf32, #tpu.memory_space<vmem>>
      %dma_wait3A_394 = tpu.memref_squeeze %dma_wait3A_393 : memref<1x128x128xf32, #tpu.memory_space<vmem>> -> memref<128x128xf32, #tpu.memory_space<vmem>>
      %dma_wait3A_395 = arith.constant 0 : i32
      %dma_wait3A_396 = tpu.memref_slice %arg7[%add3A_388, %dma_wait3A_395] : memref<40x128xi32, #tpu.memory_space<vmem>> -> memref<1x128xi32, #tpu.memory_space<vmem>>
      %dma_wait3A_397 = tpu.memref_squeeze %dma_wait3A_396 : memref<1x128xi32, #tpu.memory_space<vmem>> -> memref<128xi32, #tpu.memory_space<vmem>>
      %dma_wait3A_398 = arith.constant 0 : i32
      %dma_wait3A_399 = arith.constant 0 : i32
      %dma_wait3A_400 = tpu.memref_slice %arg2[%dma_wait3A_389, %dma_wait3A_398, %dma_wait3A_399] : memref<4x10000x128xf32, #tpu.memory_space<hbm>> -> memref<1x10000x128xf32, #tpu.memory_space<hbm>>
      %dma_wait3A_401 = tpu.memref_squeeze %dma_wait3A_400 : memref<1x10000x128xf32, #tpu.memory_space<hbm>> -> memref<10000x128xf32, #tpu.memory_space<hbm>>
      %dma_wait3A_402 = arith.constant 0 : i32
      %dma_wait3A_403 = arith.constant 0 : i32
      %dma_wait3A_404 = tpu.memref_slice %dma_wait3A_401[%dma_wait3A_402, %dma_wait3A_403] : memref<10000x128xf32, #tpu.memory_space<hbm>> -> memref<10000x128xf32, #tpu.memory_space<hbm>>
      tpu.wait_indirect_dma semaphore(%arg12 : memref<!tpu.dma_semaphore, #tpu.memory_space<semaphore_mem>>) src(%dma_wait3A_404 : memref<10000x128xf32, #tpu.memory_space<hbm>>) dst(%dma_wait3A_394 : memref<128x128xf32, #tpu.memory_space<vmem>>)
      %add3A_405 = arith.constant 1 : i32
      %add3A_406 = arith.addi %mul3A_351, %add3A_405 : i32
      %run_scoped3A_407 = arith.constant 1 : i32
      "tpu.region"() ({
        %run_scoped3A_426 = tpu.sem_alloc : memref<!tpu.dma_semaphore, #tpu.memory_space<semaphore_mem>>
        %dma_start3A_427 = arith.constant 0 : i32
        %dma_start3A_428 = arith.constant 0 : i32
        %dma_start3A_429 = tpu.memref_slice %arg9[%run_scoped3A_407, %dma_start3A_427, %dma_start3A_428] : memref<2x128x128xf32, #tpu.memory_space<vmem>> -> memref<1x128x128xf32, #tpu.memory_space<vmem>>
        %dma_start3A_430 = tpu.memref_squeeze %dma_start3A_429 : memref<1x128x128xf32, #tpu.memory_space<vmem>> -> memref<128x128xf32, #tpu.memory_space<vmem>>
        %dma_start3A_431 = arith.constant 0 : i32
        %dma_start3A_432 = tpu.memref_slice %arg8[%add3A_406, %dma_start3A_431] : memref<40x128xi32, #tpu.memory_space<vmem>> -> memref<1x128xi32, #tpu.memory_space<vmem>>
        %dma_start3A_433 = tpu.memref_squeeze %dma_start3A_432 : memref<1x128xi32, #tpu.memory_space<vmem>> -> memref<128xi32, #tpu.memory_space<vmem>>
        %dma_start3A_434 = arith.constant 0 : i32
        %dma_start3A_435 = arith.constant 0 : i32
        %dma_start3A_436 = tpu.memref_slice %arg10[%dma_start3A_434, %dma_start3A_435] : memref<10112x128xf32, #tpu.memory_space<vmem_shared>> -> memref<10112x128xf32, #tpu.memory_space<vmem_shared>>
        tpu.enqueue_indirect_dma source(%dma_start3A_430 : memref<128x128xf32, #tpu.memory_space<vmem>>) target(%dma_start3A_436 : memref<10112x128xf32, #tpu.memory_space<vmem_shared>>) offsets(%dma_start3A_433 : memref<128xi32, #tpu.memory_space<vmem>>) semaphore(%run_scoped3A_426 : memref<!tpu.dma_semaphore, #tpu.memory_space<semaphore_mem>>) {add = true}
        %dma_wait3A_437 = arith.constant 0 : i32
        %dma_wait3A_438 = arith.constant 0 : i32
        %dma_wait3A_439 = tpu.memref_slice %arg9[%run_scoped3A_407, %dma_wait3A_437, %dma_wait3A_438] : memref<2x128x128xf32, #tpu.memory_space<vmem>> -> memref<1x128x128xf32, #tpu.memory_space<vmem>>
        %dma_wait3A_440 = tpu.memref_squeeze %dma_wait3A_439 : memref<1x128x128xf32, #tpu.memory_space<vmem>> -> memref<128x128xf32, #tpu.memory_space<vmem>>
        %dma_wait3A_441 = arith.constant 0 : i32
        %dma_wait3A_442 = tpu.memref_slice %arg8[%add3A_406, %dma_wait3A_441] : memref<40x128xi32, #tpu.memory_space<vmem>> -> memref<1x128xi32, #tpu.memory_space<vmem>>
        %dma_wait3A_443 = tpu.memref_squeeze %dma_wait3A_442 : memref<1x128xi32, #tpu.memory_space<vmem>> -> memref<128xi32, #tpu.memory_space<vmem>>
        %dma_wait3A_444 = arith.constant 0 : i32
        %dma_wait3A_445 = arith.constant 0 : i32
        %dma_wait3A_446 = tpu.memref_slice %arg10[%dma_wait3A_444, %dma_wait3A_445] : memref<10112x128xf32, #tpu.memory_space<vmem_shared>> -> memref<10112x128xf32, #tpu.memory_space<vmem_shared>>
        tpu.wait_indirect_dma semaphore(%run_scoped3A_426 : memref<!tpu.dma_semaphore, #tpu.memory_space<semaphore_mem>>) src(%dma_wait3A_440 : memref<128x128xf32, #tpu.memory_space<vmem>>) dst(%dma_wait3A_446 : memref<10112x128xf32, #tpu.memory_space<vmem_shared>>)
        tpu.yield
      }) : () -> ()
      %add3A_408 = arith.constant 3 : i32
      %add3A_409 = arith.addi %mul3A_351, %add3A_408 : i32
      %dma_start3A_410 = arith.constant 1 : i32
      %dma_start3A_411 = arith.constant 1 : i32
      %dma_start3A_412 = arith.constant 0 : i32
      %dma_start3A_413 = arith.constant 0 : i32
      %dma_start3A_414 = tpu.memref_slice %arg9[%dma_start3A_411, %dma_start3A_412, %dma_start3A_413] : memref<2x128x128xf32, #tpu.memory_space<vmem>> -> memref<1x128x128xf32, #tpu.memory_space<vmem>>
      %dma_start3A_415 = tpu.memref_squeeze %dma_start3A_414 : memref<1x128x128xf32, #tpu.memory_space<vmem>> -> memref<128x128xf32, #tpu.memory_space<vmem>>
      %dma_start3A_416 = arith.constant 0 : i32
      %dma_start3A_417 = tpu.memref_slice %arg7[%add3A_409, %dma_start3A_416] : memref<40x128xi32, #tpu.memory_space<vmem>> -> memref<1x128xi32, #tpu.memory_space<vmem>>
      %dma_start3A_418 = tpu.memref_squeeze %dma_start3A_417 : memref<1x128xi32, #tpu.memory_space<vmem>> -> memref<128xi32, #tpu.memory_space<vmem>>
      %dma_start3A_419 = arith.constant 0 : i32
      %dma_start3A_420 = arith.constant 0 : i32
      %dma_start3A_421 = tpu.memref_slice %arg2[%dma_start3A_410, %dma_start3A_419, %dma_start3A_420] : memref<4x10000x128xf32, #tpu.memory_space<hbm>> -> memref<1x10000x128xf32, #tpu.memory_space<hbm>>
      %dma_start3A_422 = tpu.memref_squeeze %dma_start3A_421 : memref<1x10000x128xf32, #tpu.memory_space<hbm>> -> memref<10000x128xf32, #tpu.memory_space<hbm>>
      %dma_start3A_423 = arith.constant 0 : i32
      %dma_start3A_424 = arith.constant 0 : i32
      %dma_start3A_425 = tpu.memref_slice %dma_start3A_422[%dma_start3A_423, %dma_start3A_424] : memref<10000x128xf32, #tpu.memory_space<hbm>> -> memref<10000x128xf32, #tpu.memory_space<hbm>>
      tpu.enqueue_indirect_dma source(%dma_start3A_425 : memref<10000x128xf32, #tpu.memory_space<hbm>>) target(%dma_start3A_415 : memref<128x128xf32, #tpu.memory_space<vmem>>) offsets(%dma_start3A_418 : memref<128xi32, #tpu.memory_space<vmem>>) semaphore(%arg12 : memref<!tpu.dma_semaphore, #tpu.memory_space<semaphore_mem>>)
    }
    %scan3A_126 = arith.constant 19 : i32
    %dma_wait3A_127 = arith.constant 1 : i32
    %dma_wait3A_128 = arith.constant 38 : i32
    %dma_wait3A_129 = arith.constant 0 : i32
    %dma_wait3A_130 = arith.constant 0 : i32
    %dma_wait3A_131 = arith.constant 0 : i32
    %dma_wait3A_132 = tpu.memref_slice %arg9[%dma_wait3A_129, %dma_wait3A_130, %dma_wait3A_131] : memref<2x128x128xf32, #tpu.memory_space<vmem>> -> memref<1x128x128xf32, #tpu.memory_space<vmem>>
    %dma_wait3A_133 = tpu.memref_squeeze %dma_wait3A_132 : memref<1x128x128xf32, #tpu.memory_space<vmem>> -> memref<128x128xf32, #tpu.memory_space<vmem>>
    %dma_wait3A_134 = arith.constant 0 : i32
    %dma_wait3A_135 = tpu.memref_slice %arg7[%dma_wait3A_128, %dma_wait3A_134] : memref<40x128xi32, #tpu.memory_space<vmem>> -> memref<1x128xi32, #tpu.memory_space<vmem>>
    %dma_wait3A_136 = tpu.memref_squeeze %dma_wait3A_135 : memref<1x128xi32, #tpu.memory_space<vmem>> -> memref<128xi32, #tpu.memory_space<vmem>>
    %dma_wait3A_137 = arith.constant 0 : i32
    %dma_wait3A_138 = arith.constant 0 : i32
    %dma_wait3A_139 = tpu.memref_slice %arg2[%dma_wait3A_127, %dma_wait3A_137, %dma_wait3A_138] : memref<4x10000x128xf32, #tpu.memory_space<hbm>> -> memref<1x10000x128xf32, #tpu.memory_space<hbm>>
    %dma_wait3A_140 = tpu.memref_squeeze %dma_wait3A_139 : memref<1x10000x128xf32, #tpu.memory_space<hbm>> -> memref<10000x128xf32, #tpu.memory_space<hbm>>
    %dma_wait3A_141 = arith.constant 0 : i32
    %dma_wait3A_142 = arith.constant 0 : i32
    %dma_wait3A_143 = tpu.memref_slice %dma_wait3A_140[%dma_wait3A_141, %dma_wait3A_142] : memref<10000x128xf32, #tpu.memory_space<hbm>> -> memref<10000x128xf32, #tpu.memory_space<hbm>>
    tpu.wait_indirect_dma semaphore(%arg11 : memref<!tpu.dma_semaphore, #tpu.memory_space<semaphore_mem>>) src(%dma_wait3A_143 : memref<10000x128xf32, #tpu.memory_space<hbm>>) dst(%dma_wait3A_133 : memref<128x128xf32, #tpu.memory_space<vmem>>)
    %run_scoped3A_144 = arith.constant 0 : i32
    %run_scoped3A_145 = arith.constant 38 : i32
    "tpu.region"() ({
      %run_scoped3A_345 = tpu.sem_alloc : memref<!tpu.dma_semaphore, #tpu.memory_space<semaphore_mem>>
      %dma_start3A_346 = arith.constant 0 : i32
      %dma_start3A_347 = arith.constant 0 : i32
      %dma_start3A_348 = tpu.memref_slice %arg9[%run_scoped3A_144, %dma_start3A_346, %dma_start3A_347] : memref<2x128x128xf32, #tpu.memory_space<vmem>> -> memref<1x128x128xf32, #tpu.memory_space<vmem>>
      %dma_start3A_349 = tpu.memref_squeeze %dma_start3A_348 : memref<1x128x128xf32, #tpu.memory_space<vmem>> -> memref<128x128xf32, #tpu.memory_space<vmem>>
      %dma_start3A_350 = arith.constant 0 : i32
      %dma_start3A_351 = tpu.memref_slice %arg8[%run_scoped3A_145, %dma_start3A_350] : memref<40x128xi32, #tpu.memory_space<vmem>> -> memref<1x128xi32, #tpu.memory_space<vmem>>
      %dma_start3A_352 = tpu.memref_squeeze %dma_start3A_351 : memref<1x128xi32, #tpu.memory_space<vmem>> -> memref<128xi32, #tpu.memory_space<vmem>>
      %dma_start3A_353 = arith.constant 0 : i32
      %dma_start3A_354 = arith.constant 0 : i32
      %dma_start3A_355 = tpu.memref_slice %arg10[%dma_start3A_353, %dma_start3A_354] : memref<10112x128xf32, #tpu.memory_space<vmem_shared>> -> memref<10112x128xf32, #tpu.memory_space<vmem_shared>>
      tpu.enqueue_indirect_dma source(%dma_start3A_349 : memref<128x128xf32, #tpu.memory_space<vmem>>) target(%dma_start3A_355 : memref<10112x128xf32, #tpu.memory_space<vmem_shared>>) offsets(%dma_start3A_352 : memref<128xi32, #tpu.memory_space<vmem>>) semaphore(%run_scoped3A_345 : memref<!tpu.dma_semaphore, #tpu.memory_space<semaphore_mem>>) {add = true}
      %dma_wait3A_356 = arith.constant 0 : i32
      %dma_wait3A_357 = arith.constant 0 : i32
      %dma_wait3A_358 = tpu.memref_slice %arg9[%run_scoped3A_144, %dma_wait3A_356, %dma_wait3A_357] : memref<2x128x128xf32, #tpu.memory_space<vmem>> -> memref<1x128x128xf32, #tpu.memory_space<vmem>>
      %dma_wait3A_359 = tpu.memref_squeeze %dma_wait3A_358 : memref<1x128x128xf32, #tpu.memory_space<vmem>> -> memref<128x128xf32, #tpu.memory_space<vmem>>
      %dma_wait3A_360 = arith.constant 0 : i32
      %dma_wait3A_361 = tpu.memref_slice %arg8[%run_scoped3A_145, %dma_wait3A_360] : memref<40x128xi32, #tpu.memory_space<vmem>> -> memref<1x128xi32, #tpu.memory_space<vmem>>
      %dma_wait3A_362 = tpu.memref_squeeze %dma_wait3A_361 : memref<1x128xi32, #tpu.memory_space<vmem>> -> memref<128xi32, #tpu.memory_space<vmem>>
      %dma_wait3A_363 = arith.constant 0 : i32
      %dma_wait3A_364 = arith.constant 0 : i32
      %dma_wait3A_365 = tpu.memref_slice %arg10[%dma_wait3A_363, %dma_wait3A_364] : memref<10112x128xf32, #tpu.memory_space<vmem_shared>> -> memref<10112x128xf32, #tpu.memory_space<vmem_shared>>
      tpu.wait_indirect_dma semaphore(%run_scoped3A_345 : memref<!tpu.dma_semaphore, #tpu.memory_space<semaphore_mem>>) src(%dma_wait3A_359 : memref<128x128xf32, #tpu.memory_space<vmem>>) dst(%dma_wait3A_365 : memref<10112x128xf32, #tpu.memory_space<vmem_shared>>)
      tpu.yield
    }) : () -> ()
    %dma_wait3A_146 = arith.constant 1 : i32
    %dma_wait3A_147 = arith.constant 39 : i32
    %dma_wait3A_148 = arith.constant 1 : i32
    %dma_wait3A_149 = arith.constant 0 : i32
    %dma_wait3A_150 = arith.constant 0 : i32
    %dma_wait3A_151 = tpu.memref_slice %arg9[%dma_wait3A_148, %dma_wait3A_149, %dma_wait3A_150] : memref<2x128x128xf32, #tpu.memory_space<vmem>> -> memref<1x128x128xf32, #tpu.memory_space<vmem>>
    %dma_wait3A_152 = tpu.memref_squeeze %dma_wait3A_151 : memref<1x128x128xf32, #tpu.memory_space<vmem>> -> memref<128x128xf32, #tpu.memory_space<vmem>>
    %dma_wait3A_153 = arith.constant 0 : i32
    %dma_wait3A_154 = tpu.memref_slice %arg7[%dma_wait3A_147, %dma_wait3A_153] : memref<40x128xi32, #tpu.memory_space<vmem>> -> memref<1x128xi32, #tpu.memory_space<vmem>>
    %dma_wait3A_155 = tpu.memref_squeeze %dma_wait3A_154 : memref<1x128xi32, #tpu.memory_space<vmem>> -> memref<128xi32, #tpu.memory_space<vmem>>
    %dma_wait3A_156 = arith.constant 0 : i32
    %dma_wait3A_157 = arith.constant 0 : i32
    %dma_wait3A_158 = tpu.memref_slice %arg2[%dma_wait3A_146, %dma_wait3A_156, %dma_wait3A_157] : memref<4x10000x128xf32, #tpu.memory_space<hbm>> -> memref<1x10000x128xf32, #tpu.memory_space<hbm>>
    %dma_wait3A_159 = tpu.memref_squeeze %dma_wait3A_158 : memref<1x10000x128xf32, #tpu.memory_space<hbm>> -> memref<10000x128xf32, #tpu.memory_space<hbm>>
    %dma_wait3A_160 = arith.constant 0 : i32
    %dma_wait3A_161 = arith.constant 0 : i32
    %dma_wait3A_162 = tpu.memref_slice %dma_wait3A_159[%dma_wait3A_160, %dma_wait3A_161] : memref<10000x128xf32, #tpu.memory_space<hbm>> -> memref<10000x128xf32, #tpu.memory_space<hbm>>
    tpu.wait_indirect_dma semaphore(%arg12 : memref<!tpu.dma_semaphore, #tpu.memory_space<semaphore_mem>>) src(%dma_wait3A_162 : memref<10000x128xf32, #tpu.memory_space<hbm>>) dst(%dma_wait3A_152 : memref<128x128xf32, #tpu.memory_space<vmem>>)
    %run_scoped3A_163 = arith.constant 1 : i32
    %run_scoped3A_164 = arith.constant 39 : i32
    "tpu.region"() ({
      %run_scoped3A_345 = tpu.sem_alloc : memref<!tpu.dma_semaphore, #tpu.memory_space<semaphore_mem>>
      %dma_start3A_346 = arith.constant 0 : i32
      %dma_start3A_347 = arith.constant 0 : i32
      %dma_start3A_348 = tpu.memref_slice %arg9[%run_scoped3A_163, %dma_start3A_346, %dma_start3A_347] : memref<2x128x128xf32, #tpu.memory_space<vmem>> -> memref<1x128x128xf32, #tpu.memory_space<vmem>>
      %dma_start3A_349 = tpu.memref_squeeze %dma_start3A_348 : memref<1x128x128xf32, #tpu.memory_space<vmem>> -> memref<128x128xf32, #tpu.memory_space<vmem>>
      %dma_start3A_350 = arith.constant 0 : i32
      %dma_start3A_351 = tpu.memref_slice %arg8[%run_scoped3A_164, %dma_start3A_350] : memref<40x128xi32, #tpu.memory_space<vmem>> -> memref<1x128xi32, #tpu.memory_space<vmem>>
      %dma_start3A_352 = tpu.memref_squeeze %dma_start3A_351 : memref<1x128xi32, #tpu.memory_space<vmem>> -> memref<128xi32, #tpu.memory_space<vmem>>
      %dma_start3A_353 = arith.constant 0 : i32
      %dma_start3A_354 = arith.constant 0 : i32
      %dma_start3A_355 = tpu.memref_slice %arg10[%dma_start3A_353, %dma_start3A_354] : memref<10112x128xf32, #tpu.memory_space<vmem_shared>> -> memref<10112x128xf32, #tpu.memory_space<vmem_shared>>
      tpu.enqueue_indirect_dma source(%dma_start3A_349 : memref<128x128xf32, #tpu.memory_space<vmem>>) target(%dma_start3A_355 : memref<10112x128xf32, #tpu.memory_space<vmem_shared>>) offsets(%dma_start3A_352 : memref<128xi32, #tpu.memory_space<vmem>>) semaphore(%run_scoped3A_345 : memref<!tpu.dma_semaphore, #tpu.memory_space<semaphore_mem>>) {add = true}
      %dma_wait3A_356 = arith.constant 0 : i32
      %dma_wait3A_357 = arith.constant 0 : i32
      %dma_wait3A_358 = tpu.memref_slice %arg9[%run_scoped3A_163, %dma_wait3A_356, %dma_wait3A_357] : memref<2x128x128xf32, #tpu.memory_space<vmem>> -> memref<1x128x128xf32, #tpu.memory_space<vmem>>
      %dma_wait3A_359 = tpu.memref_squeeze %dma_wait3A_358 : memref<1x128x128xf32, #tpu.memory_space<vmem>> -> memref<128x128xf32, #tpu.memory_space<vmem>>
      %dma_wait3A_360 = arith.constant 0 : i32
      %dma_wait3A_361 = tpu.memref_slice %arg8[%run_scoped3A_164, %dma_wait3A_360] : memref<40x128xi32, #tpu.memory_space<vmem>> -> memref<1x128xi32, #tpu.memory_space<vmem>>
      %dma_wait3A_362 = tpu.memref_squeeze %dma_wait3A_361 : memref<1x128xi32, #tpu.memory_space<vmem>> -> memref<128xi32, #tpu.memory_space<vmem>>
      %dma_wait3A_363 = arith.constant 0 : i32
      %dma_wait3A_364 = arith.constant 0 : i32
      %dma_wait3A_365 = tpu.memref_slice %arg10[%dma_wait3A_363, %dma_wait3A_364] : memref<10112x128xf32, #tpu.memory_space<vmem_shared>> -> memref<10112x128xf32, #tpu.memory_space<vmem_shared>>
      tpu.wait_indirect_dma semaphore(%run_scoped3A_345 : memref<!tpu.dma_semaphore, #tpu.memory_space<semaphore_mem>>) src(%dma_wait3A_359 : memref<128x128xf32, #tpu.memory_space<vmem>>) dst(%dma_wait3A_365 : memref<10112x128xf32, #tpu.memory_space<vmem_shared>>)
      tpu.yield
    }) : () -> ()
    %barrier3A_165 = arith.constant 0 : index
    tpu.barrier barrier_id(%barrier3A_165)
    %mul3A_166 = arith.constant 632 : i32
    %mul3A_167 = arith.muli %arg1, %mul3A_166 : i32
    %mul3A_168 = arith.constant 632 : i32
    %mul3A_169 = arith.muli %arg1, %mul3A_168 : i32
    %run_scoped3A_170 = arith.constant 1 : i32
    "tpu.region"() ({
      %run_scoped3A_345 = tpu.sem_alloc : memref<!tpu.dma_semaphore, #tpu.memory_space<semaphore_mem>>
      %dma_start3A_346 = arith.constant 0 : i32
      %dma_start3A_347 = tpu.memref_slice %arg6[%arg0, %run_scoped3A_170, %mul3A_169, %dma_start3A_346] : memref<2x4x10112x128xf32, #tpu.memory_space<hbm>> -> memref<1x1x632x128xf32, #tpu.memory_space<hbm>>
      %dma_start3A_348 = tpu.memref_squeeze %dma_start3A_347 : memref<1x1x632x128xf32, #tpu.memory_space<hbm>> -> memref<632x128xf32, #tpu.memory_space<hbm>>
      %dma_start3A_349 = arith.constant 0 : i32
      %dma_start3A_350 = tpu.memref_slice %arg10[%mul3A_167, %dma_start3A_349] : memref<10112x128xf32, #tpu.memory_space<vmem_shared>> -> memref<632x128xf32, #tpu.memory_space<vmem_shared>>
      tpu.enqueue_dma source(%dma_start3A_350 : memref<632x128xf32, #tpu.memory_space<vmem_shared>>) target(%dma_start3A_348 : memref<632x128xf32, #tpu.memory_space<hbm>>) target_semaphore(%run_scoped3A_345 : memref<!tpu.dma_semaphore, #tpu.memory_space<semaphore_mem>>)
      %dma_wait3A_351 = arith.constant 0 : i32
      %dma_wait3A_352 = tpu.memref_slice %arg6[%arg0, %run_scoped3A_170, %mul3A_169, %dma_wait3A_351] : memref<2x4x10112x128xf32, #tpu.memory_space<hbm>> -> memref<1x1x632x128xf32, #tpu.memory_space<hbm>>
      %dma_wait3A_353 = tpu.memref_squeeze %dma_wait3A_352 : memref<1x1x632x128xf32, #tpu.memory_space<hbm>> -> memref<632x128xf32, #tpu.memory_space<hbm>>
      %dma_wait3A_354 = arith.constant 0 : i32
      %dma_wait3A_355 = tpu.memref_slice %arg10[%mul3A_167, %dma_wait3A_354] : memref<10112x128xf32, #tpu.memory_space<vmem_shared>> -> memref<632x128xf32, #tpu.memory_space<vmem_shared>>
      tpu.wait_dma2 semaphore(%run_scoped3A_345 : memref<!tpu.dma_semaphore, #tpu.memory_space<semaphore_mem>>) src(%dma_wait3A_355 : memref<632x128xf32, #tpu.memory_space<vmem_shared>>) dst(%dma_wait3A_353 : memref<632x128xf32, #tpu.memory_space<hbm>>)
      tpu.yield
    }) : () -> ()
    %barrier3A_171 = arith.constant 0 : index
    tpu.barrier barrier_id(%barrier3A_171)
    %mul3A_172 = arith.constant 632 : i32
    %mul3A_173 = arith.muli %arg1, %mul3A_172 : i32
    "tpu.region"() ({
      %run_scoped3A_345 = tpu.sem_alloc : memref<!tpu.dma_semaphore, #tpu.memory_space<semaphore_mem>>
      %dma_start3A_346 = arith.constant 0 : i32
      %dma_start3A_347 = tpu.memref_slice %arg10[%mul3A_173, %dma_start3A_346] : memref<10112x128xf32, #tpu.memory_space<vmem_shared>> -> memref<632x128xf32, #tpu.memory_space<vmem_shared>>
      tpu.enqueue_dma source(%arg5 : memref<632x128xf32, #tpu.memory_space<hbm>>) target(%dma_start3A_347 : memref<632x128xf32, #tpu.memory_space<vmem_shared>>) target_semaphore(%run_scoped3A_345 : memref<!tpu.dma_semaphore, #tpu.memory_space<semaphore_mem>>)
      %dma_wait3A_348 = arith.constant 0 : i32
      %dma_wait3A_349 = tpu.memref_slice %arg10[%mul3A_173, %dma_wait3A_348] : memref<10112x128xf32, #tpu.memory_space<vmem_shared>> -> memref<632x128xf32, #tpu.memory_space<vmem_shared>>
      tpu.wait_dma2 semaphore(%run_scoped3A_345 : memref<!tpu.dma_semaphore, #tpu.memory_space<semaphore_mem>>) src(%arg5 : memref<632x128xf32, #tpu.memory_space<hbm>>) dst(%dma_wait3A_349 : memref<632x128xf32, #tpu.memory_space<vmem_shared>>)
      tpu.yield
    }) : () -> ()
    %barrier3A_174 = arith.constant 0 : index
    tpu.barrier barrier_id(%barrier3A_174)
    %dma_start3A_175 = arith.constant 2 : i32
    %dma_start3A_176 = arith.constant 0 : i32
    %dma_start3A_177 = arith.constant 0 : i32
    %dma_start3A_178 = arith.constant 0 : i32
    %dma_start3A_179 = arith.constant 0 : i32
    %dma_start3A_180 = tpu.memref_slice %arg9[%dma_start3A_177, %dma_start3A_178, %dma_start3A_179] : memref<2x128x128xf32, #tpu.memory_space<vmem>> -> memref<1x128x128xf32, #tpu.memory_space<vmem>>
    %dma_start3A_181 = tpu.memref_squeeze %dma_start3A_180 : memref<1x128x128xf32, #tpu.memory_space<vmem>> -> memref<128x128xf32, #tpu.memory_space<vmem>>
    %dma_start3A_182 = arith.constant 0 : i32
    %dma_start3A_183 = tpu.memref_slice %arg7[%dma_start3A_176, %dma_start3A_182] : memref<40x128xi32, #tpu.memory_space<vmem>> -> memref<1x128xi32, #tpu.memory_space<vmem>>
    %dma_start3A_184 = tpu.memref_squeeze %dma_start3A_183 : memref<1x128xi32, #tpu.memory_space<vmem>> -> memref<128xi32, #tpu.memory_space<vmem>>
    %dma_start3A_185 = arith.constant 0 : i32
    %dma_start3A_186 = arith.constant 0 : i32
    %dma_start3A_187 = tpu.memref_slice %arg2[%dma_start3A_175, %dma_start3A_185, %dma_start3A_186] : memref<4x10000x128xf32, #tpu.memory_space<hbm>> -> memref<1x10000x128xf32, #tpu.memory_space<hbm>>
    %dma_start3A_188 = tpu.memref_squeeze %dma_start3A_187 : memref<1x10000x128xf32, #tpu.memory_space<hbm>> -> memref<10000x128xf32, #tpu.memory_space<hbm>>
    %dma_start3A_189 = arith.constant 0 : i32
    %dma_start3A_190 = arith.constant 0 : i32
    %dma_start3A_191 = tpu.memref_slice %dma_start3A_188[%dma_start3A_189, %dma_start3A_190] : memref<10000x128xf32, #tpu.memory_space<hbm>> -> memref<10000x128xf32, #tpu.memory_space<hbm>>
    tpu.enqueue_indirect_dma source(%dma_start3A_191 : memref<10000x128xf32, #tpu.memory_space<hbm>>) target(%dma_start3A_181 : memref<128x128xf32, #tpu.memory_space<vmem>>) offsets(%dma_start3A_184 : memref<128xi32, #tpu.memory_space<vmem>>) semaphore(%arg11 : memref<!tpu.dma_semaphore, #tpu.memory_space<semaphore_mem>>)
    %dma_start3A_192 = arith.constant 2 : i32
    %dma_start3A_193 = arith.constant 1 : i32
    %dma_start3A_194 = arith.constant 1 : i32
    %dma_start3A_195 = arith.constant 0 : i32
    %dma_start3A_196 = arith.constant 0 : i32
    %dma_start3A_197 = tpu.memref_slice %arg9[%dma_start3A_194, %dma_start3A_195, %dma_start3A_196] : memref<2x128x128xf32, #tpu.memory_space<vmem>> -> memref<1x128x128xf32, #tpu.memory_space<vmem>>
    %dma_start3A_198 = tpu.memref_squeeze %dma_start3A_197 : memref<1x128x128xf32, #tpu.memory_space<vmem>> -> memref<128x128xf32, #tpu.memory_space<vmem>>
    %dma_start3A_199 = arith.constant 0 : i32
    %dma_start3A_200 = tpu.memref_slice %arg7[%dma_start3A_193, %dma_start3A_199] : memref<40x128xi32, #tpu.memory_space<vmem>> -> memref<1x128xi32, #tpu.memory_space<vmem>>
    %dma_start3A_201 = tpu.memref_squeeze %dma_start3A_200 : memref<1x128xi32, #tpu.memory_space<vmem>> -> memref<128xi32, #tpu.memory_space<vmem>>
    %dma_start3A_202 = arith.constant 0 : i32
    %dma_start3A_203 = arith.constant 0 : i32
    %dma_start3A_204 = tpu.memref_slice %arg2[%dma_start3A_192, %dma_start3A_202, %dma_start3A_203] : memref<4x10000x128xf32, #tpu.memory_space<hbm>> -> memref<1x10000x128xf32, #tpu.memory_space<hbm>>
    %dma_start3A_205 = tpu.memref_squeeze %dma_start3A_204 : memref<1x10000x128xf32, #tpu.memory_space<hbm>> -> memref<10000x128xf32, #tpu.memory_space<hbm>>
    %dma_start3A_206 = arith.constant 0 : i32
    %dma_start3A_207 = arith.constant 0 : i32
    %dma_start3A_208 = tpu.memref_slice %dma_start3A_205[%dma_start3A_206, %dma_start3A_207] : memref<10000x128xf32, #tpu.memory_space<hbm>> -> memref<10000x128xf32, #tpu.memory_space<hbm>>
    tpu.enqueue_indirect_dma source(%dma_start3A_208 : memref<10000x128xf32, #tpu.memory_space<hbm>>) target(%dma_start3A_198 : memref<128x128xf32, #tpu.memory_space<vmem>>) offsets(%dma_start3A_201 : memref<128xi32, #tpu.memory_space<vmem>>) semaphore(%arg12 : memref<!tpu.dma_semaphore, #tpu.memory_space<semaphore_mem>>)
    %scan3A_209 = arith.constant 0 : i32
    %scan3A_210 = arith.constant 19 : i32
    %scan3A_211 = arith.addi %scan3A_209, %scan3A_210 : i32
    %scan3A_212 = arith.constant 1 : i32
    scf.for %scan3A_345 = %scan3A_209 to %scan3A_211 step %scan3A_212  : i32 {
      %mul3A_346 = arith.constant 1 : i32
      %mul3A_347 = arith.muli %scan3A_345, %mul3A_346 : i32
      %add3A_348 = arith.constant 0 : i32
      %add3A_349 = arith.addi %add3A_348, %mul3A_347 : i32
      %mul3A_350 = arith.constant 2 : i32
      %mul3A_351 = arith.muli %add3A_349, %mul3A_350 : i32
      %dma_wait3A_352 = arith.constant 2 : i32
      %dma_wait3A_353 = arith.constant 0 : i32
      %dma_wait3A_354 = arith.constant 0 : i32
      %dma_wait3A_355 = arith.constant 0 : i32
      %dma_wait3A_356 = tpu.memref_slice %arg9[%dma_wait3A_353, %dma_wait3A_354, %dma_wait3A_355] : memref<2x128x128xf32, #tpu.memory_space<vmem>> -> memref<1x128x128xf32, #tpu.memory_space<vmem>>
      %dma_wait3A_357 = tpu.memref_squeeze %dma_wait3A_356 : memref<1x128x128xf32, #tpu.memory_space<vmem>> -> memref<128x128xf32, #tpu.memory_space<vmem>>
      %dma_wait3A_358 = arith.constant 0 : i32
      %dma_wait3A_359 = tpu.memref_slice %arg7[%mul3A_351, %dma_wait3A_358] : memref<40x128xi32, #tpu.memory_space<vmem>> -> memref<1x128xi32, #tpu.memory_space<vmem>>
      %dma_wait3A_360 = tpu.memref_squeeze %dma_wait3A_359 : memref<1x128xi32, #tpu.memory_space<vmem>> -> memref<128xi32, #tpu.memory_space<vmem>>
      %dma_wait3A_361 = arith.constant 0 : i32
      %dma_wait3A_362 = arith.constant 0 : i32
      %dma_wait3A_363 = tpu.memref_slice %arg2[%dma_wait3A_352, %dma_wait3A_361, %dma_wait3A_362] : memref<4x10000x128xf32, #tpu.memory_space<hbm>> -> memref<1x10000x128xf32, #tpu.memory_space<hbm>>
      %dma_wait3A_364 = tpu.memref_squeeze %dma_wait3A_363 : memref<1x10000x128xf32, #tpu.memory_space<hbm>> -> memref<10000x128xf32, #tpu.memory_space<hbm>>
      %dma_wait3A_365 = arith.constant 0 : i32
      %dma_wait3A_366 = arith.constant 0 : i32
      %dma_wait3A_367 = tpu.memref_slice %dma_wait3A_364[%dma_wait3A_365, %dma_wait3A_366] : memref<10000x128xf32, #tpu.memory_space<hbm>> -> memref<10000x128xf32, #tpu.memory_space<hbm>>
      tpu.wait_indirect_dma semaphore(%arg11 : memref<!tpu.dma_semaphore, #tpu.memory_space<semaphore_mem>>) src(%dma_wait3A_367 : memref<10000x128xf32, #tpu.memory_space<hbm>>) dst(%dma_wait3A_357 : memref<128x128xf32, #tpu.memory_space<vmem>>)
      %run_scoped3A_368 = arith.constant 0 : i32
      "tpu.region"() ({
        %run_scoped3A_426 = tpu.sem_alloc : memref<!tpu.dma_semaphore, #tpu.memory_space<semaphore_mem>>
        %dma_start3A_427 = arith.constant 0 : i32
        %dma_start3A_428 = arith.constant 0 : i32
        %dma_start3A_429 = tpu.memref_slice %arg9[%run_scoped3A_368, %dma_start3A_427, %dma_start3A_428] : memref<2x128x128xf32, #tpu.memory_space<vmem>> -> memref<1x128x128xf32, #tpu.memory_space<vmem>>
        %dma_start3A_430 = tpu.memref_squeeze %dma_start3A_429 : memref<1x128x128xf32, #tpu.memory_space<vmem>> -> memref<128x128xf32, #tpu.memory_space<vmem>>
        %dma_start3A_431 = arith.constant 0 : i32
        %dma_start3A_432 = tpu.memref_slice %arg8[%mul3A_351, %dma_start3A_431] : memref<40x128xi32, #tpu.memory_space<vmem>> -> memref<1x128xi32, #tpu.memory_space<vmem>>
        %dma_start3A_433 = tpu.memref_squeeze %dma_start3A_432 : memref<1x128xi32, #tpu.memory_space<vmem>> -> memref<128xi32, #tpu.memory_space<vmem>>
        %dma_start3A_434 = arith.constant 0 : i32
        %dma_start3A_435 = arith.constant 0 : i32
        %dma_start3A_436 = tpu.memref_slice %arg10[%dma_start3A_434, %dma_start3A_435] : memref<10112x128xf32, #tpu.memory_space<vmem_shared>> -> memref<10112x128xf32, #tpu.memory_space<vmem_shared>>
        tpu.enqueue_indirect_dma source(%dma_start3A_430 : memref<128x128xf32, #tpu.memory_space<vmem>>) target(%dma_start3A_436 : memref<10112x128xf32, #tpu.memory_space<vmem_shared>>) offsets(%dma_start3A_433 : memref<128xi32, #tpu.memory_space<vmem>>) semaphore(%run_scoped3A_426 : memref<!tpu.dma_semaphore, #tpu.memory_space<semaphore_mem>>) {add = true}
        %dma_wait3A_437 = arith.constant 0 : i32
        %dma_wait3A_438 = arith.constant 0 : i32
        %dma_wait3A_439 = tpu.memref_slice %arg9[%run_scoped3A_368, %dma_wait3A_437, %dma_wait3A_438] : memref<2x128x128xf32, #tpu.memory_space<vmem>> -> memref<1x128x128xf32, #tpu.memory_space<vmem>>
        %dma_wait3A_440 = tpu.memref_squeeze %dma_wait3A_439 : memref<1x128x128xf32, #tpu.memory_space<vmem>> -> memref<128x128xf32, #tpu.memory_space<vmem>>
        %dma_wait3A_441 = arith.constant 0 : i32
        %dma_wait3A_442 = tpu.memref_slice %arg8[%mul3A_351, %dma_wait3A_441] : memref<40x128xi32, #tpu.memory_space<vmem>> -> memref<1x128xi32, #tpu.memory_space<vmem>>
        %dma_wait3A_443 = tpu.memref_squeeze %dma_wait3A_442 : memref<1x128xi32, #tpu.memory_space<vmem>> -> memref<128xi32, #tpu.memory_space<vmem>>
        %dma_wait3A_444 = arith.constant 0 : i32
        %dma_wait3A_445 = arith.constant 0 : i32
        %dma_wait3A_446 = tpu.memref_slice %arg10[%dma_wait3A_444, %dma_wait3A_445] : memref<10112x128xf32, #tpu.memory_space<vmem_shared>> -> memref<10112x128xf32, #tpu.memory_space<vmem_shared>>
        tpu.wait_indirect_dma semaphore(%run_scoped3A_426 : memref<!tpu.dma_semaphore, #tpu.memory_space<semaphore_mem>>) src(%dma_wait3A_440 : memref<128x128xf32, #tpu.memory_space<vmem>>) dst(%dma_wait3A_446 : memref<10112x128xf32, #tpu.memory_space<vmem_shared>>)
        tpu.yield
      }) : () -> ()
      %add3A_369 = arith.constant 2 : i32
      %add3A_370 = arith.addi %mul3A_351, %add3A_369 : i32
      %dma_start3A_371 = arith.constant 2 : i32
      %dma_start3A_372 = arith.constant 0 : i32
      %dma_start3A_373 = arith.constant 0 : i32
      %dma_start3A_374 = arith.constant 0 : i32
      %dma_start3A_375 = tpu.memref_slice %arg9[%dma_start3A_372, %dma_start3A_373, %dma_start3A_374] : memref<2x128x128xf32, #tpu.memory_space<vmem>> -> memref<1x128x128xf32, #tpu.memory_space<vmem>>
      %dma_start3A_376 = tpu.memref_squeeze %dma_start3A_375 : memref<1x128x128xf32, #tpu.memory_space<vmem>> -> memref<128x128xf32, #tpu.memory_space<vmem>>
      %dma_start3A_377 = arith.constant 0 : i32
      %dma_start3A_378 = tpu.memref_slice %arg7[%add3A_370, %dma_start3A_377] : memref<40x128xi32, #tpu.memory_space<vmem>> -> memref<1x128xi32, #tpu.memory_space<vmem>>
      %dma_start3A_379 = tpu.memref_squeeze %dma_start3A_378 : memref<1x128xi32, #tpu.memory_space<vmem>> -> memref<128xi32, #tpu.memory_space<vmem>>
      %dma_start3A_380 = arith.constant 0 : i32
      %dma_start3A_381 = arith.constant 0 : i32
      %dma_start3A_382 = tpu.memref_slice %arg2[%dma_start3A_371, %dma_start3A_380, %dma_start3A_381] : memref<4x10000x128xf32, #tpu.memory_space<hbm>> -> memref<1x10000x128xf32, #tpu.memory_space<hbm>>
      %dma_start3A_383 = tpu.memref_squeeze %dma_start3A_382 : memref<1x10000x128xf32, #tpu.memory_space<hbm>> -> memref<10000x128xf32, #tpu.memory_space<hbm>>
      %dma_start3A_384 = arith.constant 0 : i32
      %dma_start3A_385 = arith.constant 0 : i32
      %dma_start3A_386 = tpu.memref_slice %dma_start3A_383[%dma_start3A_384, %dma_start3A_385] : memref<10000x128xf32, #tpu.memory_space<hbm>> -> memref<10000x128xf32, #tpu.memory_space<hbm>>
      tpu.enqueue_indirect_dma source(%dma_start3A_386 : memref<10000x128xf32, #tpu.memory_space<hbm>>) target(%dma_start3A_376 : memref<128x128xf32, #tpu.memory_space<vmem>>) offsets(%dma_start3A_379 : memref<128xi32, #tpu.memory_space<vmem>>) semaphore(%arg11 : memref<!tpu.dma_semaphore, #tpu.memory_space<semaphore_mem>>)
      %add3A_387 = arith.constant 1 : i32
      %add3A_388 = arith.addi %mul3A_351, %add3A_387 : i32
      %dma_wait3A_389 = arith.constant 2 : i32
      %dma_wait3A_390 = arith.constant 1 : i32
      %dma_wait3A_391 = arith.constant 0 : i32
      %dma_wait3A_392 = arith.constant 0 : i32
      %dma_wait3A_393 = tpu.memref_slice %arg9[%dma_wait3A_390, %dma_wait3A_391, %dma_wait3A_392] : memref<2x128x128xf32, #tpu.memory_space<vmem>> -> memref<1x128x128xf32, #tpu.memory_space<vmem>>
      %dma_wait3A_394 = tpu.memref_squeeze %dma_wait3A_393 : memref<1x128x128xf32, #tpu.memory_space<vmem>> -> memref<128x128xf32, #tpu.memory_space<vmem>>
      %dma_wait3A_395 = arith.constant 0 : i32
      %dma_wait3A_396 = tpu.memref_slice %arg7[%add3A_388, %dma_wait3A_395] : memref<40x128xi32, #tpu.memory_space<vmem>> -> memref<1x128xi32, #tpu.memory_space<vmem>>
      %dma_wait3A_397 = tpu.memref_squeeze %dma_wait3A_396 : memref<1x128xi32, #tpu.memory_space<vmem>> -> memref<128xi32, #tpu.memory_space<vmem>>
      %dma_wait3A_398 = arith.constant 0 : i32
      %dma_wait3A_399 = arith.constant 0 : i32
      %dma_wait3A_400 = tpu.memref_slice %arg2[%dma_wait3A_389, %dma_wait3A_398, %dma_wait3A_399] : memref<4x10000x128xf32, #tpu.memory_space<hbm>> -> memref<1x10000x128xf32, #tpu.memory_space<hbm>>
      %dma_wait3A_401 = tpu.memref_squeeze %dma_wait3A_400 : memref<1x10000x128xf32, #tpu.memory_space<hbm>> -> memref<10000x128xf32, #tpu.memory_space<hbm>>
      %dma_wait3A_402 = arith.constant 0 : i32
      %dma_wait3A_403 = arith.constant 0 : i32
      %dma_wait3A_404 = tpu.memref_slice %dma_wait3A_401[%dma_wait3A_402, %dma_wait3A_403] : memref<10000x128xf32, #tpu.memory_space<hbm>> -> memref<10000x128xf32, #tpu.memory_space<hbm>>
      tpu.wait_indirect_dma semaphore(%arg12 : memref<!tpu.dma_semaphore, #tpu.memory_space<semaphore_mem>>) src(%dma_wait3A_404 : memref<10000x128xf32, #tpu.memory_space<hbm>>) dst(%dma_wait3A_394 : memref<128x128xf32, #tpu.memory_space<vmem>>)
      %add3A_405 = arith.constant 1 : i32
      %add3A_406 = arith.addi %mul3A_351, %add3A_405 : i32
      %run_scoped3A_407 = arith.constant 1 : i32
      "tpu.region"() ({
        %run_scoped3A_426 = tpu.sem_alloc : memref<!tpu.dma_semaphore, #tpu.memory_space<semaphore_mem>>
        %dma_start3A_427 = arith.constant 0 : i32
        %dma_start3A_428 = arith.constant 0 : i32
        %dma_start3A_429 = tpu.memref_slice %arg9[%run_scoped3A_407, %dma_start3A_427, %dma_start3A_428] : memref<2x128x128xf32, #tpu.memory_space<vmem>> -> memref<1x128x128xf32, #tpu.memory_space<vmem>>
        %dma_start3A_430 = tpu.memref_squeeze %dma_start3A_429 : memref<1x128x128xf32, #tpu.memory_space<vmem>> -> memref<128x128xf32, #tpu.memory_space<vmem>>
        %dma_start3A_431 = arith.constant 0 : i32
        %dma_start3A_432 = tpu.memref_slice %arg8[%add3A_406, %dma_start3A_431] : memref<40x128xi32, #tpu.memory_space<vmem>> -> memref<1x128xi32, #tpu.memory_space<vmem>>
        %dma_start3A_433 = tpu.memref_squeeze %dma_start3A_432 : memref<1x128xi32, #tpu.memory_space<vmem>> -> memref<128xi32, #tpu.memory_space<vmem>>
        %dma_start3A_434 = arith.constant 0 : i32
        %dma_start3A_435 = arith.constant 0 : i32
        %dma_start3A_436 = tpu.memref_slice %arg10[%dma_start3A_434, %dma_start3A_435] : memref<10112x128xf32, #tpu.memory_space<vmem_shared>> -> memref<10112x128xf32, #tpu.memory_space<vmem_shared>>
        tpu.enqueue_indirect_dma source(%dma_start3A_430 : memref<128x128xf32, #tpu.memory_space<vmem>>) target(%dma_start3A_436 : memref<10112x128xf32, #tpu.memory_space<vmem_shared>>) offsets(%dma_start3A_433 : memref<128xi32, #tpu.memory_space<vmem>>) semaphore(%run_scoped3A_426 : memref<!tpu.dma_semaphore, #tpu.memory_space<semaphore_mem>>) {add = true}
        %dma_wait3A_437 = arith.constant 0 : i32
        %dma_wait3A_438 = arith.constant 0 : i32
        %dma_wait3A_439 = tpu.memref_slice %arg9[%run_scoped3A_407, %dma_wait3A_437, %dma_wait3A_438] : memref<2x128x128xf32, #tpu.memory_space<vmem>> -> memref<1x128x128xf32, #tpu.memory_space<vmem>>
        %dma_wait3A_440 = tpu.memref_squeeze %dma_wait3A_439 : memref<1x128x128xf32, #tpu.memory_space<vmem>> -> memref<128x128xf32, #tpu.memory_space<vmem>>
        %dma_wait3A_441 = arith.constant 0 : i32
        %dma_wait3A_442 = tpu.memref_slice %arg8[%add3A_406, %dma_wait3A_441] : memref<40x128xi32, #tpu.memory_space<vmem>> -> memref<1x128xi32, #tpu.memory_space<vmem>>
        %dma_wait3A_443 = tpu.memref_squeeze %dma_wait3A_442 : memref<1x128xi32, #tpu.memory_space<vmem>> -> memref<128xi32, #tpu.memory_space<vmem>>
        %dma_wait3A_444 = arith.constant 0 : i32
        %dma_wait3A_445 = arith.constant 0 : i32
        %dma_wait3A_446 = tpu.memref_slice %arg10[%dma_wait3A_444, %dma_wait3A_445] : memref<10112x128xf32, #tpu.memory_space<vmem_shared>> -> memref<10112x128xf32, #tpu.memory_space<vmem_shared>>
        tpu.wait_indirect_dma semaphore(%run_scoped3A_426 : memref<!tpu.dma_semaphore, #tpu.memory_space<semaphore_mem>>) src(%dma_wait3A_440 : memref<128x128xf32, #tpu.memory_space<vmem>>) dst(%dma_wait3A_446 : memref<10112x128xf32, #tpu.memory_space<vmem_shared>>)
        tpu.yield
      }) : () -> ()
      %add3A_408 = arith.constant 3 : i32
      %add3A_409 = arith.addi %mul3A_351, %add3A_408 : i32
      %dma_start3A_410 = arith.constant 2 : i32
      %dma_start3A_411 = arith.constant 1 : i32
      %dma_start3A_412 = arith.constant 0 : i32
      %dma_start3A_413 = arith.constant 0 : i32
      %dma_start3A_414 = tpu.memref_slice %arg9[%dma_start3A_411, %dma_start3A_412, %dma_start3A_413] : memref<2x128x128xf32, #tpu.memory_space<vmem>> -> memref<1x128x128xf32, #tpu.memory_space<vmem>>
      %dma_start3A_415 = tpu.memref_squeeze %dma_start3A_414 : memref<1x128x128xf32, #tpu.memory_space<vmem>> -> memref<128x128xf32, #tpu.memory_space<vmem>>
      %dma_start3A_416 = arith.constant 0 : i32
      %dma_start3A_417 = tpu.memref_slice %arg7[%add3A_409, %dma_start3A_416] : memref<40x128xi32, #tpu.memory_space<vmem>> -> memref<1x128xi32, #tpu.memory_space<vmem>>
      %dma_start3A_418 = tpu.memref_squeeze %dma_start3A_417 : memref<1x128xi32, #tpu.memory_space<vmem>> -> memref<128xi32, #tpu.memory_space<vmem>>
      %dma_start3A_419 = arith.constant 0 : i32
      %dma_start3A_420 = arith.constant 0 : i32
      %dma_start3A_421 = tpu.memref_slice %arg2[%dma_start3A_410, %dma_start3A_419, %dma_start3A_420] : memref<4x10000x128xf32, #tpu.memory_space<hbm>> -> memref<1x10000x128xf32, #tpu.memory_space<hbm>>
      %dma_start3A_422 = tpu.memref_squeeze %dma_start3A_421 : memref<1x10000x128xf32, #tpu.memory_space<hbm>> -> memref<10000x128xf32, #tpu.memory_space<hbm>>
      %dma_start3A_423 = arith.constant 0 : i32
      %dma_start3A_424 = arith.constant 0 : i32
      %dma_start3A_425 = tpu.memref_slice %dma_start3A_422[%dma_start3A_423, %dma_start3A_424] : memref<10000x128xf32, #tpu.memory_space<hbm>> -> memref<10000x128xf32, #tpu.memory_space<hbm>>
      tpu.enqueue_indirect_dma source(%dma_start3A_425 : memref<10000x128xf32, #tpu.memory_space<hbm>>) target(%dma_start3A_415 : memref<128x128xf32, #tpu.memory_space<vmem>>) offsets(%dma_start3A_418 : memref<128xi32, #tpu.memory_space<vmem>>) semaphore(%arg12 : memref<!tpu.dma_semaphore, #tpu.memory_space<semaphore_mem>>)
    }
    %scan3A_213 = arith.constant 19 : i32
    %dma_wait3A_214 = arith.constant 2 : i32
    %dma_wait3A_215 = arith.constant 38 : i32
    %dma_wait3A_216 = arith.constant 0 : i32
    %dma_wait3A_217 = arith.constant 0 : i32
    %dma_wait3A_218 = arith.constant 0 : i32
    %dma_wait3A_219 = tpu.memref_slice %arg9[%dma_wait3A_216, %dma_wait3A_217, %dma_wait3A_218] : memref<2x128x128xf32, #tpu.memory_space<vmem>> -> memref<1x128x128xf32, #tpu.memory_space<vmem>>
    %dma_wait3A_220 = tpu.memref_squeeze %dma_wait3A_219 : memref<1x128x128xf32, #tpu.memory_space<vmem>> -> memref<128x128xf32, #tpu.memory_space<vmem>>
    %dma_wait3A_221 = arith.constant 0 : i32
    %dma_wait3A_222 = tpu.memref_slice %arg7[%dma_wait3A_215, %dma_wait3A_221] : memref<40x128xi32, #tpu.memory_space<vmem>> -> memref<1x128xi32, #tpu.memory_space<vmem>>
    %dma_wait3A_223 = tpu.memref_squeeze %dma_wait3A_222 : memref<1x128xi32, #tpu.memory_space<vmem>> -> memref<128xi32, #tpu.memory_space<vmem>>
    %dma_wait3A_224 = arith.constant 0 : i32
    %dma_wait3A_225 = arith.constant 0 : i32
    %dma_wait3A_226 = tpu.memref_slice %arg2[%dma_wait3A_214, %dma_wait3A_224, %dma_wait3A_225] : memref<4x10000x128xf32, #tpu.memory_space<hbm>> -> memref<1x10000x128xf32, #tpu.memory_space<hbm>>
    %dma_wait3A_227 = tpu.memref_squeeze %dma_wait3A_226 : memref<1x10000x128xf32, #tpu.memory_space<hbm>> -> memref<10000x128xf32, #tpu.memory_space<hbm>>
    %dma_wait3A_228 = arith.constant 0 : i32
    %dma_wait3A_229 = arith.constant 0 : i32
    %dma_wait3A_230 = tpu.memref_slice %dma_wait3A_227[%dma_wait3A_228, %dma_wait3A_229] : memref<10000x128xf32, #tpu.memory_space<hbm>> -> memref<10000x128xf32, #tpu.memory_space<hbm>>
    tpu.wait_indirect_dma semaphore(%arg11 : memref<!tpu.dma_semaphore, #tpu.memory_space<semaphore_mem>>) src(%dma_wait3A_230 : memref<10000x128xf32, #tpu.memory_space<hbm>>) dst(%dma_wait3A_220 : memref<128x128xf32, #tpu.memory_space<vmem>>)
    %run_scoped3A_231 = arith.constant 0 : i32
    %run_scoped3A_232 = arith.constant 38 : i32
    "tpu.region"() ({
      %run_scoped3A_345 = tpu.sem_alloc : memref<!tpu.dma_semaphore, #tpu.memory_space<semaphore_mem>>
      %dma_start3A_346 = arith.constant 0 : i32
      %dma_start3A_347 = arith.constant 0 : i32
      %dma_start3A_348 = tpu.memref_slice %arg9[%run_scoped3A_231, %dma_start3A_346, %dma_start3A_347] : memref<2x128x128xf32, #tpu.memory_space<vmem>> -> memref<1x128x128xf32, #tpu.memory_space<vmem>>
      %dma_start3A_349 = tpu.memref_squeeze %dma_start3A_348 : memref<1x128x128xf32, #tpu.memory_space<vmem>> -> memref<128x128xf32, #tpu.memory_space<vmem>>
      %dma_start3A_350 = arith.constant 0 : i32
      %dma_start3A_351 = tpu.memref_slice %arg8[%run_scoped3A_232, %dma_start3A_350] : memref<40x128xi32, #tpu.memory_space<vmem>> -> memref<1x128xi32, #tpu.memory_space<vmem>>
      %dma_start3A_352 = tpu.memref_squeeze %dma_start3A_351 : memref<1x128xi32, #tpu.memory_space<vmem>> -> memref<128xi32, #tpu.memory_space<vmem>>
      %dma_start3A_353 = arith.constant 0 : i32
      %dma_start3A_354 = arith.constant 0 : i32
      %dma_start3A_355 = tpu.memref_slice %arg10[%dma_start3A_353, %dma_start3A_354] : memref<10112x128xf32, #tpu.memory_space<vmem_shared>> -> memref<10112x128xf32, #tpu.memory_space<vmem_shared>>
      tpu.enqueue_indirect_dma source(%dma_start3A_349 : memref<128x128xf32, #tpu.memory_space<vmem>>) target(%dma_start3A_355 : memref<10112x128xf32, #tpu.memory_space<vmem_shared>>) offsets(%dma_start3A_352 : memref<128xi32, #tpu.memory_space<vmem>>) semaphore(%run_scoped3A_345 : memref<!tpu.dma_semaphore, #tpu.memory_space<semaphore_mem>>) {add = true}
      %dma_wait3A_356 = arith.constant 0 : i32
      %dma_wait3A_357 = arith.constant 0 : i32
      %dma_wait3A_358 = tpu.memref_slice %arg9[%run_scoped3A_231, %dma_wait3A_356, %dma_wait3A_357] : memref<2x128x128xf32, #tpu.memory_space<vmem>> -> memref<1x128x128xf32, #tpu.memory_space<vmem>>
      %dma_wait3A_359 = tpu.memref_squeeze %dma_wait3A_358 : memref<1x128x128xf32, #tpu.memory_space<vmem>> -> memref<128x128xf32, #tpu.memory_space<vmem>>
      %dma_wait3A_360 = arith.constant 0 : i32
      %dma_wait3A_361 = tpu.memref_slice %arg8[%run_scoped3A_232, %dma_wait3A_360] : memref<40x128xi32, #tpu.memory_space<vmem>> -> memref<1x128xi32, #tpu.memory_space<vmem>>
      %dma_wait3A_362 = tpu.memref_squeeze %dma_wait3A_361 : memref<1x128xi32, #tpu.memory_space<vmem>> -> memref<128xi32, #tpu.memory_space<vmem>>
      %dma_wait3A_363 = arith.constant 0 : i32
      %dma_wait3A_364 = arith.constant 0 : i32
      %dma_wait3A_365 = tpu.memref_slice %arg10[%dma_wait3A_363, %dma_wait3A_364] : memref<10112x128xf32, #tpu.memory_space<vmem_shared>> -> memref<10112x128xf32, #tpu.memory_space<vmem_shared>>
      tpu.wait_indirect_dma semaphore(%run_scoped3A_345 : memref<!tpu.dma_semaphore, #tpu.memory_space<semaphore_mem>>) src(%dma_wait3A_359 : memref<128x128xf32, #tpu.memory_space<vmem>>) dst(%dma_wait3A_365 : memref<10112x128xf32, #tpu.memory_space<vmem_shared>>)
      tpu.yield
    }) : () -> ()
    %dma_wait3A_233 = arith.constant 2 : i32
    %dma_wait3A_234 = arith.constant 39 : i32
    %dma_wait3A_235 = arith.constant 1 : i32
    %dma_wait3A_236 = arith.constant 0 : i32
    %dma_wait3A_237 = arith.constant 0 : i32
    %dma_wait3A_238 = tpu.memref_slice %arg9[%dma_wait3A_235, %dma_wait3A_236, %dma_wait3A_237] : memref<2x128x128xf32, #tpu.memory_space<vmem>> -> memref<1x128x128xf32, #tpu.memory_space<vmem>>
    %dma_wait3A_239 = tpu.memref_squeeze %dma_wait3A_238 : memref<1x128x128xf32, #tpu.memory_space<vmem>> -> memref<128x128xf32, #tpu.memory_space<vmem>>
    %dma_wait3A_240 = arith.constant 0 : i32
    %dma_wait3A_241 = tpu.memref_slice %arg7[%dma_wait3A_234, %dma_wait3A_240] : memref<40x128xi32, #tpu.memory_space<vmem>> -> memref<1x128xi32, #tpu.memory_space<vmem>>
    %dma_wait3A_242 = tpu.memref_squeeze %dma_wait3A_241 : memref<1x128xi32, #tpu.memory_space<vmem>> -> memref<128xi32, #tpu.memory_space<vmem>>
    %dma_wait3A_243 = arith.constant 0 : i32
    %dma_wait3A_244 = arith.constant 0 : i32
    %dma_wait3A_245 = tpu.memref_slice %arg2[%dma_wait3A_233, %dma_wait3A_243, %dma_wait3A_244] : memref<4x10000x128xf32, #tpu.memory_space<hbm>> -> memref<1x10000x128xf32, #tpu.memory_space<hbm>>
    %dma_wait3A_246 = tpu.memref_squeeze %dma_wait3A_245 : memref<1x10000x128xf32, #tpu.memory_space<hbm>> -> memref<10000x128xf32, #tpu.memory_space<hbm>>
    %dma_wait3A_247 = arith.constant 0 : i32
    %dma_wait3A_248 = arith.constant 0 : i32
    %dma_wait3A_249 = tpu.memref_slice %dma_wait3A_246[%dma_wait3A_247, %dma_wait3A_248] : memref<10000x128xf32, #tpu.memory_space<hbm>> -> memref<10000x128xf32, #tpu.memory_space<hbm>>
    tpu.wait_indirect_dma semaphore(%arg12 : memref<!tpu.dma_semaphore, #tpu.memory_space<semaphore_mem>>) src(%dma_wait3A_249 : memref<10000x128xf32, #tpu.memory_space<hbm>>) dst(%dma_wait3A_239 : memref<128x128xf32, #tpu.memory_space<vmem>>)
    %run_scoped3A_250 = arith.constant 1 : i32
    %run_scoped3A_251 = arith.constant 39 : i32
    "tpu.region"() ({
      %run_scoped3A_345 = tpu.sem_alloc : memref<!tpu.dma_semaphore, #tpu.memory_space<semaphore_mem>>
      %dma_start3A_346 = arith.constant 0 : i32
      %dma_start3A_347 = arith.constant 0 : i32
      %dma_start3A_348 = tpu.memref_slice %arg9[%run_scoped3A_250, %dma_start3A_346, %dma_start3A_347] : memref<2x128x128xf32, #tpu.memory_space<vmem>> -> memref<1x128x128xf32, #tpu.memory_space<vmem>>
      %dma_start3A_349 = tpu.memref_squeeze %dma_start3A_348 : memref<1x128x128xf32, #tpu.memory_space<vmem>> -> memref<128x128xf32, #tpu.memory_space<vmem>>
      %dma_start3A_350 = arith.constant 0 : i32
      %dma_start3A_351 = tpu.memref_slice %arg8[%run_scoped3A_251, %dma_start3A_350] : memref<40x128xi32, #tpu.memory_space<vmem>> -> memref<1x128xi32, #tpu.memory_space<vmem>>
      %dma_start3A_352 = tpu.memref_squeeze %dma_start3A_351 : memref<1x128xi32, #tpu.memory_space<vmem>> -> memref<128xi32, #tpu.memory_space<vmem>>
      %dma_start3A_353 = arith.constant 0 : i32
      %dma_start3A_354 = arith.constant 0 : i32
      %dma_start3A_355 = tpu.memref_slice %arg10[%dma_start3A_353, %dma_start3A_354] : memref<10112x128xf32, #tpu.memory_space<vmem_shared>> -> memref<10112x128xf32, #tpu.memory_space<vmem_shared>>
      tpu.enqueue_indirect_dma source(%dma_start3A_349 : memref<128x128xf32, #tpu.memory_space<vmem>>) target(%dma_start3A_355 : memref<10112x128xf32, #tpu.memory_space<vmem_shared>>) offsets(%dma_start3A_352 : memref<128xi32, #tpu.memory_space<vmem>>) semaphore(%run_scoped3A_345 : memref<!tpu.dma_semaphore, #tpu.memory_space<semaphore_mem>>) {add = true}
      %dma_wait3A_356 = arith.constant 0 : i32
      %dma_wait3A_357 = arith.constant 0 : i32
      %dma_wait3A_358 = tpu.memref_slice %arg9[%run_scoped3A_250, %dma_wait3A_356, %dma_wait3A_357] : memref<2x128x128xf32, #tpu.memory_space<vmem>> -> memref<1x128x128xf32, #tpu.memory_space<vmem>>
      %dma_wait3A_359 = tpu.memref_squeeze %dma_wait3A_358 : memref<1x128x128xf32, #tpu.memory_space<vmem>> -> memref<128x128xf32, #tpu.memory_space<vmem>>
      %dma_wait3A_360 = arith.constant 0 : i32
      %dma_wait3A_361 = tpu.memref_slice %arg8[%run_scoped3A_251, %dma_wait3A_360] : memref<40x128xi32, #tpu.memory_space<vmem>> -> memref<1x128xi32, #tpu.memory_space<vmem>>
      %dma_wait3A_362 = tpu.memref_squeeze %dma_wait3A_361 : memref<1x128xi32, #tpu.memory_space<vmem>> -> memref<128xi32, #tpu.memory_space<vmem>>
      %dma_wait3A_363 = arith.constant 0 : i32
      %dma_wait3A_364 = arith.constant 0 : i32
      %dma_wait3A_365 = tpu.memref_slice %arg10[%dma_wait3A_363, %dma_wait3A_364] : memref<10112x128xf32, #tpu.memory_space<vmem_shared>> -> memref<10112x128xf32, #tpu.memory_space<vmem_shared>>
      tpu.wait_indirect_dma semaphore(%run_scoped3A_345 : memref<!tpu.dma_semaphore, #tpu.memory_space<semaphore_mem>>) src(%dma_wait3A_359 : memref<128x128xf32, #tpu.memory_space<vmem>>) dst(%dma_wait3A_365 : memref<10112x128xf32, #tpu.memory_space<vmem_shared>>)
      tpu.yield
    }) : () -> ()
    %barrier3A_252 = arith.constant 0 : index
    tpu.barrier barrier_id(%barrier3A_252)
    %mul3A_253 = arith.constant 632 : i32
    %mul3A_254 = arith.muli %arg1, %mul3A_253 : i32
    %mul3A_255 = arith.constant 632 : i32
    %mul3A_256 = arith.muli %arg1, %mul3A_255 : i32
    %run_scoped3A_257 = arith.constant 2 : i32
    "tpu.region"() ({
      %run_scoped3A_345 = tpu.sem_alloc : memref<!tpu.dma_semaphore, #tpu.memory_space<semaphore_mem>>
      %dma_start3A_346 = arith.constant 0 : i32
      %dma_start3A_347 = tpu.memref_slice %arg6[%arg0, %run_scoped3A_257, %mul3A_256, %dma_start3A_346] : memref<2x4x10112x128xf32, #tpu.memory_space<hbm>> -> memref<1x1x632x128xf32, #tpu.memory_space<hbm>>
      %dma_start3A_348 = tpu.memref_squeeze %dma_start3A_347 : memref<1x1x632x128xf32, #tpu.memory_space<hbm>> -> memref<632x128xf32, #tpu.memory_space<hbm>>
      %dma_start3A_349 = arith.constant 0 : i32
      %dma_start3A_350 = tpu.memref_slice %arg10[%mul3A_254, %dma_start3A_349] : memref<10112x128xf32, #tpu.memory_space<vmem_shared>> -> memref<632x128xf32, #tpu.memory_space<vmem_shared>>
      tpu.enqueue_dma source(%dma_start3A_350 : memref<632x128xf32, #tpu.memory_space<vmem_shared>>) target(%dma_start3A_348 : memref<632x128xf32, #tpu.memory_space<hbm>>) target_semaphore(%run_scoped3A_345 : memref<!tpu.dma_semaphore, #tpu.memory_space<semaphore_mem>>)
      %dma_wait3A_351 = arith.constant 0 : i32
      %dma_wait3A_352 = tpu.memref_slice %arg6[%arg0, %run_scoped3A_257, %mul3A_256, %dma_wait3A_351] : memref<2x4x10112x128xf32, #tpu.memory_space<hbm>> -> memref<1x1x632x128xf32, #tpu.memory_space<hbm>>
      %dma_wait3A_353 = tpu.memref_squeeze %dma_wait3A_352 : memref<1x1x632x128xf32, #tpu.memory_space<hbm>> -> memref<632x128xf32, #tpu.memory_space<hbm>>
      %dma_wait3A_354 = arith.constant 0 : i32
      %dma_wait3A_355 = tpu.memref_slice %arg10[%mul3A_254, %dma_wait3A_354] : memref<10112x128xf32, #tpu.memory_space<vmem_shared>> -> memref<632x128xf32, #tpu.memory_space<vmem_shared>>
      tpu.wait_dma2 semaphore(%run_scoped3A_345 : memref<!tpu.dma_semaphore, #tpu.memory_space<semaphore_mem>>) src(%dma_wait3A_355 : memref<632x128xf32, #tpu.memory_space<vmem_shared>>) dst(%dma_wait3A_353 : memref<632x128xf32, #tpu.memory_space<hbm>>)
      tpu.yield
    }) : () -> ()
    %barrier3A_258 = arith.constant 0 : index
    tpu.barrier barrier_id(%barrier3A_258)
    %mul3A_259 = arith.constant 632 : i32
    %mul3A_260 = arith.muli %arg1, %mul3A_259 : i32
    "tpu.region"() ({
      %run_scoped3A_345 = tpu.sem_alloc : memref<!tpu.dma_semaphore, #tpu.memory_space<semaphore_mem>>
      %dma_start3A_346 = arith.constant 0 : i32
      %dma_start3A_347 = tpu.memref_slice %arg10[%mul3A_260, %dma_start3A_346] : memref<10112x128xf32, #tpu.memory_space<vmem_shared>> -> memref<632x128xf32, #tpu.memory_space<vmem_shared>>
      tpu.enqueue_dma source(%arg5 : memref<632x128xf32, #tpu.memory_space<hbm>>) target(%dma_start3A_347 : memref<632x128xf32, #tpu.memory_space<vmem_shared>>) target_semaphore(%run_scoped3A_345 : memref<!tpu.dma_semaphore, #tpu.memory_space<semaphore_mem>>)
      %dma_wait3A_348 = arith.constant 0 : i32
      %dma_wait3A_349 = tpu.memref_slice %arg10[%mul3A_260, %dma_wait3A_348] : memref<10112x128xf32, #tpu.memory_space<vmem_shared>> -> memref<632x128xf32, #tpu.memory_space<vmem_shared>>
      tpu.wait_dma2 semaphore(%run_scoped3A_345 : memref<!tpu.dma_semaphore, #tpu.memory_space<semaphore_mem>>) src(%arg5 : memref<632x128xf32, #tpu.memory_space<hbm>>) dst(%dma_wait3A_349 : memref<632x128xf32, #tpu.memory_space<vmem_shared>>)
      tpu.yield
    }) : () -> ()
    %barrier3A_261 = arith.constant 0 : index
    tpu.barrier barrier_id(%barrier3A_261)
    %dma_start3A_262 = arith.constant 3 : i32
    %dma_start3A_263 = arith.constant 0 : i32
    %dma_start3A_264 = arith.constant 0 : i32
    %dma_start3A_265 = arith.constant 0 : i32
    %dma_start3A_266 = arith.constant 0 : i32
    %dma_start3A_267 = tpu.memref_slice %arg9[%dma_start3A_264, %dma_start3A_265, %dma_start3A_266] : memref<2x128x128xf32, #tpu.memory_space<vmem>> -> memref<1x128x128xf32, #tpu.memory_space<vmem>>
    %dma_start3A_268 = tpu.memref_squeeze %dma_start3A_267 : memref<1x128x128xf32, #tpu.memory_space<vmem>> -> memref<128x128xf32, #tpu.memory_space<vmem>>
    %dma_start3A_269 = arith.constant 0 : i32
    %dma_start3A_270 = tpu.memref_slice %arg7[%dma_start3A_263, %dma_start3A_269] : memref<40x128xi32, #tpu.memory_space<vmem>> -> memref<1x128xi32, #tpu.memory_space<vmem>>
    %dma_start3A_271 = tpu.memref_squeeze %dma_start3A_270 : memref<1x128xi32, #tpu.memory_space<vmem>> -> memref<128xi32, #tpu.memory_space<vmem>>
    %dma_start3A_272 = arith.constant 0 : i32
    %dma_start3A_273 = arith.constant 0 : i32
    %dma_start3A_274 = tpu.memref_slice %arg2[%dma_start3A_262, %dma_start3A_272, %dma_start3A_273] : memref<4x10000x128xf32, #tpu.memory_space<hbm>> -> memref<1x10000x128xf32, #tpu.memory_space<hbm>>
    %dma_start3A_275 = tpu.memref_squeeze %dma_start3A_274 : memref<1x10000x128xf32, #tpu.memory_space<hbm>> -> memref<10000x128xf32, #tpu.memory_space<hbm>>
    %dma_start3A_276 = arith.constant 0 : i32
    %dma_start3A_277 = arith.constant 0 : i32
    %dma_start3A_278 = tpu.memref_slice %dma_start3A_275[%dma_start3A_276, %dma_start3A_277] : memref<10000x128xf32, #tpu.memory_space<hbm>> -> memref<10000x128xf32, #tpu.memory_space<hbm>>
    tpu.enqueue_indirect_dma source(%dma_start3A_278 : memref<10000x128xf32, #tpu.memory_space<hbm>>) target(%dma_start3A_268 : memref<128x128xf32, #tpu.memory_space<vmem>>) offsets(%dma_start3A_271 : memref<128xi32, #tpu.memory_space<vmem>>) semaphore(%arg11 : memref<!tpu.dma_semaphore, #tpu.memory_space<semaphore_mem>>)
    %dma_start3A_279 = arith.constant 3 : i32
    %dma_start3A_280 = arith.constant 1 : i32
    %dma_start3A_281 = arith.constant 1 : i32
    %dma_start3A_282 = arith.constant 0 : i32
    %dma_start3A_283 = arith.constant 0 : i32
    %dma_start3A_284 = tpu.memref_slice %arg9[%dma_start3A_281, %dma_start3A_282, %dma_start3A_283] : memref<2x128x128xf32, #tpu.memory_space<vmem>> -> memref<1x128x128xf32, #tpu.memory_space<vmem>>
    %dma_start3A_285 = tpu.memref_squeeze %dma_start3A_284 : memref<1x128x128xf32, #tpu.memory_space<vmem>> -> memref<128x128xf32, #tpu.memory_space<vmem>>
    %dma_start3A_286 = arith.constant 0 : i32
    %dma_start3A_287 = tpu.memref_slice %arg7[%dma_start3A_280, %dma_start3A_286] : memref<40x128xi32, #tpu.memory_space<vmem>> -> memref<1x128xi32, #tpu.memory_space<vmem>>
    %dma_start3A_288 = tpu.memref_squeeze %dma_start3A_287 : memref<1x128xi32, #tpu.memory_space<vmem>> -> memref<128xi32, #tpu.memory_space<vmem>>
    %dma_start3A_289 = arith.constant 0 : i32
    %dma_start3A_290 = arith.constant 0 : i32
    %dma_start3A_291 = tpu.memref_slice %arg2[%dma_start3A_279, %dma_start3A_289, %dma_start3A_290] : memref<4x10000x128xf32, #tpu.memory_space<hbm>> -> memref<1x10000x128xf32, #tpu.memory_space<hbm>>
    %dma_start3A_292 = tpu.memref_squeeze %dma_start3A_291 : memref<1x10000x128xf32, #tpu.memory_space<hbm>> -> memref<10000x128xf32, #tpu.memory_space<hbm>>
    %dma_start3A_293 = arith.constant 0 : i32
    %dma_start3A_294 = arith.constant 0 : i32
    %dma_start3A_295 = tpu.memref_slice %dma_start3A_292[%dma_start3A_293, %dma_start3A_294] : memref<10000x128xf32, #tpu.memory_space<hbm>> -> memref<10000x128xf32, #tpu.memory_space<hbm>>
    tpu.enqueue_indirect_dma source(%dma_start3A_295 : memref<10000x128xf32, #tpu.memory_space<hbm>>) target(%dma_start3A_285 : memref<128x128xf32, #tpu.memory_space<vmem>>) offsets(%dma_start3A_288 : memref<128xi32, #tpu.memory_space<vmem>>) semaphore(%arg12 : memref<!tpu.dma_semaphore, #tpu.memory_space<semaphore_mem>>)
    %scan3A_296 = arith.constant 0 : i32
    %scan3A_297 = arith.constant 19 : i32
    %scan3A_298 = arith.addi %scan3A_296, %scan3A_297 : i32
    %scan3A_299 = arith.constant 1 : i32
    scf.for %scan3A_345 = %scan3A_296 to %scan3A_298 step %scan3A_299  : i32 {
      %mul3A_346 = arith.constant 1 : i32
      %mul3A_347 = arith.muli %scan3A_345, %mul3A_346 : i32
      %add3A_348 = arith.constant 0 : i32
      %add3A_349 = arith.addi %add3A_348, %mul3A_347 : i32
      %mul3A_350 = arith.constant 2 : i32
      %mul3A_351 = arith.muli %add3A_349, %mul3A_350 : i32
      %dma_wait3A_352 = arith.constant 3 : i32
      %dma_wait3A_353 = arith.constant 0 : i32
      %dma_wait3A_354 = arith.constant 0 : i32
      %dma_wait3A_355 = arith.constant 0 : i32
      %dma_wait3A_356 = tpu.memref_slice %arg9[%dma_wait3A_353, %dma_wait3A_354, %dma_wait3A_355] : memref<2x128x128xf32, #tpu.memory_space<vmem>> -> memref<1x128x128xf32, #tpu.memory_space<vmem>>
      %dma_wait3A_357 = tpu.memref_squeeze %dma_wait3A_356 : memref<1x128x128xf32, #tpu.memory_space<vmem>> -> memref<128x128xf32, #tpu.memory_space<vmem>>
      %dma_wait3A_358 = arith.constant 0 : i32
      %dma_wait3A_359 = tpu.memref_slice %arg7[%mul3A_351, %dma_wait3A_358] : memref<40x128xi32, #tpu.memory_space<vmem>> -> memref<1x128xi32, #tpu.memory_space<vmem>>
      %dma_wait3A_360 = tpu.memref_squeeze %dma_wait3A_359 : memref<1x128xi32, #tpu.memory_space<vmem>> -> memref<128xi32, #tpu.memory_space<vmem>>
      %dma_wait3A_361 = arith.constant 0 : i32
      %dma_wait3A_362 = arith.constant 0 : i32
      %dma_wait3A_363 = tpu.memref_slice %arg2[%dma_wait3A_352, %dma_wait3A_361, %dma_wait3A_362] : memref<4x10000x128xf32, #tpu.memory_space<hbm>> -> memref<1x10000x128xf32, #tpu.memory_space<hbm>>
      %dma_wait3A_364 = tpu.memref_squeeze %dma_wait3A_363 : memref<1x10000x128xf32, #tpu.memory_space<hbm>> -> memref<10000x128xf32, #tpu.memory_space<hbm>>
      %dma_wait3A_365 = arith.constant 0 : i32
      %dma_wait3A_366 = arith.constant 0 : i32
      %dma_wait3A_367 = tpu.memref_slice %dma_wait3A_364[%dma_wait3A_365, %dma_wait3A_366] : memref<10000x128xf32, #tpu.memory_space<hbm>> -> memref<10000x128xf32, #tpu.memory_space<hbm>>
      tpu.wait_indirect_dma semaphore(%arg11 : memref<!tpu.dma_semaphore, #tpu.memory_space<semaphore_mem>>) src(%dma_wait3A_367 : memref<10000x128xf32, #tpu.memory_space<hbm>>) dst(%dma_wait3A_357 : memref<128x128xf32, #tpu.memory_space<vmem>>)
      %run_scoped3A_368 = arith.constant 0 : i32
      "tpu.region"() ({
        %run_scoped3A_426 = tpu.sem_alloc : memref<!tpu.dma_semaphore, #tpu.memory_space<semaphore_mem>>
        %dma_start3A_427 = arith.constant 0 : i32
        %dma_start3A_428 = arith.constant 0 : i32
        %dma_start3A_429 = tpu.memref_slice %arg9[%run_scoped3A_368, %dma_start3A_427, %dma_start3A_428] : memref<2x128x128xf32, #tpu.memory_space<vmem>> -> memref<1x128x128xf32, #tpu.memory_space<vmem>>
        %dma_start3A_430 = tpu.memref_squeeze %dma_start3A_429 : memref<1x128x128xf32, #tpu.memory_space<vmem>> -> memref<128x128xf32, #tpu.memory_space<vmem>>
        %dma_start3A_431 = arith.constant 0 : i32
        %dma_start3A_432 = tpu.memref_slice %arg8[%mul3A_351, %dma_start3A_431] : memref<40x128xi32, #tpu.memory_space<vmem>> -> memref<1x128xi32, #tpu.memory_space<vmem>>
        %dma_start3A_433 = tpu.memref_squeeze %dma_start3A_432 : memref<1x128xi32, #tpu.memory_space<vmem>> -> memref<128xi32, #tpu.memory_space<vmem>>
        %dma_start3A_434 = arith.constant 0 : i32
        %dma_start3A_435 = arith.constant 0 : i32
        %dma_start3A_436 = tpu.memref_slice %arg10[%dma_start3A_434, %dma_start3A_435] : memref<10112x128xf32, #tpu.memory_space<vmem_shared>> -> memref<10112x128xf32, #tpu.memory_space<vmem_shared>>
        tpu.enqueue_indirect_dma source(%dma_start3A_430 : memref<128x128xf32, #tpu.memory_space<vmem>>) target(%dma_start3A_436 : memref<10112x128xf32, #tpu.memory_space<vmem_shared>>) offsets(%dma_start3A_433 : memref<128xi32, #tpu.memory_space<vmem>>) semaphore(%run_scoped3A_426 : memref<!tpu.dma_semaphore, #tpu.memory_space<semaphore_mem>>) {add = true}
        %dma_wait3A_437 = arith.constant 0 : i32
        %dma_wait3A_438 = arith.constant 0 : i32
        %dma_wait3A_439 = tpu.memref_slice %arg9[%run_scoped3A_368, %dma_wait3A_437, %dma_wait3A_438] : memref<2x128x128xf32, #tpu.memory_space<vmem>> -> memref<1x128x128xf32, #tpu.memory_space<vmem>>
        %dma_wait3A_440 = tpu.memref_squeeze %dma_wait3A_439 : memref<1x128x128xf32, #tpu.memory_space<vmem>> -> memref<128x128xf32, #tpu.memory_space<vmem>>
        %dma_wait3A_441 = arith.constant 0 : i32
        %dma_wait3A_442 = tpu.memref_slice %arg8[%mul3A_351, %dma_wait3A_441] : memref<40x128xi32, #tpu.memory_space<vmem>> -> memref<1x128xi32, #tpu.memory_space<vmem>>
        %dma_wait3A_443 = tpu.memref_squeeze %dma_wait3A_442 : memref<1x128xi32, #tpu.memory_space<vmem>> -> memref<128xi32, #tpu.memory_space<vmem>>
        %dma_wait3A_444 = arith.constant 0 : i32
        %dma_wait3A_445 = arith.constant 0 : i32
        %dma_wait3A_446 = tpu.memref_slice %arg10[%dma_wait3A_444, %dma_wait3A_445] : memref<10112x128xf32, #tpu.memory_space<vmem_shared>> -> memref<10112x128xf32, #tpu.memory_space<vmem_shared>>
        tpu.wait_indirect_dma semaphore(%run_scoped3A_426 : memref<!tpu.dma_semaphore, #tpu.memory_space<semaphore_mem>>) src(%dma_wait3A_440 : memref<128x128xf32, #tpu.memory_space<vmem>>) dst(%dma_wait3A_446 : memref<10112x128xf32, #tpu.memory_space<vmem_shared>>)
        tpu.yield
      }) : () -> ()
      %add3A_369 = arith.constant 2 : i32
      %add3A_370 = arith.addi %mul3A_351, %add3A_369 : i32
      %dma_start3A_371 = arith.constant 3 : i32
      %dma_start3A_372 = arith.constant 0 : i32
      %dma_start3A_373 = arith.constant 0 : i32
      %dma_start3A_374 = arith.constant 0 : i32
      %dma_start3A_375 = tpu.memref_slice %arg9[%dma_start3A_372, %dma_start3A_373, %dma_start3A_374] : memref<2x128x128xf32, #tpu.memory_space<vmem>> -> memref<1x128x128xf32, #tpu.memory_space<vmem>>
      %dma_start3A_376 = tpu.memref_squeeze %dma_start3A_375 : memref<1x128x128xf32, #tpu.memory_space<vmem>> -> memref<128x128xf32, #tpu.memory_space<vmem>>
      %dma_start3A_377 = arith.constant 0 : i32
      %dma_start3A_378 = tpu.memref_slice %arg7[%add3A_370, %dma_start3A_377] : memref<40x128xi32, #tpu.memory_space<vmem>> -> memref<1x128xi32, #tpu.memory_space<vmem>>
      %dma_start3A_379 = tpu.memref_squeeze %dma_start3A_378 : memref<1x128xi32, #tpu.memory_space<vmem>> -> memref<128xi32, #tpu.memory_space<vmem>>
      %dma_start3A_380 = arith.constant 0 : i32
      %dma_start3A_381 = arith.constant 0 : i32
      %dma_start3A_382 = tpu.memref_slice %arg2[%dma_start3A_371, %dma_start3A_380, %dma_start3A_381] : memref<4x10000x128xf32, #tpu.memory_space<hbm>> -> memref<1x10000x128xf32, #tpu.memory_space<hbm>>
      %dma_start3A_383 = tpu.memref_squeeze %dma_start3A_382 : memref<1x10000x128xf32, #tpu.memory_space<hbm>> -> memref<10000x128xf32, #tpu.memory_space<hbm>>
      %dma_start3A_384 = arith.constant 0 : i32
      %dma_start3A_385 = arith.constant 0 : i32
      %dma_start3A_386 = tpu.memref_slice %dma_start3A_383[%dma_start3A_384, %dma_start3A_385] : memref<10000x128xf32, #tpu.memory_space<hbm>> -> memref<10000x128xf32, #tpu.memory_space<hbm>>
      tpu.enqueue_indirect_dma source(%dma_start3A_386 : memref<10000x128xf32, #tpu.memory_space<hbm>>) target(%dma_start3A_376 : memref<128x128xf32, #tpu.memory_space<vmem>>) offsets(%dma_start3A_379 : memref<128xi32, #tpu.memory_space<vmem>>) semaphore(%arg11 : memref<!tpu.dma_semaphore, #tpu.memory_space<semaphore_mem>>)
      %add3A_387 = arith.constant 1 : i32
      %add3A_388 = arith.addi %mul3A_351, %add3A_387 : i32
      %dma_wait3A_389 = arith.constant 3 : i32
      %dma_wait3A_390 = arith.constant 1 : i32
      %dma_wait3A_391 = arith.constant 0 : i32
      %dma_wait3A_392 = arith.constant 0 : i32
      %dma_wait3A_393 = tpu.memref_slice %arg9[%dma_wait3A_390, %dma_wait3A_391, %dma_wait3A_392] : memref<2x128x128xf32, #tpu.memory_space<vmem>> -> memref<1x128x128xf32, #tpu.memory_space<vmem>>
      %dma_wait3A_394 = tpu.memref_squeeze %dma_wait3A_393 : memref<1x128x128xf32, #tpu.memory_space<vmem>> -> memref<128x128xf32, #tpu.memory_space<vmem>>
      %dma_wait3A_395 = arith.constant 0 : i32
      %dma_wait3A_396 = tpu.memref_slice %arg7[%add3A_388, %dma_wait3A_395] : memref<40x128xi32, #tpu.memory_space<vmem>> -> memref<1x128xi32, #tpu.memory_space<vmem>>
      %dma_wait3A_397 = tpu.memref_squeeze %dma_wait3A_396 : memref<1x128xi32, #tpu.memory_space<vmem>> -> memref<128xi32, #tpu.memory_space<vmem>>
      %dma_wait3A_398 = arith.constant 0 : i32
      %dma_wait3A_399 = arith.constant 0 : i32
      %dma_wait3A_400 = tpu.memref_slice %arg2[%dma_wait3A_389, %dma_wait3A_398, %dma_wait3A_399] : memref<4x10000x128xf32, #tpu.memory_space<hbm>> -> memref<1x10000x128xf32, #tpu.memory_space<hbm>>
      %dma_wait3A_401 = tpu.memref_squeeze %dma_wait3A_400 : memref<1x10000x128xf32, #tpu.memory_space<hbm>> -> memref<10000x128xf32, #tpu.memory_space<hbm>>
      %dma_wait3A_402 = arith.constant 0 : i32
      %dma_wait3A_403 = arith.constant 0 : i32
      %dma_wait3A_404 = tpu.memref_slice %dma_wait3A_401[%dma_wait3A_402, %dma_wait3A_403] : memref<10000x128xf32, #tpu.memory_space<hbm>> -> memref<10000x128xf32, #tpu.memory_space<hbm>>
      tpu.wait_indirect_dma semaphore(%arg12 : memref<!tpu.dma_semaphore, #tpu.memory_space<semaphore_mem>>) src(%dma_wait3A_404 : memref<10000x128xf32, #tpu.memory_space<hbm>>) dst(%dma_wait3A_394 : memref<128x128xf32, #tpu.memory_space<vmem>>)
      %add3A_405 = arith.constant 1 : i32
      %add3A_406 = arith.addi %mul3A_351, %add3A_405 : i32
      %run_scoped3A_407 = arith.constant 1 : i32
      "tpu.region"() ({
        %run_scoped3A_426 = tpu.sem_alloc : memref<!tpu.dma_semaphore, #tpu.memory_space<semaphore_mem>>
        %dma_start3A_427 = arith.constant 0 : i32
        %dma_start3A_428 = arith.constant 0 : i32
        %dma_start3A_429 = tpu.memref_slice %arg9[%run_scoped3A_407, %dma_start3A_427, %dma_start3A_428] : memref<2x128x128xf32, #tpu.memory_space<vmem>> -> memref<1x128x128xf32, #tpu.memory_space<vmem>>
        %dma_start3A_430 = tpu.memref_squeeze %dma_start3A_429 : memref<1x128x128xf32, #tpu.memory_space<vmem>> -> memref<128x128xf32, #tpu.memory_space<vmem>>
        %dma_start3A_431 = arith.constant 0 : i32
        %dma_start3A_432 = tpu.memref_slice %arg8[%add3A_406, %dma_start3A_431] : memref<40x128xi32, #tpu.memory_space<vmem>> -> memref<1x128xi32, #tpu.memory_space<vmem>>
        %dma_start3A_433 = tpu.memref_squeeze %dma_start3A_432 : memref<1x128xi32, #tpu.memory_space<vmem>> -> memref<128xi32, #tpu.memory_space<vmem>>
        %dma_start3A_434 = arith.constant 0 : i32
        %dma_start3A_435 = arith.constant 0 : i32
        %dma_start3A_436 = tpu.memref_slice %arg10[%dma_start3A_434, %dma_start3A_435] : memref<10112x128xf32, #tpu.memory_space<vmem_shared>> -> memref<10112x128xf32, #tpu.memory_space<vmem_shared>>
        tpu.enqueue_indirect_dma source(%dma_start3A_430 : memref<128x128xf32, #tpu.memory_space<vmem>>) target(%dma_start3A_436 : memref<10112x128xf32, #tpu.memory_space<vmem_shared>>) offsets(%dma_start3A_433 : memref<128xi32, #tpu.memory_space<vmem>>) semaphore(%run_scoped3A_426 : memref<!tpu.dma_semaphore, #tpu.memory_space<semaphore_mem>>) {add = true}
        %dma_wait3A_437 = arith.constant 0 : i32
        %dma_wait3A_438 = arith.constant 0 : i32
        %dma_wait3A_439 = tpu.memref_slice %arg9[%run_scoped3A_407, %dma_wait3A_437, %dma_wait3A_438] : memref<2x128x128xf32, #tpu.memory_space<vmem>> -> memref<1x128x128xf32, #tpu.memory_space<vmem>>
        %dma_wait3A_440 = tpu.memref_squeeze %dma_wait3A_439 : memref<1x128x128xf32, #tpu.memory_space<vmem>> -> memref<128x128xf32, #tpu.memory_space<vmem>>
        %dma_wait3A_441 = arith.constant 0 : i32
        %dma_wait3A_442 = tpu.memref_slice %arg8[%add3A_406, %dma_wait3A_441] : memref<40x128xi32, #tpu.memory_space<vmem>> -> memref<1x128xi32, #tpu.memory_space<vmem>>
        %dma_wait3A_443 = tpu.memref_squeeze %dma_wait3A_442 : memref<1x128xi32, #tpu.memory_space<vmem>> -> memref<128xi32, #tpu.memory_space<vmem>>
        %dma_wait3A_444 = arith.constant 0 : i32
        %dma_wait3A_445 = arith.constant 0 : i32
        %dma_wait3A_446 = tpu.memref_slice %arg10[%dma_wait3A_444, %dma_wait3A_445] : memref<10112x128xf32, #tpu.memory_space<vmem_shared>> -> memref<10112x128xf32, #tpu.memory_space<vmem_shared>>
        tpu.wait_indirect_dma semaphore(%run_scoped3A_426 : memref<!tpu.dma_semaphore, #tpu.memory_space<semaphore_mem>>) src(%dma_wait3A_440 : memref<128x128xf32, #tpu.memory_space<vmem>>) dst(%dma_wait3A_446 : memref<10112x128xf32, #tpu.memory_space<vmem_shared>>)
        tpu.yield
      }) : () -> ()
      %add3A_408 = arith.constant 3 : i32
      %add3A_409 = arith.addi %mul3A_351, %add3A_408 : i32
      %dma_start3A_410 = arith.constant 3 : i32
      %dma_start3A_411 = arith.constant 1 : i32
      %dma_start3A_412 = arith.constant 0 : i32
      %dma_start3A_413 = arith.constant 0 : i32
      %dma_start3A_414 = tpu.memref_slice %arg9[%dma_start3A_411, %dma_start3A_412, %dma_start3A_413] : memref<2x128x128xf32, #tpu.memory_space<vmem>> -> memref<1x128x128xf32, #tpu.memory_space<vmem>>
      %dma_start3A_415 = tpu.memref_squeeze %dma_start3A_414 : memref<1x128x128xf32, #tpu.memory_space<vmem>> -> memref<128x128xf32, #tpu.memory_space<vmem>>
      %dma_start3A_416 = arith.constant 0 : i32
      %dma_start3A_417 = tpu.memref_slice %arg7[%add3A_409, %dma_start3A_416] : memref<40x128xi32, #tpu.memory_space<vmem>> -> memref<1x128xi32, #tpu.memory_space<vmem>>
      %dma_start3A_418 = tpu.memref_squeeze %dma_start3A_417 : memref<1x128xi32, #tpu.memory_space<vmem>> -> memref<128xi32, #tpu.memory_space<vmem>>
      %dma_start3A_419 = arith.constant 0 : i32
      %dma_start3A_420 = arith.constant 0 : i32
      %dma_start3A_421 = tpu.memref_slice %arg2[%dma_start3A_410, %dma_start3A_419, %dma_start3A_420] : memref<4x10000x128xf32, #tpu.memory_space<hbm>> -> memref<1x10000x128xf32, #tpu.memory_space<hbm>>
      %dma_start3A_422 = tpu.memref_squeeze %dma_start3A_421 : memref<1x10000x128xf32, #tpu.memory_space<hbm>> -> memref<10000x128xf32, #tpu.memory_space<hbm>>
      %dma_start3A_423 = arith.constant 0 : i32
      %dma_start3A_424 = arith.constant 0 : i32
      %dma_start3A_425 = tpu.memref_slice %dma_start3A_422[%dma_start3A_423, %dma_start3A_424] : memref<10000x128xf32, #tpu.memory_space<hbm>> -> memref<10000x128xf32, #tpu.memory_space<hbm>>
      tpu.enqueue_indirect_dma source(%dma_start3A_425 : memref<10000x128xf32, #tpu.memory_space<hbm>>) target(%dma_start3A_415 : memref<128x128xf32, #tpu.memory_space<vmem>>) offsets(%dma_start3A_418 : memref<128xi32, #tpu.memory_space<vmem>>) semaphore(%arg12 : memref<!tpu.dma_semaphore, #tpu.memory_space<semaphore_mem>>)
    }
    %scan3A_300 = arith.constant 19 : i32
    %dma_wait3A_301 = arith.constant 3 : i32
    %dma_wait3A_302 = arith.constant 38 : i32
    %dma_wait3A_303 = arith.constant 0 : i32
    %dma_wait3A_304 = arith.constant 0 : i32
    %dma_wait3A_305 = arith.constant 0 : i32
    %dma_wait3A_306 = tpu.memref_slice %arg9[%dma_wait3A_303, %dma_wait3A_304, %dma_wait3A_305] : memref<2x128x128xf32, #tpu.memory_space<vmem>> -> memref<1x128x128xf32, #tpu.memory_space<vmem>>
    %dma_wait3A_307 = tpu.memref_squeeze %dma_wait3A_306 : memref<1x128x128xf32, #tpu.memory_space<vmem>> -> memref<128x128xf32, #tpu.memory_space<vmem>>
    %dma_wait3A_308 = arith.constant 0 : i32
    %dma_wait3A_309 = tpu.memref_slice %arg7[%dma_wait3A_302, %dma_wait3A_308] : memref<40x128xi32, #tpu.memory_space<vmem>> -> memref<1x128xi32, #tpu.memory_space<vmem>>
    %dma_wait3A_310 = tpu.memref_squeeze %dma_wait3A_309 : memref<1x128xi32, #tpu.memory_space<vmem>> -> memref<128xi32, #tpu.memory_space<vmem>>
    %dma_wait3A_311 = arith.constant 0 : i32
    %dma_wait3A_312 = arith.constant 0 : i32
    %dma_wait3A_313 = tpu.memref_slice %arg2[%dma_wait3A_301, %dma_wait3A_311, %dma_wait3A_312] : memref<4x10000x128xf32, #tpu.memory_space<hbm>> -> memref<1x10000x128xf32, #tpu.memory_space<hbm>>
    %dma_wait3A_314 = tpu.memref_squeeze %dma_wait3A_313 : memref<1x10000x128xf32, #tpu.memory_space<hbm>> -> memref<10000x128xf32, #tpu.memory_space<hbm>>
    %dma_wait3A_315 = arith.constant 0 : i32
    %dma_wait3A_316 = arith.constant 0 : i32
    %dma_wait3A_317 = tpu.memref_slice %dma_wait3A_314[%dma_wait3A_315, %dma_wait3A_316] : memref<10000x128xf32, #tpu.memory_space<hbm>> -> memref<10000x128xf32, #tpu.memory_space<hbm>>
    tpu.wait_indirect_dma semaphore(%arg11 : memref<!tpu.dma_semaphore, #tpu.memory_space<semaphore_mem>>) src(%dma_wait3A_317 : memref<10000x128xf32, #tpu.memory_space<hbm>>) dst(%dma_wait3A_307 : memref<128x128xf32, #tpu.memory_space<vmem>>)
    %run_scoped3A_318 = arith.constant 0 : i32
    %run_scoped3A_319 = arith.constant 38 : i32
    "tpu.region"() ({
      %run_scoped3A_345 = tpu.sem_alloc : memref<!tpu.dma_semaphore, #tpu.memory_space<semaphore_mem>>
      %dma_start3A_346 = arith.constant 0 : i32
      %dma_start3A_347 = arith.constant 0 : i32
      %dma_start3A_348 = tpu.memref_slice %arg9[%run_scoped3A_318, %dma_start3A_346, %dma_start3A_347] : memref<2x128x128xf32, #tpu.memory_space<vmem>> -> memref<1x128x128xf32, #tpu.memory_space<vmem>>
      %dma_start3A_349 = tpu.memref_squeeze %dma_start3A_348 : memref<1x128x128xf32, #tpu.memory_space<vmem>> -> memref<128x128xf32, #tpu.memory_space<vmem>>
      %dma_start3A_350 = arith.constant 0 : i32
      %dma_start3A_351 = tpu.memref_slice %arg8[%run_scoped3A_319, %dma_start3A_350] : memref<40x128xi32, #tpu.memory_space<vmem>> -> memref<1x128xi32, #tpu.memory_space<vmem>>
      %dma_start3A_352 = tpu.memref_squeeze %dma_start3A_351 : memref<1x128xi32, #tpu.memory_space<vmem>> -> memref<128xi32, #tpu.memory_space<vmem>>
      %dma_start3A_353 = arith.constant 0 : i32
      %dma_start3A_354 = arith.constant 0 : i32
      %dma_start3A_355 = tpu.memref_slice %arg10[%dma_start3A_353, %dma_start3A_354] : memref<10112x128xf32, #tpu.memory_space<vmem_shared>> -> memref<10112x128xf32, #tpu.memory_space<vmem_shared>>
      tpu.enqueue_indirect_dma source(%dma_start3A_349 : memref<128x128xf32, #tpu.memory_space<vmem>>) target(%dma_start3A_355 : memref<10112x128xf32, #tpu.memory_space<vmem_shared>>) offsets(%dma_start3A_352 : memref<128xi32, #tpu.memory_space<vmem>>) semaphore(%run_scoped3A_345 : memref<!tpu.dma_semaphore, #tpu.memory_space<semaphore_mem>>) {add = true}
      %dma_wait3A_356 = arith.constant 0 : i32
      %dma_wait3A_357 = arith.constant 0 : i32
      %dma_wait3A_358 = tpu.memref_slice %arg9[%run_scoped3A_318, %dma_wait3A_356, %dma_wait3A_357] : memref<2x128x128xf32, #tpu.memory_space<vmem>> -> memref<1x128x128xf32, #tpu.memory_space<vmem>>
      %dma_wait3A_359 = tpu.memref_squeeze %dma_wait3A_358 : memref<1x128x128xf32, #tpu.memory_space<vmem>> -> memref<128x128xf32, #tpu.memory_space<vmem>>
      %dma_wait3A_360 = arith.constant 0 : i32
      %dma_wait3A_361 = tpu.memref_slice %arg8[%run_scoped3A_319, %dma_wait3A_360] : memref<40x128xi32, #tpu.memory_space<vmem>> -> memref<1x128xi32, #tpu.memory_space<vmem>>
      %dma_wait3A_362 = tpu.memref_squeeze %dma_wait3A_361 : memref<1x128xi32, #tpu.memory_space<vmem>> -> memref<128xi32, #tpu.memory_space<vmem>>
      %dma_wait3A_363 = arith.constant 0 : i32
      %dma_wait3A_364 = arith.constant 0 : i32
      %dma_wait3A_365 = tpu.memref_slice %arg10[%dma_wait3A_363, %dma_wait3A_364] : memref<10112x128xf32, #tpu.memory_space<vmem_shared>> -> memref<10112x128xf32, #tpu.memory_space<vmem_shared>>
      tpu.wait_indirect_dma semaphore(%run_scoped3A_345 : memref<!tpu.dma_semaphore, #tpu.memory_space<semaphore_mem>>) src(%dma_wait3A_359 : memref<128x128xf32, #tpu.memory_space<vmem>>) dst(%dma_wait3A_365 : memref<10112x128xf32, #tpu.memory_space<vmem_shared>>)
      tpu.yield
    }) : () -> ()
    %dma_wait3A_320 = arith.constant 3 : i32
    %dma_wait3A_321 = arith.constant 39 : i32
    %dma_wait3A_322 = arith.constant 1 : i32
    %dma_wait3A_323 = arith.constant 0 : i32
    %dma_wait3A_324 = arith.constant 0 : i32
    %dma_wait3A_325 = tpu.memref_slice %arg9[%dma_wait3A_322, %dma_wait3A_323, %dma_wait3A_324] : memref<2x128x128xf32, #tpu.memory_space<vmem>> -> memref<1x128x128xf32, #tpu.memory_space<vmem>>
    %dma_wait3A_326 = tpu.memref_squeeze %dma_wait3A_325 : memref<1x128x128xf32, #tpu.memory_space<vmem>> -> memref<128x128xf32, #tpu.memory_space<vmem>>
    %dma_wait3A_327 = arith.constant 0 : i32
    %dma_wait3A_328 = tpu.memref_slice %arg7[%dma_wait3A_321, %dma_wait3A_327] : memref<40x128xi32, #tpu.memory_space<vmem>> -> memref<1x128xi32, #tpu.memory_space<vmem>>
    %dma_wait3A_329 = tpu.memref_squeeze %dma_wait3A_328 : memref<1x128xi32, #tpu.memory_space<vmem>> -> memref<128xi32, #tpu.memory_space<vmem>>
    %dma_wait3A_330 = arith.constant 0 : i32
    %dma_wait3A_331 = arith.constant 0 : i32
    %dma_wait3A_332 = tpu.memref_slice %arg2[%dma_wait3A_320, %dma_wait3A_330, %dma_wait3A_331] : memref<4x10000x128xf32, #tpu.memory_space<hbm>> -> memref<1x10000x128xf32, #tpu.memory_space<hbm>>
    %dma_wait3A_333 = tpu.memref_squeeze %dma_wait3A_332 : memref<1x10000x128xf32, #tpu.memory_space<hbm>> -> memref<10000x128xf32, #tpu.memory_space<hbm>>
    %dma_wait3A_334 = arith.constant 0 : i32
    %dma_wait3A_335 = arith.constant 0 : i32
    %dma_wait3A_336 = tpu.memref_slice %dma_wait3A_333[%dma_wait3A_334, %dma_wait3A_335] : memref<10000x128xf32, #tpu.memory_space<hbm>> -> memref<10000x128xf32, #tpu.memory_space<hbm>>
    tpu.wait_indirect_dma semaphore(%arg12 : memref<!tpu.dma_semaphore, #tpu.memory_space<semaphore_mem>>) src(%dma_wait3A_336 : memref<10000x128xf32, #tpu.memory_space<hbm>>) dst(%dma_wait3A_326 : memref<128x128xf32, #tpu.memory_space<vmem>>)
    %run_scoped3A_337 = arith.constant 1 : i32
    %run_scoped3A_338 = arith.constant 39 : i32
    "tpu.region"() ({
      %run_scoped3A_345 = tpu.sem_alloc : memref<!tpu.dma_semaphore, #tpu.memory_space<semaphore_mem>>
      %dma_start3A_346 = arith.constant 0 : i32
      %dma_start3A_347 = arith.constant 0 : i32
      %dma_start3A_348 = tpu.memref_slice %arg9[%run_scoped3A_337, %dma_start3A_346, %dma_start3A_347] : memref<2x128x128xf32, #tpu.memory_space<vmem>> -> memref<1x128x128xf32, #tpu.memory_space<vmem>>
      %dma_start3A_349 = tpu.memref_squeeze %dma_start3A_348 : memref<1x128x128xf32, #tpu.memory_space<vmem>> -> memref<128x128xf32, #tpu.memory_space<vmem>>
      %dma_start3A_350 = arith.constant 0 : i32
      %dma_start3A_351 = tpu.memref_slice %arg8[%run_scoped3A_338, %dma_start3A_350] : memref<40x128xi32, #tpu.memory_space<vmem>> -> memref<1x128xi32, #tpu.memory_space<vmem>>
      %dma_start3A_352 = tpu.memref_squeeze %dma_start3A_351 : memref<1x128xi32, #tpu.memory_space<vmem>> -> memref<128xi32, #tpu.memory_space<vmem>>
      %dma_start3A_353 = arith.constant 0 : i32
      %dma_start3A_354 = arith.constant 0 : i32
      %dma_start3A_355 = tpu.memref_slice %arg10[%dma_start3A_353, %dma_start3A_354] : memref<10112x128xf32, #tpu.memory_space<vmem_shared>> -> memref<10112x128xf32, #tpu.memory_space<vmem_shared>>
      tpu.enqueue_indirect_dma source(%dma_start3A_349 : memref<128x128xf32, #tpu.memory_space<vmem>>) target(%dma_start3A_355 : memref<10112x128xf32, #tpu.memory_space<vmem_shared>>) offsets(%dma_start3A_352 : memref<128xi32, #tpu.memory_space<vmem>>) semaphore(%run_scoped3A_345 : memref<!tpu.dma_semaphore, #tpu.memory_space<semaphore_mem>>) {add = true}
      %dma_wait3A_356 = arith.constant 0 : i32
      %dma_wait3A_357 = arith.constant 0 : i32
      %dma_wait3A_358 = tpu.memref_slice %arg9[%run_scoped3A_337, %dma_wait3A_356, %dma_wait3A_357] : memref<2x128x128xf32, #tpu.memory_space<vmem>> -> memref<1x128x128xf32, #tpu.memory_space<vmem>>
      %dma_wait3A_359 = tpu.memref_squeeze %dma_wait3A_358 : memref<1x128x128xf32, #tpu.memory_space<vmem>> -> memref<128x128xf32, #tpu.memory_space<vmem>>
      %dma_wait3A_360 = arith.constant 0 : i32
      %dma_wait3A_361 = tpu.memref_slice %arg8[%run_scoped3A_338, %dma_wait3A_360] : memref<40x128xi32, #tpu.memory_space<vmem>> -> memref<1x128xi32, #tpu.memory_space<vmem>>
      %dma_wait3A_362 = tpu.memref_squeeze %dma_wait3A_361 : memref<1x128xi32, #tpu.memory_space<vmem>> -> memref<128xi32, #tpu.memory_space<vmem>>
      %dma_wait3A_363 = arith.constant 0 : i32
      %dma_wait3A_364 = arith.constant 0 : i32
      %dma_wait3A_365 = tpu.memref_slice %arg10[%dma_wait3A_363, %dma_wait3A_364] : memref<10112x128xf32, #tpu.memory_space<vmem_shared>> -> memref<10112x128xf32, #tpu.memory_space<vmem_shared>>
      tpu.wait_indirect_dma semaphore(%run_scoped3A_345 : memref<!tpu.dma_semaphore, #tpu.memory_space<semaphore_mem>>) src(%dma_wait3A_359 : memref<128x128xf32, #tpu.memory_space<vmem>>) dst(%dma_wait3A_365 : memref<10112x128xf32, #tpu.memory_space<vmem_shared>>)
      tpu.yield
    }) : () -> ()
    %barrier3A_339 = arith.constant 0 : index
    tpu.barrier barrier_id(%barrier3A_339)
    %mul3A_340 = arith.constant 632 : i32
    %mul3A_341 = arith.muli %arg1, %mul3A_340 : i32
    %mul3A_342 = arith.constant 632 : i32
    %mul3A_343 = arith.muli %arg1, %mul3A_342 : i32
    %run_scoped3A_344 = arith.constant 3 : i32
    "tpu.region"() ({
      %run_scoped3A_345 = tpu.sem_alloc : memref<!tpu.dma_semaphore, #tpu.memory_space<semaphore_mem>>
      %dma_start3A_346 = arith.constant 0 : i32
      %dma_start3A_347 = tpu.memref_slice %arg6[%arg0, %run_scoped3A_344, %mul3A_343, %dma_start3A_346] : memref<2x4x10112x128xf32, #tpu.memory_space<hbm>> -> memref<1x1x632x128xf32, #tpu.memory_space<hbm>>
      %dma_start3A_348 = tpu.memref_squeeze %dma_start3A_347 : memref<1x1x632x128xf32, #tpu.memory_space<hbm>> -> memref<632x128xf32, #tpu.memory_space<hbm>>
      %dma_start3A_349 = arith.constant 0 : i32
      %dma_start3A_350 = tpu.memref_slice %arg10[%mul3A_341, %dma_start3A_349] : memref<10112x128xf32, #tpu.memory_space<vmem_shared>> -> memref<632x128xf32, #tpu.memory_space<vmem_shared>>
      tpu.enqueue_dma source(%dma_start3A_350 : memref<632x128xf32, #tpu.memory_space<vmem_shared>>) target(%dma_start3A_348 : memref<632x128xf32, #tpu.memory_space<hbm>>) target_semaphore(%run_scoped3A_345 : memref<!tpu.dma_semaphore, #tpu.memory_space<semaphore_mem>>)
      %dma_wait3A_351 = arith.constant 0 : i32
      %dma_wait3A_352 = tpu.memref_slice %arg6[%arg0, %run_scoped3A_344, %mul3A_343, %dma_wait3A_351] : memref<2x4x10112x128xf32, #tpu.memory_space<hbm>> -> memref<1x1x632x128xf32, #tpu.memory_space<hbm>>
      %dma_wait3A_353 = tpu.memref_squeeze %dma_wait3A_352 : memref<1x1x632x128xf32, #tpu.memory_space<hbm>> -> memref<632x128xf32, #tpu.memory_space<hbm>>
      %dma_wait3A_354 = arith.constant 0 : i32
      %dma_wait3A_355 = tpu.memref_slice %arg10[%mul3A_341, %dma_wait3A_354] : memref<10112x128xf32, #tpu.memory_space<vmem_shared>> -> memref<632x128xf32, #tpu.memory_space<vmem_shared>>
      tpu.wait_dma2 semaphore(%run_scoped3A_345 : memref<!tpu.dma_semaphore, #tpu.memory_space<semaphore_mem>>) src(%dma_wait3A_355 : memref<632x128xf32, #tpu.memory_space<vmem_shared>>) dst(%dma_wait3A_353 : memref<632x128xf32, #tpu.memory_space<hbm>>)
      tpu.yield
    }) : () -> ()
    return
  }
}

#map = affine_map<(d0, d1) -> (0, 0, 0)>
#map1 = affine_map<(d0, d1) -> (0, 0)>
#map2 = affine_map<(d0, d1) -> (0, 0, 0, 0)>
module attributes {stable_mosaic.version = 14 : i64} {
  func.func @k(%arg0: i32, %arg1: i32, %arg2: memref<1x10000x128xf32, #tpu.memory_space<hbm>>, %arg3: memref<1280x128xi32, #tpu.memory_space<hbm>>, %arg4: memref<1280x128xi32, #tpu.memory_space<hbm>>, %arg5: memref<632x128xf32, #tpu.memory_space<hbm>>, %arg6: memref<2x1x10112x128xf32, #tpu.memory_space<hbm>>, %arg7: memref<40x128xi32, #tpu.memory_space<vmem>>, %arg8: memref<40x128xi32, #tpu.memory_space<vmem>>, %arg9: memref<2x128x128xf32, #tpu.memory_space<vmem>>, %arg10: memref<10112x128xf32, #tpu.memory_space<vmem_shared>>, %arg11: memref<!tpu.dma_semaphore, #tpu.memory_space<semaphore_mem>>, %arg12: memref<!tpu.dma_semaphore, #tpu.memory_space<semaphore_mem>>) attributes {dimension_semantics = [#tpu.dimension_semantics<core_parallel>, #tpu.dimension_semantics<subcore_parallel>], iteration_bounds = array<i64: 2, 16>, scalar_prefetch = 0 : i64, scratch_operands = 6 : i64, tpu.core_type = #tpu.core_type<sc_vector_subcore>, window_params = [{transform_indices = #map}, {transform_indices = #map1}, {transform_indices = #map1}, {transform_indices = #map1}, {transform_indices = #map2}]} {
    %mul3A = arith.constant 16 : i32
    %mul3A_0 = arith.muli %arg0, %mul3A : i32
    %add3A = arith.addi %mul3A_0, %arg1 : i32
    %mul3A_1 = arith.constant 40 : i32
    %mul3A_2 = arith.muli %add3A, %mul3A_1 : i32
    "tpu.region"() ({
      %run_scoped3A_84 = tpu.sem_alloc : memref<!tpu.dma_semaphore, #tpu.memory_space<semaphore_mem>>
      %dma_start3A_85 = arith.constant 0 : i32
      %dma_start3A_86 = tpu.memref_slice %arg3[%mul3A_2, %dma_start3A_85] : memref<1280x128xi32, #tpu.memory_space<hbm>> -> memref<40x128xi32, #tpu.memory_space<hbm>>
      %dma_start3A_87 = arith.constant 0 : i32
      %dma_start3A_88 = tpu.memref_slice %arg3[%mul3A_2, %dma_start3A_87] : memref<1280x128xi32, #tpu.memory_space<hbm>> -> memref<40x128xi32, #tpu.memory_space<hbm>>
      tpu.enqueue_dma source(%dma_start3A_88 : memref<40x128xi32, #tpu.memory_space<hbm>>) target(%arg7 : memref<40x128xi32, #tpu.memory_space<vmem>>) target_semaphore(%run_scoped3A_84 : memref<!tpu.dma_semaphore, #tpu.memory_space<semaphore_mem>>)
      %dma_wait3A_89 = arith.constant 0 : i32
      %dma_wait3A_90 = tpu.memref_slice %arg3[%mul3A_2, %dma_wait3A_89] : memref<1280x128xi32, #tpu.memory_space<hbm>> -> memref<40x128xi32, #tpu.memory_space<hbm>>
      %dma_wait3A_91 = arith.constant 0 : i32
      %dma_wait3A_92 = tpu.memref_slice %arg3[%mul3A_2, %dma_wait3A_91] : memref<1280x128xi32, #tpu.memory_space<hbm>> -> memref<40x128xi32, #tpu.memory_space<hbm>>
      tpu.wait_dma2 semaphore(%run_scoped3A_84 : memref<!tpu.dma_semaphore, #tpu.memory_space<semaphore_mem>>) src(%dma_wait3A_92 : memref<40x128xi32, #tpu.memory_space<hbm>>) dst(%arg7 : memref<40x128xi32, #tpu.memory_space<vmem>>)
      tpu.yield
    }) : () -> ()
    "tpu.region"() ({
      %run_scoped3A_84 = tpu.sem_alloc : memref<!tpu.dma_semaphore, #tpu.memory_space<semaphore_mem>>
      %dma_start3A_85 = arith.constant 0 : i32
      %dma_start3A_86 = tpu.memref_slice %arg4[%mul3A_2, %dma_start3A_85] : memref<1280x128xi32, #tpu.memory_space<hbm>> -> memref<40x128xi32, #tpu.memory_space<hbm>>
      %dma_start3A_87 = arith.constant 0 : i32
      %dma_start3A_88 = tpu.memref_slice %arg4[%mul3A_2, %dma_start3A_87] : memref<1280x128xi32, #tpu.memory_space<hbm>> -> memref<40x128xi32, #tpu.memory_space<hbm>>
      tpu.enqueue_dma source(%dma_start3A_88 : memref<40x128xi32, #tpu.memory_space<hbm>>) target(%arg8 : memref<40x128xi32, #tpu.memory_space<vmem>>) target_semaphore(%run_scoped3A_84 : memref<!tpu.dma_semaphore, #tpu.memory_space<semaphore_mem>>)
      %dma_wait3A_89 = arith.constant 0 : i32
      %dma_wait3A_90 = tpu.memref_slice %arg4[%mul3A_2, %dma_wait3A_89] : memref<1280x128xi32, #tpu.memory_space<hbm>> -> memref<40x128xi32, #tpu.memory_space<hbm>>
      %dma_wait3A_91 = arith.constant 0 : i32
      %dma_wait3A_92 = tpu.memref_slice %arg4[%mul3A_2, %dma_wait3A_91] : memref<1280x128xi32, #tpu.memory_space<hbm>> -> memref<40x128xi32, #tpu.memory_space<hbm>>
      tpu.wait_dma2 semaphore(%run_scoped3A_84 : memref<!tpu.dma_semaphore, #tpu.memory_space<semaphore_mem>>) src(%dma_wait3A_92 : memref<40x128xi32, #tpu.memory_space<hbm>>) dst(%arg8 : memref<40x128xi32, #tpu.memory_space<vmem>>)
      tpu.yield
    }) : () -> ()
    %mul3A_3 = arith.constant 632 : i32
    %mul3A_4 = arith.muli %arg1, %mul3A_3 : i32
    "tpu.region"() ({
      %run_scoped3A_84 = tpu.sem_alloc : memref<!tpu.dma_semaphore, #tpu.memory_space<semaphore_mem>>
      %dma_start3A_85 = arith.constant 0 : i32
      %dma_start3A_86 = tpu.memref_slice %arg10[%mul3A_4, %dma_start3A_85] : memref<10112x128xf32, #tpu.memory_space<vmem_shared>> -> memref<632x128xf32, #tpu.memory_space<vmem_shared>>
      tpu.enqueue_dma source(%arg5 : memref<632x128xf32, #tpu.memory_space<hbm>>) target(%dma_start3A_86 : memref<632x128xf32, #tpu.memory_space<vmem_shared>>) target_semaphore(%run_scoped3A_84 : memref<!tpu.dma_semaphore, #tpu.memory_space<semaphore_mem>>)
      %dma_wait3A_87 = arith.constant 0 : i32
      %dma_wait3A_88 = tpu.memref_slice %arg10[%mul3A_4, %dma_wait3A_87] : memref<10112x128xf32, #tpu.memory_space<vmem_shared>> -> memref<632x128xf32, #tpu.memory_space<vmem_shared>>
      tpu.wait_dma2 semaphore(%run_scoped3A_84 : memref<!tpu.dma_semaphore, #tpu.memory_space<semaphore_mem>>) src(%arg5 : memref<632x128xf32, #tpu.memory_space<hbm>>) dst(%dma_wait3A_88 : memref<632x128xf32, #tpu.memory_space<vmem_shared>>)
      tpu.yield
    }) : () -> ()
    %barrier3A = arith.constant 0 : index
    tpu.barrier barrier_id(%barrier3A)
    %dma_start3A = arith.constant 0 : i32
    %dma_start3A_5 = arith.constant 0 : i32
    %dma_start3A_6 = arith.constant 0 : i32
    %dma_start3A_7 = arith.constant 0 : i32
    %dma_start3A_8 = arith.constant 0 : i32
    %dma_start3A_9 = tpu.memref_slice %arg9[%dma_start3A_6, %dma_start3A_7, %dma_start3A_8] : memref<2x128x128xf32, #tpu.memory_space<vmem>> -> memref<1x128x128xf32, #tpu.memory_space<vmem>>
    %dma_start3A_10 = tpu.memref_squeeze %dma_start3A_9 : memref<1x128x128xf32, #tpu.memory_space<vmem>> -> memref<128x128xf32, #tpu.memory_space<vmem>>
    %dma_start3A_11 = arith.constant 0 : i32
    %dma_start3A_12 = tpu.memref_slice %arg7[%dma_start3A_5, %dma_start3A_11] : memref<40x128xi32, #tpu.memory_space<vmem>> -> memref<1x128xi32, #tpu.memory_space<vmem>>
    %dma_start3A_13 = tpu.memref_squeeze %dma_start3A_12 : memref<1x128xi32, #tpu.memory_space<vmem>> -> memref<128xi32, #tpu.memory_space<vmem>>
    %dma_start3A_14 = arith.constant 0 : i32
    %dma_start3A_15 = arith.constant 0 : i32
    %dma_start3A_16 = tpu.memref_slice %arg2[%dma_start3A, %dma_start3A_14, %dma_start3A_15] : memref<1x10000x128xf32, #tpu.memory_space<hbm>> -> memref<1x10000x128xf32, #tpu.memory_space<hbm>>
    %dma_start3A_17 = tpu.memref_squeeze %dma_start3A_16 : memref<1x10000x128xf32, #tpu.memory_space<hbm>> -> memref<10000x128xf32, #tpu.memory_space<hbm>>
    %dma_start3A_18 = arith.constant 0 : i32
    %dma_start3A_19 = arith.constant 0 : i32
    %dma_start3A_20 = tpu.memref_slice %dma_start3A_17[%dma_start3A_18, %dma_start3A_19] : memref<10000x128xf32, #tpu.memory_space<hbm>> -> memref<10000x128xf32, #tpu.memory_space<hbm>>
    tpu.enqueue_indirect_dma source(%dma_start3A_20 : memref<10000x128xf32, #tpu.memory_space<hbm>>) target(%dma_start3A_10 : memref<128x128xf32, #tpu.memory_space<vmem>>) offsets(%dma_start3A_13 : memref<128xi32, #tpu.memory_space<vmem>>) semaphore(%arg11 : memref<!tpu.dma_semaphore, #tpu.memory_space<semaphore_mem>>)
    %dma_start3A_21 = arith.constant 0 : i32
    %dma_start3A_22 = arith.constant 1 : i32
    %dma_start3A_23 = arith.constant 1 : i32
    %dma_start3A_24 = arith.constant 0 : i32
    %dma_start3A_25 = arith.constant 0 : i32
    %dma_start3A_26 = tpu.memref_slice %arg9[%dma_start3A_23, %dma_start3A_24, %dma_start3A_25] : memref<2x128x128xf32, #tpu.memory_space<vmem>> -> memref<1x128x128xf32, #tpu.memory_space<vmem>>
    %dma_start3A_27 = tpu.memref_squeeze %dma_start3A_26 : memref<1x128x128xf32, #tpu.memory_space<vmem>> -> memref<128x128xf32, #tpu.memory_space<vmem>>
    %dma_start3A_28 = arith.constant 0 : i32
    %dma_start3A_29 = tpu.memref_slice %arg7[%dma_start3A_22, %dma_start3A_28] : memref<40x128xi32, #tpu.memory_space<vmem>> -> memref<1x128xi32, #tpu.memory_space<vmem>>
    %dma_start3A_30 = tpu.memref_squeeze %dma_start3A_29 : memref<1x128xi32, #tpu.memory_space<vmem>> -> memref<128xi32, #tpu.memory_space<vmem>>
    %dma_start3A_31 = arith.constant 0 : i32
    %dma_start3A_32 = arith.constant 0 : i32
    %dma_start3A_33 = tpu.memref_slice %arg2[%dma_start3A_21, %dma_start3A_31, %dma_start3A_32] : memref<1x10000x128xf32, #tpu.memory_space<hbm>> -> memref<1x10000x128xf32, #tpu.memory_space<hbm>>
    %dma_start3A_34 = tpu.memref_squeeze %dma_start3A_33 : memref<1x10000x128xf32, #tpu.memory_space<hbm>> -> memref<10000x128xf32, #tpu.memory_space<hbm>>
    %dma_start3A_35 = arith.constant 0 : i32
    %dma_start3A_36 = arith.constant 0 : i32
    %dma_start3A_37 = tpu.memref_slice %dma_start3A_34[%dma_start3A_35, %dma_start3A_36] : memref<10000x128xf32, #tpu.memory_space<hbm>> -> memref<10000x128xf32, #tpu.memory_space<hbm>>
    tpu.enqueue_indirect_dma source(%dma_start3A_37 : memref<10000x128xf32, #tpu.memory_space<hbm>>) target(%dma_start3A_27 : memref<128x128xf32, #tpu.memory_space<vmem>>) offsets(%dma_start3A_30 : memref<128xi32, #tpu.memory_space<vmem>>) semaphore(%arg12 : memref<!tpu.dma_semaphore, #tpu.memory_space<semaphore_mem>>)
    %scan3A = arith.constant 0 : i32
    %scan3A_38 = arith.constant 19 : i32
    %scan3A_39 = arith.addi %scan3A, %scan3A_38 : i32
    %scan3A_40 = arith.constant 1 : i32
    scf.for %scan3A_84 = %scan3A to %scan3A_39 step %scan3A_40  : i32 {
      %mul3A_85 = arith.constant 1 : i32
      %mul3A_86 = arith.muli %scan3A_84, %mul3A_85 : i32
      %add3A_87 = arith.constant 0 : i32
      %add3A_88 = arith.addi %add3A_87, %mul3A_86 : i32
      %mul3A_89 = arith.constant 2 : i32
      %mul3A_90 = arith.muli %add3A_88, %mul3A_89 : i32
      %dma_wait3A_91 = arith.constant 0 : i32
      %dma_wait3A_92 = arith.constant 0 : i32
      %dma_wait3A_93 = arith.constant 0 : i32
      %dma_wait3A_94 = arith.constant 0 : i32
      %dma_wait3A_95 = tpu.memref_slice %arg9[%dma_wait3A_92, %dma_wait3A_93, %dma_wait3A_94] : memref<2x128x128xf32, #tpu.memory_space<vmem>> -> memref<1x128x128xf32, #tpu.memory_space<vmem>>
      %dma_wait3A_96 = tpu.memref_squeeze %dma_wait3A_95 : memref<1x128x128xf32, #tpu.memory_space<vmem>> -> memref<128x128xf32, #tpu.memory_space<vmem>>
      %dma_wait3A_97 = arith.constant 0 : i32
      %dma_wait3A_98 = tpu.memref_slice %arg7[%mul3A_90, %dma_wait3A_97] : memref<40x128xi32, #tpu.memory_space<vmem>> -> memref<1x128xi32, #tpu.memory_space<vmem>>
      %dma_wait3A_99 = tpu.memref_squeeze %dma_wait3A_98 : memref<1x128xi32, #tpu.memory_space<vmem>> -> memref<128xi32, #tpu.memory_space<vmem>>
      %dma_wait3A_100 = arith.constant 0 : i32
      %dma_wait3A_101 = arith.constant 0 : i32
      %dma_wait3A_102 = tpu.memref_slice %arg2[%dma_wait3A_91, %dma_wait3A_100, %dma_wait3A_101] : memref<1x10000x128xf32, #tpu.memory_space<hbm>> -> memref<1x10000x128xf32, #tpu.memory_space<hbm>>
      %dma_wait3A_103 = tpu.memref_squeeze %dma_wait3A_102 : memref<1x10000x128xf32, #tpu.memory_space<hbm>> -> memref<10000x128xf32, #tpu.memory_space<hbm>>
      %dma_wait3A_104 = arith.constant 0 : i32
      %dma_wait3A_105 = arith.constant 0 : i32
      %dma_wait3A_106 = tpu.memref_slice %dma_wait3A_103[%dma_wait3A_104, %dma_wait3A_105] : memref<10000x128xf32, #tpu.memory_space<hbm>> -> memref<10000x128xf32, #tpu.memory_space<hbm>>
      tpu.wait_indirect_dma semaphore(%arg11 : memref<!tpu.dma_semaphore, #tpu.memory_space<semaphore_mem>>) src(%dma_wait3A_106 : memref<10000x128xf32, #tpu.memory_space<hbm>>) dst(%dma_wait3A_96 : memref<128x128xf32, #tpu.memory_space<vmem>>)
      %run_scoped3A_107 = arith.constant 0 : i32
      "tpu.region"() ({
        %run_scoped3A_165 = tpu.sem_alloc : memref<!tpu.dma_semaphore, #tpu.memory_space<semaphore_mem>>
        %dma_start3A_166 = arith.constant 0 : i32
        %dma_start3A_167 = arith.constant 0 : i32
        %dma_start3A_168 = tpu.memref_slice %arg9[%run_scoped3A_107, %dma_start3A_166, %dma_start3A_167] : memref<2x128x128xf32, #tpu.memory_space<vmem>> -> memref<1x128x128xf32, #tpu.memory_space<vmem>>
        %dma_start3A_169 = tpu.memref_squeeze %dma_start3A_168 : memref<1x128x128xf32, #tpu.memory_space<vmem>> -> memref<128x128xf32, #tpu.memory_space<vmem>>
        %dma_start3A_170 = arith.constant 0 : i32
        %dma_start3A_171 = tpu.memref_slice %arg8[%mul3A_90, %dma_start3A_170] : memref<40x128xi32, #tpu.memory_space<vmem>> -> memref<1x128xi32, #tpu.memory_space<vmem>>
        %dma_start3A_172 = tpu.memref_squeeze %dma_start3A_171 : memref<1x128xi32, #tpu.memory_space<vmem>> -> memref<128xi32, #tpu.memory_space<vmem>>
        %dma_start3A_173 = arith.constant 0 : i32
        %dma_start3A_174 = arith.constant 0 : i32
        %dma_start3A_175 = tpu.memref_slice %arg10[%dma_start3A_173, %dma_start3A_174] : memref<10112x128xf32, #tpu.memory_space<vmem_shared>> -> memref<10112x128xf32, #tpu.memory_space<vmem_shared>>
        tpu.enqueue_indirect_dma source(%dma_start3A_169 : memref<128x128xf32, #tpu.memory_space<vmem>>) target(%dma_start3A_175 : memref<10112x128xf32, #tpu.memory_space<vmem_shared>>) offsets(%dma_start3A_172 : memref<128xi32, #tpu.memory_space<vmem>>) semaphore(%run_scoped3A_165 : memref<!tpu.dma_semaphore, #tpu.memory_space<semaphore_mem>>) {add = true}
        %dma_wait3A_176 = arith.constant 0 : i32
        %dma_wait3A_177 = arith.constant 0 : i32
        %dma_wait3A_178 = tpu.memref_slice %arg9[%run_scoped3A_107, %dma_wait3A_176, %dma_wait3A_177] : memref<2x128x128xf32, #tpu.memory_space<vmem>> -> memref<1x128x128xf32, #tpu.memory_space<vmem>>
        %dma_wait3A_179 = tpu.memref_squeeze %dma_wait3A_178 : memref<1x128x128xf32, #tpu.memory_space<vmem>> -> memref<128x128xf32, #tpu.memory_space<vmem>>
        %dma_wait3A_180 = arith.constant 0 : i32
        %dma_wait3A_181 = tpu.memref_slice %arg8[%mul3A_90, %dma_wait3A_180] : memref<40x128xi32, #tpu.memory_space<vmem>> -> memref<1x128xi32, #tpu.memory_space<vmem>>
        %dma_wait3A_182 = tpu.memref_squeeze %dma_wait3A_181 : memref<1x128xi32, #tpu.memory_space<vmem>> -> memref<128xi32, #tpu.memory_space<vmem>>
        %dma_wait3A_183 = arith.constant 0 : i32
        %dma_wait3A_184 = arith.constant 0 : i32
        %dma_wait3A_185 = tpu.memref_slice %arg10[%dma_wait3A_183, %dma_wait3A_184] : memref<10112x128xf32, #tpu.memory_space<vmem_shared>> -> memref<10112x128xf32, #tpu.memory_space<vmem_shared>>
        tpu.wait_indirect_dma semaphore(%run_scoped3A_165 : memref<!tpu.dma_semaphore, #tpu.memory_space<semaphore_mem>>) src(%dma_wait3A_179 : memref<128x128xf32, #tpu.memory_space<vmem>>) dst(%dma_wait3A_185 : memref<10112x128xf32, #tpu.memory_space<vmem_shared>>)
        tpu.yield
      }) : () -> ()
      %add3A_108 = arith.constant 2 : i32
      %add3A_109 = arith.addi %mul3A_90, %add3A_108 : i32
      %dma_start3A_110 = arith.constant 0 : i32
      %dma_start3A_111 = arith.constant 0 : i32
      %dma_start3A_112 = arith.constant 0 : i32
      %dma_start3A_113 = arith.constant 0 : i32
      %dma_start3A_114 = tpu.memref_slice %arg9[%dma_start3A_111, %dma_start3A_112, %dma_start3A_113] : memref<2x128x128xf32, #tpu.memory_space<vmem>> -> memref<1x128x128xf32, #tpu.memory_space<vmem>>
      %dma_start3A_115 = tpu.memref_squeeze %dma_start3A_114 : memref<1x128x128xf32, #tpu.memory_space<vmem>> -> memref<128x128xf32, #tpu.memory_space<vmem>>
      %dma_start3A_116 = arith.constant 0 : i32
      %dma_start3A_117 = tpu.memref_slice %arg7[%add3A_109, %dma_start3A_116] : memref<40x128xi32, #tpu.memory_space<vmem>> -> memref<1x128xi32, #tpu.memory_space<vmem>>
      %dma_start3A_118 = tpu.memref_squeeze %dma_start3A_117 : memref<1x128xi32, #tpu.memory_space<vmem>> -> memref<128xi32, #tpu.memory_space<vmem>>
      %dma_start3A_119 = arith.constant 0 : i32
      %dma_start3A_120 = arith.constant 0 : i32
      %dma_start3A_121 = tpu.memref_slice %arg2[%dma_start3A_110, %dma_start3A_119, %dma_start3A_120] : memref<1x10000x128xf32, #tpu.memory_space<hbm>> -> memref<1x10000x128xf32, #tpu.memory_space<hbm>>
      %dma_start3A_122 = tpu.memref_squeeze %dma_start3A_121 : memref<1x10000x128xf32, #tpu.memory_space<hbm>> -> memref<10000x128xf32, #tpu.memory_space<hbm>>
      %dma_start3A_123 = arith.constant 0 : i32
      %dma_start3A_124 = arith.constant 0 : i32
      %dma_start3A_125 = tpu.memref_slice %dma_start3A_122[%dma_start3A_123, %dma_start3A_124] : memref<10000x128xf32, #tpu.memory_space<hbm>> -> memref<10000x128xf32, #tpu.memory_space<hbm>>
      tpu.enqueue_indirect_dma source(%dma_start3A_125 : memref<10000x128xf32, #tpu.memory_space<hbm>>) target(%dma_start3A_115 : memref<128x128xf32, #tpu.memory_space<vmem>>) offsets(%dma_start3A_118 : memref<128xi32, #tpu.memory_space<vmem>>) semaphore(%arg11 : memref<!tpu.dma_semaphore, #tpu.memory_space<semaphore_mem>>)
      %add3A_126 = arith.constant 1 : i32
      %add3A_127 = arith.addi %mul3A_90, %add3A_126 : i32
      %dma_wait3A_128 = arith.constant 0 : i32
      %dma_wait3A_129 = arith.constant 1 : i32
      %dma_wait3A_130 = arith.constant 0 : i32
      %dma_wait3A_131 = arith.constant 0 : i32
      %dma_wait3A_132 = tpu.memref_slice %arg9[%dma_wait3A_129, %dma_wait3A_130, %dma_wait3A_131] : memref<2x128x128xf32, #tpu.memory_space<vmem>> -> memref<1x128x128xf32, #tpu.memory_space<vmem>>
      %dma_wait3A_133 = tpu.memref_squeeze %dma_wait3A_132 : memref<1x128x128xf32, #tpu.memory_space<vmem>> -> memref<128x128xf32, #tpu.memory_space<vmem>>
      %dma_wait3A_134 = arith.constant 0 : i32
      %dma_wait3A_135 = tpu.memref_slice %arg7[%add3A_127, %dma_wait3A_134] : memref<40x128xi32, #tpu.memory_space<vmem>> -> memref<1x128xi32, #tpu.memory_space<vmem>>
      %dma_wait3A_136 = tpu.memref_squeeze %dma_wait3A_135 : memref<1x128xi32, #tpu.memory_space<vmem>> -> memref<128xi32, #tpu.memory_space<vmem>>
      %dma_wait3A_137 = arith.constant 0 : i32
      %dma_wait3A_138 = arith.constant 0 : i32
      %dma_wait3A_139 = tpu.memref_slice %arg2[%dma_wait3A_128, %dma_wait3A_137, %dma_wait3A_138] : memref<1x10000x128xf32, #tpu.memory_space<hbm>> -> memref<1x10000x128xf32, #tpu.memory_space<hbm>>
      %dma_wait3A_140 = tpu.memref_squeeze %dma_wait3A_139 : memref<1x10000x128xf32, #tpu.memory_space<hbm>> -> memref<10000x128xf32, #tpu.memory_space<hbm>>
      %dma_wait3A_141 = arith.constant 0 : i32
      %dma_wait3A_142 = arith.constant 0 : i32
      %dma_wait3A_143 = tpu.memref_slice %dma_wait3A_140[%dma_wait3A_141, %dma_wait3A_142] : memref<10000x128xf32, #tpu.memory_space<hbm>> -> memref<10000x128xf32, #tpu.memory_space<hbm>>
      tpu.wait_indirect_dma semaphore(%arg12 : memref<!tpu.dma_semaphore, #tpu.memory_space<semaphore_mem>>) src(%dma_wait3A_143 : memref<10000x128xf32, #tpu.memory_space<hbm>>) dst(%dma_wait3A_133 : memref<128x128xf32, #tpu.memory_space<vmem>>)
      %add3A_144 = arith.constant 1 : i32
      %add3A_145 = arith.addi %mul3A_90, %add3A_144 : i32
      %run_scoped3A_146 = arith.constant 1 : i32
      "tpu.region"() ({
        %run_scoped3A_165 = tpu.sem_alloc : memref<!tpu.dma_semaphore, #tpu.memory_space<semaphore_mem>>
        %dma_start3A_166 = arith.constant 0 : i32
        %dma_start3A_167 = arith.constant 0 : i32
        %dma_start3A_168 = tpu.memref_slice %arg9[%run_scoped3A_146, %dma_start3A_166, %dma_start3A_167] : memref<2x128x128xf32, #tpu.memory_space<vmem>> -> memref<1x128x128xf32, #tpu.memory_space<vmem>>
        %dma_start3A_169 = tpu.memref_squeeze %dma_start3A_168 : memref<1x128x128xf32, #tpu.memory_space<vmem>> -> memref<128x128xf32, #tpu.memory_space<vmem>>
        %dma_start3A_170 = arith.constant 0 : i32
        %dma_start3A_171 = tpu.memref_slice %arg8[%add3A_145, %dma_start3A_170] : memref<40x128xi32, #tpu.memory_space<vmem>> -> memref<1x128xi32, #tpu.memory_space<vmem>>
        %dma_start3A_172 = tpu.memref_squeeze %dma_start3A_171 : memref<1x128xi32, #tpu.memory_space<vmem>> -> memref<128xi32, #tpu.memory_space<vmem>>
        %dma_start3A_173 = arith.constant 0 : i32
        %dma_start3A_174 = arith.constant 0 : i32
        %dma_start3A_175 = tpu.memref_slice %arg10[%dma_start3A_173, %dma_start3A_174] : memref<10112x128xf32, #tpu.memory_space<vmem_shared>> -> memref<10112x128xf32, #tpu.memory_space<vmem_shared>>
        tpu.enqueue_indirect_dma source(%dma_start3A_169 : memref<128x128xf32, #tpu.memory_space<vmem>>) target(%dma_start3A_175 : memref<10112x128xf32, #tpu.memory_space<vmem_shared>>) offsets(%dma_start3A_172 : memref<128xi32, #tpu.memory_space<vmem>>) semaphore(%run_scoped3A_165 : memref<!tpu.dma_semaphore, #tpu.memory_space<semaphore_mem>>) {add = true}
        %dma_wait3A_176 = arith.constant 0 : i32
        %dma_wait3A_177 = arith.constant 0 : i32
        %dma_wait3A_178 = tpu.memref_slice %arg9[%run_scoped3A_146, %dma_wait3A_176, %dma_wait3A_177] : memref<2x128x128xf32, #tpu.memory_space<vmem>> -> memref<1x128x128xf32, #tpu.memory_space<vmem>>
        %dma_wait3A_179 = tpu.memref_squeeze %dma_wait3A_178 : memref<1x128x128xf32, #tpu.memory_space<vmem>> -> memref<128x128xf32, #tpu.memory_space<vmem>>
        %dma_wait3A_180 = arith.constant 0 : i32
        %dma_wait3A_181 = tpu.memref_slice %arg8[%add3A_145, %dma_wait3A_180] : memref<40x128xi32, #tpu.memory_space<vmem>> -> memref<1x128xi32, #tpu.memory_space<vmem>>
        %dma_wait3A_182 = tpu.memref_squeeze %dma_wait3A_181 : memref<1x128xi32, #tpu.memory_space<vmem>> -> memref<128xi32, #tpu.memory_space<vmem>>
        %dma_wait3A_183 = arith.constant 0 : i32
        %dma_wait3A_184 = arith.constant 0 : i32
        %dma_wait3A_185 = tpu.memref_slice %arg10[%dma_wait3A_183, %dma_wait3A_184] : memref<10112x128xf32, #tpu.memory_space<vmem_shared>> -> memref<10112x128xf32, #tpu.memory_space<vmem_shared>>
        tpu.wait_indirect_dma semaphore(%run_scoped3A_165 : memref<!tpu.dma_semaphore, #tpu.memory_space<semaphore_mem>>) src(%dma_wait3A_179 : memref<128x128xf32, #tpu.memory_space<vmem>>) dst(%dma_wait3A_185 : memref<10112x128xf32, #tpu.memory_space<vmem_shared>>)
        tpu.yield
      }) : () -> ()
      %add3A_147 = arith.constant 3 : i32
      %add3A_148 = arith.addi %mul3A_90, %add3A_147 : i32
      %dma_start3A_149 = arith.constant 0 : i32
      %dma_start3A_150 = arith.constant 1 : i32
      %dma_start3A_151 = arith.constant 0 : i32
      %dma_start3A_152 = arith.constant 0 : i32
      %dma_start3A_153 = tpu.memref_slice %arg9[%dma_start3A_150, %dma_start3A_151, %dma_start3A_152] : memref<2x128x128xf32, #tpu.memory_space<vmem>> -> memref<1x128x128xf32, #tpu.memory_space<vmem>>
      %dma_start3A_154 = tpu.memref_squeeze %dma_start3A_153 : memref<1x128x128xf32, #tpu.memory_space<vmem>> -> memref<128x128xf32, #tpu.memory_space<vmem>>
      %dma_start3A_155 = arith.constant 0 : i32
      %dma_start3A_156 = tpu.memref_slice %arg7[%add3A_148, %dma_start3A_155] : memref<40x128xi32, #tpu.memory_space<vmem>> -> memref<1x128xi32, #tpu.memory_space<vmem>>
      %dma_start3A_157 = tpu.memref_squeeze %dma_start3A_156 : memref<1x128xi32, #tpu.memory_space<vmem>> -> memref<128xi32, #tpu.memory_space<vmem>>
      %dma_start3A_158 = arith.constant 0 : i32
      %dma_start3A_159 = arith.constant 0 : i32
      %dma_start3A_160 = tpu.memref_slice %arg2[%dma_start3A_149, %dma_start3A_158, %dma_start3A_159] : memref<1x10000x128xf32, #tpu.memory_space<hbm>> -> memref<1x10000x128xf32, #tpu.memory_space<hbm>>
      %dma_start3A_161 = tpu.memref_squeeze %dma_start3A_160 : memref<1x10000x128xf32, #tpu.memory_space<hbm>> -> memref<10000x128xf32, #tpu.memory_space<hbm>>
      %dma_start3A_162 = arith.constant 0 : i32
      %dma_start3A_163 = arith.constant 0 : i32
      %dma_start3A_164 = tpu.memref_slice %dma_start3A_161[%dma_start3A_162, %dma_start3A_163] : memref<10000x128xf32, #tpu.memory_space<hbm>> -> memref<10000x128xf32, #tpu.memory_space<hbm>>
      tpu.enqueue_indirect_dma source(%dma_start3A_164 : memref<10000x128xf32, #tpu.memory_space<hbm>>) target(%dma_start3A_154 : memref<128x128xf32, #tpu.memory_space<vmem>>) offsets(%dma_start3A_157 : memref<128xi32, #tpu.memory_space<vmem>>) semaphore(%arg12 : memref<!tpu.dma_semaphore, #tpu.memory_space<semaphore_mem>>)
    }
    %scan3A_41 = arith.constant 19 : i32
    %dma_wait3A = arith.constant 0 : i32
    %dma_wait3A_42 = arith.constant 38 : i32
    %dma_wait3A_43 = arith.constant 0 : i32
    %dma_wait3A_44 = arith.constant 0 : i32
    %dma_wait3A_45 = arith.constant 0 : i32
    %dma_wait3A_46 = tpu.memref_slice %arg9[%dma_wait3A_43, %dma_wait3A_44, %dma_wait3A_45] : memref<2x128x128xf32, #tpu.memory_space<vmem>> -> memref<1x128x128xf32, #tpu.memory_space<vmem>>
    %dma_wait3A_47 = tpu.memref_squeeze %dma_wait3A_46 : memref<1x128x128xf32, #tpu.memory_space<vmem>> -> memref<128x128xf32, #tpu.memory_space<vmem>>
    %dma_wait3A_48 = arith.constant 0 : i32
    %dma_wait3A_49 = tpu.memref_slice %arg7[%dma_wait3A_42, %dma_wait3A_48] : memref<40x128xi32, #tpu.memory_space<vmem>> -> memref<1x128xi32, #tpu.memory_space<vmem>>
    %dma_wait3A_50 = tpu.memref_squeeze %dma_wait3A_49 : memref<1x128xi32, #tpu.memory_space<vmem>> -> memref<128xi32, #tpu.memory_space<vmem>>
    %dma_wait3A_51 = arith.constant 0 : i32
    %dma_wait3A_52 = arith.constant 0 : i32
    %dma_wait3A_53 = tpu.memref_slice %arg2[%dma_wait3A, %dma_wait3A_51, %dma_wait3A_52] : memref<1x10000x128xf32, #tpu.memory_space<hbm>> -> memref<1x10000x128xf32, #tpu.memory_space<hbm>>
    %dma_wait3A_54 = tpu.memref_squeeze %dma_wait3A_53 : memref<1x10000x128xf32, #tpu.memory_space<hbm>> -> memref<10000x128xf32, #tpu.memory_space<hbm>>
    %dma_wait3A_55 = arith.constant 0 : i32
    %dma_wait3A_56 = arith.constant 0 : i32
    %dma_wait3A_57 = tpu.memref_slice %dma_wait3A_54[%dma_wait3A_55, %dma_wait3A_56] : memref<10000x128xf32, #tpu.memory_space<hbm>> -> memref<10000x128xf32, #tpu.memory_space<hbm>>
    tpu.wait_indirect_dma semaphore(%arg11 : memref<!tpu.dma_semaphore, #tpu.memory_space<semaphore_mem>>) src(%dma_wait3A_57 : memref<10000x128xf32, #tpu.memory_space<hbm>>) dst(%dma_wait3A_47 : memref<128x128xf32, #tpu.memory_space<vmem>>)
    %run_scoped3A = arith.constant 0 : i32
    %run_scoped3A_58 = arith.constant 38 : i32
    "tpu.region"() ({
      %run_scoped3A_84 = tpu.sem_alloc : memref<!tpu.dma_semaphore, #tpu.memory_space<semaphore_mem>>
      %dma_start3A_85 = arith.constant 0 : i32
      %dma_start3A_86 = arith.constant 0 : i32
      %dma_start3A_87 = tpu.memref_slice %arg9[%run_scoped3A, %dma_start3A_85, %dma_start3A_86] : memref<2x128x128xf32, #tpu.memory_space<vmem>> -> memref<1x128x128xf32, #tpu.memory_space<vmem>>
      %dma_start3A_88 = tpu.memref_squeeze %dma_start3A_87 : memref<1x128x128xf32, #tpu.memory_space<vmem>> -> memref<128x128xf32, #tpu.memory_space<vmem>>
      %dma_start3A_89 = arith.constant 0 : i32
      %dma_start3A_90 = tpu.memref_slice %arg8[%run_scoped3A_58, %dma_start3A_89] : memref<40x128xi32, #tpu.memory_space<vmem>> -> memref<1x128xi32, #tpu.memory_space<vmem>>
      %dma_start3A_91 = tpu.memref_squeeze %dma_start3A_90 : memref<1x128xi32, #tpu.memory_space<vmem>> -> memref<128xi32, #tpu.memory_space<vmem>>
      %dma_start3A_92 = arith.constant 0 : i32
      %dma_start3A_93 = arith.constant 0 : i32
      %dma_start3A_94 = tpu.memref_slice %arg10[%dma_start3A_92, %dma_start3A_93] : memref<10112x128xf32, #tpu.memory_space<vmem_shared>> -> memref<10112x128xf32, #tpu.memory_space<vmem_shared>>
      tpu.enqueue_indirect_dma source(%dma_start3A_88 : memref<128x128xf32, #tpu.memory_space<vmem>>) target(%dma_start3A_94 : memref<10112x128xf32, #tpu.memory_space<vmem_shared>>) offsets(%dma_start3A_91 : memref<128xi32, #tpu.memory_space<vmem>>) semaphore(%run_scoped3A_84 : memref<!tpu.dma_semaphore, #tpu.memory_space<semaphore_mem>>) {add = true}
      %dma_wait3A_95 = arith.constant 0 : i32
      %dma_wait3A_96 = arith.constant 0 : i32
      %dma_wait3A_97 = tpu.memref_slice %arg9[%run_scoped3A, %dma_wait3A_95, %dma_wait3A_96] : memref<2x128x128xf32, #tpu.memory_space<vmem>> -> memref<1x128x128xf32, #tpu.memory_space<vmem>>
      %dma_wait3A_98 = tpu.memref_squeeze %dma_wait3A_97 : memref<1x128x128xf32, #tpu.memory_space<vmem>> -> memref<128x128xf32, #tpu.memory_space<vmem>>
      %dma_wait3A_99 = arith.constant 0 : i32
      %dma_wait3A_100 = tpu.memref_slice %arg8[%run_scoped3A_58, %dma_wait3A_99] : memref<40x128xi32, #tpu.memory_space<vmem>> -> memref<1x128xi32, #tpu.memory_space<vmem>>
      %dma_wait3A_101 = tpu.memref_squeeze %dma_wait3A_100 : memref<1x128xi32, #tpu.memory_space<vmem>> -> memref<128xi32, #tpu.memory_space<vmem>>
      %dma_wait3A_102 = arith.constant 0 : i32
      %dma_wait3A_103 = arith.constant 0 : i32
      %dma_wait3A_104 = tpu.memref_slice %arg10[%dma_wait3A_102, %dma_wait3A_103] : memref<10112x128xf32, #tpu.memory_space<vmem_shared>> -> memref<10112x128xf32, #tpu.memory_space<vmem_shared>>
      tpu.wait_indirect_dma semaphore(%run_scoped3A_84 : memref<!tpu.dma_semaphore, #tpu.memory_space<semaphore_mem>>) src(%dma_wait3A_98 : memref<128x128xf32, #tpu.memory_space<vmem>>) dst(%dma_wait3A_104 : memref<10112x128xf32, #tpu.memory_space<vmem_shared>>)
      tpu.yield
    }) : () -> ()
    %dma_wait3A_59 = arith.constant 0 : i32
    %dma_wait3A_60 = arith.constant 39 : i32
    %dma_wait3A_61 = arith.constant 1 : i32
    %dma_wait3A_62 = arith.constant 0 : i32
    %dma_wait3A_63 = arith.constant 0 : i32
    %dma_wait3A_64 = tpu.memref_slice %arg9[%dma_wait3A_61, %dma_wait3A_62, %dma_wait3A_63] : memref<2x128x128xf32, #tpu.memory_space<vmem>> -> memref<1x128x128xf32, #tpu.memory_space<vmem>>
    %dma_wait3A_65 = tpu.memref_squeeze %dma_wait3A_64 : memref<1x128x128xf32, #tpu.memory_space<vmem>> -> memref<128x128xf32, #tpu.memory_space<vmem>>
    %dma_wait3A_66 = arith.constant 0 : i32
    %dma_wait3A_67 = tpu.memref_slice %arg7[%dma_wait3A_60, %dma_wait3A_66] : memref<40x128xi32, #tpu.memory_space<vmem>> -> memref<1x128xi32, #tpu.memory_space<vmem>>
    %dma_wait3A_68 = tpu.memref_squeeze %dma_wait3A_67 : memref<1x128xi32, #tpu.memory_space<vmem>> -> memref<128xi32, #tpu.memory_space<vmem>>
    %dma_wait3A_69 = arith.constant 0 : i32
    %dma_wait3A_70 = arith.constant 0 : i32
    %dma_wait3A_71 = tpu.memref_slice %arg2[%dma_wait3A_59, %dma_wait3A_69, %dma_wait3A_70] : memref<1x10000x128xf32, #tpu.memory_space<hbm>> -> memref<1x10000x128xf32, #tpu.memory_space<hbm>>
    %dma_wait3A_72 = tpu.memref_squeeze %dma_wait3A_71 : memref<1x10000x128xf32, #tpu.memory_space<hbm>> -> memref<10000x128xf32, #tpu.memory_space<hbm>>
    %dma_wait3A_73 = arith.constant 0 : i32
    %dma_wait3A_74 = arith.constant 0 : i32
    %dma_wait3A_75 = tpu.memref_slice %dma_wait3A_72[%dma_wait3A_73, %dma_wait3A_74] : memref<10000x128xf32, #tpu.memory_space<hbm>> -> memref<10000x128xf32, #tpu.memory_space<hbm>>
    tpu.wait_indirect_dma semaphore(%arg12 : memref<!tpu.dma_semaphore, #tpu.memory_space<semaphore_mem>>) src(%dma_wait3A_75 : memref<10000x128xf32, #tpu.memory_space<hbm>>) dst(%dma_wait3A_65 : memref<128x128xf32, #tpu.memory_space<vmem>>)
    %run_scoped3A_76 = arith.constant 1 : i32
    %run_scoped3A_77 = arith.constant 39 : i32
    "tpu.region"() ({
      %run_scoped3A_84 = tpu.sem_alloc : memref<!tpu.dma_semaphore, #tpu.memory_space<semaphore_mem>>
      %dma_start3A_85 = arith.constant 0 : i32
      %dma_start3A_86 = arith.constant 0 : i32
      %dma_start3A_87 = tpu.memref_slice %arg9[%run_scoped3A_76, %dma_start3A_85, %dma_start3A_86] : memref<2x128x128xf32, #tpu.memory_space<vmem>> -> memref<1x128x128xf32, #tpu.memory_space<vmem>>
      %dma_start3A_88 = tpu.memref_squeeze %dma_start3A_87 : memref<1x128x128xf32, #tpu.memory_space<vmem>> -> memref<128x128xf32, #tpu.memory_space<vmem>>
      %dma_start3A_89 = arith.constant 0 : i32
      %dma_start3A_90 = tpu.memref_slice %arg8[%run_scoped3A_77, %dma_start3A_89] : memref<40x128xi32, #tpu.memory_space<vmem>> -> memref<1x128xi32, #tpu.memory_space<vmem>>
      %dma_start3A_91 = tpu.memref_squeeze %dma_start3A_90 : memref<1x128xi32, #tpu.memory_space<vmem>> -> memref<128xi32, #tpu.memory_space<vmem>>
      %dma_start3A_92 = arith.constant 0 : i32
      %dma_start3A_93 = arith.constant 0 : i32
      %dma_start3A_94 = tpu.memref_slice %arg10[%dma_start3A_92, %dma_start3A_93] : memref<10112x128xf32, #tpu.memory_space<vmem_shared>> -> memref<10112x128xf32, #tpu.memory_space<vmem_shared>>
      tpu.enqueue_indirect_dma source(%dma_start3A_88 : memref<128x128xf32, #tpu.memory_space<vmem>>) target(%dma_start3A_94 : memref<10112x128xf32, #tpu.memory_space<vmem_shared>>) offsets(%dma_start3A_91 : memref<128xi32, #tpu.memory_space<vmem>>) semaphore(%run_scoped3A_84 : memref<!tpu.dma_semaphore, #tpu.memory_space<semaphore_mem>>) {add = true}
      %dma_wait3A_95 = arith.constant 0 : i32
      %dma_wait3A_96 = arith.constant 0 : i32
      %dma_wait3A_97 = tpu.memref_slice %arg9[%run_scoped3A_76, %dma_wait3A_95, %dma_wait3A_96] : memref<2x128x128xf32, #tpu.memory_space<vmem>> -> memref<1x128x128xf32, #tpu.memory_space<vmem>>
      %dma_wait3A_98 = tpu.memref_squeeze %dma_wait3A_97 : memref<1x128x128xf32, #tpu.memory_space<vmem>> -> memref<128x128xf32, #tpu.memory_space<vmem>>
      %dma_wait3A_99 = arith.constant 0 : i32
      %dma_wait3A_100 = tpu.memref_slice %arg8[%run_scoped3A_77, %dma_wait3A_99] : memref<40x128xi32, #tpu.memory_space<vmem>> -> memref<1x128xi32, #tpu.memory_space<vmem>>
      %dma_wait3A_101 = tpu.memref_squeeze %dma_wait3A_100 : memref<1x128xi32, #tpu.memory_space<vmem>> -> memref<128xi32, #tpu.memory_space<vmem>>
      %dma_wait3A_102 = arith.constant 0 : i32
      %dma_wait3A_103 = arith.constant 0 : i32
      %dma_wait3A_104 = tpu.memref_slice %arg10[%dma_wait3A_102, %dma_wait3A_103] : memref<10112x128xf32, #tpu.memory_space<vmem_shared>> -> memref<10112x128xf32, #tpu.memory_space<vmem_shared>>
      tpu.wait_indirect_dma semaphore(%run_scoped3A_84 : memref<!tpu.dma_semaphore, #tpu.memory_space<semaphore_mem>>) src(%dma_wait3A_98 : memref<128x128xf32, #tpu.memory_space<vmem>>) dst(%dma_wait3A_104 : memref<10112x128xf32, #tpu.memory_space<vmem_shared>>)
      tpu.yield
    }) : () -> ()
    %barrier3A_78 = arith.constant 0 : index
    tpu.barrier barrier_id(%barrier3A_78)
    %mul3A_79 = arith.constant 632 : i32
    %mul3A_80 = arith.muli %arg1, %mul3A_79 : i32
    %mul3A_81 = arith.constant 632 : i32
    %mul3A_82 = arith.muli %arg1, %mul3A_81 : i32
    %run_scoped3A_83 = arith.constant 0 : i32
    "tpu.region"() ({
      %run_scoped3A_84 = tpu.sem_alloc : memref<!tpu.dma_semaphore, #tpu.memory_space<semaphore_mem>>
      %dma_start3A_85 = arith.constant 0 : i32
      %dma_start3A_86 = tpu.memref_slice %arg6[%arg0, %run_scoped3A_83, %mul3A_82, %dma_start3A_85] : memref<2x1x10112x128xf32, #tpu.memory_space<hbm>> -> memref<1x1x632x128xf32, #tpu.memory_space<hbm>>
      %dma_start3A_87 = tpu.memref_squeeze %dma_start3A_86 : memref<1x1x632x128xf32, #tpu.memory_space<hbm>> -> memref<632x128xf32, #tpu.memory_space<hbm>>
      %dma_start3A_88 = arith.constant 0 : i32
      %dma_start3A_89 = tpu.memref_slice %arg10[%mul3A_80, %dma_start3A_88] : memref<10112x128xf32, #tpu.memory_space<vmem_shared>> -> memref<632x128xf32, #tpu.memory_space<vmem_shared>>
      tpu.enqueue_dma source(%dma_start3A_89 : memref<632x128xf32, #tpu.memory_space<vmem_shared>>) target(%dma_start3A_87 : memref<632x128xf32, #tpu.memory_space<hbm>>) target_semaphore(%run_scoped3A_84 : memref<!tpu.dma_semaphore, #tpu.memory_space<semaphore_mem>>)
      %dma_wait3A_90 = arith.constant 0 : i32
      %dma_wait3A_91 = tpu.memref_slice %arg6[%arg0, %run_scoped3A_83, %mul3A_82, %dma_wait3A_90] : memref<2x1x10112x128xf32, #tpu.memory_space<hbm>> -> memref<1x1x632x128xf32, #tpu.memory_space<hbm>>
      %dma_wait3A_92 = tpu.memref_squeeze %dma_wait3A_91 : memref<1x1x632x128xf32, #tpu.memory_space<hbm>> -> memref<632x128xf32, #tpu.memory_space<hbm>>
      %dma_wait3A_93 = arith.constant 0 : i32
      %dma_wait3A_94 = tpu.memref_slice %arg10[%mul3A_80, %dma_wait3A_93] : memref<10112x128xf32, #tpu.memory_space<vmem_shared>> -> memref<632x128xf32, #tpu.memory_space<vmem_shared>>
      tpu.wait_dma2 semaphore(%run_scoped3A_84 : memref<!tpu.dma_semaphore, #tpu.memory_space<semaphore_mem>>) src(%dma_wait3A_94 : memref<632x128xf32, #tpu.memory_space<vmem_shared>>) dst(%dma_wait3A_92 : memref<632x128xf32, #tpu.memory_space<hbm>>)
      tpu.yield
    }) : () -> ()
    return
  }
}

module attributes {stable_mosaic.version = 14 : i64} {
  func.func @body(%arg0: i32, %arg1: memref<2x400x128xf32, #tpu.memory_space<vmem>>, %arg2: memref<400x16xf32, #tpu.memory_space<vmem>>) attributes {dimension_semantics = [#tpu.dimension_semantics<arbitrary>], iteration_bounds = array<i64: 25>, scalar_prefetch = 0 : i64, scratch_operands = 0 : i64, tpu.core_type = #tpu.core_type<tc>, window_params = [{transform_indices = @transform_0, window_bounds = array<i64: 2, 400, 128>}, {transform_indices = @transform_1, window_bounds = array<i64: 400, 16>}]} {
    %get3A = arith.constant 0 : index
    %get3A_0 = arith.constant 0 : index
    %get3A_1 = arith.constant 0 : index
    %get3A_2 = vector.load %arg1[%get3A, %get3A_0, %get3A_1] : memref<2x400x128xf32, #tpu.memory_space<vmem>>, vector<1x400x128xf32>
    %get3A_3 = vector.shape_cast %get3A_2 : vector<1x400x128xf32> to vector<400x128xf32>
    %get3A_4 = arith.constant 1 : index
    %get3A_5 = arith.constant 0 : index
    %get3A_6 = arith.constant 0 : index
    %get3A_7 = vector.load %arg1[%get3A_4, %get3A_5, %get3A_6] : memref<2x400x128xf32, #tpu.memory_space<vmem>>, vector<1x400x128xf32>
    %get3A_8 = vector.shape_cast %get3A_7 : vector<1x400x128xf32> to vector<400x128xf32>
    %add3A = arith.addf %get3A_3, %get3A_8 : vector<400x128xf32>
    %add3A_9 = arith.constant 1.000000e+00 : f32
    %add3A_10 = vector.broadcast %add3A_9 : f32 to vector<400x128xf32>
    %add3A_11 = arith.addf %add3A, %add3A_10 : vector<400x128xf32>
    %sqrt3A = math.sqrt %add3A_11 : vector<400x128xf32>
    %div3A = arith.constant 1.000000e+00 : f32
    %div3A_12 = vector.broadcast %div3A : f32 to vector<400x128xf32>
    %div3A_13 = arith.divf %div3A_12, %sqrt3A : vector<400x128xf32>
    %slice3A = vector.extract_strided_slice %div3A_13 {offsets = [0, 0], sizes = [400, 16], strides = [1, 1]} : vector<400x128xf32> to vector<400x16xf32>
    %swap3A = arith.constant 0 : index
    %swap3A_14 = arith.constant 0 : index
    %swap3A_15 = vector.load %arg2[%swap3A, %swap3A_14] : memref<400x16xf32, #tpu.memory_space<vmem>>, vector<400x16xf32>
    tpu.vector_store %arg2[%swap3A, %swap3A_14], %slice3A {strides = array<i32>} : memref<400x16xf32, #tpu.memory_space<vmem>>, vector<400x16xf32>,
    return
  }
  func.func @transform_0(%arg0: i32) -> (i32, i32, i32) {
    %c0_i32 = arith.constant 0 : i32
    %c0_i32_0 = arith.constant 0 : i32
    %c0_i32_1 = arith.constant 0 : i32
    return %c0_i32, %arg0, %c0_i32_0 : i32, i32, i32
  }
  func.func @transform_1(%arg0: i32) -> (i32, i32) {
    %c0_i32 = arith.constant 0 : i32
    %c0_i32_0 = arith.constant 0 : i32
    return %arg0, %c0_i32 : i32, i32
  }
}

module attributes {stable_mosaic.version = 14 : i64} {
  func.func @body(%arg0: i32, %arg1: memref<400x256xf32, #tpu.memory_space<vmem>>, %arg2: memref<256x512xf32, #tpu.memory_space<vmem>>, %arg3: memref<400x16xf32, #tpu.memory_space<vmem>>, %arg4: memref<4x400x128xf32, #tpu.memory_space<vmem>>) attributes {dimension_semantics = [#tpu.dimension_semantics<arbitrary>], iteration_bounds = array<i64: 25>, scalar_prefetch = 0 : i64, scratch_operands = 0 : i64, tpu.core_type = #tpu.core_type<tc>, window_params = [{transform_indices = @transform_0, window_bounds = array<i64: 400, 256>}, {pipeline_mode = #tpu.pipeline_mode<synchronous>, transform_indices = @transform_1, window_bounds = array<i64: 256, 512>}, {transform_indices = @transform_2, window_bounds = array<i64: 400, 16>}, {transform_indices = @transform_3, window_bounds = array<i64: 4, 400, 128>}]} {
    %get3A = arith.constant 0 : index
    %get3A_0 = arith.constant 0 : index
    %get3A_1 = vector.load %arg1[%get3A, %get3A_0] : memref<400x256xf32, #tpu.memory_space<vmem>>, vector<400x256xf32>
    %get3A_2 = arith.constant 0 : index
    %get3A_3 = arith.constant 0 : index
    %get3A_4 = vector.load %arg2[%get3A_2, %get3A_3] : memref<256x512xf32, #tpu.memory_space<vmem>>, vector<256x512xf32>
    %dot_general3A = arith.constant dense<0.000000e+00> : vector<400x512xf32>
    %dot_general3A_5 = tpu.matmul %get3A_1, %get3A_4, %dot_general3A {dimension_numbers = #tpu.dot_dimension_numbers<[1], [0], [0], [1], [0, 0, 1, 1], [], []>, transpose_lhs_hint = false} : vector<400x256xf32>, vector<256x512xf32>, vector<400x512xf32> -> vector<400x512xf32>
    %get3A_6 = arith.constant 0 : index
    %get3A_7 = arith.constant 0 : index
    %get3A_8 = vector.load %arg3[%get3A_6, %get3A_7] : memref<400x16xf32, #tpu.memory_space<vmem>>, vector<400x16xf32>
    %slice3A = vector.extract_strided_slice %get3A_8 {offsets = [0, 0], sizes = [400, 1], strides = [1, 1]} : vector<400x16xf32> to vector<400x1xf32>
    %slice3A_9 = vector.extract_strided_slice %dot_general3A_5 {offsets = [0, 0], sizes = [400, 128], strides = [1, 1]} : vector<400x512xf32> to vector<400x128xf32>
    %mul3A = vector.broadcast %slice3A : vector<400x1xf32> to vector<400x128xf32>
    %mul3A_10 = arith.mulf %mul3A, %slice3A_9 : vector<400x128xf32>
    %swap3A = arith.constant 0 : index
    %swap3A_11 = arith.constant 0 : index
    %swap3A_12 = arith.constant 0 : index
    %swap3A_13 = vector.load %arg4[%swap3A, %swap3A_11, %swap3A_12] : memref<4x400x128xf32, #tpu.memory_space<vmem>>, vector<1x400x128xf32>
    %swap3A_14 = vector.shape_cast %swap3A_13 : vector<1x400x128xf32> to vector<400x128xf32>
    %swap3A_15 = vector.shape_cast %mul3A_10 : vector<400x128xf32> to vector<1x400x128xf32>
    tpu.vector_store %arg4[%swap3A, %swap3A_11, %swap3A_12], %swap3A_15 {strides = array<i32>} : memref<4x400x128xf32, #tpu.memory_space<vmem>>, vector<1x400x128xf32>,
    %slice3A_16 = vector.extract_strided_slice %dot_general3A_5 {offsets = [0, 128], sizes = [400, 128], strides = [1, 1]} : vector<400x512xf32> to vector<400x128xf32>
    %mul3A_17 = vector.broadcast %slice3A : vector<400x1xf32> to vector<400x128xf32>
    %mul3A_18 = arith.mulf %mul3A_17, %slice3A_16 : vector<400x128xf32>
    %swap3A_19 = arith.constant 1 : index
    %swap3A_20 = arith.constant 0 : index
    %swap3A_21 = arith.constant 0 : index
    %swap3A_22 = vector.load %arg4[%swap3A_19, %swap3A_20, %swap3A_21] : memref<4x400x128xf32, #tpu.memory_space<vmem>>, vector<1x400x128xf32>
    %swap3A_23 = vector.shape_cast %swap3A_22 : vector<1x400x128xf32> to vector<400x128xf32>
    %swap3A_24 = vector.shape_cast %mul3A_18 : vector<400x128xf32> to vector<1x400x128xf32>
    tpu.vector_store %arg4[%swap3A_19, %swap3A_20, %swap3A_21], %swap3A_24 {strides = array<i32>} : memref<4x400x128xf32, #tpu.memory_space<vmem>>, vector<1x400x128xf32>,
    %slice3A_25 = vector.extract_strided_slice %dot_general3A_5 {offsets = [0, 256], sizes = [400, 128], strides = [1, 1]} : vector<400x512xf32> to vector<400x128xf32>
    %mul3A_26 = vector.broadcast %slice3A : vector<400x1xf32> to vector<400x128xf32>
    %mul3A_27 = arith.mulf %mul3A_26, %slice3A_25 : vector<400x128xf32>
    %swap3A_28 = arith.constant 2 : index
    %swap3A_29 = arith.constant 0 : index
    %swap3A_30 = arith.constant 0 : index
    %swap3A_31 = vector.load %arg4[%swap3A_28, %swap3A_29, %swap3A_30] : memref<4x400x128xf32, #tpu.memory_space<vmem>>, vector<1x400x128xf32>
    %swap3A_32 = vector.shape_cast %swap3A_31 : vector<1x400x128xf32> to vector<400x128xf32>
    %swap3A_33 = vector.shape_cast %mul3A_27 : vector<400x128xf32> to vector<1x400x128xf32>
    tpu.vector_store %arg4[%swap3A_28, %swap3A_29, %swap3A_30], %swap3A_33 {strides = array<i32>} : memref<4x400x128xf32, #tpu.memory_space<vmem>>, vector<1x400x128xf32>,
    %slice3A_34 = vector.extract_strided_slice %dot_general3A_5 {offsets = [0, 384], sizes = [400, 128], strides = [1, 1]} : vector<400x512xf32> to vector<400x128xf32>
    %mul3A_35 = vector.broadcast %slice3A : vector<400x1xf32> to vector<400x128xf32>
    %mul3A_36 = arith.mulf %mul3A_35, %slice3A_34 : vector<400x128xf32>
    %swap3A_37 = arith.constant 3 : index
    %swap3A_38 = arith.constant 0 : index
    %swap3A_39 = arith.constant 0 : index
    %swap3A_40 = vector.load %arg4[%swap3A_37, %swap3A_38, %swap3A_39] : memref<4x400x128xf32, #tpu.memory_space<vmem>>, vector<1x400x128xf32>
    %swap3A_41 = vector.shape_cast %swap3A_40 : vector<1x400x128xf32> to vector<400x128xf32>
    %swap3A_42 = vector.shape_cast %mul3A_36 : vector<400x128xf32> to vector<1x400x128xf32>
    tpu.vector_store %arg4[%swap3A_37, %swap3A_38, %swap3A_39], %swap3A_42 {strides = array<i32>} : memref<4x400x128xf32, #tpu.memory_space<vmem>>, vector<1x400x128xf32>,
    return
  }
  func.func @transform_0(%arg0: i32) -> (i32, i32) {
    %c0_i32 = arith.constant 0 : i32
    %c0_i32_0 = arith.constant 0 : i32
    return %arg0, %c0_i32 : i32, i32
  }
  func.func @transform_1(%arg0: i32) -> (i32, i32) {
    %c0_i32 = arith.constant 0 : i32
    %c0_i32_0 = arith.constant 0 : i32
    %c0_i32_1 = arith.constant 0 : i32
    return %c0_i32, %c0_i32_0 : i32, i32
  }
  func.func @transform_2(%arg0: i32) -> (i32, i32) {
    %c0_i32 = arith.constant 0 : i32
    %c0_i32_0 = arith.constant 0 : i32
    return %arg0, %c0_i32 : i32, i32
  }
  func.func @transform_3(%arg0: i32) -> (i32, i32, i32) {
    %c0_i32 = arith.constant 0 : i32
    %c0_i32_0 = arith.constant 0 : i32
    %c0_i32_1 = arith.constant 0 : i32
    return %c0_i32, %arg0, %c0_i32_0 : i32, i32, i32
  }
}

module attributes {stable_mosaic.version = 14 : i64} {
  func.func @body(%arg0: i32, %arg1: memref<2x4x400x128xf32, #tpu.memory_space<vmem>>, %arg2: memref<4x400x128xf32, #tpu.memory_space<vmem>>, %arg3: memref<400x16xf32, #tpu.memory_space<vmem>>, %arg4: memref<1x512xf32, #tpu.memory_space<vmem>>, %arg5: memref<400x512xf32, #tpu.memory_space<vmem>>, %arg6: memref<1x256xf32, #tpu.memory_space<vmem>>) attributes {dimension_semantics = [#tpu.dimension_semantics<arbitrary>], iteration_bounds = array<i64: 25>, scalar_prefetch = 0 : i64, scratch_operands = 0 : i64, tpu.core_type = #tpu.core_type<tc>, window_params = [{transform_indices = @transform_0, window_bounds = array<i64: 2, 4, 400, 128>}, {transform_indices = @transform_1, window_bounds = array<i64: 4, 400, 128>}, {transform_indices = @transform_2, window_bounds = array<i64: 400, 16>}, {pipeline_mode = #tpu.pipeline_mode<synchronous>, transform_indices = @transform_3, window_bounds = array<i64: 1, 512>}, {transform_indices = @transform_4, window_bounds = array<i64: 400, 512>}, {pipeline_mode = #tpu.pipeline_mode<synchronous>, transform_indices = @transform_5, window_bounds = array<i64: 1, 256>}]} {
    %get3A = arith.constant 0 : index
    %get3A_0 = arith.constant 0 : index
    %get3A_1 = vector.load %arg3[%get3A, %get3A_0] : memref<400x16xf32, #tpu.memory_space<vmem>>, vector<400x16xf32>
    %slice3A = vector.extract_strided_slice %get3A_1 {offsets = [0, 0], sizes = [400, 1], strides = [1, 1]} : vector<400x16xf32> to vector<400x1xf32>
    %get3A_2 = arith.constant 0 : index
    %get3A_3 = arith.constant 0 : index
    %get3A_4 = arith.constant 0 : index
    %get3A_5 = arith.constant 0 : index
    %get3A_6 = vector.load %arg1[%get3A_2, %get3A_3, %get3A_4, %get3A_5] : memref<2x4x400x128xf32, #tpu.memory_space<vmem>>, vector<1x1x400x128xf32>
    %get3A_7 = vector.shape_cast %get3A_6 : vector<1x1x400x128xf32> to vector<400x128xf32>
    %get3A_8 = arith.constant 1 : index
    %get3A_9 = arith.constant 0 : index
    %get3A_10 = arith.constant 0 : index
    %get3A_11 = arith.constant 0 : index
    %get3A_12 = vector.load %arg1[%get3A_8, %get3A_9, %get3A_10, %get3A_11] : memref<2x4x400x128xf32, #tpu.memory_space<vmem>>, vector<1x1x400x128xf32>
    %get3A_13 = vector.shape_cast %get3A_12 : vector<1x1x400x128xf32> to vector<400x128xf32>
    %add3A = arith.addf %get3A_7, %get3A_13 : vector<400x128xf32>
    %get3A_14 = arith.constant 0 : index
    %get3A_15 = arith.constant 0 : index
    %get3A_16 = arith.constant 0 : index
    %get3A_17 = vector.load %arg2[%get3A_14, %get3A_15, %get3A_16] : memref<4x400x128xf32, #tpu.memory_space<vmem>>, vector<1x400x128xf32>
    %get3A_18 = vector.shape_cast %get3A_17 : vector<1x400x128xf32> to vector<400x128xf32>
    %add3A_19 = arith.addf %add3A, %get3A_18 : vector<400x128xf32>
    %mul3A = vector.broadcast %slice3A : vector<400x1xf32> to vector<400x128xf32>
    %mul3A_20 = arith.mulf %mul3A, %add3A_19 : vector<400x128xf32>
    %get3A_21 = arith.constant 0 : index
    %get3A_22 = arith.constant 1 : index
    %get3A_23 = arith.constant 0 : index
    %get3A_24 = arith.constant 0 : index
    %get3A_25 = vector.load %arg1[%get3A_21, %get3A_22, %get3A_23, %get3A_24] : memref<2x4x400x128xf32, #tpu.memory_space<vmem>>, vector<1x1x400x128xf32>
    %get3A_26 = vector.shape_cast %get3A_25 : vector<1x1x400x128xf32> to vector<400x128xf32>
    %get3A_27 = arith.constant 1 : index
    %get3A_28 = arith.constant 1 : index
    %get3A_29 = arith.constant 0 : index
    %get3A_30 = arith.constant 0 : index
    %get3A_31 = vector.load %arg1[%get3A_27, %get3A_28, %get3A_29, %get3A_30] : memref<2x4x400x128xf32, #tpu.memory_space<vmem>>, vector<1x1x400x128xf32>
    %get3A_32 = vector.shape_cast %get3A_31 : vector<1x1x400x128xf32> to vector<400x128xf32>
    %add3A_33 = arith.addf %get3A_26, %get3A_32 : vector<400x128xf32>
    %get3A_34 = arith.constant 1 : index
    %get3A_35 = arith.constant 0 : index
    %get3A_36 = arith.constant 0 : index
    %get3A_37 = vector.load %arg2[%get3A_34, %get3A_35, %get3A_36] : memref<4x400x128xf32, #tpu.memory_space<vmem>>, vector<1x400x128xf32>
    %get3A_38 = vector.shape_cast %get3A_37 : vector<1x400x128xf32> to vector<400x128xf32>
    %add3A_39 = arith.addf %add3A_33, %get3A_38 : vector<400x128xf32>
    %mul3A_40 = vector.broadcast %slice3A : vector<400x1xf32> to vector<400x128xf32>
    %mul3A_41 = arith.mulf %mul3A_40, %add3A_39 : vector<400x128xf32>
    %get3A_42 = arith.constant 0 : index
    %get3A_43 = arith.constant 2 : index
    %get3A_44 = arith.constant 0 : index
    %get3A_45 = arith.constant 0 : index
    %get3A_46 = vector.load %arg1[%get3A_42, %get3A_43, %get3A_44, %get3A_45] : memref<2x4x400x128xf32, #tpu.memory_space<vmem>>, vector<1x1x400x128xf32>
    %get3A_47 = vector.shape_cast %get3A_46 : vector<1x1x400x128xf32> to vector<400x128xf32>
    %get3A_48 = arith.constant 1 : index
    %get3A_49 = arith.constant 2 : index
    %get3A_50 = arith.constant 0 : index
    %get3A_51 = arith.constant 0 : index
    %get3A_52 = vector.load %arg1[%get3A_48, %get3A_49, %get3A_50, %get3A_51] : memref<2x4x400x128xf32, #tpu.memory_space<vmem>>, vector<1x1x400x128xf32>
    %get3A_53 = vector.shape_cast %get3A_52 : vector<1x1x400x128xf32> to vector<400x128xf32>
    %add3A_54 = arith.addf %get3A_47, %get3A_53 : vector<400x128xf32>
    %get3A_55 = arith.constant 2 : index
    %get3A_56 = arith.constant 0 : index
    %get3A_57 = arith.constant 0 : index
    %get3A_58 = vector.load %arg2[%get3A_55, %get3A_56, %get3A_57] : memref<4x400x128xf32, #tpu.memory_space<vmem>>, vector<1x400x128xf32>
    %get3A_59 = vector.shape_cast %get3A_58 : vector<1x400x128xf32> to vector<400x128xf32>
    %add3A_60 = arith.addf %add3A_54, %get3A_59 : vector<400x128xf32>
    %mul3A_61 = vector.broadcast %slice3A : vector<400x1xf32> to vector<400x128xf32>
    %mul3A_62 = arith.mulf %mul3A_61, %add3A_60 : vector<400x128xf32>
    %get3A_63 = arith.constant 0 : index
    %get3A_64 = arith.constant 3 : index
    %get3A_65 = arith.constant 0 : index
    %get3A_66 = arith.constant 0 : index
    %get3A_67 = vector.load %arg1[%get3A_63, %get3A_64, %get3A_65, %get3A_66] : memref<2x4x400x128xf32, #tpu.memory_space<vmem>>, vector<1x1x400x128xf32>
    %get3A_68 = vector.shape_cast %get3A_67 : vector<1x1x400x128xf32> to vector<400x128xf32>
    %get3A_69 = arith.constant 1 : index
    %get3A_70 = arith.constant 3 : index
    %get3A_71 = arith.constant 0 : index
    %get3A_72 = arith.constant 0 : index
    %get3A_73 = vector.load %arg1[%get3A_69, %get3A_70, %get3A_71, %get3A_72] : memref<2x4x400x128xf32, #tpu.memory_space<vmem>>, vector<1x1x400x128xf32>
    %get3A_74 = vector.shape_cast %get3A_73 : vector<1x1x400x128xf32> to vector<400x128xf32>
    %add3A_75 = arith.addf %get3A_68, %get3A_74 : vector<400x128xf32>
    %get3A_76 = arith.constant 3 : index
    %get3A_77 = arith.constant 0 : index
    %get3A_78 = arith.constant 0 : index
    %get3A_79 = vector.load %arg2[%get3A_76, %get3A_77, %get3A_78] : memref<4x400x128xf32, #tpu.memory_space<vmem>>, vector<1x400x128xf32>
    %get3A_80 = vector.shape_cast %get3A_79 : vector<1x400x128xf32> to vector<400x128xf32>
    %add3A_81 = arith.addf %add3A_75, %get3A_80 : vector<400x128xf32>
    %mul3A_82 = vector.broadcast %slice3A : vector<400x1xf32> to vector<400x128xf32>
    %mul3A_83 = arith.mulf %mul3A_82, %add3A_81 : vector<400x128xf32>
    %concatenate3A = tpu.concatenate %mul3A_20, %mul3A_41, %mul3A_62, %mul3A_83 in 1 : vector<400x128xf32>, vector<400x128xf32>, vector<400x128xf32>, vector<400x128xf32> -> vector<400x512xf32>
    %get3A_84 = arith.constant 0 : index
    %get3A_85 = arith.constant 0 : index
    %get3A_86 = vector.load %arg4[%get3A_84, %get3A_85] : memref<1x512xf32, #tpu.memory_space<vmem>>, vector<1x512xf32>
    %add3A_87 = vector.broadcast %get3A_86 : vector<1x512xf32> to vector<400x512xf32>
    %add3A_88 = arith.addf %concatenate3A, %add3A_87 : vector<400x512xf32>
    %max3A = arith.constant 0.000000e+00 : f32
    %max3A_89 = vector.broadcast %max3A : f32 to vector<400x512xf32>
    %max3A_90 = arith.maximumf %add3A_88, %max3A_89 : vector<400x512xf32>
    %swap3A = arith.constant 0 : index
    %swap3A_91 = arith.constant 0 : index
    %swap3A_92 = vector.load %arg5[%swap3A, %swap3A_91] : memref<400x512xf32, #tpu.memory_space<vmem>>, vector<400x512xf32>
    tpu.vector_store %arg5[%swap3A, %swap3A_91], %max3A_90 {strides = array<i32>} : memref<400x512xf32, #tpu.memory_space<vmem>>, vector<400x512xf32>,
    %reduce_sum3A = vector.shape_cast %max3A_90 : vector<400x512xf32> to vector<1x400x512xf32>
    %reduce_sum3A_93 = arith.constant dense<0.000000e+00> : vector<1xf32>
    %reduce_sum3A_94 = vector.multi_reduction <add>, %reduce_sum3A, %reduce_sum3A_93 [1, 2] : vector<1x400x512xf32> to vector<1xf32>
    %reduce_sum3A_95 = vector.shape_cast %reduce_sum3A_94 : vector<1xf32> to vector<1x1x1xf32>
    %reduce_sum3A_96 = vector.extract %reduce_sum3A_95[0, 0, 0] : f32 from vector<1x1x1xf32>
    %mul3A_97 = arith.mulf %max3A_90, %max3A_90 : vector<400x512xf32>
    %reduce_sum3A_98 = vector.shape_cast %mul3A_97 : vector<400x512xf32> to vector<1x400x512xf32>
    %reduce_sum3A_99 = arith.constant dense<0.000000e+00> : vector<1xf32>
    %reduce_sum3A_100 = vector.multi_reduction <add>, %reduce_sum3A_98, %reduce_sum3A_99 [1, 2] : vector<1x400x512xf32> to vector<1xf32>
    %reduce_sum3A_101 = vector.shape_cast %reduce_sum3A_100 : vector<1xf32> to vector<1x1x1xf32>
    %reduce_sum3A_102 = vector.extract %reduce_sum3A_101[0, 0, 0] : f32 from vector<1x1x1xf32>
    %broadcast_in_dim3A = vector.broadcast %reduce_sum3A_96 : f32 to vector<1x128xf32>
    %broadcast_in_dim3A_103 = vector.broadcast %reduce_sum3A_102 : f32 to vector<1x128xf32>
    %concatenate3A_104 = tpu.concatenate %broadcast_in_dim3A, %broadcast_in_dim3A_103 in 1 : vector<1x128xf32>, vector<1x128xf32> -> vector<1x256xf32>
    %eq3A = arith.constant 0 : i32
    %eq3A_105 = arith.cmpi eq, %arg0, %eq3A : i32
    %convert_element_type3A = arith.extui %eq3A_105 : i1 to i32
    %cond3A = arith.constant 0 : i32
    %cond3A_106 = arith.cmpi ne, %convert_element_type3A, %cond3A : i32
    scf.if %cond3A_106 {
      %broadcast_in_dim3A_114 = arith.constant 0.000000e+00 : f32
      %broadcast_in_dim3A_115 = vector.broadcast %broadcast_in_dim3A_114 : f32 to vector<1x256xf32>
      %swap3A_116 = arith.constant 0 : index
      %swap3A_117 = arith.constant 0 : index
      %swap3A_118 = vector.load %arg6[%swap3A_116, %swap3A_117] : memref<1x256xf32, #tpu.memory_space<vmem>>, vector<1x256xf32>
      tpu.vector_store %arg6[%swap3A_116, %swap3A_117], %broadcast_in_dim3A_115 {strides = array<i32>} : memref<1x256xf32, #tpu.memory_space<vmem>>, vector<1x256xf32>,
    } else {
    }
    %get3A_107 = arith.constant 0 : index
    %get3A_108 = arith.constant 0 : index
    %get3A_109 = vector.load %arg6[%get3A_107, %get3A_108] : memref<1x256xf32, #tpu.memory_space<vmem>>, vector<1x256xf32>
    %add3A_110 = arith.addf %get3A_109, %concatenate3A_104 : vector<1x256xf32>
    %swap3A_111 = arith.constant 0 : index
    %swap3A_112 = arith.constant 0 : index
    %swap3A_113 = vector.load %arg6[%swap3A_111, %swap3A_112] : memref<1x256xf32, #tpu.memory_space<vmem>>, vector<1x256xf32>
    tpu.vector_store %arg6[%swap3A_111, %swap3A_112], %add3A_110 {strides = array<i32>} : memref<1x256xf32, #tpu.memory_space<vmem>>, vector<1x256xf32>,
    return
  }
  func.func @transform_0(%arg0: i32) -> (i32, i32, i32, i32) {
    %c0_i32 = arith.constant 0 : i32
    %c0_i32_0 = arith.constant 0 : i32
    %c0_i32_1 = arith.constant 0 : i32
    %c0_i32_2 = arith.constant 0 : i32
    return %c0_i32, %c0_i32_0, %arg0, %c0_i32_1 : i32, i32, i32, i32
  }
  func.func @transform_1(%arg0: i32) -> (i32, i32, i32) {
    %c0_i32 = arith.constant 0 : i32
    %c0_i32_0 = arith.constant 0 : i32
    %c0_i32_1 = arith.constant 0 : i32
    return %c0_i32, %arg0, %c0_i32_0 : i32, i32, i32
  }
  func.func @transform_2(%arg0: i32) -> (i32, i32) {
    %c0_i32 = arith.constant 0 : i32
    %c0_i32_0 = arith.constant 0 : i32
    return %arg0, %c0_i32 : i32, i32
  }
  func.func @transform_3(%arg0: i32) -> (i32, i32) {
    %c0_i32 = arith.constant 0 : i32
    %c0_i32_0 = arith.constant 0 : i32
    %c0_i32_1 = arith.constant 0 : i32
    return %c0_i32, %c0_i32_0 : i32, i32
  }
  func.func @transform_4(%arg0: i32) -> (i32, i32) {
    %c0_i32 = arith.constant 0 : i32
    %c0_i32_0 = arith.constant 0 : i32
    return %arg0, %c0_i32 : i32, i32
  }
  func.func @transform_5(%arg0: i32) -> (i32, i32) {
    %c0_i32 = arith.constant 0 : i32
    %c0_i32_0 = arith.constant 0 : i32
    %c0_i32_1 = arith.constant 0 : i32
    return %c0_i32, %c0_i32_0 : i32, i32
  }
}

module attributes {stable_mosaic.version = 14 : i64} {
  func.func @body(%arg0: i32, %arg1: memref<400x512xf32, #tpu.memory_space<vmem>>, %arg2: memref<1x256xf32, #tpu.memory_space<vmem>>, %arg3: memref<1x512xf32, #tpu.memory_space<vmem>>, %arg4: memref<1x512xf32, #tpu.memory_space<vmem>>, %arg5: memref<400x512xf32, #tpu.memory_space<vmem>>) attributes {dimension_semantics = [#tpu.dimension_semantics<arbitrary>], iteration_bounds = array<i64: 25>, scalar_prefetch = 0 : i64, scratch_operands = 0 : i64, tpu.core_type = #tpu.core_type<tc>, window_params = [{transform_indices = @transform_0, window_bounds = array<i64: 400, 512>}, {pipeline_mode = #tpu.pipeline_mode<synchronous>, transform_indices = @transform_1, window_bounds = array<i64: 1, 256>}, {pipeline_mode = #tpu.pipeline_mode<synchronous>, transform_indices = @transform_2, window_bounds = array<i64: 1, 512>}, {pipeline_mode = #tpu.pipeline_mode<synchronous>, transform_indices = @transform_3, window_bounds = array<i64: 1, 512>}, {transform_indices = @transform_4, window_bounds = array<i64: 400, 512>}]} {
    %get3A = arith.constant 0 : index
    %get3A_0 = arith.constant 0 : index
    %get3A_1 = vector.load %arg2[%get3A, %get3A_0] : memref<1x256xf32, #tpu.memory_space<vmem>>, vector<1x1xf32>
    %get3A_2 = vector.extract %get3A_1[0, 0] : f32 from vector<1x1xf32>
    %div3A = arith.constant 5.120000e+06 : f32
    %div3A_3 = arith.divf %get3A_2, %div3A : f32
    %get3A_4 = arith.constant 0 : index
    %get3A_5 = arith.constant 128 : index
    %get3A_6 = vector.load %arg2[%get3A_4, %get3A_5] : memref<1x256xf32, #tpu.memory_space<vmem>>, vector<1x1xf32>
    %get3A_7 = vector.extract %get3A_6[0, 0] : f32 from vector<1x1xf32>
    %div3A_8 = arith.constant 5.120000e+06 : f32
    %div3A_9 = arith.divf %get3A_7, %div3A_8 : f32
    %mul3A = arith.mulf %div3A_3, %div3A_3 : f32
    %sub3A = arith.subf %div3A_9, %mul3A : f32
    %max3A = arith.constant 0.000000e+00 : f32
    %max3A_10 = arith.maximumf %sub3A, %max3A : f32
    %sqrt3A = math.sqrt %max3A_10 : f32
    %add3A = arith.constant 9.99999974E-6 : f32
    %add3A_11 = arith.addf %sqrt3A, %add3A : f32
    %div3A_12 = arith.constant 1.000000e+00 : f32
    %div3A_13 = arith.divf %div3A_12, %add3A_11 : f32
    %get3A_14 = arith.constant 0 : index
    %get3A_15 = arith.constant 0 : index
    %get3A_16 = vector.load %arg1[%get3A_14, %get3A_15] : memref<400x512xf32, #tpu.memory_space<vmem>>, vector<400x512xf32>
    %sub3A_17 = vector.broadcast %div3A_3 : f32 to vector<400x512xf32>
    %sub3A_18 = arith.subf %get3A_16, %sub3A_17 : vector<400x512xf32>
    %mul3A_19 = vector.broadcast %div3A_13 : f32 to vector<400x512xf32>
    %mul3A_20 = arith.mulf %sub3A_18, %mul3A_19 : vector<400x512xf32>
    %get3A_21 = arith.constant 0 : index
    %get3A_22 = arith.constant 0 : index
    %get3A_23 = vector.load %arg3[%get3A_21, %get3A_22] : memref<1x512xf32, #tpu.memory_space<vmem>>, vector<1x512xf32>
    %mul3A_24 = vector.broadcast %get3A_23 : vector<1x512xf32> to vector<400x512xf32>
    %mul3A_25 = arith.mulf %mul3A_20, %mul3A_24 : vector<400x512xf32>
    %get3A_26 = arith.constant 0 : index
    %get3A_27 = arith.constant 0 : index
    %get3A_28 = vector.load %arg4[%get3A_26, %get3A_27] : memref<1x512xf32, #tpu.memory_space<vmem>>, vector<1x512xf32>
    %add3A_29 = vector.broadcast %get3A_28 : vector<1x512xf32> to vector<400x512xf32>
    %add3A_30 = arith.addf %mul3A_25, %add3A_29 : vector<400x512xf32>
    %swap3A = arith.constant 0 : index
    %swap3A_31 = arith.constant 0 : index
    %swap3A_32 = vector.load %arg5[%swap3A, %swap3A_31] : memref<400x512xf32, #tpu.memory_space<vmem>>, vector<400x512xf32>
    tpu.vector_store %arg5[%swap3A, %swap3A_31], %add3A_30 {strides = array<i32>} : memref<400x512xf32, #tpu.memory_space<vmem>>, vector<400x512xf32>,
    return
  }
  func.func @transform_0(%arg0: i32) -> (i32, i32) {
    %c0_i32 = arith.constant 0 : i32
    %c0_i32_0 = arith.constant 0 : i32
    return %arg0, %c0_i32 : i32, i32
  }
  func.func @transform_1(%arg0: i32) -> (i32, i32) {
    %c0_i32 = arith.constant 0 : i32
    %c0_i32_0 = arith.constant 0 : i32
    %c0_i32_1 = arith.constant 0 : i32
    return %c0_i32, %c0_i32_0 : i32, i32
  }
  func.func @transform_2(%arg0: i32) -> (i32, i32) {
    %c0_i32 = arith.constant 0 : i32
    %c0_i32_0 = arith.constant 0 : i32
    %c0_i32_1 = arith.constant 0 : i32
    return %c0_i32, %c0_i32_0 : i32, i32
  }
  func.func @transform_3(%arg0: i32) -> (i32, i32) {
    %c0_i32 = arith.constant 0 : i32
    %c0_i32_0 = arith.constant 0 : i32
    %c0_i32_1 = arith.constant 0 : i32
    return %c0_i32, %c0_i32_0 : i32, i32
  }
  func.func @transform_4(%arg0: i32) -> (i32, i32) {
    %c0_i32 = arith.constant 0 : i32
    %c0_i32_0 = arith.constant 0 : i32
    return %arg0, %c0_i32 : i32, i32
  }
}

module attributes {stable_mosaic.version = 14 : i64} {
  func.func @body(%arg0: i32, %arg1: memref<400x512xf32, #tpu.memory_space<vmem>>, %arg2: memref<512x512xf32, #tpu.memory_space<vmem>>, %arg3: memref<400x16xf32, #tpu.memory_space<vmem>>, %arg4: memref<4x400x128xf32, #tpu.memory_space<vmem>>) attributes {dimension_semantics = [#tpu.dimension_semantics<arbitrary>], iteration_bounds = array<i64: 25>, scalar_prefetch = 0 : i64, scratch_operands = 0 : i64, tpu.core_type = #tpu.core_type<tc>, window_params = [{transform_indices = @transform_0, window_bounds = array<i64: 400, 512>}, {pipeline_mode = #tpu.pipeline_mode<synchronous>, transform_indices = @transform_1, window_bounds = array<i64: 512, 512>}, {transform_indices = @transform_2, window_bounds = array<i64: 400, 16>}, {transform_indices = @transform_3, window_bounds = array<i64: 4, 400, 128>}]} {
    %get3A = arith.constant 0 : index
    %get3A_0 = arith.constant 0 : index
    %get3A_1 = vector.load %arg1[%get3A, %get3A_0] : memref<400x512xf32, #tpu.memory_space<vmem>>, vector<400x512xf32>
    %get3A_2 = arith.constant 0 : index
    %get3A_3 = arith.constant 0 : index
    %get3A_4 = vector.load %arg2[%get3A_2, %get3A_3] : memref<512x512xf32, #tpu.memory_space<vmem>>, vector<512x512xf32>
    %dot_general3A = arith.constant dense<0.000000e+00> : vector<400x512xf32>
    %dot_general3A_5 = tpu.matmul %get3A_1, %get3A_4, %dot_general3A {dimension_numbers = #tpu.dot_dimension_numbers<[1], [0], [0], [1], [0, 0, 1, 1], [], []>, transpose_lhs_hint = false} : vector<400x512xf32>, vector<512x512xf32>, vector<400x512xf32> -> vector<400x512xf32>
    %get3A_6 = arith.constant 0 : index
    %get3A_7 = arith.constant 0 : index
    %get3A_8 = vector.load %arg3[%get3A_6, %get3A_7] : memref<400x16xf32, #tpu.memory_space<vmem>>, vector<400x16xf32>
    %slice3A = vector.extract_strided_slice %get3A_8 {offsets = [0, 0], sizes = [400, 1], strides = [1, 1]} : vector<400x16xf32> to vector<400x1xf32>
    %slice3A_9 = vector.extract_strided_slice %dot_general3A_5 {offsets = [0, 0], sizes = [400, 128], strides = [1, 1]} : vector<400x512xf32> to vector<400x128xf32>
    %mul3A = vector.broadcast %slice3A : vector<400x1xf32> to vector<400x128xf32>
    %mul3A_10 = arith.mulf %mul3A, %slice3A_9 : vector<400x128xf32>
    %swap3A = arith.constant 0 : index
    %swap3A_11 = arith.constant 0 : index
    %swap3A_12 = arith.constant 0 : index
    %swap3A_13 = vector.load %arg4[%swap3A, %swap3A_11, %swap3A_12] : memref<4x400x128xf32, #tpu.memory_space<vmem>>, vector<1x400x128xf32>
    %swap3A_14 = vector.shape_cast %swap3A_13 : vector<1x400x128xf32> to vector<400x128xf32>
    %swap3A_15 = vector.shape_cast %mul3A_10 : vector<400x128xf32> to vector<1x400x128xf32>
    tpu.vector_store %arg4[%swap3A, %swap3A_11, %swap3A_12], %swap3A_15 {strides = array<i32>} : memref<4x400x128xf32, #tpu.memory_space<vmem>>, vector<1x400x128xf32>,
    %slice3A_16 = vector.extract_strided_slice %dot_general3A_5 {offsets = [0, 128], sizes = [400, 128], strides = [1, 1]} : vector<400x512xf32> to vector<400x128xf32>
    %mul3A_17 = vector.broadcast %slice3A : vector<400x1xf32> to vector<400x128xf32>
    %mul3A_18 = arith.mulf %mul3A_17, %slice3A_16 : vector<400x128xf32>
    %swap3A_19 = arith.constant 1 : index
    %swap3A_20 = arith.constant 0 : index
    %swap3A_21 = arith.constant 0 : index
    %swap3A_22 = vector.load %arg4[%swap3A_19, %swap3A_20, %swap3A_21] : memref<4x400x128xf32, #tpu.memory_space<vmem>>, vector<1x400x128xf32>
    %swap3A_23 = vector.shape_cast %swap3A_22 : vector<1x400x128xf32> to vector<400x128xf32>
    %swap3A_24 = vector.shape_cast %mul3A_18 : vector<400x128xf32> to vector<1x400x128xf32>
    tpu.vector_store %arg4[%swap3A_19, %swap3A_20, %swap3A_21], %swap3A_24 {strides = array<i32>} : memref<4x400x128xf32, #tpu.memory_space<vmem>>, vector<1x400x128xf32>,
    %slice3A_25 = vector.extract_strided_slice %dot_general3A_5 {offsets = [0, 256], sizes = [400, 128], strides = [1, 1]} : vector<400x512xf32> to vector<400x128xf32>
    %mul3A_26 = vector.broadcast %slice3A : vector<400x1xf32> to vector<400x128xf32>
    %mul3A_27 = arith.mulf %mul3A_26, %slice3A_25 : vector<400x128xf32>
    %swap3A_28 = arith.constant 2 : index
    %swap3A_29 = arith.constant 0 : index
    %swap3A_30 = arith.constant 0 : index
    %swap3A_31 = vector.load %arg4[%swap3A_28, %swap3A_29, %swap3A_30] : memref<4x400x128xf32, #tpu.memory_space<vmem>>, vector<1x400x128xf32>
    %swap3A_32 = vector.shape_cast %swap3A_31 : vector<1x400x128xf32> to vector<400x128xf32>
    %swap3A_33 = vector.shape_cast %mul3A_27 : vector<400x128xf32> to vector<1x400x128xf32>
    tpu.vector_store %arg4[%swap3A_28, %swap3A_29, %swap3A_30], %swap3A_33 {strides = array<i32>} : memref<4x400x128xf32, #tpu.memory_space<vmem>>, vector<1x400x128xf32>,
    %slice3A_34 = vector.extract_strided_slice %dot_general3A_5 {offsets = [0, 384], sizes = [400, 128], strides = [1, 1]} : vector<400x512xf32> to vector<400x128xf32>
    %mul3A_35 = vector.broadcast %slice3A : vector<400x1xf32> to vector<400x128xf32>
    %mul3A_36 = arith.mulf %mul3A_35, %slice3A_34 : vector<400x128xf32>
    %swap3A_37 = arith.constant 3 : index
    %swap3A_38 = arith.constant 0 : index
    %swap3A_39 = arith.constant 0 : index
    %swap3A_40 = vector.load %arg4[%swap3A_37, %swap3A_38, %swap3A_39] : memref<4x400x128xf32, #tpu.memory_space<vmem>>, vector<1x400x128xf32>
    %swap3A_41 = vector.shape_cast %swap3A_40 : vector<1x400x128xf32> to vector<400x128xf32>
    %swap3A_42 = vector.shape_cast %mul3A_36 : vector<400x128xf32> to vector<1x400x128xf32>
    tpu.vector_store %arg4[%swap3A_37, %swap3A_38, %swap3A_39], %swap3A_42 {strides = array<i32>} : memref<4x400x128xf32, #tpu.memory_space<vmem>>, vector<1x400x128xf32>,
    return
  }
  func.func @transform_0(%arg0: i32) -> (i32, i32) {
    %c0_i32 = arith.constant 0 : i32
    %c0_i32_0 = arith.constant 0 : i32
    return %arg0, %c0_i32 : i32, i32
  }
  func.func @transform_1(%arg0: i32) -> (i32, i32) {
    %c0_i32 = arith.constant 0 : i32
    %c0_i32_0 = arith.constant 0 : i32
    %c0_i32_1 = arith.constant 0 : i32
    return %c0_i32, %c0_i32_0 : i32, i32
  }
  func.func @transform_2(%arg0: i32) -> (i32, i32) {
    %c0_i32 = arith.constant 0 : i32
    %c0_i32_0 = arith.constant 0 : i32
    return %arg0, %c0_i32 : i32, i32
  }
  func.func @transform_3(%arg0: i32) -> (i32, i32, i32) {
    %c0_i32 = arith.constant 0 : i32
    %c0_i32_0 = arith.constant 0 : i32
    %c0_i32_1 = arith.constant 0 : i32
    return %c0_i32, %arg0, %c0_i32_0 : i32, i32, i32
  }
}

module attributes {stable_mosaic.version = 14 : i64} {
  func.func @body(%arg0: i32, %arg1: memref<400x512xf32, #tpu.memory_space<vmem>>, %arg2: memref<512x128xf32, #tpu.memory_space<vmem>>, %arg3: memref<400x16xf32, #tpu.memory_space<vmem>>, %arg4: memref<400x128xf32, #tpu.memory_space<vmem>>) attributes {dimension_semantics = [#tpu.dimension_semantics<arbitrary>], iteration_bounds = array<i64: 25>, scalar_prefetch = 0 : i64, scratch_operands = 0 : i64, tpu.core_type = #tpu.core_type<tc>, window_params = [{transform_indices = @transform_0, window_bounds = array<i64: 400, 512>}, {pipeline_mode = #tpu.pipeline_mode<synchronous>, transform_indices = @transform_1, window_bounds = array<i64: 512, 128>}, {transform_indices = @transform_2, window_bounds = array<i64: 400, 16>}, {transform_indices = @transform_3, window_bounds = array<i64: 400, 128>}]} {
    %get3A = arith.constant 0 : index
    %get3A_0 = arith.constant 0 : index
    %get3A_1 = vector.load %arg1[%get3A, %get3A_0] : memref<400x512xf32, #tpu.memory_space<vmem>>, vector<400x512xf32>
    %get3A_2 = arith.constant 0 : index
    %get3A_3 = arith.constant 0 : index
    %get3A_4 = vector.load %arg2[%get3A_2, %get3A_3] : memref<512x128xf32, #tpu.memory_space<vmem>>, vector<512x128xf32>
    %dot_general3A = arith.constant dense<0.000000e+00> : vector<400x128xf32>
    %dot_general3A_5 = tpu.matmul %get3A_1, %get3A_4, %dot_general3A {dimension_numbers = #tpu.dot_dimension_numbers<[1], [0], [0], [1], [0, 0, 1, 1], [], []>, transpose_lhs_hint = false} : vector<400x512xf32>, vector<512x128xf32>, vector<400x128xf32> -> vector<400x128xf32>
    %get3A_6 = arith.constant 0 : index
    %get3A_7 = arith.constant 0 : index
    %get3A_8 = vector.load %arg3[%get3A_6, %get3A_7] : memref<400x16xf32, #tpu.memory_space<vmem>>, vector<400x16xf32>
    %slice3A = vector.extract_strided_slice %get3A_8 {offsets = [0, 0], sizes = [400, 1], strides = [1, 1]} : vector<400x16xf32> to vector<400x1xf32>
    %mul3A = vector.broadcast %slice3A : vector<400x1xf32> to vector<400x128xf32>
    %mul3A_9 = arith.mulf %mul3A, %dot_general3A_5 : vector<400x128xf32>
    %swap3A = arith.constant 0 : index
    %swap3A_10 = arith.constant 0 : index
    %swap3A_11 = vector.load %arg4[%swap3A, %swap3A_10] : memref<400x128xf32, #tpu.memory_space<vmem>>, vector<400x128xf32>
    tpu.vector_store %arg4[%swap3A, %swap3A_10], %mul3A_9 {strides = array<i32>} : memref<400x128xf32, #tpu.memory_space<vmem>>, vector<400x128xf32>,
    return
  }
  func.func @transform_0(%arg0: i32) -> (i32, i32) {
    %c0_i32 = arith.constant 0 : i32
    %c0_i32_0 = arith.constant 0 : i32
    return %arg0, %c0_i32 : i32, i32
  }
  func.func @transform_1(%arg0: i32) -> (i32, i32) {
    %c0_i32 = arith.constant 0 : i32
    %c0_i32_0 = arith.constant 0 : i32
    %c0_i32_1 = arith.constant 0 : i32
    return %c0_i32, %c0_i32_0 : i32, i32
  }
  func.func @transform_2(%arg0: i32) -> (i32, i32) {
    %c0_i32 = arith.constant 0 : i32
    %c0_i32_0 = arith.constant 0 : i32
    return %arg0, %c0_i32 : i32, i32
  }
  func.func @transform_3(%arg0: i32) -> (i32, i32) {
    %c0_i32 = arith.constant 0 : i32
    %c0_i32_0 = arith.constant 0 : i32
    return %arg0, %c0_i32 : i32, i32
  }
}

module attributes {stable_mosaic.version = 14 : i64} {
  func.func @body(%arg0: memref<2x1x10112x128xf32, #tpu.memory_space<vmem>>, %arg1: memref<10000x128xf32, #tpu.memory_space<vmem>>, %arg2: memref<10000x16xf32, #tpu.memory_space<vmem>>, %arg3: memref<1x128xf32, #tpu.memory_space<vmem>>, %arg4: memref<1x128xf32, #tpu.memory_space<vmem>>, %arg5: memref<1x128xf32, #tpu.memory_space<vmem>>, %arg6: memref<10000x128xf32, #tpu.memory_space<vmem>>) attributes {dimension_semantics = [], scalar_prefetch = 0 : i64, scratch_operands = 0 : i64, tpu.core_type = #tpu.core_type<tc>} {
    %get3A = arith.constant 0 : index
    %get3A_0 = arith.constant 0 : index
    %get3A_1 = arith.constant 0 : index
    %get3A_2 = arith.constant 0 : index
    %get3A_3 = vector.load %arg0[%get3A, %get3A_0, %get3A_1, %get3A_2] : memref<2x1x10112x128xf32, #tpu.memory_space<vmem>>, vector<1x1x10112x128xf32>
    %get3A_4 = vector.shape_cast %get3A_3 : vector<1x1x10112x128xf32> to vector<10112x128xf32>
    %get3A_5 = arith.constant 1 : index
    %get3A_6 = arith.constant 0 : index
    %get3A_7 = arith.constant 0 : index
    %get3A_8 = arith.constant 0 : index
    %get3A_9 = vector.load %arg0[%get3A_5, %get3A_6, %get3A_7, %get3A_8] : memref<2x1x10112x128xf32, #tpu.memory_space<vmem>>, vector<1x1x10112x128xf32>
    %get3A_10 = vector.shape_cast %get3A_9 : vector<1x1x10112x128xf32> to vector<10112x128xf32>
    %add3A = arith.addf %get3A_4, %get3A_10 : vector<10112x128xf32>
    %slice3A = vector.extract_strided_slice %add3A {offsets = [0, 0], sizes = [10000, 128], strides = [1, 1]} : vector<10112x128xf32> to vector<10000x128xf32>
    %get3A_11 = arith.constant 0 : index
    %get3A_12 = arith.constant 0 : index
    %get3A_13 = vector.load %arg2[%get3A_11, %get3A_12] : memref<10000x16xf32, #tpu.memory_space<vmem>>, vector<10000x16xf32>
    %slice3A_14 = vector.extract_strided_slice %get3A_13 {offsets = [0, 0], sizes = [10000, 1], strides = [1, 1]} : vector<10000x16xf32> to vector<10000x1xf32>
    %get3A_15 = arith.constant 0 : index
    %get3A_16 = arith.constant 0 : index
    %get3A_17 = vector.load %arg1[%get3A_15, %get3A_16] : memref<10000x128xf32, #tpu.memory_space<vmem>>, vector<10000x128xf32>
    %add3A_18 = arith.addf %slice3A, %get3A_17 : vector<10000x128xf32>
    %mul3A = vector.broadcast %slice3A_14 : vector<10000x1xf32> to vector<10000x128xf32>
    %mul3A_19 = arith.mulf %mul3A, %add3A_18 : vector<10000x128xf32>
    %get3A_20 = arith.constant 0 : index
    %get3A_21 = arith.constant 0 : index
    %get3A_22 = vector.load %arg3[%get3A_20, %get3A_21] : memref<1x128xf32, #tpu.memory_space<vmem>>, vector<1x128xf32>
    %add3A_23 = vector.broadcast %get3A_22 : vector<1x128xf32> to vector<10000x128xf32>
    %add3A_24 = arith.addf %mul3A_19, %add3A_23 : vector<10000x128xf32>
    %max3A = arith.constant 0.000000e+00 : f32
    %max3A_25 = vector.broadcast %max3A : f32 to vector<10000x128xf32>
    %max3A_26 = arith.maximumf %add3A_24, %max3A_25 : vector<10000x128xf32>
    %slice3A_27 = vector.extract_strided_slice %max3A_26 {offsets = [0, 0], sizes = [10000, 1], strides = [1, 1]} : vector<10000x128xf32> to vector<10000x1xf32>
    %reduce_sum3A = vector.shape_cast %slice3A_27 : vector<10000x1xf32> to vector<1x10000x1xf32>
    %reduce_sum3A_28 = arith.constant dense<0.000000e+00> : vector<1xf32>
    %reduce_sum3A_29 = vector.multi_reduction <add>, %reduce_sum3A, %reduce_sum3A_28 [1, 2] : vector<1x10000x1xf32> to vector<1xf32>
    %reduce_sum3A_30 = vector.shape_cast %reduce_sum3A_29 : vector<1xf32> to vector<1x1x1xf32>
    %reduce_sum3A_31 = vector.extract %reduce_sum3A_30[0, 0, 0] : f32 from vector<1x1x1xf32>
    %div3A = arith.constant 1.000000e+04 : f32
    %div3A_32 = arith.divf %reduce_sum3A_31, %div3A : f32
    %mul3A_33 = arith.mulf %slice3A_27, %slice3A_27 : vector<10000x1xf32>
    %reduce_sum3A_34 = vector.shape_cast %mul3A_33 : vector<10000x1xf32> to vector<1x10000x1xf32>
    %reduce_sum3A_35 = arith.constant dense<0.000000e+00> : vector<1xf32>
    %reduce_sum3A_36 = vector.multi_reduction <add>, %reduce_sum3A_34, %reduce_sum3A_35 [1, 2] : vector<1x10000x1xf32> to vector<1xf32>
    %reduce_sum3A_37 = vector.shape_cast %reduce_sum3A_36 : vector<1xf32> to vector<1x1x1xf32>
    %reduce_sum3A_38 = vector.extract %reduce_sum3A_37[0, 0, 0] : f32 from vector<1x1x1xf32>
    %div3A_39 = arith.constant 1.000000e+04 : f32
    %div3A_40 = arith.divf %reduce_sum3A_38, %div3A_39 : f32
    %mul3A_41 = arith.mulf %div3A_32, %div3A_32 : f32
    %sub3A = arith.subf %div3A_40, %mul3A_41 : f32
    %max3A_42 = arith.constant 0.000000e+00 : f32
    %max3A_43 = arith.maximumf %sub3A, %max3A_42 : f32
    %sqrt3A = math.sqrt %max3A_43 : f32
    %add3A_44 = arith.constant 9.99999974E-6 : f32
    %add3A_45 = arith.addf %sqrt3A, %add3A_44 : f32
    %div3A_46 = arith.constant 1.000000e+00 : f32
    %div3A_47 = arith.divf %div3A_46, %add3A_45 : f32
    %sub3A_48 = vector.broadcast %div3A_32 : f32 to vector<10000x128xf32>
    %sub3A_49 = arith.subf %max3A_26, %sub3A_48 : vector<10000x128xf32>
    %mul3A_50 = vector.broadcast %div3A_47 : f32 to vector<10000x128xf32>
    %mul3A_51 = arith.mulf %sub3A_49, %mul3A_50 : vector<10000x128xf32>
    %get3A_52 = arith.constant 0 : index
    %get3A_53 = arith.constant 0 : index
    %get3A_54 = vector.load %arg4[%get3A_52, %get3A_53] : memref<1x128xf32, #tpu.memory_space<vmem>>, vector<1x128xf32>
    %mul3A_55 = vector.broadcast %get3A_54 : vector<1x128xf32> to vector<10000x128xf32>
    %mul3A_56 = arith.mulf %mul3A_51, %mul3A_55 : vector<10000x128xf32>
    %get3A_57 = arith.constant 0 : index
    %get3A_58 = arith.constant 0 : index
    %get3A_59 = vector.load %arg5[%get3A_57, %get3A_58] : memref<1x128xf32, #tpu.memory_space<vmem>>, vector<1x128xf32>
    %add3A_60 = vector.broadcast %get3A_59 : vector<1x128xf32> to vector<10000x128xf32>
    %add3A_61 = arith.addf %mul3A_56, %add3A_60 : vector<10000x128xf32>
    %swap3A = arith.constant 0 : index
    %swap3A_62 = arith.constant 0 : index
    %swap3A_63 = vector.load %arg6[%swap3A, %swap3A_62] : memref<10000x128xf32, #tpu.memory_space<vmem>>, vector<10000x128xf32>
    tpu.vector_store %arg6[%swap3A, %swap3A_62], %add3A_61 {strides = array<i32>} : memref<10000x128xf32, #tpu.memory_space<vmem>>, vector<10000x128xf32>,
    return
  }
}

</mosaic_0001>

<sc_bundles>
// kernel: kernel.15.cloned.1.call-start
scs
__scs_entry_jumppad:
0x0: {  	(pc) =	sbr.rel $0x88, $3  }
0x1: {  	(tag) =	ssettag $0x0;
	lr =	simm.s32 $0x1  }
0x2: {  	[smem:$0x3F93] =	sst lr;
	_ =	strace $0xD0000000  }
0x3: {  	_ = 	snop  }
0x4: {  	_ = 	snop  }
0x5: {  	_ = 	snop  }
0x6: {  	_ = 	snop  }
0x7: {  	_ = 	snop  }
__scs_overlays_trampoline_lowered:
0x8: {  	[smem:$0x3FA2] =	sst s0  }
0x9: {  	[smem:$0x3FA3] =	sst s1  }
0xa: {  	[smem:$0x3FA4] =	sst s2  }
0xb: {  	[smem:$0x3FA5] =	sst s3  }
0xc: {  	[smem:$0x3FA6] =	sst s4  }
0xd: {  	[smem:$0x3FA7] =	sst s5  }
0xe: {  	[smem:$0x3FA8] =	sst s6  }
0xf: {  	[smem:$0x3FA9] =	sst s7  }
0x10: {  	[smem:$0x3FAA] =	sst s8  }
0x11: {  	[smem:$0x3FAB] =	sst s9;
	s0 =	simm.s32 @!p0 $0x0  }
0x12: {  	s1 =	sld [smem:$0x3F91];
	s0 =	simm.s32 @p0 $0x1  }
0x13: {  	[smem:$0x3FAC] =	sst s0;
	s0 =	simm.s32 @!p1 $0x0  }
0x14: {  	s2 =	sld [smem:$0x3F90];
	s0 =	simm.s32 @p1 $0x1  }
0x15: {  	[smem:$0x3FAD] =	sst s0;
	s0 =	simm.s32 @!p2 $0x0  }
0x16: {  	s3 =	sld [smem:$0x3FDB];
	s0 =	simm.s32 @p2 $0x1  }
0x17: {  	s4 =	simm.s32 $0x1BF5;
	[smem:$0x3FAF] =	sst s0  }
0x18: {  	s0 =	sld [smem:$0x3F92];
	_ =	swait.ge [sflag:s4], $0x0  }
0x19: {  	s7 =	sld [smem:$0x3F93]  }
0x1a: {  	s8 =	sadd.s32 $0xFFFFE003, lr  }
0x1b: {  	s9 =	sadd.s32 $0xFFFFFEF7, lr;
	s5 =	simm.s32 $0xFFFFFFFF;
	p2 =	slt.u32 s8, $0xFFFFF086  }
0x1c: {  	p1 =	slt.u32 s9, $0xF7A;
	s5 =	simm.s32 @!p2 $0x0  }
0x1d: {  	s5 =	simm.s32 @p1 $0x1;
	p0 =	seq.s32 s7, s2  }
0x1e: {  	s7 =	smul.u32 @!p0 $0xF7A, s2;
	p2 =	seq.s32 @!p0 s5, $0x0  }
0x1f: {  	s9 =	smul.u32 $0xF7A, s1;
	s8 =	simm.s32 @!p0 $0x1BF5;
	p2 =	por !p2, p0  }
0x20: {  	[sflag:s8] =	ssyncset.s32 @!p0 $0xFFFFF086;
	s6 =	sadd.s32 @!p0 s3, s7;
	s7 =	simm.s32 @!p0 $0x108  }
0x21: {  	s3 =	sadd.s32 s3, s9;
	s6 =	sadd.s32 @!p0 $0x88, s6;
	s7 =	simm.s32 @p2 $0x1082  }
0x22: {  	[simem:s7], [sflag:s8] =	dma.local @!p0 [hbm:s6], $0xF7A  }
0x23: {  	s9 =	sor.u32 $0xD0000000, s2;
	s6 =	simm.s32 $0x108;
	_ =	swait.ge @!p0 [sflag:s8], $0x0  }
0x24: {  	s3 =	sadd.s32 $0x88, s3;
	s6 =	simm.s32 @!p1 $0x1082;
	[sflag:s4] =	ssyncset.s32 $0xFFFFF086  }
0x25: {  	[simem:s6], [sflag:s4] =	dma.local [hbm:s3], $0xF7A  }
0x26: {  	[smem:$0x3F93] =	sst s1;
	(tag) =	ssettag s2;
	_ =	strace s9  }
0x27: {  	s1 =	sld [smem:$0x3FA3]  }
0x28: {  	s2 =	sld [smem:$0x3FA4]  }
0x29: {  	s4 =	sld [smem:$0x3FA6]  }
0x2a: {  	p0 =	seq.s32 s5, $0x0;
	s5 =	sld [smem:$0x3FA7]  }
0x2b: {  	s6 =	sld [smem:$0x3FA8]  }
0x2c: {  	s7 =	sld [smem:$0x3FA9]  }
0x2d: {  	s3 =	simm.s32 $0x108;
	s8 =	sld [smem:$0x3FAA]  }
0x2e: {  	s3 =	simm.s32 @!p0 $0x1082;
	s9 =	sld [smem:$0x3FAB]  }
0x2f: {  	lr =	sadd.s32 s0, s3;
	s0 =	sld [smem:$0x3FA2]  }
0x30: {  	s3 =	sld [smem:$0x3FA5]  }
0x31: {  	[smem:$0x3FAE] =	sst s10  }
0x32: {  	s10 =	sld [smem:$0x3FAC];
	_ =	sdelay $0x3  }
0x33: {  	p0 =	seq.s32 s10, $0x1;
	s10 =	sld [smem:$0x3FAE];
	_ =	sdelay $0x3  }
0x34: {  	[smem:$0x3FAE] =	sst s10  }
0x35: {  	s10 =	sld [smem:$0x3FAD];
	_ =	sdelay $0x3  }
0x36: {  	p1 =	seq.s32 s10, $0x1;
	s10 =	sld [smem:$0x3FAE];
	_ =	sdelay $0x3  }
0x37: {  	[smem:$0x3FAE] =	sst s10  }
0x38: {  	s10 =	sld [smem:$0x3FAF]  }
0x39: {  	_ = 	snop;
	(pc) =	sbr.ind lr, $3  }
0x3a: {  	_ = 	snop  }
0x3b: {  	_ = 	snop  }
0x3c: {  	p2 =	seq.s32 s10, $0x1;
	s10 =	sld [smem:$0x3FAE]  }
0x3d: {  	_ =	shalt  }
0x3e: {  	_ =	shalt  }
0x3f: {  	_ =	shalt  }
0x40: {  	_ =	shalt  }
0x41: {  	_ =	shalt  }
0x42: {  	_ =	shalt  }
0x43: {  	_ =	shalt  }
0x44: {  	_ =	shalt  }
0x45: {  	_ =	shalt  }
0x46: {  	_ =	shalt  }
0x47: {  	_ =	shalt  }
0x48: {  	_ =	shalt  }
0x49: {  	_ =	shalt  }
0x4a: {  	_ =	shalt  }
0x4b: {  	_ =	shalt  }
0x4c: {  	_ =	shalt  }
0x4d: {  	_ =	shalt  }
0x4e: {  	_ =	shalt  }
0x4f: {  	_ =	shalt  }
0x50: {  	_ =	shalt  }
0x51: {  	_ =	shalt  }
0x52: {  	_ =	shalt  }
0x53: {  	_ =	shalt  }
0x54: {  	_ =	shalt  }
0x55: {  	_ =	shalt  }
0x56: {  	_ =	shalt  }
0x57: {  	_ =	shalt  }
0x58: {  	_ =	shalt  }
0x59: {  	_ =	shalt  }
0x5a: {  	_ =	shalt  }
0x5b: {  	_ =	shalt  }
0x5c: {  	_ =	shalt  }
0x5d: {  	_ =	shalt  }
0x5e: {  	_ =	shalt  }
0x5f: {  	_ =	shalt  }
0x60: {  	_ =	shalt  }
0x61: {  	_ =	shalt  }
0x62: {  	_ =	shalt  }
0x63: {  	_ =	shalt  }
0x64: {  	_ =	shalt  }
0x65: {  	_ =	shalt  }
0x66: {  	_ =	shalt  }
0x67: {  	_ =	shalt  }
0x68: {  	_ =	shalt  }
0x69: {  	_ =	shalt  }
0x6a: {  	_ =	shalt  }
0x6b: {  	_ =	shalt  }
0x6c: {  	_ =	shalt  }
0x6d: {  	_ =	shalt  }
0x6e: {  	_ =	shalt  }
0x6f: {  	_ =	shalt  }
0x70: {  	_ =	shalt  }
0x71: {  	_ =	shalt  }
0x72: {  	_ =	shalt  }
0x73: {  	_ =	shalt  }
0x74: {  	_ =	shalt  }
0x75: {  	_ =	shalt  }
0x76: {  	_ =	shalt  }
0x77: {  	_ =	shalt  }
0x78: {  	_ =	shalt  }
0x79: {  	_ =	shalt  }
0x7a: {  	_ =	shalt  }
0x7b: {  	_ =	shalt  }
0x7c: {  	_ =	shalt  }
0x7d: {  	_ =	shalt  }
0x7e: {  	_ =	shalt  }
0x7f: {  	_ =	shalt  }
0x80: {  	_ =	shalt  }
0x81: {  	_ =	shalt  }
0x82: {  	_ =	shalt  }
0x83: {  	_ =	shalt  }
0x84: {  	_ =	shalt  }
0x85: {  	_ =	shalt  }
0x86: {  	_ =	shalt  }
0x87: {  	_ =	shalt  }
.Lfunc_end0:
.L_simem_size_0:
called_computation_lowered:
.L_overlay_start_0:
0x88: {  	s2 =	sld [smem:$0x3FD9]  }
0x89: {  	s3 =	sld [smem:$0x3FFE];
	_ =	sdelay $0x1  }
0x8a: {  	s1 =	srdreg.scid  }
0x8b: {  	s0 =	sand.u32 $0x1, s1  }
0x8c: {  	s16 =	sshll.u32 s0, $0xA;
	s2 =	sadd.s32 s3, s2  }
0x8d: {  	s2 =	sadd.s32 s2, s16  }
0x8e: {  	[smem:$0x3FBA] =	sst s2  }
0x8f: {  	_ = 	snop  }
0x90: {  	(tm) =	ssettm $0x1  }
0x91: {  	s17 =	sld [smem:$0x3FFB];
	_ =	sdelay $0x3  }
0x92: {  	_ =	strace s17  }
0x93: {  	s2 =	sld [smem:$0x3FFC];
	_ =	sdelay $0x3  }
0x94: {  	_ =	strace s2  }
0x95: {  	s2 =	sld [smem:$0x3FFD];
	_ =	sdelay $0x3  }
0x96: {  	_ =	strace s2  }
0x97: {  	_ =	strace $0x8FFFFFFF  }
0x98: {  	s18 =	sld [smem:$0x3FDB];
	_ =	sdelay $0x1  }
0x99: {  	s19 =	simm.s32 $_scs_section_size  }
0x9a: {  	s4 =	simm.s32 $_size__tile_overlayer_lowered;
	s5 =	simm.s32 $_tile_overlayer_lowered  }
0x9b: {  	s22 =	simm.s32 $0x1BFF;
	s21 =	sshll.u32 s5, $0x1;
	s2 =	sadd.s32 s19, s18  }
0x9c: {  	s6 =	simm.s32 $0x0;
	s20 =	sshll.u32 s4, $0x1;
	s4 =	sadd.s32 s21, s2  }
0x9d: {  	[timem:s6], [sflag:s22] =	dma.local [hbm:s4], s20  }
0x9e: {  	_ =	swait.ge [sflag:s22], s20  }
0x9f: {  	s3 =	ssub.s32 $0x0, s20;
	[sflag:s22] =	ssyncset.done $0x0  }
0xa0: {  	[sflag:s22] =	ssyncadd.s32 s3;
	_ =	sdelay $0x1  }
0xa1: {  	s23 =	simm.s32 $0x1B8B  }
0xa2: {  	_ =	swait.ge [sflag:s23], $0x1  }
0xa3: {  	[sflag:s23] =	ssyncset.done $0x0  }
0xa4: {  	s25 =	simm.s32 $0x1B8E;
	s24 =	sld [smem:$0x3FFE];
	[sflag:s23] =	ssyncadd.s32 $0xFFFFFFFF  }
0xa5: {  	s26 =	simm.s32 $execute0_lowered;
	[smem:$0x3FD2] =	sst s25  }
0xa6: {  	s4 =	sshll.u32 s26, $0x1;
	_ =	strace $0x80000046;
	[dreg:$0x1] =	wrdreg $0xFFFFFFFF  }
0xa7: {  	s28 =	simm.s32 $_size_execute0_lowered;
	s2 =	sadd.s32 s2, s4;
	[dreg:$0x0] =	wrdreg $0x0  }
0xa8: {  	s4 =	sshll.u32 s28, $0x1;
	[dreg:$0x2] =	wrdreg s2  }
0xa9: {  	[dreg:$0x3] =	wrdreg s4  }
0xaa: {  	[dreg:$0x4] =	wrdreg $0xC0  }
0xab: {  	_ =	task [dreg:s6], $0x5FFFF  }
0xac: {  	[dreg:$0x1] =	wrdreg $0xFFFFFFFF  }
0xad: {  	[dreg:$0x0] =	wrdreg $0x60  }
0xae: {  	[dreg:$0x2] =	wrdreg s24  }
0xaf: {  	[dreg:$0x3] =	wrdreg $0x40800  }
0xb0: {  	[dreg:$0x4] =	wrdreg $0x9  }
0xb1: {  	_ =	task.clear_ibuf [dreg:s6], $0x5FFFF;
	_ =	strace $0x90000046  }
0xb2: {  	s29 =	simm.s32 $0x9;
	_ =	strace $0x80000048  }
0xb3: {  	_ =	swait.ge [sflag:s29], $0x1  }
0xb4: {  	[sflag:s29] =	ssyncadd.s32 $0xFFFFFFFF  }
0xb5: {  	_ =	strace $0x90000048  }
0xb6: {  	_ =	sfence  }
0xb7: {  	s30 =	sld [smem:$0x0];
	_ =	sdelay $0x2  }
0xb8: {  	s31 =	sshll.u32 s1, $0xD;
	s1 =	sshrl.u32 s1, $0x2  }
0xb9: {  	s3 =	sand.u32 $0x4000, s31;
	s1 =	sadd.s32 s1, s30  }
0xba: {  	s0 =	sor.u32 s3, s0;
	s1 =	sshll.u32 s1, $0x11  }
0xbb: {  	s0 =	sor.u32 s1, s0  }
0xbc: {  	s0 =	sadd.s32 $0x8F2B, s0  }
0xbd: {  	[sflag:s0] =	ssyncadd.remote.s32 $0x1  }
0xbe: {  	_ =	sfence.sel $0xFFFF  }
0xbf: {  	[dreg:$0x0] =	wrdreg $0xFFFFFFFF;
	(pc) =	sbr.abs _section_cstart, $3  }
0xc0: {  	[dreg:$0x1] =	wrdreg $0xFFFFFFFF  }
0xc1: {  	_ =	task.clear_ibuf [dreg:s6], $0x2FFFF;
	_ =	strace $0x9FFFFFFF  }
0xc2: {  	(tm) =	ssettm $0x7FFFFFFF  }
0xc3: {  	_ =	shalt  }
tec
execute0_lowered:
.L_overlay_start_1:
0x0: {  	(tag) =	ssettag $0x1  }
0x1: {  	s7 =	rddreg [dreg:$0x0]  }
0x2: {  	s1 =	rddreg [dreg:$0x1];
	s2 =	srdreg.scid  }
0x3: {  	s0 =	rddreg [dreg:$0x2];
	s8 =	sand.u32 $0x1, s2  }
0x4: {  	s3 =	simm.s32 $0x0;
	s2 =	stileid.u32;
	s9 =	smul.u32 $0x13C000, s8  }
0x5: {  	[smem:$0x7FF] =	sst s3;
	s10 =	smul.u32 $0x13C00, s2  }
0x6: {  	s4 =	sadd.s32 $0x7600, s7;
	s5 =	sadd.s32 $0xC600, s7;
	s29 =	smul.u32 $0x4F000, s2  }
0x7: {  	s6 =	sadd.s32 $0xEE00, s7;
	_ =	strace $0x80000047;
	s12 =	smul.u32 $0x2800, s8  }
0x8: {  	s11 =	ssub.s32 $0x2, s8;
	s13 =	smul.u32 $0x280, s2;
	s31 =	sshll.u32 s2, $0x6  }
0x9: {  	s30 =	sshrl.u32 s11, $0x1;
	s9 =	sadd.s32 s10, s9;
	s10 =	sshrl.u32 s29, $0x2  }
0xa: {  	s8 =	ssub.s32 s11, s30;
	s11 =	simm.s32 $0x1;
	s9 =	sshrl.u32 s9, $0x3  }
0xb: {  	s14 =	sadd.s32 s10, s1;
	s8 =	smax.u32 s8, $0x1;
	s10 =	simm.s32 $0x80  }
0xc: {  	s7 =	sadd.s32 s9, s7;
	s9 =	sadd.s32 s13, s12;
	s12 =	sor.u32 $0x1C01, s31  }
0xd: {  	s13 =	sshrl.u32 s14, $0x3;
	s14 =	simm.s32 $0x0;
	s7 =	sadd.s32 $0xF600, s7  }
.LBB2_1:
0xe: {  	[tilespmem:s10], [sflag:$0x1] =	stream.linear.gather [hbm4b:s6+s3], $0x4000, $0x38;
	[tilespmem:$0x17C80] =	vst v63  }
0xf: {  	_ =	swait.ge [sflag:s11], $0x4000  }
0x10: {  	[sflag:s11] =	ssyncset.done $0x0  }
0x11: {  	[sflag:s11] =	ssyncadd.s32 $0xFFFFC000  }
0x12: {  	[spmem:s13], [sflag:s12] =	dma.local [hbm:s5], $0x2780  }
0x13: {  	_ =	swait.ge [sflag:s11], $0x2780  }
0x14: {  	s15 =	sadd.s32 $0x0, s9;
	s16 =	sand.u32 $0x70, s3;
	[sflag:s11] =	ssyncset.done $0x0  }
0x15: {  	s15 =	sand.u32 $0xFFFFF80, s15;
	s16 =	sadd.s32 s4, s16;
	[sflag:s11] =	ssyncadd.s32 $0xFFFFD880  }
0x16: {  	s15 =	sadd.s32 s15, s16;
	[bflag:$0x0] =	sbarrier.arrive $0xFFFF  }
0x17: {  	[tilespmem:s3], [sflag:$0x1] =	stream.linear.gather [hbm4b:s15+s3], $0x80, $0x38;
	[tilespmem:$0x17C80] =	vst v63  }
0x18: {  	_ =	swait.ge [sflag:s11], $0x80  }
0x19: {  	[sflag:s11] =	ssyncset.done $0x0  }
0x1a: {  	s31 =	simm.s32 $0x10;
	s17 =	sadd.s32 $0x10, s9;
	[sflag:s11] =	ssyncadd.s32 $0xFFFFFF80  }
0x1b: {  	[spmem:s1] =	stream.indirect.scatter.add.f32 [tilespmem:s10], [sflag:$0x1], $0x80, s3, s10, $0xb8;
	[tilespmem:$0x17C80] =	vst v63  }
0x1c: {  	s18 =	sand.u32 $0x70, s31;
	s16 =	sand.u32 $0xFFFFF80, s17;
	_ =	swait.ge [sflag:s11], $0x4000  }
0x1d: {  	s17 =	sadd.s32 s4, s18;
	s15 =	simm.s32 $0x20;
	[sflag:s11] =	ssyncset.done $0x0  }
.LBB2_2:
0x1e: {  	s16 =	sadd.s32 s16, s17  }
0x1f: {  	[sflag:s11] =	ssyncadd.s32 $0xFFFFC000;
	s17 =	smov.u32 s15;
	s18 =	sadd.s32 $0x10, s15  }
0x20: {  	[tilespmem:s3], [sflag:$0x1] =	stream.linear.gather [hbm4b:s16+s3], $0x80, $0x38;
	[tilespmem:$0x17C80] =	vst v63  }
0x21: {  	p0 =	sne.s32 s15, $0x270;
	_ =	swait.ge [sflag:s11], $0x80  }
.Ltmp0:
0x22: {  	[sflag:s11] =	ssyncset.done $0x0;
	(pc) =	sbr.rel @p0 .LBB2_2-.Ltmp0, $4  }
0x23: {  	s15 =	sadd.s32 s17, s9;
	[sflag:s11] =	ssyncadd.s32 $0xFFFFFF80  }
0x24: {  	[spmem:s1] =	stream.indirect.scatter.add.f32 [tilespmem:s10], [sflag:$0x1], $0x80, s3, s10, $0xb8;
	[tilespmem:$0x17C80] =	vst v63  }
0x25: {  	s17 =	sand.u32 $0x70, s17;
	s16 =	sand.u32 $0xFFFFF80, s15;
	_ =	swait.ge [sflag:s11], $0x4000  }
0x26: {  	s17 =	sadd.s32 s4, s17;
	s15 =	smov.u32 s18;
	[sflag:s11] =	ssyncset.done $0x0  }
0x27: {  	s15 =	sadd.s32 s16, s17;
	[sflag:s11] =	ssyncadd.s32 $0xFFFFC000  }
0x28: {  	[tilespmem:s3], [sflag:$0x1] =	stream.linear.gather [hbm4b:s15+s3], $0x80, $0x38;
	[tilespmem:$0x17C80] =	vst v63  }
0x29: {  	_ =	swait.ge [sflag:s11], $0x80  }
0x2a: {  	[sflag:s11] =	ssyncset.done $0x0  }
0x2b: {  	[sflag:s11] =	ssyncadd.s32 $0xFFFFFF80  }
0x2c: {  	[spmem:s1] =	stream.indirect.scatter.add.f32 [tilespmem:s10], [sflag:$0x1], $0x80, s3, s10, $0xb8;
	[tilespmem:$0x17C80] =	vst v63  }
0x2d: {  	_ =	swait.ge [sflag:s11], $0x4000  }
0x2e: {  	s14 =	sadd.s32 $0x1, s14;
	[sflag:s11] =	ssyncset.done $0x0  }
0x2f: {  	p0 =	sne.s32 s14, s8;
	[sflag:s11] =	ssyncadd.s32 $0xFFFFC000  }
.Ltmp1:
0x30: {  	[bflag:$0x0] =	sbarrier.arrive $0xFFFF;
	(pc) =	sbr.rel @p0 .LBB2_1-.Ltmp1, $4  }
0x31: {  	[hbm:s7], [sflag:s12] =	dma.local [spmem:s13], $0x2780  }
0x32: {  	_ =	swait.ge [sflag:s11], $0x2780  }
0x33: {  	[sflag:s11] =	ssyncset.done $0x0  }
0x34: {  	[sflag:s11] =	ssyncadd.s32 $0xFFFFD880  }
0x35: {  	_ =	sfence.sel $0x180000  }
0x36: {  	[bflag:$0x0] =	sbarrier.arrive $0xFFFF  }
0x37: {  	p0 =	sne.s32 s2, $0x0;
	_ =	strace $0x90000047  }
0x38: {  	s0 =	sadd.s32 @!p0 $0x100000, s0;
	[bflag:$0x2] =	sbarrier.arrive $0xFFFF  }
0x39: {  	[sflag:s0] =	ssyncadd.tile.s32 @!p0 $0x1;
	_ =	shalt  }
.Lfunc_end2:
_tile_overlayer_lowered:
.L_overlay_start_2:
0x3a: {  	(tag) =	ssettag $0x2  }
0x3b: {  	s0 =	rddreg [dreg:$0x0];
	s2 =	stileid.u32  }
0x3c: {  	s1 =	rddreg [dreg:$0x1];
	p0 =	sne.s32 s2, $0x0  }
0x3d: {  	s3 =	rddreg [dreg:$0x2];
	[bflag:$0x3] =	sbarrier.arrive $0xFFFF;
	s2 =	simm.s32 @!p0 $0x1C01  }
0x3e: {  	[timem:s3], [sflag:s2] =	dma.local @!p0 [hbm:s0], s1  }
0x3f: {  	s0 =	simm.s32 @!p0 $0x1  }
0x40: {  	_ =	swait.ge @!p0 [sflag:s0], s1  }
0x41: {  	s1 =	ssub.s32 @!p0 $0x0, s1;
	[sflag:s0] =	ssyncset.done @!p0 $0x0  }
0x42: {  	[sflag:s0] =	ssyncadd.s32 @!p0 s1  }
0x43: {  	[bflag:$0x3] =	sbarrier.arrive $0xFFFF  }
0x44: {  	_ =	shalt  }

// kernel: kernel.18.cloned.1.call-start
scs
__scs_entry_jumppad:
0x0: {  	(pc) =	sbr.rel $0x88, $3  }
0x1: {  	(tag) =	ssettag $0x0;
	lr =	simm.s32 $0x1  }
0x2: {  	[smem:$0x3F93] =	sst lr;
	_ =	strace $0xD0000000  }
0x3: {  	_ = 	snop  }
0x4: {  	_ = 	snop  }
0x5: {  	_ = 	snop  }
0x6: {  	_ = 	snop  }
0x7: {  	_ = 	snop  }
__scs_overlays_trampoline_lowered:
0x8: {  	[smem:$0x3FA2] =	sst s0  }
0x9: {  	[smem:$0x3FA3] =	sst s1  }
0xa: {  	[smem:$0x3FA4] =	sst s2  }
0xb: {  	[smem:$0x3FA5] =	sst s3  }
0xc: {  	[smem:$0x3FA6] =	sst s4  }
0xd: {  	[smem:$0x3FA7] =	sst s5  }
0xe: {  	[smem:$0x3FA8] =	sst s6  }
0xf: {  	[smem:$0x3FA9] =	sst s7  }
0x10: {  	[smem:$0x3FAA] =	sst s8  }
0x11: {  	[smem:$0x3FAB] =	sst s9;
	s0 =	simm.s32 @!p0 $0x0  }
0x12: {  	s1 =	sld [smem:$0x3F91];
	s0 =	simm.s32 @p0 $0x1  }
0x13: {  	[smem:$0x3FAC] =	sst s0;
	s0 =	simm.s32 @!p1 $0x0  }
0x14: {  	s2 =	sld [smem:$0x3F90];
	s0 =	simm.s32 @p1 $0x1  }
0x15: {  	[smem:$0x3FAD] =	sst s0;
	s0 =	simm.s32 @!p2 $0x0  }
0x16: {  	s3 =	sld [smem:$0x3FDB];
	s0 =	simm.s32 @p2 $0x1  }
0x17: {  	s4 =	simm.s32 $0x1BF5;
	[smem:$0x3FAF] =	sst s0  }
0x18: {  	s0 =	sld [smem:$0x3F92];
	_ =	swait.ge [sflag:s4], $0x0  }
0x19: {  	s7 =	sld [smem:$0x3F93]  }
0x1a: {  	s8 =	sadd.s32 $0xFFFFE003, lr  }
0x1b: {  	s9 =	sadd.s32 $0xFFFFFEF7, lr;
	s5 =	simm.s32 $0xFFFFFFFF;
	p2 =	slt.u32 s8, $0xFFFFF086  }
0x1c: {  	p1 =	slt.u32 s9, $0xF7A;
	s5 =	simm.s32 @!p2 $0x0  }
0x1d: {  	s5 =	simm.s32 @p1 $0x1;
	p0 =	seq.s32 s7, s2  }
0x1e: {  	s7 =	smul.u32 @!p0 $0xF7A, s2;
	p2 =	seq.s32 @!p0 s5, $0x0  }
0x1f: {  	s9 =	smul.u32 $0xF7A, s1;
	s8 =	simm.s32 @!p0 $0x1BF5;
	p2 =	por !p2, p0  }
0x20: {  	[sflag:s8] =	ssyncset.s32 @!p0 $0xFFFFF086;
	s6 =	sadd.s32 @!p0 s3, s7;
	s7 =	simm.s32 @!p0 $0x108  }
0x21: {  	s3 =	sadd.s32 s3, s9;
	s6 =	sadd.s32 @!p0 $0x88, s6;
	s7 =	simm.s32 @p2 $0x1082  }
0x22: {  	[simem:s7], [sflag:s8] =	dma.local @!p0 [hbm:s6], $0xF7A  }
0x23: {  	s9 =	sor.u32 $0xD0000000, s2;
	s6 =	simm.s32 $0x108;
	_ =	swait.ge @!p0 [sflag:s8], $0x0  }
0x24: {  	s3 =	sadd.s32 $0x88, s3;
	s6 =	simm.s32 @!p1 $0x1082;
	[sflag:s4] =	ssyncset.s32 $0xFFFFF086  }
0x25: {  	[simem:s6], [sflag:s4] =	dma.local [hbm:s3], $0xF7A  }
0x26: {  	[smem:$0x3F93] =	sst s1;
	(tag) =	ssettag s2;
	_ =	strace s9  }
0x27: {  	s1 =	sld [smem:$0x3FA3]  }
0x28: {  	s2 =	sld [smem:$0x3FA4]  }
0x29: {  	s4 =	sld [smem:$0x3FA6]  }
0x2a: {  	p0 =	seq.s32 s5, $0x0;
	s5 =	sld [smem:$0x3FA7]  }
0x2b: {  	s6 =	sld [smem:$0x3FA8]  }
0x2c: {  	s7 =	sld [smem:$0x3FA9]  }
0x2d: {  	s3 =	simm.s32 $0x108;
	s8 =	sld [smem:$0x3FAA]  }
0x2e: {  	s3 =	simm.s32 @!p0 $0x1082;
	s9 =	sld [smem:$0x3FAB]  }
0x2f: {  	lr =	sadd.s32 s0, s3;
	s0 =	sld [smem:$0x3FA2]  }
0x30: {  	s3 =	sld [smem:$0x3FA5]  }
0x31: {  	[smem:$0x3FAE] =	sst s10  }
0x32: {  	s10 =	sld [smem:$0x3FAC];
	_ =	sdelay $0x3  }
0x33: {  	p0 =	seq.s32 s10, $0x1;
	s10 =	sld [smem:$0x3FAE];
	_ =	sdelay $0x3  }
0x34: {  	[smem:$0x3FAE] =	sst s10  }
0x35: {  	s10 =	sld [smem:$0x3FAD];
	_ =	sdelay $0x3  }
0x36: {  	p1 =	seq.s32 s10, $0x1;
	s10 =	sld [smem:$0x3FAE];
	_ =	sdelay $0x3  }
0x37: {  	[smem:$0x3FAE] =	sst s10  }
0x38: {  	s10 =	sld [smem:$0x3FAF]  }
0x39: {  	_ = 	snop;
	(pc) =	sbr.ind lr, $3  }
0x3a: {  	_ = 	snop  }
0x3b: {  	_ = 	snop  }
0x3c: {  	p2 =	seq.s32 s10, $0x1;
	s10 =	sld [smem:$0x3FAE]  }
0x3d: {  	_ =	shalt  }
0x3e: {  	_ =	shalt  }
0x3f: {  	_ =	shalt  }
0x40: {  	_ =	shalt  }
0x41: {  	_ =	shalt  }
0x42: {  	_ =	shalt  }
0x43: {  	_ =	shalt  }
0x44: {  	_ =	shalt  }
0x45: {  	_ =	shalt  }
0x46: {  	_ =	shalt  }
0x47: {  	_ =	shalt  }
0x48: {  	_ =	shalt  }
0x49: {  	_ =	shalt  }
0x4a: {  	_ =	shalt  }
0x4b: {  	_ =	shalt  }
0x4c: {  	_ =	shalt  }
0x4d: {  	_ =	shalt  }
0x4e: {  	_ =	shalt  }
0x4f: {  	_ =	shalt  }
0x50: {  	_ =	shalt  }
0x51: {  	_ =	shalt  }
0x52: {  	_ =	shalt  }
0x53: {  	_ =	shalt  }
0x54: {  	_ =	shalt  }
0x55: {  	_ =	shalt  }
0x56: {  	_ =	shalt  }
0x57: {  	_ =	shalt  }
0x58: {  	_ =	shalt  }
0x59: {  	_ =	shalt  }
0x5a: {  	_ =	shalt  }
0x5b: {  	_ =	shalt  }
0x5c: {  	_ =	shalt  }
0x5d: {  	_ =	shalt  }
0x5e: {  	_ =	shalt  }
0x5f: {  	_ =	shalt  }
0x60: {  	_ =	shalt  }
0x61: {  	_ =	shalt  }
0x62: {  	_ =	shalt  }
0x63: {  	_ =	shalt  }
0x64: {  	_ =	shalt  }
0x65: {  	_ =	shalt  }
0x66: {  	_ =	shalt  }
0x67: {  	_ =	shalt  }
0x68: {  	_ =	shalt  }
0x69: {  	_ =	shalt  }
0x6a: {  	_ =	shalt  }
0x6b: {  	_ =	shalt  }
0x6c: {  	_ =	shalt  }
0x6d: {  	_ =	shalt  }
0x6e: {  	_ =	shalt  }
0x6f: {  	_ =	shalt  }
0x70: {  	_ =	shalt  }
0x71: {  	_ =	shalt  }
0x72: {  	_ =	shalt  }
0x73: {  	_ =	shalt  }
0x74: {  	_ =	shalt  }
0x75: {  	_ =	shalt  }
0x76: {  	_ =	shalt  }
0x77: {  	_ =	shalt  }
0x78: {  	_ =	shalt  }
0x79: {  	_ =	shalt  }
0x7a: {  	_ =	shalt  }
0x7b: {  	_ =	shalt  }
0x7c: {  	_ =	shalt  }
0x7d: {  	_ =	shalt  }
0x7e: {  	_ =	shalt  }
0x7f: {  	_ =	shalt  }
0x80: {  	_ =	shalt  }
0x81: {  	_ =	shalt  }
0x82: {  	_ =	shalt  }
0x83: {  	_ =	shalt  }
0x84: {  	_ =	shalt  }
0x85: {  	_ =	shalt  }
0x86: {  	_ =	shalt  }
0x87: {  	_ =	shalt  }
.Lfunc_end0:
.L_simem_size_0:
called_computation.1_lowered:
.L_overlay_start_0:
0x88: {  	s2 =	sld [smem:$0x3FD9]  }
0x89: {  	s3 =	sld [smem:$0x3FFE];
	_ =	sdelay $0x1  }
0x8a: {  	s1 =	srdreg.scid  }
0x8b: {  	s0 =	sand.u32 $0x1, s1  }
0x8c: {  	s16 =	sshll.u32 s0, $0xA;
	s2 =	sadd.s32 s3, s2  }
0x8d: {  	s2 =	sadd.s32 s2, s16  }
0x8e: {  	[smem:$0x3FBA] =	sst s2  }
0x8f: {  	_ = 	snop  }
0x90: {  	(tm) =	ssettm $0x1  }
0x91: {  	s17 =	sld [smem:$0x3FFB];
	_ =	sdelay $0x3  }
0x92: {  	_ =	strace s17  }
0x93: {  	s2 =	sld [smem:$0x3FFC];
	_ =	sdelay $0x3  }
0x94: {  	_ =	strace s2  }
0x95: {  	s2 =	sld [smem:$0x3FFD];
	_ =	sdelay $0x3  }
0x96: {  	_ =	strace s2  }
0x97: {  	_ =	strace $0x8FFFFFFF  }
0x98: {  	s18 =	sld [smem:$0x3FDB];
	_ =	sdelay $0x1  }
0x99: {  	s19 =	simm.s32 $_scs_section_size  }
0x9a: {  	s4 =	simm.s32 $_size__tile_overlayer_lowered;
	s5 =	simm.s32 $_tile_overlayer_lowered  }
0x9b: {  	s22 =	simm.s32 $0x1BFF;
	s21 =	sshll.u32 s5, $0x1;
	s2 =	sadd.s32 s19, s18  }
0x9c: {  	s6 =	simm.s32 $0x0;
	s20 =	sshll.u32 s4, $0x1;
	s4 =	sadd.s32 s21, s2  }
0x9d: {  	[timem:s6], [sflag:s22] =	dma.local [hbm:s4], s20  }
0x9e: {  	_ =	swait.ge [sflag:s22], s20  }
0x9f: {  	s3 =	ssub.s32 $0x0, s20;
	[sflag:s22] =	ssyncset.done $0x0  }
0xa0: {  	[sflag:s22] =	ssyncadd.s32 s3;
	_ =	sdelay $0x1  }
0xa1: {  	s23 =	simm.s32 $0x1B8B  }
0xa2: {  	_ =	swait.ge [sflag:s23], $0x1  }
0xa3: {  	[sflag:s23] =	ssyncset.done $0x0  }
0xa4: {  	s25 =	simm.s32 $0x1B8E;
	s24 =	sld [smem:$0x3FFE];
	[sflag:s23] =	ssyncadd.s32 $0xFFFFFFFF  }
0xa5: {  	s26 =	simm.s32 $execute0_lowered;
	[smem:$0x3FD2] =	sst s25  }
0xa6: {  	s4 =	sshll.u32 s26, $0x1;
	_ =	strace $0x80000049;
	[dreg:$0x1] =	wrdreg $0xFFFFFFFF  }
0xa7: {  	s28 =	simm.s32 $_size_execute0_lowered;
	s2 =	sadd.s32 s2, s4;
	[dreg:$0x0] =	wrdreg $0x0  }
0xa8: {  	s4 =	sshll.u32 s28, $0x1;
	[dreg:$0x2] =	wrdreg s2  }
0xa9: {  	[dreg:$0x3] =	wrdreg s4  }
0xaa: {  	[dreg:$0x4] =	wrdreg $0xC0  }
0xab: {  	_ =	task [dreg:s6], $0x5FFFF  }
0xac: {  	[dreg:$0x1] =	wrdreg $0xFFFFFFFF  }
0xad: {  	[dreg:$0x0] =	wrdreg $0x60  }
0xae: {  	[dreg:$0x2] =	wrdreg s24  }
0xaf: {  	[dreg:$0x3] =	wrdreg $0xA8000  }
0xb0: {  	[dreg:$0x4] =	wrdreg $0x9  }
0xb1: {  	_ =	task.clear_ibuf [dreg:s6], $0x5FFFF;
	_ =	strace $0x90000049  }
0xb2: {  	s29 =	simm.s32 $0x9;
	_ =	strace $0x8000004B  }
0xb3: {  	_ =	swait.ge [sflag:s29], $0x1  }
0xb4: {  	[sflag:s29] =	ssyncadd.s32 $0xFFFFFFFF  }
0xb5: {  	_ =	strace $0x9000004B  }
0xb6: {  	_ =	sfence  }
0xb7: {  	s30 =	sld [smem:$0x0];
	_ =	sdelay $0x2  }
0xb8: {  	s31 =	sshll.u32 s1, $0xD;
	s1 =	sshrl.u32 s1, $0x2  }
0xb9: {  	s3 =	sand.u32 $0x4000, s31;
	s1 =	sadd.s32 s1, s30  }
0xba: {  	s0 =	sor.u32 s3, s0;
	s1 =	sshll.u32 s1, $0x11  }
0xbb: {  	s0 =	sor.u32 s1, s0  }
0xbc: {  	s0 =	sadd.s32 $0x8F2B, s0  }
0xbd: {  	[sflag:s0] =	ssyncadd.remote.s32 $0x1  }
0xbe: {  	_ =	sfence.sel $0xFFFF  }
0xbf: {  	[dreg:$0x0] =	wrdreg $0xFFFFFFFF;
	(pc) =	sbr.abs _section_cstart, $3  }
0xc0: {  	[dreg:$0x1] =	wrdreg $0xFFFFFFFF  }
0xc1: {  	_ =	task.clear_ibuf [dreg:s6], $0x2FFFF;
	_ =	strace $0x9FFFFFFF  }
0xc2: {  	(tm) =	ssettm $0x7FFFFFFF  }
0xc3: {  	_ =	shalt  }
tec
execute0_lowered:
.L_overlay_start_1:
0x0: {  	(tag) =	ssettag $0x1  }
0x1: {  	s13 =	rddreg [dreg:$0x0]  }
0x2: {  	s0 =	srdreg.scid;
	s2 =	rddreg [dreg:$0x1];
	s3 =	simm.s32 $0x0  }
0x3: {  	s16 =	simm.s32 $0x3;
	s17 =	simm.s32 $0x1400;
	s20 =	simm.s32 $0x80  }
0x4: {  	s21 =	simm.s32 $0x2800;
	s22 =	simm.s32 $0x6800;
	s23 =	simm.s32 $0x1  }
0x5: {  	s24 =	simm.s32 $0x2;
	s25 =	simm.s32 $0x2700;
	s26 =	simm.s32 $0x2780  }
0x6: {  	s28 =	simm.s32 $0x0;
	s5 =	sand.u32 $0x1, s0;
	s0 =	stileid.u32  }
0x7: {  	[smem:$0x7FF] =	sst s3;
	s4 =	sadd.s32 $0xEE00, s13;
	s7 =	smul.u32 $0x4F0000, s5  }
0x8: {  	s11 =	sadd.s32 $0x5D000, s13;
	s1 =	sshll.u32 s5, $0x4;
	s8 =	smul.u32 $0x13C00, s0  }
0x9: {  	s30 =	ssub.s32 $0x2, s5;
	s31 =	smul.u32 $0x4F000, s0;
	s5 =	sadd.s32 $0xC600, s13  }
0xa: {  	s18 =	sshll.u32 s0, $0x6;
	s1 =	sor.u32 s0, s1;
	s10 =	sshrl.u32 s30, $0x1  }
0xb: {  	s18 =	sor.u32 $0x1C03, s18;
	s6 =	smul.u32 $0x280, s1;
	s1 =	rddreg [dreg:$0x2]  }
0xc: {  	s29 =	sadd.s32 s8, s7;
	s15 =	ssub.s32 s30, s10;
	s8 =	sshrl.u32 s31, $0x2  }
0xd: {  	_ =	strace $0x8000004A;
	s19 =	sadd.s32 s8, s2;
	s15 =	smax.u32 s15, $0x1  }
0xe: {  	s9 =	sadd.s32 s6, s13;
	s6 =	sshrl.u32 s29, $0x3;
	s19 =	sshrl.u32 s19, $0x3  }
0xf: {  	s14 =	sadd.s32 s6, s13;
	s6 =	sadd.s32 $0x2600, s9;
	s7 =	sadd.s32 $0x7600, s9  }
0x10: {  	s9 =	sadd.s32 $0x35F00, s13;
	s13 =	sadd.s32 $0x84100, s13;
	s8 =	sadd.s32 $0xAB200, s14  }
0x11: {  	s10 =	sadd.s32 $0xD2A00, s14;
	s12 =	sadd.s32 $0xFA200, s14;
	s14 =	sadd.s32 $0x121A00, s14  }
.LBB2_1:
0x12: {  	[tilespmem:s3], [sflag:$0x3] =	stream.linear.gather [hbm4b:s6+s3], $0x1400, $0x38;
	[tilespmem:$0x1E400] =	vst v63  }
0x13: {  	_ =	swait.ge [sflag:s16], $0x1400  }
0x14: {  	[sflag:s16] =	ssyncset.done $0x0  }
0x15: {  	[sflag:s16] =	ssyncadd.s32 $0xFFFFEC00  }
0x16: {  	[tilespmem:s17], [sflag:$0x3] =	stream.linear.gather [hbm4b:s7+s3], $0x1400, $0x38;
	[tilespmem:$0x1E400] =	vst v63  }
0x17: {  	_ =	swait.ge [sflag:s16], $0x1400  }
0x18: {  	[sflag:s16] =	ssyncset.done $0x0  }
0x19: {  	[sflag:s16] =	ssyncadd.s32 $0xFFFFEC00  }
0x1a: {  	[spmem:s19], [sflag:s18] =	dma.local [hbm:s5], $0x2780  }
0x1b: {  	_ =	swait.ge [sflag:s16], $0x2780  }
0x1c: {  	[sflag:s16] =	ssyncset.done $0x0  }
0x1d: {  	[sflag:s16] =	ssyncadd.s32 $0xFFFFD880  }
0x1e: {  	[bflag:$0x0] =	sbarrier.arrive $0xFFFF  }
0x1f: {  	[tilespmem:s21], [sflag:$0x1] =	stream.indirect.gather [hbm4b:s4+s20], $0x80, s3, s20, $0xb8;
	[tilespmem:$0x1E400] =	vst v63  }
0x20: {  	_ = 	snop  }
0x21: {  	[tilespmem:s22], [sflag:$0x2] =	stream.indirect.gather [hbm4b:s4+s20], $0x80, s20, s20, $0xb8;
	[tilespmem:$0x1E400] =	vst v63  }
0x22: {  	_ =	swait.ge [sflag:s23], $0x4000  }
0x23: {  	[sflag:s23] =	ssyncset.done $0x0  }
0x24: {  	s29 =	simm.s32 $0x1400;
	[sflag:s23] =	ssyncadd.s32 $0xFFFFC000  }
0x25: {  	[spmem:s2] =	stream.indirect.scatter.add.f32 [tilespmem:s21], [sflag:$0x3], $0x80, s29, s20, $0xb8;
	[tilespmem:$0x1E400] =	vst v63  }
0x26: {  	_ =	swait.ge [sflag:s16], $0x4000  }
0x27: {  	[sflag:s16] =	ssyncset.done $0x0  }
0x28: {  	s29 =	simm.s32 $0x100;
	[sflag:s16] =	ssyncadd.s32 $0xFFFFC000  }
0x29: {  	[tilespmem:s21], [sflag:$0x1] =	stream.indirect.gather [hbm4b:s4+s20], $0x80, s29, s20, $0xb8;
	[tilespmem:$0x1E400] =	vst v63  }
0x2a: {  	_ =	swait.ge [sflag:s24], $0x4000  }
0x2b: {  	[sflag:s24] =	ssyncset.done $0x0  }
0x2c: {  	s29 =	simm.s32 $0x1480;
	[sflag:s24] =	ssyncadd.s32 $0xFFFFC000  }
0x2d: {  	[spmem:s2] =	stream.indirect.scatter.add.f32 [tilespmem:s22], [sflag:$0x3], $0x80, s29, s20, $0xb8;
	[tilespmem:$0x1E400] =	vst v63  }
0x2e: {  	_ =	swait.ge [sflag:s16], $0x4000  }
0x2f: {  	[sflag:s16] =	ssyncset.done $0x0  }
0x30: {  	s30 =	simm.s32 $0x180;
	s29 =	simm.s32 $0x400;
	[sflag:s16] =	ssyncadd.s32 $0xFFFFC000  }
.LBB2_2:
0x31: {  	[tilespmem:s22], [sflag:$0x2] =	stream.indirect.gather [hbm4b:s4+s20], $0x80, s30, s20, $0xb8;
	[tilespmem:$0x1E400] =	vst v63  }
0x32: {  	s30 =	smov.u32 s29  }
0x33: {  	p0 =	sne.s32 s29, $0x4800;
	s29 =	sadd.s32 $0x400, s29;
	_ =	swait.ge [sflag:s23], $0x4000  }
0x34: {  	s30 =	sshra.s32 s30, $0x2;
	[sflag:s23] =	ssyncset.done $0x0  }
0x35: {  	s31 =	sadd.s32 $0x1400, s30;
	[sflag:s23] =	ssyncadd.s32 $0xFFFFC000  }
0x36: {  	[spmem:s2] =	stream.indirect.scatter.add.f32 [tilespmem:s21], [sflag:$0x3], $0x80, s31, s20, $0xb8;
	[tilespmem:$0x1E400] =	vst v63  }
0x37: {  	_ =	swait.ge [sflag:s16], $0x4000  }
0x38: {  	[sflag:s16] =	ssyncset.done $0x0  }
0x39: {  	s31 =	sadd.s32 $0x100, s30;
	[sflag:s16] =	ssyncadd.s32 $0xFFFFC000  }
0x3a: {  	[tilespmem:s21], [sflag:$0x1] =	stream.indirect.gather [hbm4b:s4+s20], $0x80, s31, s20, $0xb8;
	[tilespmem:$0x1E400] =	vst v63  }
0x3b: {  	_ =	swait.ge [sflag:s24], $0x4000  }
0x3c: {  	[sflag:s24] =	ssyncset.done $0x0  }
.Ltmp0:
0x3d: {  	s31 =	sadd.s32 $0x1480, s30;
	[sflag:s24] =	ssyncadd.s32 $0xFFFFC000;
	(pc) =	sbr.rel @p0 .LBB2_2-.Ltmp0, $4  }
0x3e: {  	[spmem:s2] =	stream.indirect.scatter.add.f32 [tilespmem:s22], [sflag:$0x3], $0x80, s31, s20, $0xb8;
	[tilespmem:$0x1E400] =	vst v63  }
0x3f: {  	_ =	swait.ge [sflag:s16], $0x4000  }
0x40: {  	[sflag:s16] =	ssyncset.done $0x0  }
0x41: {  	s30 =	sadd.s32 $0x180, s30;
	[sflag:s16] =	ssyncadd.s32 $0xFFFFC000  }
0x42: {  	[tilespmem:s22], [sflag:$0x2] =	stream.indirect.gather [hbm4b:s4+s20], $0x80, s30, s20, $0xb8;
	[tilespmem:$0x1E400] =	vst v63  }
0x43: {  	_ =	swait.ge [sflag:s23], $0x4000  }
0x44: {  	[sflag:s23] =	ssyncset.done $0x0  }
0x45: {  	[sflag:s23] =	ssyncadd.s32 $0xFFFFC000  }
0x46: {  	[spmem:s2] =	stream.indirect.scatter.add.f32 [tilespmem:s21], [sflag:$0x3], $0x80, s25, s20, $0xb8;
	[tilespmem:$0x1E400] =	vst v63  }
0x47: {  	_ =	swait.ge [sflag:s16], $0x4000  }
0x48: {  	[sflag:s16] =	ssyncset.done $0x0  }
0x49: {  	[sflag:s16] =	ssyncadd.s32 $0xFFFFC000  }
0x4a: {  	_ =	swait.ge [sflag:s24], $0x4000  }
0x4b: {  	[sflag:s24] =	ssyncset.done $0x0  }
0x4c: {  	[sflag:s24] =	ssyncadd.s32 $0xFFFFC000  }
0x4d: {  	[spmem:s2] =	stream.indirect.scatter.add.f32 [tilespmem:s22], [sflag:$0x3], $0x80, s26, s20, $0xb8;
	[tilespmem:$0x1E400] =	vst v63  }
0x4e: {  	_ =	swait.ge [sflag:s16], $0x4000  }
0x4f: {  	[sflag:s16] =	ssyncset.done $0x0  }
0x50: {  	[sflag:s16] =	ssyncadd.s32 $0xFFFFC000  }
0x51: {  	[bflag:$0x0] =	sbarrier.arrive $0xFFFF  }
0x52: {  	[hbm:s8], [sflag:s18] =	dma.local [spmem:s19], $0x2780  }
0x53: {  	_ =	swait.ge [sflag:s16], $0x2780  }
0x54: {  	[sflag:s16] =	ssyncset.done $0x0  }
0x55: {  	[sflag:s16] =	ssyncadd.s32 $0xFFFFD880  }
0x56: {  	[bflag:$0x0] =	sbarrier.arrive $0xFFFF  }
0x57: {  	[spmem:s19], [sflag:s18] =	dma.local [hbm:s5], $0x2780  }
0x58: {  	_ =	swait.ge [sflag:s16], $0x2780  }
0x59: {  	[sflag:s16] =	ssyncset.done $0x0  }
0x5a: {  	[sflag:s16] =	ssyncadd.s32 $0xFFFFD880  }
0x5b: {  	s29 =	simm.s32 $0x0;
	[bflag:$0x0] =	sbarrier.arrive $0xFFFF  }
0x5c: {  	[tilespmem:s21], [sflag:$0x1] =	stream.indirect.gather [hbm4b:s9+s20], $0x80, s29, s20, $0xb8;
	[tilespmem:$0x1E400] =	vst v63  }
0x5d: {  	_ = 	snop  }
0x5e: {  	[tilespmem:s22], [sflag:$0x2] =	stream.indirect.gather [hbm4b:s9+s20], $0x80, s20, s20, $0xb8;
	[tilespmem:$0x1E400] =	vst v63  }
0x5f: {  	_ =	swait.ge [sflag:s23], $0x4000  }
0x60: {  	[sflag:s23] =	ssyncset.done $0x0  }
0x61: {  	s29 =	simm.s32 $0x1400;
	[sflag:s23] =	ssyncadd.s32 $0xFFFFC000  }
0x62: {  	[spmem:s2] =	stream.indirect.scatter.add.f32 [tilespmem:s21], [sflag:$0x3], $0x80, s29, s20, $0xb8;
	[tilespmem:$0x1E400] =	vst v63  }
0x63: {  	_ =	swait.ge [sflag:s16], $0x4000  }
0x64: {  	[sflag:s16] =	ssyncset.done $0x0  }
0x65: {  	s29 =	simm.s32 $0x100;
	[sflag:s16] =	ssyncadd.s32 $0xFFFFC000  }
0x66: {  	[tilespmem:s21], [sflag:$0x1] =	stream.indirect.gather [hbm4b:s9+s20], $0x80, s29, s20, $0xb8;
	[tilespmem:$0x1E400] =	vst v63  }
0x67: {  	_ =	swait.ge [sflag:s24], $0x4000  }
0x68: {  	[sflag:s24] =	ssyncset.done $0x0  }
0x69: {  	s29 =	simm.s32 $0x1480;
	[sflag:s24] =	ssyncadd.s32 $0xFFFFC000  }
0x6a: {  	[spmem:s2] =	stream.indirect.scatter.add.f32 [tilespmem:s22], [sflag:$0x3], $0x80, s29, s20, $0xb8;
	[tilespmem:$0x1E400] =	vst v63  }
0x6b: {  	_ =	swait.ge [sflag:s16], $0x4000  }
0x6c: {  	[sflag:s16] =	ssyncset.done $0x0  }
0x6d: {  	s30 =	simm.s32 $0x180;
	s29 =	simm.s32 $0x400;
	[sflag:s16] =	ssyncadd.s32 $0xFFFFC000  }
.LBB2_4:
0x6e: {  	[tilespmem:s22], [sflag:$0x2] =	stream.indirect.gather [hbm4b:s9+s20], $0x80, s30, s20, $0xb8;
	[tilespmem:$0x1E400] =	vst v63  }
0x6f: {  	s30 =	smov.u32 s29  }
0x70: {  	p0 =	sne.s32 s29, $0x4800;
	s29 =	sadd.s32 $0x400, s29;
	_ =	swait.ge [sflag:s23], $0x4000  }
0x71: {  	s30 =	sshra.s32 s30, $0x2;
	[sflag:s23] =	ssyncset.done $0x0  }
0x72: {  	s31 =	sadd.s32 $0x1400, s30;
	[sflag:s23] =	ssyncadd.s32 $0xFFFFC000  }
0x73: {  	[spmem:s2] =	stream.indirect.scatter.add.f32 [tilespmem:s21], [sflag:$0x3], $0x80, s31, s20, $0xb8;
	[tilespmem:$0x1E400] =	vst v63  }
0x74: {  	_ =	swait.ge [sflag:s16], $0x4000  }
0x75: {  	[sflag:s16] =	ssyncset.done $0x0  }
0x76: {  	s31 =	sadd.s32 $0x100, s30;
	[sflag:s16] =	ssyncadd.s32 $0xFFFFC000  }
0x77: {  	[tilespmem:s21], [sflag:$0x1] =	stream.indirect.gather [hbm4b:s9+s20], $0x80, s31, s20, $0xb8;
	[tilespmem:$0x1E400] =	vst v63  }
0x78: {  	_ =	swait.ge [sflag:s24], $0x4000  }
0x79: {  	[sflag:s24] =	ssyncset.done $0x0  }
.Ltmp1:
0x7a: {  	s31 =	sadd.s32 $0x1480, s30;
	[sflag:s24] =	ssyncadd.s32 $0xFFFFC000;
	(pc) =	sbr.rel @p0 .LBB2_4-.Ltmp1, $4  }
0x7b: {  	[spmem:s2] =	stream.indirect.scatter.add.f32 [tilespmem:s22], [sflag:$0x3], $0x80, s31, s20, $0xb8;
	[tilespmem:$0x1E400] =	vst v63  }
0x7c: {  	_ =	swait.ge [sflag:s16], $0x4000  }
0x7d: {  	[sflag:s16] =	ssyncset.done $0x0  }
0x7e: {  	s30 =	sadd.s32 $0x180, s30;
	[sflag:s16] =	ssyncadd.s32 $0xFFFFC000  }
0x7f: {  	[tilespmem:s22], [sflag:$0x2] =	stream.indirect.gather [hbm4b:s9+s20], $0x80, s30, s20, $0xb8;
	[tilespmem:$0x1E400] =	vst v63  }
0x80: {  	_ =	swait.ge [sflag:s23], $0x4000  }
0x81: {  	[sflag:s23] =	ssyncset.done $0x0  }
0x82: {  	[sflag:s23] =	ssyncadd.s32 $0xFFFFC000  }
0x83: {  	[spmem:s2] =	stream.indirect.scatter.add.f32 [tilespmem:s21], [sflag:$0x3], $0x80, s25, s20, $0xb8;
	[tilespmem:$0x1E400] =	vst v63  }
0x84: {  	_ =	swait.ge [sflag:s16], $0x4000  }
0x85: {  	[sflag:s16] =	ssyncset.done $0x0  }
0x86: {  	[sflag:s16] =	ssyncadd.s32 $0xFFFFC000  }
0x87: {  	_ =	swait.ge [sflag:s24], $0x4000  }
0x88: {  	[sflag:s24] =	ssyncset.done $0x0  }
0x89: {  	[sflag:s24] =	ssyncadd.s32 $0xFFFFC000  }
0x8a: {  	[spmem:s2] =	stream.indirect.scatter.add.f32 [tilespmem:s22], [sflag:$0x3], $0x80, s26, s20, $0xb8;
	[tilespmem:$0x1E400] =	vst v63  }
0x8b: {  	_ =	swait.ge [sflag:s16], $0x4000  }
0x8c: {  	[sflag:s16] =	ssyncset.done $0x0  }
0x8d: {  	[sflag:s16] =	ssyncadd.s32 $0xFFFFC000  }
0x8e: {  	[bflag:$0x0] =	sbarrier.arrive $0xFFFF  }
0x8f: {  	[hbm:s10], [sflag:s18] =	dma.local [spmem:s19], $0x2780  }
0x90: {  	_ =	swait.ge [sflag:s16], $0x2780  }
0x91: {  	[sflag:s16] =	ssyncset.done $0x0  }
0x92: {  	[sflag:s16] =	ssyncadd.s32 $0xFFFFD880  }
0x93: {  	[bflag:$0x0] =	sbarrier.arrive $0xFFFF  }
0x94: {  	[spmem:s19], [sflag:s18] =	dma.local [hbm:s5], $0x2780  }
0x95: {  	_ =	swait.ge [sflag:s16], $0x2780  }
0x96: {  	[sflag:s16] =	ssyncset.done $0x0  }
0x97: {  	[sflag:s16] =	ssyncadd.s32 $0xFFFFD880  }
0x98: {  	s29 =	simm.s32 $0x0;
	[bflag:$0x0] =	sbarrier.arrive $0xFFFF  }
0x99: {  	[tilespmem:s21], [sflag:$0x1] =	stream.indirect.gather [hbm4b:s11+s20], $0x80, s29, s20, $0xb8;
	[tilespmem:$0x1E400] =	vst v63  }
0x9a: {  	_ = 	snop  }
0x9b: {  	[tilespmem:s22], [sflag:$0x2] =	stream.indirect.gather [hbm4b:s11+s20], $0x80, s20, s20, $0xb8;
	[tilespmem:$0x1E400] =	vst v63  }
0x9c: {  	_ =	swait.ge [sflag:s23], $0x4000  }
0x9d: {  	[sflag:s23] =	ssyncset.done $0x0  }
0x9e: {  	s29 =	simm.s32 $0x1400;
	[sflag:s23] =	ssyncadd.s32 $0xFFFFC000  }
0x9f: {  	[spmem:s2] =	stream.indirect.scatter.add.f32 [tilespmem:s21], [sflag:$0x3], $0x80, s29, s20, $0xb8;
	[tilespmem:$0x1E400] =	vst v63  }
0xa0: {  	_ =	swait.ge [sflag:s16], $0x4000  }
0xa1: {  	[sflag:s16] =	ssyncset.done $0x0  }
0xa2: {  	s29 =	simm.s32 $0x100;
	[sflag:s16] =	ssyncadd.s32 $0xFFFFC000  }
0xa3: {  	[tilespmem:s21], [sflag:$0x1] =	stream.indirect.gather [hbm4b:s11+s20], $0x80, s29, s20, $0xb8;
	[tilespmem:$0x1E400] =	vst v63  }
0xa4: {  	_ =	swait.ge [sflag:s24], $0x4000  }
0xa5: {  	[sflag:s24] =	ssyncset.done $0x0  }
0xa6: {  	s29 =	simm.s32 $0x1480;
	[sflag:s24] =	ssyncadd.s32 $0xFFFFC000  }
0xa7: {  	[spmem:s2] =	stream.indirect.scatter.add.f32 [tilespmem:s22], [sflag:$0x3], $0x80, s29, s20, $0xb8;
	[tilespmem:$0x1E400] =	vst v63  }
0xa8: {  	_ =	swait.ge [sflag:s16], $0x4000  }
0xa9: {  	[sflag:s16] =	ssyncset.done $0x0  }
0xaa: {  	s30 =	simm.s32 $0x180;
	s29 =	simm.s32 $0x400;
	[sflag:s16] =	ssyncadd.s32 $0xFFFFC000  }
.LBB2_6:
0xab: {  	[tilespmem:s22], [sflag:$0x2] =	stream.indirect.gather [hbm4b:s11+s20], $0x80, s30, s20, $0xb8;
	[tilespmem:$0x1E400] =	vst v63  }
0xac: {  	s30 =	smov.u32 s29  }
0xad: {  	p0 =	sne.s32 s29, $0x4800;
	s29 =	sadd.s32 $0x400, s29;
	_ =	swait.ge [sflag:s23], $0x4000  }
0xae: {  	s30 =	sshra.s32 s30, $0x2;
	[sflag:s23] =	ssyncset.done $0x0  }
0xaf: {  	s31 =	sadd.s32 $0x1400, s30;
	[sflag:s23] =	ssyncadd.s32 $0xFFFFC000  }
0xb0: {  	[spmem:s2] =	stream.indirect.scatter.add.f32 [tilespmem:s21], [sflag:$0x3], $0x80, s31, s20, $0xb8;
	[tilespmem:$0x1E400] =	vst v63  }
0xb1: {  	_ =	swait.ge [sflag:s16], $0x4000  }
0xb2: {  	[sflag:s16] =	ssyncset.done $0x0  }
0xb3: {  	s31 =	sadd.s32 $0x100, s30;
	[sflag:s16] =	ssyncadd.s32 $0xFFFFC000  }
0xb4: {  	[tilespmem:s21], [sflag:$0x1] =	stream.indirect.gather [hbm4b:s11+s20], $0x80, s31, s20, $0xb8;
	[tilespmem:$0x1E400] =	vst v63  }
0xb5: {  	_ =	swait.ge [sflag:s24], $0x4000  }
0xb6: {  	[sflag:s24] =	ssyncset.done $0x0  }
.Ltmp2:
0xb7: {  	s31 =	sadd.s32 $0x1480, s30;
	[sflag:s24] =	ssyncadd.s32 $0xFFFFC000;
	(pc) =	sbr.rel @p0 .LBB2_6-.Ltmp2, $4  }
0xb8: {  	[spmem:s2] =	stream.indirect.scatter.add.f32 [tilespmem:s22], [sflag:$0x3], $0x80, s31, s20, $0xb8;
	[tilespmem:$0x1E400] =	vst v63  }
0xb9: {  	_ =	swait.ge [sflag:s16], $0x4000  }
0xba: {  	[sflag:s16] =	ssyncset.done $0x0  }
0xbb: {  	s30 =	sadd.s32 $0x180, s30;
	[sflag:s16] =	ssyncadd.s32 $0xFFFFC000  }
0xbc: {  	[tilespmem:s22], [sflag:$0x2] =	stream.indirect.gather [hbm4b:s11+s20], $0x80, s30, s20, $0xb8;
	[tilespmem:$0x1E400] =	vst v63  }
0xbd: {  	_ =	swait.ge [sflag:s23], $0x4000  }
0xbe: {  	[sflag:s23] =	ssyncset.done $0x0  }
0xbf: {  	[sflag:s23] =	ssyncadd.s32 $0xFFFFC000  }
0xc0: {  	[spmem:s2] =	stream.indirect.scatter.add.f32 [tilespmem:s21], [sflag:$0x3], $0x80, s25, s20, $0xb8;
	[tilespmem:$0x1E400] =	vst v63  }
0xc1: {  	_ =	swait.ge [sflag:s16], $0x4000  }
0xc2: {  	[sflag:s16] =	ssyncset.done $0x0  }
0xc3: {  	[sflag:s16] =	ssyncadd.s32 $0xFFFFC000  }
0xc4: {  	_ =	swait.ge [sflag:s24], $0x4000  }
0xc5: {  	[sflag:s24] =	ssyncset.done $0x0  }
0xc6: {  	[sflag:s24] =	ssyncadd.s32 $0xFFFFC000  }
0xc7: {  	[spmem:s2] =	stream.indirect.scatter.add.f32 [tilespmem:s22], [sflag:$0x3], $0x80, s26, s20, $0xb8;
	[tilespmem:$0x1E400] =	vst v63  }
0xc8: {  	_ =	swait.ge [sflag:s16], $0x4000  }
0xc9: {  	[sflag:s16] =	ssyncset.done $0x0  }
0xca: {  	[sflag:s16] =	ssyncadd.s32 $0xFFFFC000  }
0xcb: {  	[bflag:$0x0] =	sbarrier.arrive $0xFFFF  }
0xcc: {  	[hbm:s12], [sflag:s18] =	dma.local [spmem:s19], $0x2780  }
0xcd: {  	_ =	swait.ge [sflag:s16], $0x2780  }
0xce: {  	[sflag:s16] =	ssyncset.done $0x0  }
0xcf: {  	[sflag:s16] =	ssyncadd.s32 $0xFFFFD880  }
0xd0: {  	[bflag:$0x0] =	sbarrier.arrive $0xFFFF  }
0xd1: {  	[spmem:s19], [sflag:s18] =	dma.local [hbm:s5], $0x2780  }
0xd2: {  	_ =	swait.ge [sflag:s16], $0x2780  }
0xd3: {  	[sflag:s16] =	ssyncset.done $0x0  }
0xd4: {  	[sflag:s16] =	ssyncadd.s32 $0xFFFFD880  }
0xd5: {  	s29 =	simm.s32 $0x0;
	[bflag:$0x0] =	sbarrier.arrive $0xFFFF  }
0xd6: {  	[tilespmem:s21], [sflag:$0x1] =	stream.indirect.gather [hbm4b:s13+s20], $0x80, s29, s20, $0xb8;
	[tilespmem:$0x1E400] =	vst v63  }
0xd7: {  	_ = 	snop  }
0xd8: {  	[tilespmem:s22], [sflag:$0x2] =	stream.indirect.gather [hbm4b:s13+s20], $0x80, s20, s20, $0xb8;
	[tilespmem:$0x1E400] =	vst v63  }
0xd9: {  	_ =	swait.ge [sflag:s23], $0x4000  }
0xda: {  	[sflag:s23] =	ssyncset.done $0x0  }
0xdb: {  	s29 =	simm.s32 $0x1400;
	[sflag:s23] =	ssyncadd.s32 $0xFFFFC000  }
0xdc: {  	[spmem:s2] =	stream.indirect.scatter.add.f32 [tilespmem:s21], [sflag:$0x3], $0x80, s29, s20, $0xb8;
	[tilespmem:$0x1E400] =	vst v63  }
0xdd: {  	_ =	swait.ge [sflag:s16], $0x4000  }
0xde: {  	[sflag:s16] =	ssyncset.done $0x0  }
0xdf: {  	s29 =	simm.s32 $0x100;
	[sflag:s16] =	ssyncadd.s32 $0xFFFFC000  }
0xe0: {  	[tilespmem:s21], [sflag:$0x1] =	stream.indirect.gather [hbm4b:s13+s20], $0x80, s29, s20, $0xb8;
	[tilespmem:$0x1E400] =	vst v63  }
0xe1: {  	_ =	swait.ge [sflag:s24], $0x4000  }
0xe2: {  	[sflag:s24] =	ssyncset.done $0x0  }
0xe3: {  	s29 =	simm.s32 $0x1480;
	[sflag:s24] =	ssyncadd.s32 $0xFFFFC000  }
0xe4: {  	[spmem:s2] =	stream.indirect.scatter.add.f32 [tilespmem:s22], [sflag:$0x3], $0x80, s29, s20, $0xb8;
	[tilespmem:$0x1E400] =	vst v63  }
0xe5: {  	_ =	swait.ge [sflag:s16], $0x4000  }
0xe6: {  	[sflag:s16] =	ssyncset.done $0x0  }
0xe7: {  	s30 =	simm.s32 $0x180;
	s29 =	simm.s32 $0x400;
	[sflag:s16] =	ssyncadd.s32 $0xFFFFC000  }
.LBB2_8:
0xe8: {  	[tilespmem:s22], [sflag:$0x2] =	stream.indirect.gather [hbm4b:s13+s20], $0x80, s30, s20, $0xb8;
	[tilespmem:$0x1E400] =	vst v63  }
0xe9: {  	s30 =	smov.u32 s29  }
0xea: {  	p0 =	sne.s32 s29, $0x4800;
	s29 =	sadd.s32 $0x400, s29;
	_ =	swait.ge [sflag:s23], $0x4000  }
0xeb: {  	s30 =	sshra.s32 s30, $0x2;
	[sflag:s23] =	ssyncset.done $0x0  }
0xec: {  	s31 =	sadd.s32 $0x1400, s30;
	[sflag:s23] =	ssyncadd.s32 $0xFFFFC000  }
0xed: {  	[spmem:s2] =	stream.indirect.scatter.add.f32 [tilespmem:s21], [sflag:$0x3], $0x80, s31, s20, $0xb8;
	[tilespmem:$0x1E400] =	vst v63  }
0xee: {  	_ =	swait.ge [sflag:s16], $0x4000  }
0xef: {  	[sflag:s16] =	ssyncset.done $0x0  }
0xf0: {  	s31 =	sadd.s32 $0x100, s30;
	[sflag:s16] =	ssyncadd.s32 $0xFFFFC000  }
0xf1: {  	[tilespmem:s21], [sflag:$0x1] =	stream.indirect.gather [hbm4b:s13+s20], $0x80, s31, s20, $0xb8;
	[tilespmem:$0x1E400] =	vst v63  }
0xf2: {  	_ =	swait.ge [sflag:s24], $0x4000  }
0xf3: {  	[sflag:s24] =	ssyncset.done $0x0  }
.Ltmp3:
0xf4: {  	s31 =	sadd.s32 $0x1480, s30;
	[sflag:s24] =	ssyncadd.s32 $0xFFFFC000;
	(pc) =	sbr.rel @p0 .LBB2_8-.Ltmp3, $4  }
0xf5: {  	[spmem:s2] =	stream.indirect.scatter.add.f32 [tilespmem:s22], [sflag:$0x3], $0x80, s31, s20, $0xb8;
	[tilespmem:$0x1E400] =	vst v63  }
0xf6: {  	_ =	swait.ge [sflag:s16], $0x4000  }
0xf7: {  	[sflag:s16] =	ssyncset.done $0x0  }
0xf8: {  	s30 =	sadd.s32 $0x180, s30;
	[sflag:s16] =	ssyncadd.s32 $0xFFFFC000  }
0xf9: {  	[tilespmem:s22], [sflag:$0x2] =	stream.indirect.gather [hbm4b:s13+s20], $0x80, s30, s20, $0xb8;
	[tilespmem:$0x1E400] =	vst v63  }
0xfa: {  	_ =	swait.ge [sflag:s23], $0x4000  }
0xfb: {  	[sflag:s23] =	ssyncset.done $0x0  }
0xfc: {  	[sflag:s23] =	ssyncadd.s32 $0xFFFFC000  }
0xfd: {  	[spmem:s2] =	stream.indirect.scatter.add.f32 [tilespmem:s21], [sflag:$0x3], $0x80, s25, s20, $0xb8;
	[tilespmem:$0x1E400] =	vst v63  }
0xfe: {  	_ =	swait.ge [sflag:s16], $0x4000  }
0xff: {  	[sflag:s16] =	ssyncset.done $0x0  }
0x100: {  	[sflag:s16] =	ssyncadd.s32 $0xFFFFC000  }
0x101: {  	_ =	swait.ge [sflag:s24], $0x4000  }
0x102: {  	[sflag:s24] =	ssyncset.done $0x0  }
0x103: {  	[sflag:s24] =	ssyncadd.s32 $0xFFFFC000  }
0x104: {  	[spmem:s2] =	stream.indirect.scatter.add.f32 [tilespmem:s22], [sflag:$0x3], $0x80, s26, s20, $0xb8;
	[tilespmem:$0x1E400] =	vst v63  }
0x105: {  	_ =	swait.ge [sflag:s16], $0x4000  }
0x106: {  	s28 =	sadd.s32 $0x1, s28;
	[sflag:s16] =	ssyncset.done $0x0  }
0x107: {  	p0 =	sne.s32 s28, s15;
	[sflag:s16] =	ssyncadd.s32 $0xFFFFC000  }
.Ltmp4:
0x108: {  	[bflag:$0x0] =	sbarrier.arrive $0xFFFF;
	(pc) =	sbr.rel @p0 .LBB2_1-.Ltmp4, $4  }
0x109: {  	[hbm:s14], [sflag:s18] =	dma.local [spmem:s19], $0x2780  }
0x10a: {  	_ =	swait.ge [sflag:s16], $0x2780  }
0x10b: {  	[sflag:s16] =	ssyncset.done $0x0  }
0x10c: {  	[sflag:s16] =	ssyncadd.s32 $0xFFFFD880  }
0x10d: {  	_ =	sfence.sel $0x180000  }
0x10e: {  	[bflag:$0x0] =	sbarrier.arrive $0xFFFF  }
0x10f: {  	p0 =	sne.s32 s0, $0x0;
	_ =	strace $0x9000004A  }
0x110: {  	s0 =	sadd.s32 @!p0 $0x100000, s1;
	[bflag:$0x2] =	sbarrier.arrive $0xFFFF  }
0x111: {  	[sflag:s0] =	ssyncadd.tile.s32 @!p0 $0x1;
	_ =	shalt  }
.Lfunc_end2:
_tile_overlayer_lowered:
.L_overlay_start_2:
0x112: {  	(tag) =	ssettag $0x2  }
0x113: {  	s0 =	rddreg [dreg:$0x0];
	s2 =	stileid.u32  }
0x114: {  	s1 =	rddreg [dreg:$0x1];
	p0 =	sne.s32 s2, $0x0  }
0x115: {  	s3 =	rddreg [dreg:$0x2];
	[bflag:$0x3] =	sbarrier.arrive $0xFFFF;
	s2 =	simm.s32 @!p0 $0x1C03  }
0x116: {  	[timem:s3], [sflag:s2] =	dma.local @!p0 [hbm:s0], s1  }
0x117: {  	s0 =	simm.s32 @!p0 $0x3  }
0x118: {  	_ =	swait.ge @!p0 [sflag:s0], s1  }
0x119: {  	s1 =	ssub.s32 @!p0 $0x0, s1;
	[sflag:s0] =	ssyncset.done @!p0 $0x0  }
0x11a: {  	[sflag:s0] =	ssyncadd.s32 @!p0 s1  }
0x11b: {  	[bflag:$0x3] =	sbarrier.arrive $0xFFFF  }
0x11c: {  	_ =	shalt  }

// kernel: kernel.21.cloned.1.call-start
scs
__scs_entry_jumppad:
0x0: {  	(pc) =	sbr.rel $0x88, $3  }
0x1: {  	(tag) =	ssettag $0x0;
	lr =	simm.s32 $0x1  }
0x2: {  	[smem:$0x3F93] =	sst lr;
	_ =	strace $0xD0000000  }
0x3: {  	_ = 	snop  }
0x4: {  	_ = 	snop  }
0x5: {  	_ = 	snop  }
0x6: {  	_ = 	snop  }
0x7: {  	_ = 	snop  }
__scs_overlays_trampoline_lowered:
0x8: {  	[smem:$0x3FA2] =	sst s0  }
0x9: {  	[smem:$0x3FA3] =	sst s1  }
0xa: {  	[smem:$0x3FA4] =	sst s2  }
0xb: {  	[smem:$0x3FA5] =	sst s3  }
0xc: {  	[smem:$0x3FA6] =	sst s4  }
0xd: {  	[smem:$0x3FA7] =	sst s5  }
0xe: {  	[smem:$0x3FA8] =	sst s6  }
0xf: {  	[smem:$0x3FA9] =	sst s7  }
0x10: {  	[smem:$0x3FAA] =	sst s8  }
0x11: {  	[smem:$0x3FAB] =	sst s9;
	s0 =	simm.s32 @!p0 $0x0  }
0x12: {  	s1 =	sld [smem:$0x3F91];
	s0 =	simm.s32 @p0 $0x1  }
0x13: {  	[smem:$0x3FAC] =	sst s0;
	s0 =	simm.s32 @!p1 $0x0  }
0x14: {  	s2 =	sld [smem:$0x3F90];
	s0 =	simm.s32 @p1 $0x1  }
0x15: {  	[smem:$0x3FAD] =	sst s0;
	s0 =	simm.s32 @!p2 $0x0  }
0x16: {  	s3 =	sld [smem:$0x3FDB];
	s0 =	simm.s32 @p2 $0x1  }
0x17: {  	s4 =	simm.s32 $0x1BF5;
	[smem:$0x3FAF] =	sst s0  }
0x18: {  	s0 =	sld [smem:$0x3F92];
	_ =	swait.ge [sflag:s4], $0x0  }
0x19: {  	s7 =	sld [smem:$0x3F93]  }
0x1a: {  	s8 =	sadd.s32 $0xFFFFE003, lr  }
0x1b: {  	s9 =	sadd.s32 $0xFFFFFEF7, lr;
	s5 =	simm.s32 $0xFFFFFFFF;
	p2 =	slt.u32 s8, $0xFFFFF086  }
0x1c: {  	p1 =	slt.u32 s9, $0xF7A;
	s5 =	simm.s32 @!p2 $0x0  }
0x1d: {  	s5 =	simm.s32 @p1 $0x1;
	p0 =	seq.s32 s7, s2  }
0x1e: {  	s7 =	smul.u32 @!p0 $0xF7A, s2;
	p2 =	seq.s32 @!p0 s5, $0x0  }
0x1f: {  	s9 =	smul.u32 $0xF7A, s1;
	s8 =	simm.s32 @!p0 $0x1BF5;
	p2 =	por !p2, p0  }
0x20: {  	[sflag:s8] =	ssyncset.s32 @!p0 $0xFFFFF086;
	s6 =	sadd.s32 @!p0 s3, s7;
	s7 =	simm.s32 @!p0 $0x108  }
0x21: {  	s3 =	sadd.s32 s3, s9;
	s6 =	sadd.s32 @!p0 $0x88, s6;
	s7 =	simm.s32 @p2 $0x1082  }
0x22: {  	[simem:s7], [sflag:s8] =	dma.local @!p0 [hbm:s6], $0xF7A  }
0x23: {  	s9 =	sor.u32 $0xD0000000, s2;
	s6 =	simm.s32 $0x108;
	_ =	swait.ge @!p0 [sflag:s8], $0x0  }
0x24: {  	s3 =	sadd.s32 $0x88, s3;
	s6 =	simm.s32 @!p1 $0x1082;
	[sflag:s4] =	ssyncset.s32 $0xFFFFF086  }
0x25: {  	[simem:s6], [sflag:s4] =	dma.local [hbm:s3], $0xF7A  }
0x26: {  	[smem:$0x3F93] =	sst s1;
	(tag) =	ssettag s2;
	_ =	strace s9  }
0x27: {  	s1 =	sld [smem:$0x3FA3]  }
0x28: {  	s2 =	sld [smem:$0x3FA4]  }
0x29: {  	s4 =	sld [smem:$0x3FA6]  }
0x2a: {  	p0 =	seq.s32 s5, $0x0;
	s5 =	sld [smem:$0x3FA7]  }
0x2b: {  	s6 =	sld [smem:$0x3FA8]  }
0x2c: {  	s7 =	sld [smem:$0x3FA9]  }
0x2d: {  	s3 =	simm.s32 $0x108;
	s8 =	sld [smem:$0x3FAA]  }
0x2e: {  	s3 =	simm.s32 @!p0 $0x1082;
	s9 =	sld [smem:$0x3FAB]  }
0x2f: {  	lr =	sadd.s32 s0, s3;
	s0 =	sld [smem:$0x3FA2]  }
0x30: {  	s3 =	sld [smem:$0x3FA5]  }
0x31: {  	[smem:$0x3FAE] =	sst s10  }
0x32: {  	s10 =	sld [smem:$0x3FAC];
	_ =	sdelay $0x3  }
0x33: {  	p0 =	seq.s32 s10, $0x1;
	s10 =	sld [smem:$0x3FAE];
	_ =	sdelay $0x3  }
0x34: {  	[smem:$0x3FAE] =	sst s10  }
0x35: {  	s10 =	sld [smem:$0x3FAD];
	_ =	sdelay $0x3  }
0x36: {  	p1 =	seq.s32 s10, $0x1;
	s10 =	sld [smem:$0x3FAE];
	_ =	sdelay $0x3  }
0x37: {  	[smem:$0x3FAE] =	sst s10  }
0x38: {  	s10 =	sld [smem:$0x3FAF]  }
0x39: {  	_ = 	snop;
	(pc) =	sbr.ind lr, $3  }
0x3a: {  	_ = 	snop  }
0x3b: {  	_ = 	snop  }
0x3c: {  	p2 =	seq.s32 s10, $0x1;
	s10 =	sld [smem:$0x3FAE]  }
0x3d: {  	_ =	shalt  }
0x3e: {  	_ =	shalt  }
0x3f: {  	_ =	shalt  }
0x40: {  	_ =	shalt  }
0x41: {  	_ =	shalt  }
0x42: {  	_ =	shalt  }
0x43: {  	_ =	shalt  }
0x44: {  	_ =	shalt  }
0x45: {  	_ =	shalt  }
0x46: {  	_ =	shalt  }
0x47: {  	_ =	shalt  }
0x48: {  	_ =	shalt  }
0x49: {  	_ =	shalt  }
0x4a: {  	_ =	shalt  }
0x4b: {  	_ =	shalt  }
0x4c: {  	_ =	shalt  }
0x4d: {  	_ =	shalt  }
0x4e: {  	_ =	shalt  }
0x4f: {  	_ =	shalt  }
0x50: {  	_ =	shalt  }
0x51: {  	_ =	shalt  }
0x52: {  	_ =	shalt  }
0x53: {  	_ =	shalt  }
0x54: {  	_ =	shalt  }
0x55: {  	_ =	shalt  }
0x56: {  	_ =	shalt  }
0x57: {  	_ =	shalt  }
0x58: {  	_ =	shalt  }
0x59: {  	_ =	shalt  }
0x5a: {  	_ =	shalt  }
0x5b: {  	_ =	shalt  }
0x5c: {  	_ =	shalt  }
0x5d: {  	_ =	shalt  }
0x5e: {  	_ =	shalt  }
0x5f: {  	_ =	shalt  }
0x60: {  	_ =	shalt  }
0x61: {  	_ =	shalt  }
0x62: {  	_ =	shalt  }
0x63: {  	_ =	shalt  }
0x64: {  	_ =	shalt  }
0x65: {  	_ =	shalt  }
0x66: {  	_ =	shalt  }
0x67: {  	_ =	shalt  }
0x68: {  	_ =	shalt  }
0x69: {  	_ =	shalt  }
0x6a: {  	_ =	shalt  }
0x6b: {  	_ =	shalt  }
0x6c: {  	_ =	shalt  }
0x6d: {  	_ =	shalt  }
0x6e: {  	_ =	shalt  }
0x6f: {  	_ =	shalt  }
0x70: {  	_ =	shalt  }
0x71: {  	_ =	shalt  }
0x72: {  	_ =	shalt  }
0x73: {  	_ =	shalt  }
0x74: {  	_ =	shalt  }
0x75: {  	_ =	shalt  }
0x76: {  	_ =	shalt  }
0x77: {  	_ =	shalt  }
0x78: {  	_ =	shalt  }
0x79: {  	_ =	shalt  }
0x7a: {  	_ =	shalt  }
0x7b: {  	_ =	shalt  }
0x7c: {  	_ =	shalt  }
0x7d: {  	_ =	shalt  }
0x7e: {  	_ =	shalt  }
0x7f: {  	_ =	shalt  }
0x80: {  	_ =	shalt  }
0x81: {  	_ =	shalt  }
0x82: {  	_ =	shalt  }
0x83: {  	_ =	shalt  }
0x84: {  	_ =	shalt  }
0x85: {  	_ =	shalt  }
0x86: {  	_ =	shalt  }
0x87: {  	_ =	shalt  }
.Lfunc_end0:
.L_simem_size_0:
called_computation.2_lowered:
.L_overlay_start_0:
0x88: {  	s2 =	sld [smem:$0x3FD9]  }
0x89: {  	s3 =	sld [smem:$0x3FFE];
	_ =	sdelay $0x1  }
0x8a: {  	s1 =	srdreg.scid  }
0x8b: {  	s0 =	sand.u32 $0x1, s1  }
0x8c: {  	s16 =	sshll.u32 s0, $0xA;
	s2 =	sadd.s32 s3, s2  }
0x8d: {  	s2 =	sadd.s32 s2, s16  }
0x8e: {  	[smem:$0x3FBA] =	sst s2  }
0x8f: {  	_ = 	snop  }
0x90: {  	(tm) =	ssettm $0x1  }
0x91: {  	s17 =	sld [smem:$0x3FFB];
	_ =	sdelay $0x3  }
0x92: {  	_ =	strace s17  }
0x93: {  	s2 =	sld [smem:$0x3FFC];
	_ =	sdelay $0x3  }
0x94: {  	_ =	strace s2  }
0x95: {  	s2 =	sld [smem:$0x3FFD];
	_ =	sdelay $0x3  }
0x96: {  	_ =	strace s2  }
0x97: {  	_ =	strace $0x8FFFFFFF  }
0x98: {  	s18 =	sld [smem:$0x3FDB];
	_ =	sdelay $0x1  }
0x99: {  	s19 =	simm.s32 $_scs_section_size  }
0x9a: {  	s4 =	simm.s32 $_size__tile_overlayer_lowered;
	s5 =	simm.s32 $_tile_overlayer_lowered  }
0x9b: {  	s22 =	simm.s32 $0x1BFF;
	s21 =	sshll.u32 s5, $0x1;
	s2 =	sadd.s32 s19, s18  }
0x9c: {  	s6 =	simm.s32 $0x0;
	s20 =	sshll.u32 s4, $0x1;
	s4 =	sadd.s32 s21, s2  }
0x9d: {  	[timem:s6], [sflag:s22] =	dma.local [hbm:s4], s20  }
0x9e: {  	_ =	swait.ge [sflag:s22], s20  }
0x9f: {  	s3 =	ssub.s32 $0x0, s20;
	[sflag:s22] =	ssyncset.done $0x0  }
0xa0: {  	[sflag:s22] =	ssyncadd.s32 s3;
	_ =	sdelay $0x1  }
0xa1: {  	s23 =	simm.s32 $0x1B8B  }
0xa2: {  	_ =	swait.ge [sflag:s23], $0x1  }
0xa3: {  	[sflag:s23] =	ssyncset.done $0x0  }
0xa4: {  	s25 =	simm.s32 $0x1B8E;
	s24 =	sld [smem:$0x3FFE];
	[sflag:s23] =	ssyncadd.s32 $0xFFFFFFFF  }
0xa5: {  	s26 =	simm.s32 $execute0_lowered;
	[smem:$0x3FD2] =	sst s25  }
0xa6: {  	s4 =	sshll.u32 s26, $0x1;
	_ =	strace $0x8000004C;
	[dreg:$0x1] =	wrdreg $0xFFFFFFFF  }
0xa7: {  	s28 =	simm.s32 $_size_execute0_lowered;
	s2 =	sadd.s32 s2, s4;
	[dreg:$0x0] =	wrdreg $0x0  }
0xa8: {  	s4 =	sshll.u32 s28, $0x1;
	[dreg:$0x2] =	wrdreg s2  }
0xa9: {  	[dreg:$0x3] =	wrdreg s4  }
0xaa: {  	[dreg:$0x4] =	wrdreg $0xC0  }
0xab: {  	_ =	task [dreg:s6], $0x5FFFF  }
0xac: {  	[dreg:$0x1] =	wrdreg $0xFFFFFFFF  }
0xad: {  	[dreg:$0x0] =	wrdreg $0x60  }
0xae: {  	[dreg:$0x2] =	wrdreg s24  }
0xaf: {  	[dreg:$0x3] =	wrdreg $0xA8000  }
0xb0: {  	[dreg:$0x4] =	wrdreg $0x9  }
0xb1: {  	_ =	task.clear_ibuf [dreg:s6], $0x5FFFF;
	_ =	strace $0x9000004C  }
0xb2: {  	s29 =	simm.s32 $0x9;
	_ =	strace $0x8000004E  }
0xb3: {  	_ =	swait.ge [sflag:s29], $0x1  }
0xb4: {  	[sflag:s29] =	ssyncadd.s32 $0xFFFFFFFF  }
0xb5: {  	_ =	strace $0x9000004E  }
0xb6: {  	_ =	sfence  }
0xb7: {  	s30 =	sld [smem:$0x0];
	_ =	sdelay $0x2  }
0xb8: {  	s31 =	sshll.u32 s1, $0xD;
	s1 =	sshrl.u32 s1, $0x2  }
0xb9: {  	s3 =	sand.u32 $0x4000, s31;
	s1 =	sadd.s32 s1, s30  }
0xba: {  	s0 =	sor.u32 s3, s0;
	s1 =	sshll.u32 s1, $0x11  }
0xbb: {  	s0 =	sor.u32 s1, s0  }
0xbc: {  	s0 =	sadd.s32 $0x8F2B, s0  }
0xbd: {  	[sflag:s0] =	ssyncadd.remote.s32 $0x1  }
0xbe: {  	_ =	sfence.sel $0xFFFF  }
0xbf: {  	[dreg:$0x0] =	wrdreg $0xFFFFFFFF;
	(pc) =	sbr.abs _section_cstart, $3  }
0xc0: {  	[dreg:$0x1] =	wrdreg $0xFFFFFFFF  }
0xc1: {  	_ =	task.clear_ibuf [dreg:s6], $0x2FFFF;
	_ =	strace $0x9FFFFFFF  }
0xc2: {  	(tm) =	ssettm $0x7FFFFFFF  }
0xc3: {  	_ =	shalt  }
tec
execute0_lowered:
.L_overlay_start_1:
0x0: {  	(tag) =	ssettag $0x1  }
0x1: {  	s13 =	rddreg [dreg:$0x0]  }
0x2: {  	s0 =	srdreg.scid;
	s2 =	rddreg [dreg:$0x1];
	s3 =	simm.s32 $0x0  }
0x3: {  	s16 =	simm.s32 $0x3;
	s17 =	simm.s32 $0x1400;
	s20 =	simm.s32 $0x80  }
0x4: {  	s21 =	simm.s32 $0x2800;
	s22 =	simm.s32 $0x6800;
	s23 =	simm.s32 $0x1  }
0x5: {  	s24 =	simm.s32 $0x2;
	s25 =	simm.s32 $0x2700;
	s26 =	simm.s32 $0x2780  }
0x6: {  	s28 =	simm.s32 $0x0;
	s6 =	sand.u32 $0x1, s0;
	s0 =	stileid.u32  }
0x7: {  	[smem:$0x7FF] =	sst s3;
	s4 =	sadd.s32 $0xAB200, s13;
	s7 =	smul.u32 $0x4F0000, s6  }
0x8: {  	s11 =	sadd.s32 $0xF9400, s13;
	s1 =	sshll.u32 s6, $0x4;
	s8 =	smul.u32 $0x13C00, s0  }
0x9: {  	s6 =	ssub.s32 $0x2, s6;
	s10 =	smul.u32 $0x4F000, s0;
	s18 =	sshll.u32 s0, $0x6  }
0xa: {  	s1 =	sor.u32 s0, s1;
	s31 =	sshrl.u32 s6, $0x1;
	s18 =	sor.u32 $0x1C03, s18  }
0xb: {  	s5 =	smul.u32 $0x280, s1;
	s1 =	rddreg [dreg:$0x2];
	_ =	strace $0x8000004D  }
0xc: {  	s7 =	sadd.s32 s8, s7;
	s15 =	ssub.s32 s6, s31;
	s12 =	sshrl.u32 s10, $0x2  }
0xd: {  	s7 =	sshrl.u32 s7, $0x3;
	s19 =	sadd.s32 s12, s2;
	s9 =	sadd.s32 s5, s13  }
0xe: {  	s5 =	sadd.s32 $0xC600, s13;
	s14 =	sadd.s32 s7, s13;
	s6 =	sadd.s32 $0x2600, s9  }
0xf: {  	s7 =	sadd.s32 $0x7600, s9;
	s8 =	sadd.s32 $0x147600, s14;
	s9 =	sadd.s32 $0xD2300, s13  }
0x10: {  	s15 =	smax.u32 s15, $0x1;
	s10 =	sadd.s32 $0x16EE00, s14;
	s12 =	sadd.s32 $0x196600, s14  }
0x11: {  	s19 =	sshrl.u32 s19, $0x3;
	s13 =	sadd.s32 $0x120500, s13;
	s14 =	sadd.s32 $0x1BDE00, s14  }
.LBB2_1:
0x12: {  	[tilespmem:s3], [sflag:$0x3] =	stream.linear.gather [hbm4b:s6+s3], $0x1400, $0x38;
	[tilespmem:$0x1E400] =	vst v63  }
0x13: {  	_ =	swait.ge [sflag:s16], $0x1400  }
0x14: {  	[sflag:s16] =	ssyncset.done $0x0  }
0x15: {  	[sflag:s16] =	ssyncadd.s32 $0xFFFFEC00  }
0x16: {  	[tilespmem:s17], [sflag:$0x3] =	stream.linear.gather [hbm4b:s7+s3], $0x1400, $0x38;
	[tilespmem:$0x1E400] =	vst v63  }
0x17: {  	_ =	swait.ge [sflag:s16], $0x1400  }
0x18: {  	[sflag:s16] =	ssyncset.done $0x0  }
0x19: {  	[sflag:s16] =	ssyncadd.s32 $0xFFFFEC00  }
0x1a: {  	[spmem:s19], [sflag:s18] =	dma.local [hbm:s5], $0x2780  }
0x1b: {  	_ =	swait.ge [sflag:s16], $0x2780  }
0x1c: {  	[sflag:s16] =	ssyncset.done $0x0  }
0x1d: {  	[sflag:s16] =	ssyncadd.s32 $0xFFFFD880  }
0x1e: {  	[bflag:$0x0] =	sbarrier.arrive $0xFFFF  }
0x1f: {  	[tilespmem:s21], [sflag:$0x1] =	stream.indirect.gather [hbm4b:s4+s20], $0x80, s3, s20, $0xb8;
	[tilespmem:$0x1E400] =	vst v63  }
0x20: {  	_ = 	snop  }
0x21: {  	[tilespmem:s22], [sflag:$0x2] =	stream.indirect.gather [hbm4b:s4+s20], $0x80, s20, s20, $0xb8;
	[tilespmem:$0x1E400] =	vst v63  }
0x22: {  	_ =	swait.ge [sflag:s23], $0x4000  }
0x23: {  	[sflag:s23] =	ssyncset.done $0x0  }
0x24: {  	s29 =	simm.s32 $0x1400;
	[sflag:s23] =	ssyncadd.s32 $0xFFFFC000  }
0x25: {  	[spmem:s2] =	stream.indirect.scatter.add.f32 [tilespmem:s21], [sflag:$0x3], $0x80, s29, s20, $0xb8;
	[tilespmem:$0x1E400] =	vst v63  }
0x26: {  	_ =	swait.ge [sflag:s16], $0x4000  }
0x27: {  	[sflag:s16] =	ssyncset.done $0x0  }
0x28: {  	s29 =	simm.s32 $0x100;
	[sflag:s16] =	ssyncadd.s32 $0xFFFFC000  }
0x29: {  	[tilespmem:s21], [sflag:$0x1] =	stream.indirect.gather [hbm4b:s4+s20], $0x80, s29, s20, $0xb8;
	[tilespmem:$0x1E400] =	vst v63  }
0x2a: {  	_ =	swait.ge [sflag:s24], $0x4000  }
0x2b: {  	[sflag:s24] =	ssyncset.done $0x0  }
0x2c: {  	s29 =	simm.s32 $0x1480;
	[sflag:s24] =	ssyncadd.s32 $0xFFFFC000  }
0x2d: {  	[spmem:s2] =	stream.indirect.scatter.add.f32 [tilespmem:s22], [sflag:$0x3], $0x80, s29, s20, $0xb8;
	[tilespmem:$0x1E400] =	vst v63  }
0x2e: {  	_ =	swait.ge [sflag:s16], $0x4000  }
0x2f: {  	[sflag:s16] =	ssyncset.done $0x0  }
0x30: {  	s30 =	simm.s32 $0x180;
	s29 =	simm.s32 $0x400;
	[sflag:s16] =	ssyncadd.s32 $0xFFFFC000  }
.LBB2_2:
0x31: {  	[tilespmem:s22], [sflag:$0x2] =	stream.indirect.gather [hbm4b:s4+s20], $0x80, s30, s20, $0xb8;
	[tilespmem:$0x1E400] =	vst v63  }
0x32: {  	s30 =	smov.u32 s29  }
0x33: {  	p0 =	sne.s32 s29, $0x4800;
	s29 =	sadd.s32 $0x400, s29;
	_ =	swait.ge [sflag:s23], $0x4000  }
0x34: {  	s30 =	sshra.s32 s30, $0x2;
	[sflag:s23] =	ssyncset.done $0x0  }
0x35: {  	s31 =	sadd.s32 $0x1400, s30;
	[sflag:s23] =	ssyncadd.s32 $0xFFFFC000  }
0x36: {  	[spmem:s2] =	stream.indirect.scatter.add.f32 [tilespmem:s21], [sflag:$0x3], $0x80, s31, s20, $0xb8;
	[tilespmem:$0x1E400] =	vst v63  }
0x37: {  	_ =	swait.ge [sflag:s16], $0x4000  }
0x38: {  	[sflag:s16] =	ssyncset.done $0x0  }
0x39: {  	s31 =	sadd.s32 $0x100, s30;
	[sflag:s16] =	ssyncadd.s32 $0xFFFFC000  }
0x3a: {  	[tilespmem:s21], [sflag:$0x1] =	stream.indirect.gather [hbm4b:s4+s20], $0x80, s31, s20, $0xb8;
	[tilespmem:$0x1E400] =	vst v63  }
0x3b: {  	_ =	swait.ge [sflag:s24], $0x4000  }
0x3c: {  	[sflag:s24] =	ssyncset.done $0x0  }
.Ltmp0:
0x3d: {  	s31 =	sadd.s32 $0x1480, s30;
	[sflag:s24] =	ssyncadd.s32 $0xFFFFC000;
	(pc) =	sbr.rel @p0 .LBB2_2-.Ltmp0, $4  }
0x3e: {  	[spmem:s2] =	stream.indirect.scatter.add.f32 [tilespmem:s22], [sflag:$0x3], $0x80, s31, s20, $0xb8;
	[tilespmem:$0x1E400] =	vst v63  }
0x3f: {  	_ =	swait.ge [sflag:s16], $0x4000  }
0x40: {  	[sflag:s16] =	ssyncset.done $0x0  }
0x41: {  	s30 =	sadd.s32 $0x180, s30;
	[sflag:s16] =	ssyncadd.s32 $0xFFFFC000  }
0x42: {  	[tilespmem:s22], [sflag:$0x2] =	stream.indirect.gather [hbm4b:s4+s20], $0x80, s30, s20, $0xb8;
	[tilespmem:$0x1E400] =	vst v63  }
0x43: {  	_ =	swait.ge [sflag:s23], $0x4000  }
0x44: {  	[sflag:s23] =	ssyncset.done $0x0  }
0x45: {  	[sflag:s23] =	ssyncadd.s32 $0xFFFFC000  }
0x46: {  	[spmem:s2] =	stream.indirect.scatter.add.f32 [tilespmem:s21], [sflag:$0x3], $0x80, s25, s20, $0xb8;
	[tilespmem:$0x1E400] =	vst v63  }
0x47: {  	_ =	swait.ge [sflag:s16], $0x4000  }
0x48: {  	[sflag:s16] =	ssyncset.done $0x0  }
0x49: {  	[sflag:s16] =	ssyncadd.s32 $0xFFFFC000  }
0x4a: {  	_ =	swait.ge [sflag:s24], $0x4000  }
0x4b: {  	[sflag:s24] =	ssyncset.done $0x0  }
0x4c: {  	[sflag:s24] =	ssyncadd.s32 $0xFFFFC000  }
0x4d: {  	[spmem:s2] =	stream.indirect.scatter.add.f32 [tilespmem:s22], [sflag:$0x3], $0x80, s26, s20, $0xb8;
	[tilespmem:$0x1E400] =	vst v63  }
0x4e: {  	_ =	swait.ge [sflag:s16], $0x4000  }
0x4f: {  	[sflag:s16] =	ssyncset.done $0x0  }
0x50: {  	[sflag:s16] =	ssyncadd.s32 $0xFFFFC000  }
0x51: {  	[bflag:$0x0] =	sbarrier.arrive $0xFFFF  }
0x52: {  	[hbm:s8], [sflag:s18] =	dma.local [spmem:s19], $0x2780  }
0x53: {  	_ =	swait.ge [sflag:s16], $0x2780  }
0x54: {  	[sflag:s16] =	ssyncset.done $0x0  }
0x55: {  	[sflag:s16] =	ssyncadd.s32 $0xFFFFD880  }
0x56: {  	[bflag:$0x0] =	sbarrier.arrive $0xFFFF  }
0x57: {  	[spmem:s19], [sflag:s18] =	dma.local [hbm:s5], $0x2780  }
0x58: {  	_ =	swait.ge [sflag:s16], $0x2780  }
0x59: {  	[sflag:s16] =	ssyncset.done $0x0  }
0x5a: {  	[sflag:s16] =	ssyncadd.s32 $0xFFFFD880  }
0x5b: {  	s29 =	simm.s32 $0x0;
	[bflag:$0x0] =	sbarrier.arrive $0xFFFF  }
0x5c: {  	[tilespmem:s21], [sflag:$0x1] =	stream.indirect.gather [hbm4b:s9+s20], $0x80, s29, s20, $0xb8;
	[tilespmem:$0x1E400] =	vst v63  }
0x5d: {  	_ = 	snop  }
0x5e: {  	[tilespmem:s22], [sflag:$0x2] =	stream.indirect.gather [hbm4b:s9+s20], $0x80, s20, s20, $0xb8;
	[tilespmem:$0x1E400] =	vst v63  }
0x5f: {  	_ =	swait.ge [sflag:s23], $0x4000  }
0x60: {  	[sflag:s23] =	ssyncset.done $0x0  }
0x61: {  	s29 =	simm.s32 $0x1400;
	[sflag:s23] =	ssyncadd.s32 $0xFFFFC000  }
0x62: {  	[spmem:s2] =	stream.indirect.scatter.add.f32 [tilespmem:s21], [sflag:$0x3], $0x80, s29, s20, $0xb8;
	[tilespmem:$0x1E400] =	vst v63  }
0x63: {  	_ =	swait.ge [sflag:s16], $0x4000  }
0x64: {  	[sflag:s16] =	ssyncset.done $0x0  }
0x65: {  	s29 =	simm.s32 $0x100;
	[sflag:s16] =	ssyncadd.s32 $0xFFFFC000  }
0x66: {  	[tilespmem:s21], [sflag:$0x1] =	stream.indirect.gather [hbm4b:s9+s20], $0x80, s29, s20, $0xb8;
	[tilespmem:$0x1E400] =	vst v63  }
0x67: {  	_ =	swait.ge [sflag:s24], $0x4000  }
0x68: {  	[sflag:s24] =	ssyncset.done $0x0  }
0x69: {  	s29 =	simm.s32 $0x1480;
	[sflag:s24] =	ssyncadd.s32 $0xFFFFC000  }
0x6a: {  	[spmem:s2] =	stream.indirect.scatter.add.f32 [tilespmem:s22], [sflag:$0x3], $0x80, s29, s20, $0xb8;
	[tilespmem:$0x1E400] =	vst v63  }
0x6b: {  	_ =	swait.ge [sflag:s16], $0x4000  }
0x6c: {  	[sflag:s16] =	ssyncset.done $0x0  }
0x6d: {  	s30 =	simm.s32 $0x180;
	s29 =	simm.s32 $0x400;
	[sflag:s16] =	ssyncadd.s32 $0xFFFFC000  }
.LBB2_4:
0x6e: {  	[tilespmem:s22], [sflag:$0x2] =	stream.indirect.gather [hbm4b:s9+s20], $0x80, s30, s20, $0xb8;
	[tilespmem:$0x1E400] =	vst v63  }
0x6f: {  	s30 =	smov.u32 s29  }
0x70: {  	p0 =	sne.s32 s29, $0x4800;
	s29 =	sadd.s32 $0x400, s29;
	_ =	swait.ge [sflag:s23], $0x4000  }
0x71: {  	s30 =	sshra.s32 s30, $0x2;
	[sflag:s23] =	ssyncset.done $0x0  }
0x72: {  	s31 =	sadd.s32 $0x1400, s30;
	[sflag:s23] =	ssyncadd.s32 $0xFFFFC000  }
0x73: {  	[spmem:s2] =	stream.indirect.scatter.add.f32 [tilespmem:s21], [sflag:$0x3], $0x80, s31, s20, $0xb8;
	[tilespmem:$0x1E400] =	vst v63  }
0x74: {  	_ =	swait.ge [sflag:s16], $0x4000  }
0x75: {  	[sflag:s16] =	ssyncset.done $0x0  }
0x76: {  	s31 =	sadd.s32 $0x100, s30;
	[sflag:s16] =	ssyncadd.s32 $0xFFFFC000  }
0x77: {  	[tilespmem:s21], [sflag:$0x1] =	stream.indirect.gather [hbm4b:s9+s20], $0x80, s31, s20, $0xb8;
	[tilespmem:$0x1E400] =	vst v63  }
0x78: {  	_ =	swait.ge [sflag:s24], $0x4000  }
0x79: {  	[sflag:s24] =	ssyncset.done $0x0  }
.Ltmp1:
0x7a: {  	s31 =	sadd.s32 $0x1480, s30;
	[sflag:s24] =	ssyncadd.s32 $0xFFFFC000;
	(pc) =	sbr.rel @p0 .LBB2_4-.Ltmp1, $4  }
0x7b: {  	[spmem:s2] =	stream.indirect.scatter.add.f32 [tilespmem:s22], [sflag:$0x3], $0x80, s31, s20, $0xb8;
	[tilespmem:$0x1E400] =	vst v63  }
0x7c: {  	_ =	swait.ge [sflag:s16], $0x4000  }
0x7d: {  	[sflag:s16] =	ssyncset.done $0x0  }
0x7e: {  	s30 =	sadd.s32 $0x180, s30;
	[sflag:s16] =	ssyncadd.s32 $0xFFFFC000  }
0x7f: {  	[tilespmem:s22], [sflag:$0x2] =	stream.indirect.gather [hbm4b:s9+s20], $0x80, s30, s20, $0xb8;
	[tilespmem:$0x1E400] =	vst v63  }
0x80: {  	_ =	swait.ge [sflag:s23], $0x4000  }
0x81: {  	[sflag:s23] =	ssyncset.done $0x0  }
0x82: {  	[sflag:s23] =	ssyncadd.s32 $0xFFFFC000  }
0x83: {  	[spmem:s2] =	stream.indirect.scatter.add.f32 [tilespmem:s21], [sflag:$0x3], $0x80, s25, s20, $0xb8;
	[tilespmem:$0x1E400] =	vst v63  }
0x84: {  	_ =	swait.ge [sflag:s16], $0x4000  }
0x85: {  	[sflag:s16] =	ssyncset.done $0x0  }
0x86: {  	[sflag:s16] =	ssyncadd.s32 $0xFFFFC000  }
0x87: {  	_ =	swait.ge [sflag:s24], $0x4000  }
0x88: {  	[sflag:s24] =	ssyncset.done $0x0  }
0x89: {  	[sflag:s24] =	ssyncadd.s32 $0xFFFFC000  }
0x8a: {  	[spmem:s2] =	stream.indirect.scatter.add.f32 [tilespmem:s22], [sflag:$0x3], $0x80, s26, s20, $0xb8;
	[tilespmem:$0x1E400] =	vst v63  }
0x8b: {  	_ =	swait.ge [sflag:s16], $0x4000  }
0x8c: {  	[sflag:s16] =	ssyncset.done $0x0  }
0x8d: {  	[sflag:s16] =	ssyncadd.s32 $0xFFFFC000  }
0x8e: {  	[bflag:$0x0] =	sbarrier.arrive $0xFFFF  }
0x8f: {  	[hbm:s10], [sflag:s18] =	dma.local [spmem:s19], $0x2780  }
0x90: {  	_ =	swait.ge [sflag:s16], $0x2780  }
0x91: {  	[sflag:s16] =	ssyncset.done $0x0  }
0x92: {  	[sflag:s16] =	ssyncadd.s32 $0xFFFFD880  }
0x93: {  	[bflag:$0x0] =	sbarrier.arrive $0xFFFF  }
0x94: {  	[spmem:s19], [sflag:s18] =	dma.local [hbm:s5], $0x2780  }
0x95: {  	_ =	swait.ge [sflag:s16], $0x2780  }
0x96: {  	[sflag:s16] =	ssyncset.done $0x0  }
0x97: {  	[sflag:s16] =	ssyncadd.s32 $0xFFFFD880  }
0x98: {  	s29 =	simm.s32 $0x0;
	[bflag:$0x0] =	sbarrier.arrive $0xFFFF  }
0x99: {  	[tilespmem:s21], [sflag:$0x1] =	stream.indirect.gather [hbm4b:s11+s20], $0x80, s29, s20, $0xb8;
	[tilespmem:$0x1E400] =	vst v63  }
0x9a: {  	_ = 	snop  }
0x9b: {  	[tilespmem:s22], [sflag:$0x2] =	stream.indirect.gather [hbm4b:s11+s20], $0x80, s20, s20, $0xb8;
	[tilespmem:$0x1E400] =	vst v63  }
0x9c: {  	_ =	swait.ge [sflag:s23], $0x4000  }
0x9d: {  	[sflag:s23] =	ssyncset.done $0x0  }
0x9e: {  	s29 =	simm.s32 $0x1400;
	[sflag:s23] =	ssyncadd.s32 $0xFFFFC000  }
0x9f: {  	[spmem:s2] =	stream.indirect.scatter.add.f32 [tilespmem:s21], [sflag:$0x3], $0x80, s29, s20, $0xb8;
	[tilespmem:$0x1E400] =	vst v63  }
0xa0: {  	_ =	swait.ge [sflag:s16], $0x4000  }
0xa1: {  	[sflag:s16] =	ssyncset.done $0x0  }
0xa2: {  	s29 =	simm.s32 $0x100;
	[sflag:s16] =	ssyncadd.s32 $0xFFFFC000  }
0xa3: {  	[tilespmem:s21], [sflag:$0x1] =	stream.indirect.gather [hbm4b:s11+s20], $0x80, s29, s20, $0xb8;
	[tilespmem:$0x1E400] =	vst v63  }
0xa4: {  	_ =	swait.ge [sflag:s24], $0x4000  }
0xa5: {  	[sflag:s24] =	ssyncset.done $0x0  }
0xa6: {  	s29 =	simm.s32 $0x1480;
	[sflag:s24] =	ssyncadd.s32 $0xFFFFC000  }
0xa7: {  	[spmem:s2] =	stream.indirect.scatter.add.f32 [tilespmem:s22], [sflag:$0x3], $0x80, s29, s20, $0xb8;
	[tilespmem:$0x1E400] =	vst v63  }
0xa8: {  	_ =	swait.ge [sflag:s16], $0x4000  }
0xa9: {  	[sflag:s16] =	ssyncset.done $0x0  }
0xaa: {  	s30 =	simm.s32 $0x180;
	s29 =	simm.s32 $0x400;
	[sflag:s16] =	ssyncadd.s32 $0xFFFFC000  }
.LBB2_6:
0xab: {  	[tilespmem:s22], [sflag:$0x2] =	stream.indirect.gather [hbm4b:s11+s20], $0x80, s30, s20, $0xb8;
	[tilespmem:$0x1E400] =	vst v63  }
0xac: {  	s30 =	smov.u32 s29  }
0xad: {  	p0 =	sne.s32 s29, $0x4800;
	s29 =	sadd.s32 $0x400, s29;
	_ =	swait.ge [sflag:s23], $0x4000  }
0xae: {  	s30 =	sshra.s32 s30, $0x2;
	[sflag:s23] =	ssyncset.done $0x0  }
0xaf: {  	s31 =	sadd.s32 $0x1400, s30;
	[sflag:s23] =	ssyncadd.s32 $0xFFFFC000  }
0xb0: {  	[spmem:s2] =	stream.indirect.scatter.add.f32 [tilespmem:s21], [sflag:$0x3], $0x80, s31, s20, $0xb8;
	[tilespmem:$0x1E400] =	vst v63  }
0xb1: {  	_ =	swait.ge [sflag:s16], $0x4000  }
0xb2: {  	[sflag:s16] =	ssyncset.done $0x0  }
0xb3: {  	s31 =	sadd.s32 $0x100, s30;
	[sflag:s16] =	ssyncadd.s32 $0xFFFFC000  }
0xb4: {  	[tilespmem:s21], [sflag:$0x1] =	stream.indirect.gather [hbm4b:s11+s20], $0x80, s31, s20, $0xb8;
	[tilespmem:$0x1E400] =	vst v63  }
0xb5: {  	_ =	swait.ge [sflag:s24], $0x4000  }
0xb6: {  	[sflag:s24] =	ssyncset.done $0x0  }
.Ltmp2:
0xb7: {  	s31 =	sadd.s32 $0x1480, s30;
	[sflag:s24] =	ssyncadd.s32 $0xFFFFC000;
	(pc) =	sbr.rel @p0 .LBB2_6-.Ltmp2, $4  }
0xb8: {  	[spmem:s2] =	stream.indirect.scatter.add.f32 [tilespmem:s22], [sflag:$0x3], $0x80, s31, s20, $0xb8;
	[tilespmem:$0x1E400] =	vst v63  }
0xb9: {  	_ =	swait.ge [sflag:s16], $0x4000  }
0xba: {  	[sflag:s16] =	ssyncset.done $0x0  }
0xbb: {  	s30 =	sadd.s32 $0x180, s30;
	[sflag:s16] =	ssyncadd.s32 $0xFFFFC000  }
0xbc: {  	[tilespmem:s22], [sflag:$0x2] =	stream.indirect.gather [hbm4b:s11+s20], $0x80, s30, s20, $0xb8;
	[tilespmem:$0x1E400] =	vst v63  }
0xbd: {  	_ =	swait.ge [sflag:s23], $0x4000  }
0xbe: {  	[sflag:s23] =	ssyncset.done $0x0  }
0xbf: {  	[sflag:s23] =	ssyncadd.s32 $0xFFFFC000  }
0xc0: {  	[spmem:s2] =	stream.indirect.scatter.add.f32 [tilespmem:s21], [sflag:$0x3], $0x80, s25, s20, $0xb8;
	[tilespmem:$0x1E400] =	vst v63  }
0xc1: {  	_ =	swait.ge [sflag:s16], $0x4000  }
0xc2: {  	[sflag:s16] =	ssyncset.done $0x0  }
0xc3: {  	[sflag:s16] =	ssyncadd.s32 $0xFFFFC000  }
0xc4: {  	_ =	swait.ge [sflag:s24], $0x4000  }
0xc5: {  	[sflag:s24] =	ssyncset.done $0x0  }
0xc6: {  	[sflag:s24] =	ssyncadd.s32 $0xFFFFC000  }
0xc7: {  	[spmem:s2] =	stream.indirect.scatter.add.f32 [tilespmem:s22], [sflag:$0x3], $0x80, s26, s20, $0xb8;
	[tilespmem:$0x1E400] =	vst v63  }
0xc8: {  	_ =	swait.ge [sflag:s16], $0x4000  }
0xc9: {  	[sflag:s16] =	ssyncset.done $0x0  }
0xca: {  	[sflag:s16] =	ssyncadd.s32 $0xFFFFC000  }
0xcb: {  	[bflag:$0x0] =	sbarrier.arrive $0xFFFF  }
0xcc: {  	[hbm:s12], [sflag:s18] =	dma.local [spmem:s19], $0x2780  }
0xcd: {  	_ =	swait.ge [sflag:s16], $0x2780  }
0xce: {  	[sflag:s16] =	ssyncset.done $0x0  }
0xcf: {  	[sflag:s16] =	ssyncadd.s32 $0xFFFFD880  }
0xd0: {  	[bflag:$0x0] =	sbarrier.arrive $0xFFFF  }
0xd1: {  	[spmem:s19], [sflag:s18] =	dma.local [hbm:s5], $0x2780  }
0xd2: {  	_ =	swait.ge [sflag:s16], $0x2780  }
0xd3: {  	[sflag:s16] =	ssyncset.done $0x0  }
0xd4: {  	[sflag:s16] =	ssyncadd.s32 $0xFFFFD880  }
0xd5: {  	s29 =	simm.s32 $0x0;
	[bflag:$0x0] =	sbarrier.arrive $0xFFFF  }
0xd6: {  	[tilespmem:s21], [sflag:$0x1] =	stream.indirect.gather [hbm4b:s13+s20], $0x80, s29, s20, $0xb8;
	[tilespmem:$0x1E400] =	vst v63  }
0xd7: {  	_ = 	snop  }
0xd8: {  	[tilespmem:s22], [sflag:$0x2] =	stream.indirect.gather [hbm4b:s13+s20], $0x80, s20, s20, $0xb8;
	[tilespmem:$0x1E400] =	vst v63  }
0xd9: {  	_ =	swait.ge [sflag:s23], $0x4000  }
0xda: {  	[sflag:s23] =	ssyncset.done $0x0  }
0xdb: {  	s29 =	simm.s32 $0x1400;
	[sflag:s23] =	ssyncadd.s32 $0xFFFFC000  }
0xdc: {  	[spmem:s2] =	stream.indirect.scatter.add.f32 [tilespmem:s21], [sflag:$0x3], $0x80, s29, s20, $0xb8;
	[tilespmem:$0x1E400] =	vst v63  }
0xdd: {  	_ =	swait.ge [sflag:s16], $0x4000  }
0xde: {  	[sflag:s16] =	ssyncset.done $0x0  }
0xdf: {  	s29 =	simm.s32 $0x100;
	[sflag:s16] =	ssyncadd.s32 $0xFFFFC000  }
0xe0: {  	[tilespmem:s21], [sflag:$0x1] =	stream.indirect.gather [hbm4b:s13+s20], $0x80, s29, s20, $0xb8;
	[tilespmem:$0x1E400] =	vst v63  }
0xe1: {  	_ =	swait.ge [sflag:s24], $0x4000  }
0xe2: {  	[sflag:s24] =	ssyncset.done $0x0  }
0xe3: {  	s29 =	simm.s32 $0x1480;
	[sflag:s24] =	ssyncadd.s32 $0xFFFFC000  }
0xe4: {  	[spmem:s2] =	stream.indirect.scatter.add.f32 [tilespmem:s22], [sflag:$0x3], $0x80, s29, s20, $0xb8;
	[tilespmem:$0x1E400] =	vst v63  }
0xe5: {  	_ =	swait.ge [sflag:s16], $0x4000  }
0xe6: {  	[sflag:s16] =	ssyncset.done $0x0  }
0xe7: {  	s30 =	simm.s32 $0x180;
	s29 =	simm.s32 $0x400;
	[sflag:s16] =	ssyncadd.s32 $0xFFFFC000  }
.LBB2_8:
0xe8: {  	[tilespmem:s22], [sflag:$0x2] =	stream.indirect.gather [hbm4b:s13+s20], $0x80, s30, s20, $0xb8;
	[tilespmem:$0x1E400] =	vst v63  }
0xe9: {  	s30 =	smov.u32 s29  }
0xea: {  	p0 =	sne.s32 s29, $0x4800;
	s29 =	sadd.s32 $0x400, s29;
	_ =	swait.ge [sflag:s23], $0x4000  }
0xeb: {  	s30 =	sshra.s32 s30, $0x2;
	[sflag:s23] =	ssyncset.done $0x0  }
0xec: {  	s31 =	sadd.s32 $0x1400, s30;
	[sflag:s23] =	ssyncadd.s32 $0xFFFFC000  }
0xed: {  	[spmem:s2] =	stream.indirect.scatter.add.f32 [tilespmem:s21], [sflag:$0x3], $0x80, s31, s20, $0xb8;
	[tilespmem:$0x1E400] =	vst v63  }
0xee: {  	_ =	swait.ge [sflag:s16], $0x4000  }
0xef: {  	[sflag:s16] =	ssyncset.done $0x0  }
0xf0: {  	s31 =	sadd.s32 $0x100, s30;
	[sflag:s16] =	ssyncadd.s32 $0xFFFFC000  }
0xf1: {  	[tilespmem:s21], [sflag:$0x1] =	stream.indirect.gather [hbm4b:s13+s20], $0x80, s31, s20, $0xb8;
	[tilespmem:$0x1E400] =	vst v63  }
0xf2: {  	_ =	swait.ge [sflag:s24], $0x4000  }
0xf3: {  	[sflag:s24] =	ssyncset.done $0x0  }
.Ltmp3:
0xf4: {  	s31 =	sadd.s32 $0x1480, s30;
	[sflag:s24] =	ssyncadd.s32 $0xFFFFC000;
	(pc) =	sbr.rel @p0 .LBB2_8-.Ltmp3, $4  }
0xf5: {  	[spmem:s2] =	stream.indirect.scatter.add.f32 [tilespmem:s22], [sflag:$0x3], $0x80, s31, s20, $0xb8;
	[tilespmem:$0x1E400] =	vst v63  }
0xf6: {  	_ =	swait.ge [sflag:s16], $0x4000  }
0xf7: {  	[sflag:s16] =	ssyncset.done $0x0  }
0xf8: {  	s30 =	sadd.s32 $0x180, s30;
	[sflag:s16] =	ssyncadd.s32 $0xFFFFC000  }
0xf9: {  	[tilespmem:s22], [sflag:$0x2] =	stream.indirect.gather [hbm4b:s13+s20], $0x80, s30, s20, $0xb8;
	[tilespmem:$0x1E400] =	vst v63  }
0xfa: {  	_ =	swait.ge [sflag:s23], $0x4000  }
0xfb: {  	[sflag:s23] =	ssyncset.done $0x0  }
0xfc: {  	[sflag:s23] =	ssyncadd.s32 $0xFFFFC000  }
0xfd: {  	[spmem:s2] =	stream.indirect.scatter.add.f32 [tilespmem:s21], [sflag:$0x3], $0x80, s25, s20, $0xb8;
	[tilespmem:$0x1E400] =	vst v63  }
0xfe: {  	_ =	swait.ge [sflag:s16], $0x4000  }
0xff: {  	[sflag:s16] =	ssyncset.done $0x0  }
0x100: {  	[sflag:s16] =	ssyncadd.s32 $0xFFFFC000  }
0x101: {  	_ =	swait.ge [sflag:s24], $0x4000  }
0x102: {  	[sflag:s24] =	ssyncset.done $0x0  }
0x103: {  	[sflag:s24] =	ssyncadd.s32 $0xFFFFC000  }
0x104: {  	[spmem:s2] =	stream.indirect.scatter.add.f32 [tilespmem:s22], [sflag:$0x3], $0x80, s26, s20, $0xb8;
	[tilespmem:$0x1E400] =	vst v63  }
0x105: {  	_ =	swait.ge [sflag:s16], $0x4000  }
0x106: {  	s28 =	sadd.s32 $0x1, s28;
	[sflag:s16] =	ssyncset.done $0x0  }
0x107: {  	p0 =	sne.s32 s28, s15;
	[sflag:s16] =	ssyncadd.s32 $0xFFFFC000  }
.Ltmp4:
0x108: {  	[bflag:$0x0] =	sbarrier.arrive $0xFFFF;
	(pc) =	sbr.rel @p0 .LBB2_1-.Ltmp4, $4  }
0x109: {  	[hbm:s14], [sflag:s18] =	dma.local [spmem:s19], $0x2780  }
0x10a: {  	_ =	swait.ge [sflag:s16], $0x2780  }
0x10b: {  	[sflag:s16] =	ssyncset.done $0x0  }
0x10c: {  	[sflag:s16] =	ssyncadd.s32 $0xFFFFD880  }
0x10d: {  	_ =	sfence.sel $0x180000  }
0x10e: {  	[bflag:$0x0] =	sbarrier.arrive $0xFFFF  }
0x10f: {  	p0 =	sne.s32 s0, $0x0;
	_ =	strace $0x9000004D  }
0x110: {  	s0 =	sadd.s32 @!p0 $0x100000, s1;
	[bflag:$0x2] =	sbarrier.arrive $0xFFFF  }
0x111: {  	[sflag:s0] =	ssyncadd.tile.s32 @!p0 $0x1;
	_ =	shalt  }
.Lfunc_end2:
_tile_overlayer_lowered:
.L_overlay_start_2:
0x112: {  	(tag) =	ssettag $0x2  }
0x113: {  	s0 =	rddreg [dreg:$0x0];
	s2 =	stileid.u32  }
0x114: {  	s1 =	rddreg [dreg:$0x1];
	p0 =	sne.s32 s2, $0x0  }
0x115: {  	s3 =	rddreg [dreg:$0x2];
	[bflag:$0x3] =	sbarrier.arrive $0xFFFF;
	s2 =	simm.s32 @!p0 $0x1C03  }
0x116: {  	[timem:s3], [sflag:s2] =	dma.local @!p0 [hbm:s0], s1  }
0x117: {  	s0 =	simm.s32 @!p0 $0x3  }
0x118: {  	_ =	swait.ge @!p0 [sflag:s0], s1  }
0x119: {  	s1 =	ssub.s32 @!p0 $0x0, s1;
	[sflag:s0] =	ssyncset.done @!p0 $0x0  }
0x11a: {  	[sflag:s0] =	ssyncadd.s32 @!p0 s1  }
0x11b: {  	[bflag:$0x3] =	sbarrier.arrive $0xFFFF  }
0x11c: {  	_ =	shalt  }

// kernel: kernel.24.cloned.1.call-start
scs
__scs_entry_jumppad:
0x0: {  	(pc) =	sbr.rel $0x88, $3  }
0x1: {  	(tag) =	ssettag $0x0;
	lr =	simm.s32 $0x1  }
0x2: {  	[smem:$0x3F93] =	sst lr;
	_ =	strace $0xD0000000  }
0x3: {  	_ = 	snop  }
0x4: {  	_ = 	snop  }
0x5: {  	_ = 	snop  }
0x6: {  	_ = 	snop  }
0x7: {  	_ = 	snop  }
__scs_overlays_trampoline_lowered:
0x8: {  	[smem:$0x3FA2] =	sst s0  }
0x9: {  	[smem:$0x3FA3] =	sst s1  }
0xa: {  	[smem:$0x3FA4] =	sst s2  }
0xb: {  	[smem:$0x3FA5] =	sst s3  }
0xc: {  	[smem:$0x3FA6] =	sst s4  }
0xd: {  	[smem:$0x3FA7] =	sst s5  }
0xe: {  	[smem:$0x3FA8] =	sst s6  }
0xf: {  	[smem:$0x3FA9] =	sst s7  }
0x10: {  	[smem:$0x3FAA] =	sst s8  }
0x11: {  	[smem:$0x3FAB] =	sst s9;
	s0 =	simm.s32 @!p0 $0x0  }
0x12: {  	s1 =	sld [smem:$0x3F91];
	s0 =	simm.s32 @p0 $0x1  }
0x13: {  	[smem:$0x3FAC] =	sst s0;
	s0 =	simm.s32 @!p1 $0x0  }
0x14: {  	s2 =	sld [smem:$0x3F90];
	s0 =	simm.s32 @p1 $0x1  }
0x15: {  	[smem:$0x3FAD] =	sst s0;
	s0 =	simm.s32 @!p2 $0x0  }
0x16: {  	s3 =	sld [smem:$0x3FDB];
	s0 =	simm.s32 @p2 $0x1  }
0x17: {  	s4 =	simm.s32 $0x1BF5;
	[smem:$0x3FAF] =	sst s0  }
0x18: {  	s0 =	sld [smem:$0x3F92];
	_ =	swait.ge [sflag:s4], $0x0  }
0x19: {  	s7 =	sld [smem:$0x3F93]  }
0x1a: {  	s8 =	sadd.s32 $0xFFFFE003, lr  }
0x1b: {  	s9 =	sadd.s32 $0xFFFFFEF7, lr;
	s5 =	simm.s32 $0xFFFFFFFF;
	p2 =	slt.u32 s8, $0xFFFFF086  }
0x1c: {  	p1 =	slt.u32 s9, $0xF7A;
	s5 =	simm.s32 @!p2 $0x0  }
0x1d: {  	s5 =	simm.s32 @p1 $0x1;
	p0 =	seq.s32 s7, s2  }
0x1e: {  	s7 =	smul.u32 @!p0 $0xF7A, s2;
	p2 =	seq.s32 @!p0 s5, $0x0  }
0x1f: {  	s9 =	smul.u32 $0xF7A, s1;
	s8 =	simm.s32 @!p0 $0x1BF5;
	p2 =	por !p2, p0  }
0x20: {  	[sflag:s8] =	ssyncset.s32 @!p0 $0xFFFFF086;
	s6 =	sadd.s32 @!p0 s3, s7;
	s7 =	simm.s32 @!p0 $0x108  }
0x21: {  	s3 =	sadd.s32 s3, s9;
	s6 =	sadd.s32 @!p0 $0x88, s6;
	s7 =	simm.s32 @p2 $0x1082  }
0x22: {  	[simem:s7], [sflag:s8] =	dma.local @!p0 [hbm:s6], $0xF7A  }
0x23: {  	s9 =	sor.u32 $0xD0000000, s2;
	s6 =	simm.s32 $0x108;
	_ =	swait.ge @!p0 [sflag:s8], $0x0  }
0x24: {  	s3 =	sadd.s32 $0x88, s3;
	s6 =	simm.s32 @!p1 $0x1082;
	[sflag:s4] =	ssyncset.s32 $0xFFFFF086  }
0x25: {  	[simem:s6], [sflag:s4] =	dma.local [hbm:s3], $0xF7A  }
0x26: {  	[smem:$0x3F93] =	sst s1;
	(tag) =	ssettag s2;
	_ =	strace s9  }
0x27: {  	s1 =	sld [smem:$0x3FA3]  }
0x28: {  	s2 =	sld [smem:$0x3FA4]  }
0x29: {  	s4 =	sld [smem:$0x3FA6]  }
0x2a: {  	p0 =	seq.s32 s5, $0x0;
	s5 =	sld [smem:$0x3FA7]  }
0x2b: {  	s6 =	sld [smem:$0x3FA8]  }
0x2c: {  	s7 =	sld [smem:$0x3FA9]  }
0x2d: {  	s3 =	simm.s32 $0x108;
	s8 =	sld [smem:$0x3FAA]  }
0x2e: {  	s3 =	simm.s32 @!p0 $0x1082;
	s9 =	sld [smem:$0x3FAB]  }
0x2f: {  	lr =	sadd.s32 s0, s3;
	s0 =	sld [smem:$0x3FA2]  }
0x30: {  	s3 =	sld [smem:$0x3FA5]  }
0x31: {  	[smem:$0x3FAE] =	sst s10  }
0x32: {  	s10 =	sld [smem:$0x3FAC];
	_ =	sdelay $0x3  }
0x33: {  	p0 =	seq.s32 s10, $0x1;
	s10 =	sld [smem:$0x3FAE];
	_ =	sdelay $0x3  }
0x34: {  	[smem:$0x3FAE] =	sst s10  }
0x35: {  	s10 =	sld [smem:$0x3FAD];
	_ =	sdelay $0x3  }
0x36: {  	p1 =	seq.s32 s10, $0x1;
	s10 =	sld [smem:$0x3FAE];
	_ =	sdelay $0x3  }
0x37: {  	[smem:$0x3FAE] =	sst s10  }
0x38: {  	s10 =	sld [smem:$0x3FAF]  }
0x39: {  	_ = 	snop;
	(pc) =	sbr.ind lr, $3  }
0x3a: {  	_ = 	snop  }
0x3b: {  	_ = 	snop  }
0x3c: {  	p2 =	seq.s32 s10, $0x1;
	s10 =	sld [smem:$0x3FAE]  }
0x3d: {  	_ =	shalt  }
0x3e: {  	_ =	shalt  }
0x3f: {  	_ =	shalt  }
0x40: {  	_ =	shalt  }
0x41: {  	_ =	shalt  }
0x42: {  	_ =	shalt  }
0x43: {  	_ =	shalt  }
0x44: {  	_ =	shalt  }
0x45: {  	_ =	shalt  }
0x46: {  	_ =	shalt  }
0x47: {  	_ =	shalt  }
0x48: {  	_ =	shalt  }
0x49: {  	_ =	shalt  }
0x4a: {  	_ =	shalt  }
0x4b: {  	_ =	shalt  }
0x4c: {  	_ =	shalt  }
0x4d: {  	_ =	shalt  }
0x4e: {  	_ =	shalt  }
0x4f: {  	_ =	shalt  }
0x50: {  	_ =	shalt  }
0x51: {  	_ =	shalt  }
0x52: {  	_ =	shalt  }
0x53: {  	_ =	shalt  }
0x54: {  	_ =	shalt  }
0x55: {  	_ =	shalt  }
0x56: {  	_ =	shalt  }
0x57: {  	_ =	shalt  }
0x58: {  	_ =	shalt  }
0x59: {  	_ =	shalt  }
0x5a: {  	_ =	shalt  }
0x5b: {  	_ =	shalt  }
0x5c: {  	_ =	shalt  }
0x5d: {  	_ =	shalt  }
0x5e: {  	_ =	shalt  }
0x5f: {  	_ =	shalt  }
0x60: {  	_ =	shalt  }
0x61: {  	_ =	shalt  }
0x62: {  	_ =	shalt  }
0x63: {  	_ =	shalt  }
0x64: {  	_ =	shalt  }
0x65: {  	_ =	shalt  }
0x66: {  	_ =	shalt  }
0x67: {  	_ =	shalt  }
0x68: {  	_ =	shalt  }
0x69: {  	_ =	shalt  }
0x6a: {  	_ =	shalt  }
0x6b: {  	_ =	shalt  }
0x6c: {  	_ =	shalt  }
0x6d: {  	_ =	shalt  }
0x6e: {  	_ =	shalt  }
0x6f: {  	_ =	shalt  }
0x70: {  	_ =	shalt  }
0x71: {  	_ =	shalt  }
0x72: {  	_ =	shalt  }
0x73: {  	_ =	shalt  }
0x74: {  	_ =	shalt  }
0x75: {  	_ =	shalt  }
0x76: {  	_ =	shalt  }
0x77: {  	_ =	shalt  }
0x78: {  	_ =	shalt  }
0x79: {  	_ =	shalt  }
0x7a: {  	_ =	shalt  }
0x7b: {  	_ =	shalt  }
0x7c: {  	_ =	shalt  }
0x7d: {  	_ =	shalt  }
0x7e: {  	_ =	shalt  }
0x7f: {  	_ =	shalt  }
0x80: {  	_ =	shalt  }
0x81: {  	_ =	shalt  }
0x82: {  	_ =	shalt  }
0x83: {  	_ =	shalt  }
0x84: {  	_ =	shalt  }
0x85: {  	_ =	shalt  }
0x86: {  	_ =	shalt  }
0x87: {  	_ =	shalt  }
.Lfunc_end0:
.L_simem_size_0:
called_computation.3_lowered:
.L_overlay_start_0:
0x88: {  	s2 =	sld [smem:$0x3FD9]  }
0x89: {  	s3 =	sld [smem:$0x3FFE];
	_ =	sdelay $0x1  }
0x8a: {  	s1 =	srdreg.scid  }
0x8b: {  	s0 =	sand.u32 $0x1, s1  }
0x8c: {  	s16 =	sshll.u32 s0, $0xA;
	s2 =	sadd.s32 s3, s2  }
0x8d: {  	s2 =	sadd.s32 s2, s16  }
0x8e: {  	[smem:$0x3FBA] =	sst s2  }
0x8f: {  	_ = 	snop  }
0x90: {  	(tm) =	ssettm $0x1  }
0x91: {  	s17 =	sld [smem:$0x3FFB];
	_ =	sdelay $0x3  }
0x92: {  	_ =	strace s17  }
0x93: {  	s2 =	sld [smem:$0x3FFC];
	_ =	sdelay $0x3  }
0x94: {  	_ =	strace s2  }
0x95: {  	s2 =	sld [smem:$0x3FFD];
	_ =	sdelay $0x3  }
0x96: {  	_ =	strace s2  }
0x97: {  	_ =	strace $0x8FFFFFFF  }
0x98: {  	s18 =	sld [smem:$0x3FDB];
	_ =	sdelay $0x1  }
0x99: {  	s19 =	simm.s32 $_scs_section_size  }
0x9a: {  	s4 =	simm.s32 $_size__tile_overlayer_lowered;
	s5 =	simm.s32 $_tile_overlayer_lowered  }
0x9b: {  	s22 =	simm.s32 $0x1BFF;
	s21 =	sshll.u32 s5, $0x1;
	s2 =	sadd.s32 s19, s18  }
0x9c: {  	s6 =	simm.s32 $0x0;
	s20 =	sshll.u32 s4, $0x1;
	s4 =	sadd.s32 s21, s2  }
0x9d: {  	[timem:s6], [sflag:s22] =	dma.local [hbm:s4], s20  }
0x9e: {  	_ =	swait.ge [sflag:s22], s20  }
0x9f: {  	s3 =	ssub.s32 $0x0, s20;
	[sflag:s22] =	ssyncset.done $0x0  }
0xa0: {  	[sflag:s22] =	ssyncadd.s32 s3;
	_ =	sdelay $0x1  }
0xa1: {  	s23 =	simm.s32 $0x1B8B  }
0xa2: {  	_ =	swait.ge [sflag:s23], $0x1  }
0xa3: {  	[sflag:s23] =	ssyncset.done $0x0  }
0xa4: {  	s25 =	simm.s32 $0x1B8E;
	s24 =	sld [smem:$0x3FFE];
	[sflag:s23] =	ssyncadd.s32 $0xFFFFFFFF  }
0xa5: {  	s26 =	simm.s32 $execute0_lowered;
	[smem:$0x3FD2] =	sst s25  }
0xa6: {  	s4 =	sshll.u32 s26, $0x1;
	_ =	strace $0x8000004F;
	[dreg:$0x1] =	wrdreg $0xFFFFFFFF  }
0xa7: {  	s28 =	simm.s32 $_size_execute0_lowered;
	s2 =	sadd.s32 s2, s4;
	[dreg:$0x0] =	wrdreg $0x0  }
0xa8: {  	s4 =	sshll.u32 s28, $0x1;
	[dreg:$0x2] =	wrdreg s2  }
0xa9: {  	[dreg:$0x3] =	wrdreg s4  }
0xaa: {  	[dreg:$0x4] =	wrdreg $0xC0  }
0xab: {  	_ =	task [dreg:s6], $0x5FFFF  }
0xac: {  	[dreg:$0x1] =	wrdreg $0xFFFFFFFF  }
0xad: {  	[dreg:$0x0] =	wrdreg $0x60  }
0xae: {  	[dreg:$0x2] =	wrdreg s24  }
0xaf: {  	[dreg:$0x3] =	wrdreg $0xA8000  }
0xb0: {  	[dreg:$0x4] =	wrdreg $0x9  }
0xb1: {  	_ =	task.clear_ibuf [dreg:s6], $0x5FFFF;
	_ =	strace $0x9000004F  }
0xb2: {  	s29 =	simm.s32 $0x9;
	_ =	strace $0x80000051  }
0xb3: {  	_ =	swait.ge [sflag:s29], $0x1  }
0xb4: {  	[sflag:s29] =	ssyncadd.s32 $0xFFFFFFFF  }
0xb5: {  	_ =	strace $0x90000051  }
0xb6: {  	_ =	sfence  }
0xb7: {  	s30 =	sld [smem:$0x0];
	_ =	sdelay $0x2  }
0xb8: {  	s31 =	sshll.u32 s1, $0xD;
	s1 =	sshrl.u32 s1, $0x2  }
0xb9: {  	s3 =	sand.u32 $0x4000, s31;
	s1 =	sadd.s32 s1, s30  }
0xba: {  	s0 =	sor.u32 s3, s0;
	s1 =	sshll.u32 s1, $0x11  }
0xbb: {  	s0 =	sor.u32 s1, s0  }
0xbc: {  	s0 =	sadd.s32 $0x8F2B, s0  }
0xbd: {  	[sflag:s0] =	ssyncadd.remote.s32 $0x1  }
0xbe: {  	_ =	sfence.sel $0xFFFF  }
0xbf: {  	[dreg:$0x0] =	wrdreg $0xFFFFFFFF;
	(pc) =	sbr.abs _section_cstart, $3  }
0xc0: {  	[dreg:$0x1] =	wrdreg $0xFFFFFFFF  }
0xc1: {  	_ =	task.clear_ibuf [dreg:s6], $0x2FFFF;
	_ =	strace $0x9FFFFFFF  }
0xc2: {  	(tm) =	ssettm $0x7FFFFFFF  }
0xc3: {  	_ =	shalt  }
tec
execute0_lowered:
.L_overlay_start_1:
0x0: {  	(tag) =	ssettag $0x1  }
0x1: {  	s6 =	rddreg [dreg:$0x0]  }
0x2: {  	s0 =	srdreg.scid;
	s2 =	rddreg [dreg:$0x1];
	s3 =	simm.s32 $0x0  }
0x3: {  	s14 =	simm.s32 $0x80;
	s15 =	simm.s32 $0x2800;
	s16 =	simm.s32 $0x6800  }
0x4: {  	s17 =	simm.s32 $0x1;
	s18 =	simm.s32 $0x2;
	s19 =	simm.s32 $0x2700  }
0x5: {  	s20 =	simm.s32 $0x2780;
	s5 =	sand.u32 $0x1, s0;
	s0 =	stileid.u32  }
0x6: {  	s21 =	simm.s32 $0x0;
	[smem:$0x7FF] =	sst s3;
	s8 =	smul.u32 $0x13C000, s5  }
0x7: {  	s4 =	sadd.s32 $0xEE00, s6;
	s1 =	sshll.u32 s5, $0x4;
	s9 =	smul.u32 $0x13C00, s0  }
0x8: {  	s31 =	ssub.s32 $0x2, s5;
	s10 =	smul.u32 $0x4F000, s0;
	s5 =	sadd.s32 $0xC600, s6  }
0x9: {  	s12 =	sshll.u32 s0, $0x6;
	s1 =	sor.u32 s0, s1;
	s11 =	sshrl.u32 s31, $0x1  }
0xa: {  	s12 =	sor.u32 $0x1C03, s12;
	s7 =	smul.u32 $0x280, s1;
	s1 =	rddreg [dreg:$0x2]  }
0xb: {  	_ =	strace $0x80000050;
	s8 =	sadd.s32 s9, s8;
	s9 =	ssub.s32 s31, s11  }
0xc: {  	s10 =	sshrl.u32 s10, $0x2;
	s11 =	simm.s32 $0x1400;
	s8 =	sshrl.u32 s8, $0x3  }
0xd: {  	s13 =	sadd.s32 s10, s2;
	s9 =	smax.u32 s9, $0x1;
	s10 =	simm.s32 $0x3  }
0xe: {  	s7 =	sadd.s32 s7, s6;
	s8 =	sadd.s32 s8, s6;
	s13 =	sshrl.u32 s13, $0x3  }
0xf: {  	s6 =	sadd.s32 $0x2600, s7;
	s7 =	sadd.s32 $0x7600, s7;
	s8 =	sadd.s32 $0x36000, s8  }
.LBB2_1:
0x10: {  	[tilespmem:s3], [sflag:$0x3] =	stream.linear.gather [hbm4b:s6+s3], $0x1400, $0x38;
	[tilespmem:$0x1E400] =	vst v63  }
0x11: {  	_ =	swait.ge [sflag:s10], $0x1400  }
0x12: {  	[sflag:s10] =	ssyncset.done $0x0  }
0x13: {  	[sflag:s10] =	ssyncadd.s32 $0xFFFFEC00  }
0x14: {  	[tilespmem:s11], [sflag:$0x3] =	stream.linear.gather [hbm4b:s7+s3], $0x1400, $0x38;
	[tilespmem:$0x1E400] =	vst v63  }
0x15: {  	_ =	swait.ge [sflag:s10], $0x1400  }
0x16: {  	[sflag:s10] =	ssyncset.done $0x0  }
0x17: {  	[sflag:s10] =	ssyncadd.s32 $0xFFFFEC00  }
0x18: {  	[spmem:s13], [sflag:s12] =	dma.local [hbm:s5], $0x2780  }
0x19: {  	_ =	swait.ge [sflag:s10], $0x2780  }
0x1a: {  	[sflag:s10] =	ssyncset.done $0x0  }
0x1b: {  	[sflag:s10] =	ssyncadd.s32 $0xFFFFD880  }
0x1c: {  	[bflag:$0x0] =	sbarrier.arrive $0xFFFF  }
0x1d: {  	[tilespmem:s15], [sflag:$0x1] =	stream.indirect.gather [hbm4b:s4+s14], $0x80, s3, s14, $0xb8;
	[tilespmem:$0x1E400] =	vst v63  }
0x1e: {  	_ = 	snop  }
0x1f: {  	[tilespmem:s16], [sflag:$0x2] =	stream.indirect.gather [hbm4b:s4+s14], $0x80, s14, s14, $0xb8;
	[tilespmem:$0x1E400] =	vst v63  }
0x20: {  	_ =	swait.ge [sflag:s17], $0x4000  }
0x21: {  	[sflag:s17] =	ssyncset.done $0x0  }
0x22: {  	s22 =	simm.s32 $0x1400;
	[sflag:s17] =	ssyncadd.s32 $0xFFFFC000  }
0x23: {  	[spmem:s2] =	stream.indirect.scatter.add.f32 [tilespmem:s15], [sflag:$0x3], $0x80, s22, s14, $0xb8;
	[tilespmem:$0x1E400] =	vst v63  }
0x24: {  	_ =	swait.ge [sflag:s10], $0x4000  }
0x25: {  	[sflag:s10] =	ssyncset.done $0x0  }
0x26: {  	s30 =	simm.s32 $0x100;
	[sflag:s10] =	ssyncadd.s32 $0xFFFFC000  }
0x27: {  	[tilespmem:s15], [sflag:$0x1] =	stream.indirect.gather [hbm4b:s4+s14], $0x80, s30, s14, $0xb8;
	[tilespmem:$0x1E400] =	vst v63  }
0x28: {  	_ =	swait.ge [sflag:s18], $0x4000  }
0x29: {  	[sflag:s18] =	ssyncset.done $0x0  }
0x2a: {  	s31 =	simm.s32 $0x1480;
	[sflag:s18] =	ssyncadd.s32 $0xFFFFC000  }
0x2b: {  	[spmem:s2] =	stream.indirect.scatter.add.f32 [tilespmem:s16], [sflag:$0x3], $0x80, s31, s14, $0xb8;
	[tilespmem:$0x1E400] =	vst v63  }
0x2c: {  	_ =	swait.ge [sflag:s10], $0x4000  }
0x2d: {  	[sflag:s10] =	ssyncset.done $0x0  }
0x2e: {  	s23 =	simm.s32 $0x180;
	s22 =	simm.s32 $0x400;
	[sflag:s10] =	ssyncadd.s32 $0xFFFFC000  }
.LBB2_2:
0x2f: {  	[tilespmem:s16], [sflag:$0x2] =	stream.indirect.gather [hbm4b:s4+s14], $0x80, s23, s14, $0xb8;
	[tilespmem:$0x1E400] =	vst v63  }
0x30: {  	s23 =	smov.u32 s22  }
0x31: {  	p0 =	sne.s32 s22, $0x4800;
	s22 =	sadd.s32 $0x400, s22;
	_ =	swait.ge [sflag:s17], $0x4000  }
0x32: {  	s23 =	sshra.s32 s23, $0x2;
	[sflag:s17] =	ssyncset.done $0x0  }
0x33: {  	s24 =	sadd.s32 $0x1400, s23;
	[sflag:s17] =	ssyncadd.s32 $0xFFFFC000  }
0x34: {  	[spmem:s2] =	stream.indirect.scatter.add.f32 [tilespmem:s15], [sflag:$0x3], $0x80, s24, s14, $0xb8;
	[tilespmem:$0x1E400] =	vst v63  }
0x35: {  	_ =	swait.ge [sflag:s10], $0x4000  }
0x36: {  	[sflag:s10] =	ssyncset.done $0x0  }
0x37: {  	s24 =	sadd.s32 $0x100, s23;
	[sflag:s10] =	ssyncadd.s32 $0xFFFFC000  }
0x38: {  	[tilespmem:s15], [sflag:$0x1] =	stream.indirect.gather [hbm4b:s4+s14], $0x80, s24, s14, $0xb8;
	[tilespmem:$0x1E400] =	vst v63  }
0x39: {  	_ =	swait.ge [sflag:s18], $0x4000  }
0x3a: {  	[sflag:s18] =	ssyncset.done $0x0  }
.Ltmp0:
0x3b: {  	s24 =	sadd.s32 $0x1480, s23;
	[sflag:s18] =	ssyncadd.s32 $0xFFFFC000;
	(pc) =	sbr.rel @p0 .LBB2_2-.Ltmp0, $4  }
0x3c: {  	[spmem:s2] =	stream.indirect.scatter.add.f32 [tilespmem:s16], [sflag:$0x3], $0x80, s24, s14, $0xb8;
	[tilespmem:$0x1E400] =	vst v63  }
0x3d: {  	_ =	swait.ge [sflag:s10], $0x4000  }
0x3e: {  	[sflag:s10] =	ssyncset.done $0x0  }
0x3f: {  	s23 =	sadd.s32 $0x180, s23;
	[sflag:s10] =	ssyncadd.s32 $0xFFFFC000  }
0x40: {  	[tilespmem:s16], [sflag:$0x2] =	stream.indirect.gather [hbm4b:s4+s14], $0x80, s23, s14, $0xb8;
	[tilespmem:$0x1E400] =	vst v63  }
0x41: {  	_ =	swait.ge [sflag:s17], $0x4000  }
0x42: {  	[sflag:s17] =	ssyncset.done $0x0  }
0x43: {  	[sflag:s17] =	ssyncadd.s32 $0xFFFFC000  }
0x44: {  	[spmem:s2] =	stream.indirect.scatter.add.f32 [tilespmem:s15], [sflag:$0x3], $0x80, s19, s14, $0xb8;
	[tilespmem:$0x1E400] =	vst v63  }
0x45: {  	_ =	swait.ge [sflag:s10], $0x4000  }
0x46: {  	[sflag:s10] =	ssyncset.done $0x0  }
0x47: {  	[sflag:s10] =	ssyncadd.s32 $0xFFFFC000  }
0x48: {  	_ =	swait.ge [sflag:s18], $0x4000  }
0x49: {  	[sflag:s18] =	ssyncset.done $0x0  }
0x4a: {  	[sflag:s18] =	ssyncadd.s32 $0xFFFFC000  }
0x4b: {  	[spmem:s2] =	stream.indirect.scatter.add.f32 [tilespmem:s16], [sflag:$0x3], $0x80, s20, s14, $0xb8;
	[tilespmem:$0x1E400] =	vst v63  }
0x4c: {  	_ =	swait.ge [sflag:s10], $0x4000  }
0x4d: {  	s21 =	sadd.s32 $0x1, s21;
	[sflag:s10] =	ssyncset.done $0x0  }
0x4e: {  	p0 =	sne.s32 s21, s9;
	[sflag:s10] =	ssyncadd.s32 $0xFFFFC000  }
.Ltmp1:
0x4f: {  	[bflag:$0x0] =	sbarrier.arrive $0xFFFF;
	(pc) =	sbr.rel @p0 .LBB2_1-.Ltmp1, $4  }
0x50: {  	[hbm:s8], [sflag:s12] =	dma.local [spmem:s13], $0x2780  }
0x51: {  	_ =	swait.ge [sflag:s10], $0x2780  }
0x52: {  	[sflag:s10] =	ssyncset.done $0x0  }
0x53: {  	[sflag:s10] =	ssyncadd.s32 $0xFFFFD880  }
0x54: {  	_ =	sfence.sel $0x180000  }
0x55: {  	[bflag:$0x0] =	sbarrier.arrive $0xFFFF  }
0x56: {  	p0 =	sne.s32 s0, $0x0;
	_ =	strace $0x90000050  }
0x57: {  	s0 =	sadd.s32 @!p0 $0x100000, s1;
	[bflag:$0x2] =	sbarrier.arrive $0xFFFF  }
0x58: {  	[sflag:s0] =	ssyncadd.tile.s32 @!p0 $0x1;
	_ =	shalt  }
.Lfunc_end2:
_tile_overlayer_lowered:
.L_overlay_start_2:
0x59: {  	(tag) =	ssettag $0x2  }
0x5a: {  	s0 =	rddreg [dreg:$0x0];
	s2 =	stileid.u32  }
0x5b: {  	s1 =	rddreg [dreg:$0x1];
	p0 =	sne.s32 s2, $0x0  }
0x5c: {  	s3 =	rddreg [dreg:$0x2];
	[bflag:$0x3] =	sbarrier.arrive $0xFFFF;
	s2 =	simm.s32 @!p0 $0x1C03  }
0x5d: {  	[timem:s3], [sflag:s2] =	dma.local @!p0 [hbm:s0], s1  }
0x5e: {  	s0 =	simm.s32 @!p0 $0x3  }
0x5f: {  	_ =	swait.ge @!p0 [sflag:s0], s1  }
0x60: {  	s1 =	ssub.s32 @!p0 $0x0, s1;
	[sflag:s0] =	ssyncset.done @!p0 $0x0  }
0x61: {  	[sflag:s0] =	ssyncadd.s32 @!p0 s1  }
0x62: {  	[bflag:$0x3] =	sbarrier.arrive $0xFFFF  }
0x63: {  	_ =	shalt  }

</sc_bundles>
